<compile_context>
chip_gen: v7x
topology: tpu7x:2x2x1
jax: 0.10.2.dev20260603
libtpu: 0.0.44.dev20260713+nightly
codegen_flags: <defaults>
</compile_context>

<pallas_src>
import functools

import jax
import jax.numpy as jnp
from jax import lax
from jax.experimental import pallas as pl
from jax.experimental.pallas import tpu as pltpu
from jax.experimental.pallas import tpu_sc as plsc

_B = 1024
_N = 100000
_L = 16
_NW = 32
_BPW = _B // _NW
_NEG = float("-inf")


def _sc_gather_max(xT, idx1, idx2):
    mesh = plsc.VectorSubcoreMesh(core_axis_name="c", subcore_axis_name="s")

    @functools.partial(
        pl.kernel,
        mesh=mesh,
        out_type=jax.ShapeDtypeStruct((_B,), jnp.float32),
        scratch_types=[
            pltpu.VMEM((2 * _BPW,), jnp.int32),
            pltpu.VMEM((2 * _BPW, 8, 128), jnp.float32),
            pltpu.VMEM((_BPW,), jnp.float32),
            pltpu.SemaphoreType.DMA,
        ],
    )
    def k(xT_hbm, i1_hbm, i2_hbm, out_hbm, idx_v, seg_v, out_v, sem):
        wid = lax.axis_index("s") * 2 + lax.axis_index("c")
        base = wid * _BPW
        pltpu.sync_copy(i1_hbm.at[pl.ds(base, _BPW)], idx_v.at[pl.ds(0, _BPW)])
        pltpu.sync_copy(i2_hbm.at[pl.ds(base, _BPW)], idx_v.at[pl.ds(_BPW, _BPW)])

        def cscalar(i):
            return idx_v[pl.ds((i // _L) * _L, _L)][i % _L]

        bblk = pl.multiple_of((wid >> 2) * 128, 128)
        copies = []
        for i in range(2 * _BPW):
            c = cscalar(i)
            c_al = pl.multiple_of((c >> 3) << 3, 8)
            copies.append(pltpu.make_async_copy(
                xT_hbm.at[pl.ds(c_al, 8), pl.ds(bblk, 128)],
                seg_v.at[i],
                sem,
            ))
        for cp in copies:
            cp.start()
        for cp in copies:
            cp.wait()
        colbase = (wid & 3) * _BPW
        pos_iota = lax.iota(jnp.int32, _L)
        for j in range(_BPW // _L):
            st = pl.multiple_of(colbase + j * _L, _L)
            acc = jnp.full((_L,), _NEG, jnp.float32)
            for t in range(_L):
                for i in (j * _L + t, _BPW + j * _L + t):
                    c = cscalar(i)
                    v = seg_v[i, c & 7, pl.ds(st, _L)]
                    acc = jnp.maximum(acc, jnp.where(pos_iota == t, v, _NEG))
            out_v[pl.ds(j * _L, _L)] = acc
        pltpu.sync_copy(out_v, out_hbm.at[pl.ds(base, _BPW)])

    return k(xT, idx1, idx2)


def kernel(x):
    B, N = x.shape
    key = jax.random.key(42)
    k1, k2 = jax.random.split(key)
    idx1 = jax.random.randint(k1, (B,), 0, N).astype(jnp.int32)
    idx2 = jax.random.randint(k2, (B,), 0, N).astype(jnp.int32)
    return _sc_gather_max(x.T, idx1, idx2)

# --- scband reference (transcript-rebuilt; emitter-appended) ---
"""Pipeline reference for scband-two-random-index-28681791603284 (READ-ONLY COPY).

The authoritative reference and input builder live on the scoring server;
editing this copy changes nothing except your own understanding.
"""

import jax, jax.numpy as jnp
import numpy as np


def setup_inputs(seed: int = 0) -> dict:
    key = jax.random.key(seed)
    x = jax.random.normal(key, (1024, 100000), dtype=jnp.float32)
    return {"x": x}


def reference(x):
    # Faithful translation of TwoRandomIndex.forward:
    #   batch_idxs_1 = torch.randint(x.shape[1], (x.shape[0],))
    #   x1 = x[arange(B), batch_idxs_1]
    #   batch_idxs_2 = torch.randint(x.shape[1], (x.shape[0],))
    #   x2 = x[arange(B), batch_idxs_2]
    #   x = stack([x1, x2], -1).max(-1).values
    B = x.shape[0]
    N = x.shape[1]
    k = jax.random.key(42)
    k1, k2 = jax.random.split(k)
    batch_idxs_1 = jax.random.randint(k1, (B,), 0, N)
    batch_idxs_2 = jax.random.randint(k2, (B,), 0, N)
    rows = jnp.arange(B, dtype=jnp.int32)
    x1 = x[rows, batch_idxs_1]
    x2 = x[rows, batch_idxs_2]
    out = jnp.max(jnp.stack([x1, x2], axis=-1), axis=-1)
    return out

if __name__ == "__main__":
    import jax
    _d = setup_inputs()
    print(jax.jit(kernel)(*tuple(_d.values())))

</pallas_src>

<mosaic_0001>
#map = affine_map<(d0, d1) -> (0, 0)>
#map1 = affine_map<(d0, d1) -> (0)>
module attributes {stable_mosaic.version = 14 : i64} {
  func.func @k(%arg0: i32, %arg1: i32, %arg2: memref<100000x1024xf32, #tpu.memory_space<hbm>>, %arg3: memref<1024xi32, #tpu.memory_space<hbm>>, %arg4: memref<1024xi32, #tpu.memory_space<hbm>>, %arg5: memref<1024xf32, #tpu.memory_space<hbm>>, %arg6: memref<64xi32, #tpu.memory_space<vmem>>, %arg7: memref<64x8x128xf32, #tpu.memory_space<vmem>>, %arg8: memref<32xf32, #tpu.memory_space<vmem>>, %arg9: memref<!tpu.dma_semaphore, #tpu.memory_space<semaphore_mem>>) attributes {dimension_semantics = [#tpu.dimension_semantics<core_parallel>, #tpu.dimension_semantics<subcore_parallel>], iteration_bounds = array<i64: 2, 16>, scalar_prefetch = 0 : i64, scratch_operands = 4 : i64, tpu.core_type = #tpu.core_type<sc_vector_subcore>, window_params = [{transform_indices = #map}, {transform_indices = #map1}, {transform_indices = #map1}, {transform_indices = #map1}]} {
    %mul3A = arith.constant 2 : i32
    %mul3A_0 = arith.muli %arg1, %mul3A : i32
    %add3A = arith.addi %mul3A_0, %arg0 : i32
    %mul3A_1 = arith.constant 32 : i32
    %mul3A_2 = arith.muli %add3A, %mul3A_1 : i32
    "tpu.region"() ({
      %run_scoped3A = tpu.sem_alloc : memref<!tpu.dma_semaphore, #tpu.memory_space<semaphore_mem>>
      %dma_start3A_3343 = arith.constant 0 : i32
      %dma_start3A_3344 = tpu.memref_slice %arg6[%dma_start3A_3343] : memref<64xi32, #tpu.memory_space<vmem>> -> memref<32xi32, #tpu.memory_space<vmem>>
      %dma_start3A_3345 = tpu.memref_slice %arg3[%mul3A_2] : memref<1024xi32, #tpu.memory_space<hbm>> -> memref<32xi32, #tpu.memory_space<hbm>>
      %dma_start3A_3346 = arith.constant 0 : i32
      %dma_start3A_3347 = tpu.memref_slice %arg6[%dma_start3A_3346] : memref<64xi32, #tpu.memory_space<vmem>> -> memref<32xi32, #tpu.memory_space<vmem>>
      %dma_start3A_3348 = tpu.memref_slice %arg3[%mul3A_2] : memref<1024xi32, #tpu.memory_space<hbm>> -> memref<32xi32, #tpu.memory_space<hbm>>
      tpu.enqueue_dma source(%dma_start3A_3348 : memref<32xi32, #tpu.memory_space<hbm>>) target(%dma_start3A_3347 : memref<32xi32, #tpu.memory_space<vmem>>) target_semaphore(%run_scoped3A : memref<!tpu.dma_semaphore, #tpu.memory_space<semaphore_mem>>)
      %dma_wait3A_3349 = arith.constant 0 : i32
      %dma_wait3A_3350 = tpu.memref_slice %arg6[%dma_wait3A_3349] : memref<64xi32, #tpu.memory_space<vmem>> -> memref<32xi32, #tpu.memory_space<vmem>>
      %dma_wait3A_3351 = tpu.memref_slice %arg3[%mul3A_2] : memref<1024xi32, #tpu.memory_space<hbm>> -> memref<32xi32, #tpu.memory_space<hbm>>
      %dma_wait3A_3352 = arith.constant 0 : i32
      %dma_wait3A_3353 = tpu.memref_slice %arg6[%dma_wait3A_3352] : memref<64xi32, #tpu.memory_space<vmem>> -> memref<32xi32, #tpu.memory_space<vmem>>
      %dma_wait3A_3354 = tpu.memref_slice %arg3[%mul3A_2] : memref<1024xi32, #tpu.memory_space<hbm>> -> memref<32xi32, #tpu.memory_space<hbm>>
      tpu.wait_dma2 semaphore(%run_scoped3A : memref<!tpu.dma_semaphore, #tpu.memory_space<semaphore_mem>>) src(%dma_wait3A_3354 : memref<32xi32, #tpu.memory_space<hbm>>) dst(%dma_wait3A_3353 : memref<32xi32, #tpu.memory_space<vmem>>)
      tpu.yield
    }) : () -> ()
    "tpu.region"() ({
      %run_scoped3A = tpu.sem_alloc : memref<!tpu.dma_semaphore, #tpu.memory_space<semaphore_mem>>
      %dma_start3A_3343 = arith.constant 32 : i32
      %dma_start3A_3344 = tpu.memref_slice %arg6[%dma_start3A_3343] : memref<64xi32, #tpu.memory_space<vmem>> -> memref<32xi32, #tpu.memory_space<vmem>>
      %dma_start3A_3345 = tpu.memref_slice %arg4[%mul3A_2] : memref<1024xi32, #tpu.memory_space<hbm>> -> memref<32xi32, #tpu.memory_space<hbm>>
      %dma_start3A_3346 = arith.constant 32 : i32
      %dma_start3A_3347 = tpu.memref_slice %arg6[%dma_start3A_3346] : memref<64xi32, #tpu.memory_space<vmem>> -> memref<32xi32, #tpu.memory_space<vmem>>
      %dma_start3A_3348 = tpu.memref_slice %arg4[%mul3A_2] : memref<1024xi32, #tpu.memory_space<hbm>> -> memref<32xi32, #tpu.memory_space<hbm>>
      tpu.enqueue_dma source(%dma_start3A_3348 : memref<32xi32, #tpu.memory_space<hbm>>) target(%dma_start3A_3347 : memref<32xi32, #tpu.memory_space<vmem>>) target_semaphore(%run_scoped3A : memref<!tpu.dma_semaphore, #tpu.memory_space<semaphore_mem>>)
      %dma_wait3A_3349 = arith.constant 32 : i32
      %dma_wait3A_3350 = tpu.memref_slice %arg6[%dma_wait3A_3349] : memref<64xi32, #tpu.memory_space<vmem>> -> memref<32xi32, #tpu.memory_space<vmem>>
      %dma_wait3A_3351 = tpu.memref_slice %arg4[%mul3A_2] : memref<1024xi32, #tpu.memory_space<hbm>> -> memref<32xi32, #tpu.memory_space<hbm>>
      %dma_wait3A_3352 = arith.constant 32 : i32
      %dma_wait3A_3353 = tpu.memref_slice %arg6[%dma_wait3A_3352] : memref<64xi32, #tpu.memory_space<vmem>> -> memref<32xi32, #tpu.memory_space<vmem>>
      %dma_wait3A_3354 = tpu.memref_slice %arg4[%mul3A_2] : memref<1024xi32, #tpu.memory_space<hbm>> -> memref<32xi32, #tpu.memory_space<hbm>>
      tpu.wait_dma2 semaphore(%run_scoped3A : memref<!tpu.dma_semaphore, #tpu.memory_space<semaphore_mem>>) src(%dma_wait3A_3354 : memref<32xi32, #tpu.memory_space<hbm>>) dst(%dma_wait3A_3353 : memref<32xi32, #tpu.memory_space<vmem>>)
      tpu.yield
    }) : () -> ()
    %shift_right_arithmetic3A = arith.constant 2 : i32
    %shift_right_arithmetic3A_3 = arith.shrsi %add3A, %shift_right_arithmetic3A : i32
    %mul3A_4 = arith.constant 128 : i32
    %mul3A_5 = arith.muli %shift_right_arithmetic3A_3, %mul3A_4 : i32
    %multiple_of3A = tpu.assume_multiple %mul3A_5, 128 : i32
    %get3A = arith.constant 0 : index
    %get3A_6 = tpu.vector_load %arg6[%get3A] {strides = array<i32>} : memref<64xi32, #tpu.memory_space<vmem>>, vector<16xi32>,
    %get3A_7 = vector.shape_cast %get3A_6 : vector<16xi32> to vector<16xi32>
    %slice3A = vector.extract_strided_slice %get3A_7 {offsets = [0], sizes = [1], strides = [1]} : vector<16xi32> to vector<1xi32>
    %squeeze3A = vector.extract %slice3A[0] : i32 from vector<1xi32>
    %shift_right_arithmetic3A_8 = arith.constant 3 : i32
    %shift_right_arithmetic3A_9 = arith.shrsi %squeeze3A, %shift_right_arithmetic3A_8 : i32
    %shift_left3A = arith.constant 3 : i32
    %shift_left3A_10 = arith.shli %shift_right_arithmetic3A_9, %shift_left3A : i32
    %multiple_of3A_11 = tpu.assume_multiple %shift_left3A_10, 8 : i32
    %get3A_12 = arith.constant 0 : index
    %get3A_13 = tpu.vector_load %arg6[%get3A_12] {strides = array<i32>} : memref<64xi32, #tpu.memory_space<vmem>>, vector<16xi32>,
    %get3A_14 = vector.shape_cast %get3A_13 : vector<16xi32> to vector<16xi32>
    %slice3A_15 = vector.extract_strided_slice %get3A_14 {offsets = [1], sizes = [1], strides = [1]} : vector<16xi32> to vector<1xi32>
    %squeeze3A_16 = vector.extract %slice3A_15[0] : i32 from vector<1xi32>
    %shift_right_arithmetic3A_17 = arith.constant 3 : i32
    %shift_right_arithmetic3A_18 = arith.shrsi %squeeze3A_16, %shift_right_arithmetic3A_17 : i32
    %shift_left3A_19 = arith.constant 3 : i32
    %shift_left3A_20 = arith.shli %shift_right_arithmetic3A_18, %shift_left3A_19 : i32
    %multiple_of3A_21 = tpu.assume_multiple %shift_left3A_20, 8 : i32
    %get3A_22 = arith.constant 0 : index
    %get3A_23 = tpu.vector_load %arg6[%get3A_22] {strides = array<i32>} : memref<64xi32, #tpu.memory_space<vmem>>, vector<16xi32>,
    %get3A_24 = vector.shape_cast %get3A_23 : vector<16xi32> to vector<16xi32>
    %slice3A_25 = vector.extract_strided_slice %get3A_24 {offsets = [2], sizes = [1], strides = [1]} : vector<16xi32> to vector<1xi32>
    %squeeze3A_26 = vector.extract %slice3A_25[0] : i32 from vector<1xi32>
    %shift_right_arithmetic3A_27 = arith.constant 3 : i32
    %shift_right_arithmetic3A_28 = arith.shrsi %squeeze3A_26, %shift_right_arithmetic3A_27 : i32
    %shift_left3A_29 = arith.constant 3 : i32
    %shift_left3A_30 = arith.shli %shift_right_arithmetic3A_28, %shift_left3A_29 : i32
    %multiple_of3A_31 = tpu.assume_multiple %shift_left3A_30, 8 : i32
    %get3A_32 = arith.constant 0 : index
    %get3A_33 = tpu.vector_load %arg6[%get3A_32] {strides = array<i32>} : memref<64xi32, #tpu.memory_space<vmem>>, vector<16xi32>,
    %get3A_34 = vector.shape_cast %get3A_33 : vector<16xi32> to vector<16xi32>
    %slice3A_35 = vector.extract_strided_slice %get3A_34 {offsets = [3], sizes = [1], strides = [1]} : vector<16xi32> to vector<1xi32>
    %squeeze3A_36 = vector.extract %slice3A_35[0] : i32 from vector<1xi32>
    %shift_right_arithmetic3A_37 = arith.constant 3 : i32
    %shift_right_arithmetic3A_38 = arith.shrsi %squeeze3A_36, %shift_right_arithmetic3A_37 : i32
    %shift_left3A_39 = arith.constant 3 : i32
    %shift_left3A_40 = arith.shli %shift_right_arithmetic3A_38, %shift_left3A_39 : i32
    %multiple_of3A_41 = tpu.assume_multiple %shift_left3A_40, 8 : i32
    %get3A_42 = arith.constant 0 : index
    %get3A_43 = tpu.vector_load %arg6[%get3A_42] {strides = array<i32>} : memref<64xi32, #tpu.memory_space<vmem>>, vector<16xi32>,
    %get3A_44 = vector.shape_cast %get3A_43 : vector<16xi32> to vector<16xi32>
    %slice3A_45 = vector.extract_strided_slice %get3A_44 {offsets = [4], sizes = [1], strides = [1]} : vector<16xi32> to vector<1xi32>
    %squeeze3A_46 = vector.extract %slice3A_45[0] : i32 from vector<1xi32>
    %shift_right_arithmetic3A_47 = arith.constant 3 : i32
    %shift_right_arithmetic3A_48 = arith.shrsi %squeeze3A_46, %shift_right_arithmetic3A_47 : i32
    %shift_left3A_49 = arith.constant 3 : i32
    %shift_left3A_50 = arith.shli %shift_right_arithmetic3A_48, %shift_left3A_49 : i32
    %multiple_of3A_51 = tpu.assume_multiple %shift_left3A_50, 8 : i32
    %get3A_52 = arith.constant 0 : index
    %get3A_53 = tpu.vector_load %arg6[%get3A_52] {strides = array<i32>} : memref<64xi32, #tpu.memory_space<vmem>>, vector<16xi32>,
    %get3A_54 = vector.shape_cast %get3A_53 : vector<16xi32> to vector<16xi32>
    %slice3A_55 = vector.extract_strided_slice %get3A_54 {offsets = [5], sizes = [1], strides = [1]} : vector<16xi32> to vector<1xi32>
    %squeeze3A_56 = vector.extract %slice3A_55[0] : i32 from vector<1xi32>
    %shift_right_arithmetic3A_57 = arith.constant 3 : i32
    %shift_right_arithmetic3A_58 = arith.shrsi %squeeze3A_56, %shift_right_arithmetic3A_57 : i32
    %shift_left3A_59 = arith.constant 3 : i32
    %shift_left3A_60 = arith.shli %shift_right_arithmetic3A_58, %shift_left3A_59 : i32
    %multiple_of3A_61 = tpu.assume_multiple %shift_left3A_60, 8 : i32
    %get3A_62 = arith.constant 0 : index
    %get3A_63 = tpu.vector_load %arg6[%get3A_62] {strides = array<i32>} : memref<64xi32, #tpu.memory_space<vmem>>, vector<16xi32>,
    %get3A_64 = vector.shape_cast %get3A_63 : vector<16xi32> to vector<16xi32>
    %slice3A_65 = vector.extract_strided_slice %get3A_64 {offsets = [6], sizes = [1], strides = [1]} : vector<16xi32> to vector<1xi32>
    %squeeze3A_66 = vector.extract %slice3A_65[0] : i32 from vector<1xi32>
    %shift_right_arithmetic3A_67 = arith.constant 3 : i32
    %shift_right_arithmetic3A_68 = arith.shrsi %squeeze3A_66, %shift_right_arithmetic3A_67 : i32
    %shift_left3A_69 = arith.constant 3 : i32
    %shift_left3A_70 = arith.shli %shift_right_arithmetic3A_68, %shift_left3A_69 : i32
    %multiple_of3A_71 = tpu.assume_multiple %shift_left3A_70, 8 : i32
    %get3A_72 = arith.constant 0 : index
    %get3A_73 = tpu.vector_load %arg6[%get3A_72] {strides = array<i32>} : memref<64xi32, #tpu.memory_space<vmem>>, vector<16xi32>,
    %get3A_74 = vector.shape_cast %get3A_73 : vector<16xi32> to vector<16xi32>
    %slice3A_75 = vector.extract_strided_slice %get3A_74 {offsets = [7], sizes = [1], strides = [1]} : vector<16xi32> to vector<1xi32>
    %squeeze3A_76 = vector.extract %slice3A_75[0] : i32 from vector<1xi32>
    %shift_right_arithmetic3A_77 = arith.constant 3 : i32
    %shift_right_arithmetic3A_78 = arith.shrsi %squeeze3A_76, %shift_right_arithmetic3A_77 : i32
    %shift_left3A_79 = arith.constant 3 : i32
    %shift_left3A_80 = arith.shli %shift_right_arithmetic3A_78, %shift_left3A_79 : i32
    %multiple_of3A_81 = tpu.assume_multiple %shift_left3A_80, 8 : i32
    %get3A_82 = arith.constant 0 : index
    %get3A_83 = tpu.vector_load %arg6[%get3A_82] {strides = array<i32>} : memref<64xi32, #tpu.memory_space<vmem>>, vector<16xi32>,
    %get3A_84 = vector.shape_cast %get3A_83 : vector<16xi32> to vector<16xi32>
    %slice3A_85 = vector.extract_strided_slice %get3A_84 {offsets = [8], sizes = [1], strides = [1]} : vector<16xi32> to vector<1xi32>
    %squeeze3A_86 = vector.extract %slice3A_85[0] : i32 from vector<1xi32>
    %shift_right_arithmetic3A_87 = arith.constant 3 : i32
    %shift_right_arithmetic3A_88 = arith.shrsi %squeeze3A_86, %shift_right_arithmetic3A_87 : i32
    %shift_left3A_89 = arith.constant 3 : i32
    %shift_left3A_90 = arith.shli %shift_right_arithmetic3A_88, %shift_left3A_89 : i32
    %multiple_of3A_91 = tpu.assume_multiple %shift_left3A_90, 8 : i32
    %get3A_92 = arith.constant 0 : index
    %get3A_93 = tpu.vector_load %arg6[%get3A_92] {strides = array<i32>} : memref<64xi32, #tpu.memory_space<vmem>>, vector<16xi32>,
    %get3A_94 = vector.shape_cast %get3A_93 : vector<16xi32> to vector<16xi32>
    %slice3A_95 = vector.extract_strided_slice %get3A_94 {offsets = [9], sizes = [1], strides = [1]} : vector<16xi32> to vector<1xi32>
    %squeeze3A_96 = vector.extract %slice3A_95[0] : i32 from vector<1xi32>
    %shift_right_arithmetic3A_97 = arith.constant 3 : i32
    %shift_right_arithmetic3A_98 = arith.shrsi %squeeze3A_96, %shift_right_arithmetic3A_97 : i32
    %shift_left3A_99 = arith.constant 3 : i32
    %shift_left3A_100 = arith.shli %shift_right_arithmetic3A_98, %shift_left3A_99 : i32
    %multiple_of3A_101 = tpu.assume_multiple %shift_left3A_100, 8 : i32
    %get3A_102 = arith.constant 0 : index
    %get3A_103 = tpu.vector_load %arg6[%get3A_102] {strides = array<i32>} : memref<64xi32, #tpu.memory_space<vmem>>, vector<16xi32>,
    %get3A_104 = vector.shape_cast %get3A_103 : vector<16xi32> to vector<16xi32>
    %slice3A_105 = vector.extract_strided_slice %get3A_104 {offsets = [10], sizes = [1], strides = [1]} : vector<16xi32> to vector<1xi32>
    %squeeze3A_106 = vector.extract %slice3A_105[0] : i32 from vector<1xi32>
    %shift_right_arithmetic3A_107 = arith.constant 3 : i32
    %shift_right_arithmetic3A_108 = arith.shrsi %squeeze3A_106, %shift_right_arithmetic3A_107 : i32
    %shift_left3A_109 = arith.constant 3 : i32
    %shift_left3A_110 = arith.shli %shift_right_arithmetic3A_108, %shift_left3A_109 : i32
    %multiple_of3A_111 = tpu.assume_multiple %shift_left3A_110, 8 : i32
    %get3A_112 = arith.constant 0 : index
    %get3A_113 = tpu.vector_load %arg6[%get3A_112] {strides = array<i32>} : memref<64xi32, #tpu.memory_space<vmem>>, vector<16xi32>,
    %get3A_114 = vector.shape_cast %get3A_113 : vector<16xi32> to vector<16xi32>
    %slice3A_115 = vector.extract_strided_slice %get3A_114 {offsets = [11], sizes = [1], strides = [1]} : vector<16xi32> to vector<1xi32>
    %squeeze3A_116 = vector.extract %slice3A_115[0] : i32 from vector<1xi32>
    %shift_right_arithmetic3A_117 = arith.constant 3 : i32
    %shift_right_arithmetic3A_118 = arith.shrsi %squeeze3A_116, %shift_right_arithmetic3A_117 : i32
    %shift_left3A_119 = arith.constant 3 : i32
    %shift_left3A_120 = arith.shli %shift_right_arithmetic3A_118, %shift_left3A_119 : i32
    %multiple_of3A_121 = tpu.assume_multiple %shift_left3A_120, 8 : i32
    %get3A_122 = arith.constant 0 : index
    %get3A_123 = tpu.vector_load %arg6[%get3A_122] {strides = array<i32>} : memref<64xi32, #tpu.memory_space<vmem>>, vector<16xi32>,
    %get3A_124 = vector.shape_cast %get3A_123 : vector<16xi32> to vector<16xi32>
    %slice3A_125 = vector.extract_strided_slice %get3A_124 {offsets = [12], sizes = [1], strides = [1]} : vector<16xi32> to vector<1xi32>
    %squeeze3A_126 = vector.extract %slice3A_125[0] : i32 from vector<1xi32>
    %shift_right_arithmetic3A_127 = arith.constant 3 : i32
    %shift_right_arithmetic3A_128 = arith.shrsi %squeeze3A_126, %shift_right_arithmetic3A_127 : i32
    %shift_left3A_129 = arith.constant 3 : i32
    %shift_left3A_130 = arith.shli %shift_right_arithmetic3A_128, %shift_left3A_129 : i32
    %multiple_of3A_131 = tpu.assume_multiple %shift_left3A_130, 8 : i32
    %get3A_132 = arith.constant 0 : index
    %get3A_133 = tpu.vector_load %arg6[%get3A_132] {strides = array<i32>} : memref<64xi32, #tpu.memory_space<vmem>>, vector<16xi32>,
    %get3A_134 = vector.shape_cast %get3A_133 : vector<16xi32> to vector<16xi32>
    %slice3A_135 = vector.extract_strided_slice %get3A_134 {offsets = [13], sizes = [1], strides = [1]} : vector<16xi32> to vector<1xi32>
    %squeeze3A_136 = vector.extract %slice3A_135[0] : i32 from vector<1xi32>
    %shift_right_arithmetic3A_137 = arith.constant 3 : i32
    %shift_right_arithmetic3A_138 = arith.shrsi %squeeze3A_136, %shift_right_arithmetic3A_137 : i32
    %shift_left3A_139 = arith.constant 3 : i32
    %shift_left3A_140 = arith.shli %shift_right_arithmetic3A_138, %shift_left3A_139 : i32
    %multiple_of3A_141 = tpu.assume_multiple %shift_left3A_140, 8 : i32
    %get3A_142 = arith.constant 0 : index
    %get3A_143 = tpu.vector_load %arg6[%get3A_142] {strides = array<i32>} : memref<64xi32, #tpu.memory_space<vmem>>, vector<16xi32>,
    %get3A_144 = vector.shape_cast %get3A_143 : vector<16xi32> to vector<16xi32>
    %slice3A_145 = vector.extract_strided_slice %get3A_144 {offsets = [14], sizes = [1], strides = [1]} : vector<16xi32> to vector<1xi32>
    %squeeze3A_146 = vector.extract %slice3A_145[0] : i32 from vector<1xi32>
    %shift_right_arithmetic3A_147 = arith.constant 3 : i32
    %shift_right_arithmetic3A_148 = arith.shrsi %squeeze3A_146, %shift_right_arithmetic3A_147 : i32
    %shift_left3A_149 = arith.constant 3 : i32
    %shift_left3A_150 = arith.shli %shift_right_arithmetic3A_148, %shift_left3A_149 : i32
    %multiple_of3A_151 = tpu.assume_multiple %shift_left3A_150, 8 : i32
    %get3A_152 = arith.constant 0 : index
    %get3A_153 = tpu.vector_load %arg6[%get3A_152] {strides = array<i32>} : memref<64xi32, #tpu.memory_space<vmem>>, vector<16xi32>,
    %get3A_154 = vector.shape_cast %get3A_153 : vector<16xi32> to vector<16xi32>
    %slice3A_155 = vector.extract_strided_slice %get3A_154 {offsets = [15], sizes = [1], strides = [1]} : vector<16xi32> to vector<1xi32>
    %squeeze3A_156 = vector.extract %slice3A_155[0] : i32 from vector<1xi32>
    %shift_right_arithmetic3A_157 = arith.constant 3 : i32
    %shift_right_arithmetic3A_158 = arith.shrsi %squeeze3A_156, %shift_right_arithmetic3A_157 : i32
    %shift_left3A_159 = arith.constant 3 : i32
    %shift_left3A_160 = arith.shli %shift_right_arithmetic3A_158, %shift_left3A_159 : i32
    %multiple_of3A_161 = tpu.assume_multiple %shift_left3A_160, 8 : i32
    %get3A_162 = arith.constant 16 : index
    %get3A_163 = tpu.vector_load %arg6[%get3A_162] {strides = array<i32>} : memref<64xi32, #tpu.memory_space<vmem>>, vector<16xi32>,
    %get3A_164 = vector.shape_cast %get3A_163 : vector<16xi32> to vector<16xi32>
    %slice3A_165 = vector.extract_strided_slice %get3A_164 {offsets = [0], sizes = [1], strides = [1]} : vector<16xi32> to vector<1xi32>
    %squeeze3A_166 = vector.extract %slice3A_165[0] : i32 from vector<1xi32>
    %shift_right_arithmetic3A_167 = arith.constant 3 : i32
    %shift_right_arithmetic3A_168 = arith.shrsi %squeeze3A_166, %shift_right_arithmetic3A_167 : i32
    %shift_left3A_169 = arith.constant 3 : i32
    %shift_left3A_170 = arith.shli %shift_right_arithmetic3A_168, %shift_left3A_169 : i32
    %multiple_of3A_171 = tpu.assume_multiple %shift_left3A_170, 8 : i32
    %get3A_172 = arith.constant 16 : index
    %get3A_173 = tpu.vector_load %arg6[%get3A_172] {strides = array<i32>} : memref<64xi32, #tpu.memory_space<vmem>>, vector<16xi32>,
    %get3A_174 = vector.shape_cast %get3A_173 : vector<16xi32> to vector<16xi32>
    %slice3A_175 = vector.extract_strided_slice %get3A_174 {offsets = [1], sizes = [1], strides = [1]} : vector<16xi32> to vector<1xi32>
    %squeeze3A_176 = vector.extract %slice3A_175[0] : i32 from vector<1xi32>
    %shift_right_arithmetic3A_177 = arith.constant 3 : i32
    %shift_right_arithmetic3A_178 = arith.shrsi %squeeze3A_176, %shift_right_arithmetic3A_177 : i32
    %shift_left3A_179 = arith.constant 3 : i32
    %shift_left3A_180 = arith.shli %shift_right_arithmetic3A_178, %shift_left3A_179 : i32
    %multiple_of3A_181 = tpu.assume_multiple %shift_left3A_180, 8 : i32
    %get3A_182 = arith.constant 16 : index
    %get3A_183 = tpu.vector_load %arg6[%get3A_182] {strides = array<i32>} : memref<64xi32, #tpu.memory_space<vmem>>, vector<16xi32>,
    %get3A_184 = vector.shape_cast %get3A_183 : vector<16xi32> to vector<16xi32>
    %slice3A_185 = vector.extract_strided_slice %get3A_184 {offsets = [2], sizes = [1], strides = [1]} : vector<16xi32> to vector<1xi32>
    %squeeze3A_186 = vector.extract %slice3A_185[0] : i32 from vector<1xi32>
    %shift_right_arithmetic3A_187 = arith.constant 3 : i32
    %shift_right_arithmetic3A_188 = arith.shrsi %squeeze3A_186, %shift_right_arithmetic3A_187 : i32
    %shift_left3A_189 = arith.constant 3 : i32
    %shift_left3A_190 = arith.shli %shift_right_arithmetic3A_188, %shift_left3A_189 : i32
    %multiple_of3A_191 = tpu.assume_multiple %shift_left3A_190, 8 : i32
    %get3A_192 = arith.constant 16 : index
    %get3A_193 = tpu.vector_load %arg6[%get3A_192] {strides = array<i32>} : memref<64xi32, #tpu.memory_space<vmem>>, vector<16xi32>,
    %get3A_194 = vector.shape_cast %get3A_193 : vector<16xi32> to vector<16xi32>
    %slice3A_195 = vector.extract_strided_slice %get3A_194 {offsets = [3], sizes = [1], strides = [1]} : vector<16xi32> to vector<1xi32>
    %squeeze3A_196 = vector.extract %slice3A_195[0] : i32 from vector<1xi32>
    %shift_right_arithmetic3A_197 = arith.constant 3 : i32
    %shift_right_arithmetic3A_198 = arith.shrsi %squeeze3A_196, %shift_right_arithmetic3A_197 : i32
    %shift_left3A_199 = arith.constant 3 : i32
    %shift_left3A_200 = arith.shli %shift_right_arithmetic3A_198, %shift_left3A_199 : i32
    %multiple_of3A_201 = tpu.assume_multiple %shift_left3A_200, 8 : i32
    %get3A_202 = arith.constant 16 : index
    %get3A_203 = tpu.vector_load %arg6[%get3A_202] {strides = array<i32>} : memref<64xi32, #tpu.memory_space<vmem>>, vector<16xi32>,
    %get3A_204 = vector.shape_cast %get3A_203 : vector<16xi32> to vector<16xi32>
    %slice3A_205 = vector.extract_strided_slice %get3A_204 {offsets = [4], sizes = [1], strides = [1]} : vector<16xi32> to vector<1xi32>
    %squeeze3A_206 = vector.extract %slice3A_205[0] : i32 from vector<1xi32>
    %shift_right_arithmetic3A_207 = arith.constant 3 : i32
    %shift_right_arithmetic3A_208 = arith.shrsi %squeeze3A_206, %shift_right_arithmetic3A_207 : i32
    %shift_left3A_209 = arith.constant 3 : i32
    %shift_left3A_210 = arith.shli %shift_right_arithmetic3A_208, %shift_left3A_209 : i32
    %multiple_of3A_211 = tpu.assume_multiple %shift_left3A_210, 8 : i32
    %get3A_212 = arith.constant 16 : index
    %get3A_213 = tpu.vector_load %arg6[%get3A_212] {strides = array<i32>} : memref<64xi32, #tpu.memory_space<vmem>>, vector<16xi32>,
    %get3A_214 = vector.shape_cast %get3A_213 : vector<16xi32> to vector<16xi32>
    %slice3A_215 = vector.extract_strided_slice %get3A_214 {offsets = [5], sizes = [1], strides = [1]} : vector<16xi32> to vector<1xi32>
    %squeeze3A_216 = vector.extract %slice3A_215[0] : i32 from vector<1xi32>
    %shift_right_arithmetic3A_217 = arith.constant 3 : i32
    %shift_right_arithmetic3A_218 = arith.shrsi %squeeze3A_216, %shift_right_arithmetic3A_217 : i32
    %shift_left3A_219 = arith.constant 3 : i32
    %shift_left3A_220 = arith.shli %shift_right_arithmetic3A_218, %shift_left3A_219 : i32
    %multiple_of3A_221 = tpu.assume_multiple %shift_left3A_220, 8 : i32
    %get3A_222 = arith.constant 16 : index
    %get3A_223 = tpu.vector_load %arg6[%get3A_222] {strides = array<i32>} : memref<64xi32, #tpu.memory_space<vmem>>, vector<16xi32>,
    %get3A_224 = vector.shape_cast %get3A_223 : vector<16xi32> to vector<16xi32>
    %slice3A_225 = vector.extract_strided_slice %get3A_224 {offsets = [6], sizes = [1], strides = [1]} : vector<16xi32> to vector<1xi32>
    %squeeze3A_226 = vector.extract %slice3A_225[0] : i32 from vector<1xi32>
    %shift_right_arithmetic3A_227 = arith.constant 3 : i32
    %shift_right_arithmetic3A_228 = arith.shrsi %squeeze3A_226, %shift_right_arithmetic3A_227 : i32
    %shift_left3A_229 = arith.constant 3 : i32
    %shift_left3A_230 = arith.shli %shift_right_arithmetic3A_228, %shift_left3A_229 : i32
    %multiple_of3A_231 = tpu.assume_multiple %shift_left3A_230, 8 : i32
    %get3A_232 = arith.constant 16 : index
    %get3A_233 = tpu.vector_load %arg6[%get3A_232] {strides = array<i32>} : memref<64xi32, #tpu.memory_space<vmem>>, vector<16xi32>,
    %get3A_234 = vector.shape_cast %get3A_233 : vector<16xi32> to vector<16xi32>
    %slice3A_235 = vector.extract_strided_slice %get3A_234 {offsets = [7], sizes = [1], strides = [1]} : vector<16xi32> to vector<1xi32>
    %squeeze3A_236 = vector.extract %slice3A_235[0] : i32 from vector<1xi32>
    %shift_right_arithmetic3A_237 = arith.constant 3 : i32
    %shift_right_arithmetic3A_238 = arith.shrsi %squeeze3A_236, %shift_right_arithmetic3A_237 : i32
    %shift_left3A_239 = arith.constant 3 : i32
    %shift_left3A_240 = arith.shli %shift_right_arithmetic3A_238, %shift_left3A_239 : i32
    %multiple_of3A_241 = tpu.assume_multiple %shift_left3A_240, 8 : i32
    %get3A_242 = arith.constant 16 : index
    %get3A_243 = tpu.vector_load %arg6[%get3A_242] {strides = array<i32>} : memref<64xi32, #tpu.memory_space<vmem>>, vector<16xi32>,
    %get3A_244 = vector.shape_cast %get3A_243 : vector<16xi32> to vector<16xi32>
    %slice3A_245 = vector.extract_strided_slice %get3A_244 {offsets = [8], sizes = [1], strides = [1]} : vector<16xi32> to vector<1xi32>
    %squeeze3A_246 = vector.extract %slice3A_245[0] : i32 from vector<1xi32>
    %shift_right_arithmetic3A_247 = arith.constant 3 : i32
    %shift_right_arithmetic3A_248 = arith.shrsi %squeeze3A_246, %shift_right_arithmetic3A_247 : i32
    %shift_left3A_249 = arith.constant 3 : i32
    %shift_left3A_250 = arith.shli %shift_right_arithmetic3A_248, %shift_left3A_249 : i32
    %multiple_of3A_251 = tpu.assume_multiple %shift_left3A_250, 8 : i32
    %get3A_252 = arith.constant 16 : index
    %get3A_253 = tpu.vector_load %arg6[%get3A_252] {strides = array<i32>} : memref<64xi32, #tpu.memory_space<vmem>>, vector<16xi32>,
    %get3A_254 = vector.shape_cast %get3A_253 : vector<16xi32> to vector<16xi32>
    %slice3A_255 = vector.extract_strided_slice %get3A_254 {offsets = [9], sizes = [1], strides = [1]} : vector<16xi32> to vector<1xi32>
    %squeeze3A_256 = vector.extract %slice3A_255[0] : i32 from vector<1xi32>
    %shift_right_arithmetic3A_257 = arith.constant 3 : i32
    %shift_right_arithmetic3A_258 = arith.shrsi %squeeze3A_256, %shift_right_arithmetic3A_257 : i32
    %shift_left3A_259 = arith.constant 3 : i32
    %shift_left3A_260 = arith.shli %shift_right_arithmetic3A_258, %shift_left3A_259 : i32
    %multiple_of3A_261 = tpu.assume_multiple %shift_left3A_260, 8 : i32
    %get3A_262 = arith.constant 16 : index
    %get3A_263 = tpu.vector_load %arg6[%get3A_262] {strides = array<i32>} : memref<64xi32, #tpu.memory_space<vmem>>, vector<16xi32>,
    %get3A_264 = vector.shape_cast %get3A_263 : vector<16xi32> to vector<16xi32>
    %slice3A_265 = vector.extract_strided_slice %get3A_264 {offsets = [10], sizes = [1], strides = [1]} : vector<16xi32> to vector<1xi32>
    %squeeze3A_266 = vector.extract %slice3A_265[0] : i32 from vector<1xi32>
    %shift_right_arithmetic3A_267 = arith.constant 3 : i32
    %shift_right_arithmetic3A_268 = arith.shrsi %squeeze3A_266, %shift_right_arithmetic3A_267 : i32
    %shift_left3A_269 = arith.constant 3 : i32
    %shift_left3A_270 = arith.shli %shift_right_arithmetic3A_268, %shift_left3A_269 : i32
    %multiple_of3A_271 = tpu.assume_multiple %shift_left3A_270, 8 : i32
    %get3A_272 = arith.constant 16 : index
    %get3A_273 = tpu.vector_load %arg6[%get3A_272] {strides = array<i32>} : memref<64xi32, #tpu.memory_space<vmem>>, vector<16xi32>,
    %get3A_274 = vector.shape_cast %get3A_273 : vector<16xi32> to vector<16xi32>
    %slice3A_275 = vector.extract_strided_slice %get3A_274 {offsets = [11], sizes = [1], strides = [1]} : vector<16xi32> to vector<1xi32>
    %squeeze3A_276 = vector.extract %slice3A_275[0] : i32 from vector<1xi32>
    %shift_right_arithmetic3A_277 = arith.constant 3 : i32
    %shift_right_arithmetic3A_278 = arith.shrsi %squeeze3A_276, %shift_right_arithmetic3A_277 : i32
    %shift_left3A_279 = arith.constant 3 : i32
    %shift_left3A_280 = arith.shli %shift_right_arithmetic3A_278, %shift_left3A_279 : i32
    %multiple_of3A_281 = tpu.assume_multiple %shift_left3A_280, 8 : i32
    %get3A_282 = arith.constant 16 : index
    %get3A_283 = tpu.vector_load %arg6[%get3A_282] {strides = array<i32>} : memref<64xi32, #tpu.memory_space<vmem>>, vector<16xi32>,
    %get3A_284 = vector.shape_cast %get3A_283 : vector<16xi32> to vector<16xi32>
    %slice3A_285 = vector.extract_strided_slice %get3A_284 {offsets = [12], sizes = [1], strides = [1]} : vector<16xi32> to vector<1xi32>
    %squeeze3A_286 = vector.extract %slice3A_285[0] : i32 from vector<1xi32>
    %shift_right_arithmetic3A_287 = arith.constant 3 : i32
    %shift_right_arithmetic3A_288 = arith.shrsi %squeeze3A_286, %shift_right_arithmetic3A_287 : i32
    %shift_left3A_289 = arith.constant 3 : i32
    %shift_left3A_290 = arith.shli %shift_right_arithmetic3A_288, %shift_left3A_289 : i32
    %multiple_of3A_291 = tpu.assume_multiple %shift_left3A_290, 8 : i32
    %get3A_292 = arith.constant 16 : index
    %get3A_293 = tpu.vector_load %arg6[%get3A_292] {strides = array<i32>} : memref<64xi32, #tpu.memory_space<vmem>>, vector<16xi32>,
    %get3A_294 = vector.shape_cast %get3A_293 : vector<16xi32> to vector<16xi32>
    %slice3A_295 = vector.extract_strided_slice %get3A_294 {offsets = [13], sizes = [1], strides = [1]} : vector<16xi32> to vector<1xi32>
    %squeeze3A_296 = vector.extract %slice3A_295[0] : i32 from vector<1xi32>
    %shift_right_arithmetic3A_297 = arith.constant 3 : i32
    %shift_right_arithmetic3A_298 = arith.shrsi %squeeze3A_296, %shift_right_arithmetic3A_297 : i32
    %shift_left3A_299 = arith.constant 3 : i32
    %shift_left3A_300 = arith.shli %shift_right_arithmetic3A_298, %shift_left3A_299 : i32
    %multiple_of3A_301 = tpu.assume_multiple %shift_left3A_300, 8 : i32
    %get3A_302 = arith.constant 16 : index
    %get3A_303 = tpu.vector_load %arg6[%get3A_302] {strides = array<i32>} : memref<64xi32, #tpu.memory_space<vmem>>, vector<16xi32>,
    %get3A_304 = vector.shape_cast %get3A_303 : vector<16xi32> to vector<16xi32>
    %slice3A_305 = vector.extract_strided_slice %get3A_304 {offsets = [14], sizes = [1], strides = [1]} : vector<16xi32> to vector<1xi32>
    %squeeze3A_306 = vector.extract %slice3A_305[0] : i32 from vector<1xi32>
    %shift_right_arithmetic3A_307 = arith.constant 3 : i32
    %shift_right_arithmetic3A_308 = arith.shrsi %squeeze3A_306, %shift_right_arithmetic3A_307 : i32
    %shift_left3A_309 = arith.constant 3 : i32
    %shift_left3A_310 = arith.shli %shift_right_arithmetic3A_308, %shift_left3A_309 : i32
    %multiple_of3A_311 = tpu.assume_multiple %shift_left3A_310, 8 : i32
    %get3A_312 = arith.constant 16 : index
    %get3A_313 = tpu.vector_load %arg6[%get3A_312] {strides = array<i32>} : memref<64xi32, #tpu.memory_space<vmem>>, vector<16xi32>,
    %get3A_314 = vector.shape_cast %get3A_313 : vector<16xi32> to vector<16xi32>
    %slice3A_315 = vector.extract_strided_slice %get3A_314 {offsets = [15], sizes = [1], strides = [1]} : vector<16xi32> to vector<1xi32>
    %squeeze3A_316 = vector.extract %slice3A_315[0] : i32 from vector<1xi32>
    %shift_right_arithmetic3A_317 = arith.constant 3 : i32
    %shift_right_arithmetic3A_318 = arith.shrsi %squeeze3A_316, %shift_right_arithmetic3A_317 : i32
    %shift_left3A_319 = arith.constant 3 : i32
    %shift_left3A_320 = arith.shli %shift_right_arithmetic3A_318, %shift_left3A_319 : i32
    %multiple_of3A_321 = tpu.assume_multiple %shift_left3A_320, 8 : i32
    %get3A_322 = arith.constant 32 : index
    %get3A_323 = tpu.vector_load %arg6[%get3A_322] {strides = array<i32>} : memref<64xi32, #tpu.memory_space<vmem>>, vector<16xi32>,
    %get3A_324 = vector.shape_cast %get3A_323 : vector<16xi32> to vector<16xi32>
    %slice3A_325 = vector.extract_strided_slice %get3A_324 {offsets = [0], sizes = [1], strides = [1]} : vector<16xi32> to vector<1xi32>
    %squeeze3A_326 = vector.extract %slice3A_325[0] : i32 from vector<1xi32>
    %shift_right_arithmetic3A_327 = arith.constant 3 : i32
    %shift_right_arithmetic3A_328 = arith.shrsi %squeeze3A_326, %shift_right_arithmetic3A_327 : i32
    %shift_left3A_329 = arith.constant 3 : i32
    %shift_left3A_330 = arith.shli %shift_right_arithmetic3A_328, %shift_left3A_329 : i32
    %multiple_of3A_331 = tpu.assume_multiple %shift_left3A_330, 8 : i32
    %get3A_332 = arith.constant 32 : index
    %get3A_333 = tpu.vector_load %arg6[%get3A_332] {strides = array<i32>} : memref<64xi32, #tpu.memory_space<vmem>>, vector<16xi32>,
    %get3A_334 = vector.shape_cast %get3A_333 : vector<16xi32> to vector<16xi32>
    %slice3A_335 = vector.extract_strided_slice %get3A_334 {offsets = [1], sizes = [1], strides = [1]} : vector<16xi32> to vector<1xi32>
    %squeeze3A_336 = vector.extract %slice3A_335[0] : i32 from vector<1xi32>
    %shift_right_arithmetic3A_337 = arith.constant 3 : i32
    %shift_right_arithmetic3A_338 = arith.shrsi %squeeze3A_336, %shift_right_arithmetic3A_337 : i32
    %shift_left3A_339 = arith.constant 3 : i32
    %shift_left3A_340 = arith.shli %shift_right_arithmetic3A_338, %shift_left3A_339 : i32
    %multiple_of3A_341 = tpu.assume_multiple %shift_left3A_340, 8 : i32
    %get3A_342 = arith.constant 32 : index
    %get3A_343 = tpu.vector_load %arg6[%get3A_342] {strides = array<i32>} : memref<64xi32, #tpu.memory_space<vmem>>, vector<16xi32>,
    %get3A_344 = vector.shape_cast %get3A_343 : vector<16xi32> to vector<16xi32>
    %slice3A_345 = vector.extract_strided_slice %get3A_344 {offsets = [2], sizes = [1], strides = [1]} : vector<16xi32> to vector<1xi32>
    %squeeze3A_346 = vector.extract %slice3A_345[0] : i32 from vector<1xi32>
    %shift_right_arithmetic3A_347 = arith.constant 3 : i32
    %shift_right_arithmetic3A_348 = arith.shrsi %squeeze3A_346, %shift_right_arithmetic3A_347 : i32
    %shift_left3A_349 = arith.constant 3 : i32
    %shift_left3A_350 = arith.shli %shift_right_arithmetic3A_348, %shift_left3A_349 : i32
    %multiple_of3A_351 = tpu.assume_multiple %shift_left3A_350, 8 : i32
    %get3A_352 = arith.constant 32 : index
    %get3A_353 = tpu.vector_load %arg6[%get3A_352] {strides = array<i32>} : memref<64xi32, #tpu.memory_space<vmem>>, vector<16xi32>,
    %get3A_354 = vector.shape_cast %get3A_353 : vector<16xi32> to vector<16xi32>
    %slice3A_355 = vector.extract_strided_slice %get3A_354 {offsets = [3], sizes = [1], strides = [1]} : vector<16xi32> to vector<1xi32>
    %squeeze3A_356 = vector.extract %slice3A_355[0] : i32 from vector<1xi32>
    %shift_right_arithmetic3A_357 = arith.constant 3 : i32
    %shift_right_arithmetic3A_358 = arith.shrsi %squeeze3A_356, %shift_right_arithmetic3A_357 : i32
    %shift_left3A_359 = arith.constant 3 : i32
    %shift_left3A_360 = arith.shli %shift_right_arithmetic3A_358, %shift_left3A_359 : i32
    %multiple_of3A_361 = tpu.assume_multiple %shift_left3A_360, 8 : i32
    %get3A_362 = arith.constant 32 : index
    %get3A_363 = tpu.vector_load %arg6[%get3A_362] {strides = array<i32>} : memref<64xi32, #tpu.memory_space<vmem>>, vector<16xi32>,
    %get3A_364 = vector.shape_cast %get3A_363 : vector<16xi32> to vector<16xi32>
    %slice3A_365 = vector.extract_strided_slice %get3A_364 {offsets = [4], sizes = [1], strides = [1]} : vector<16xi32> to vector<1xi32>
    %squeeze3A_366 = vector.extract %slice3A_365[0] : i32 from vector<1xi32>
    %shift_right_arithmetic3A_367 = arith.constant 3 : i32
    %shift_right_arithmetic3A_368 = arith.shrsi %squeeze3A_366, %shift_right_arithmetic3A_367 : i32
    %shift_left3A_369 = arith.constant 3 : i32
    %shift_left3A_370 = arith.shli %shift_right_arithmetic3A_368, %shift_left3A_369 : i32
    %multiple_of3A_371 = tpu.assume_multiple %shift_left3A_370, 8 : i32
    %get3A_372 = arith.constant 32 : index
    %get3A_373 = tpu.vector_load %arg6[%get3A_372] {strides = array<i32>} : memref<64xi32, #tpu.memory_space<vmem>>, vector<16xi32>,
    %get3A_374 = vector.shape_cast %get3A_373 : vector<16xi32> to vector<16xi32>
    %slice3A_375 = vector.extract_strided_slice %get3A_374 {offsets = [5], sizes = [1], strides = [1]} : vector<16xi32> to vector<1xi32>
    %squeeze3A_376 = vector.extract %slice3A_375[0] : i32 from vector<1xi32>
    %shift_right_arithmetic3A_377 = arith.constant 3 : i32
    %shift_right_arithmetic3A_378 = arith.shrsi %squeeze3A_376, %shift_right_arithmetic3A_377 : i32
    %shift_left3A_379 = arith.constant 3 : i32
    %shift_left3A_380 = arith.shli %shift_right_arithmetic3A_378, %shift_left3A_379 : i32
    %multiple_of3A_381 = tpu.assume_multiple %shift_left3A_380, 8 : i32
    %get3A_382 = arith.constant 32 : index
    %get3A_383 = tpu.vector_load %arg6[%get3A_382] {strides = array<i32>} : memref<64xi32, #tpu.memory_space<vmem>>, vector<16xi32>,
    %get3A_384 = vector.shape_cast %get3A_383 : vector<16xi32> to vector<16xi32>
    %slice3A_385 = vector.extract_strided_slice %get3A_384 {offsets = [6], sizes = [1], strides = [1]} : vector<16xi32> to vector<1xi32>
    %squeeze3A_386 = vector.extract %slice3A_385[0] : i32 from vector<1xi32>
    %shift_right_arithmetic3A_387 = arith.constant 3 : i32
    %shift_right_arithmetic3A_388 = arith.shrsi %squeeze3A_386, %shift_right_arithmetic3A_387 : i32
    %shift_left3A_389 = arith.constant 3 : i32
    %shift_left3A_390 = arith.shli %shift_right_arithmetic3A_388, %shift_left3A_389 : i32
    %multiple_of3A_391 = tpu.assume_multiple %shift_left3A_390, 8 : i32
    %get3A_392 = arith.constant 32 : index
    %get3A_393 = tpu.vector_load %arg6[%get3A_392] {strides = array<i32>} : memref<64xi32, #tpu.memory_space<vmem>>, vector<16xi32>,
    %get3A_394 = vector.shape_cast %get3A_393 : vector<16xi32> to vector<16xi32>
    %slice3A_395 = vector.extract_strided_slice %get3A_394 {offsets = [7], sizes = [1], strides = [1]} : vector<16xi32> to vector<1xi32>
    %squeeze3A_396 = vector.extract %slice3A_395[0] : i32 from vector<1xi32>
    %shift_right_arithmetic3A_397 = arith.constant 3 : i32
    %shift_right_arithmetic3A_398 = arith.shrsi %squeeze3A_396, %shift_right_arithmetic3A_397 : i32
    %shift_left3A_399 = arith.constant 3 : i32
    %shift_left3A_400 = arith.shli %shift_right_arithmetic3A_398, %shift_left3A_399 : i32
    %multiple_of3A_401 = tpu.assume_multiple %shift_left3A_400, 8 : i32
    %get3A_402 = arith.constant 32 : index
    %get3A_403 = tpu.vector_load %arg6[%get3A_402] {strides = array<i32>} : memref<64xi32, #tpu.memory_space<vmem>>, vector<16xi32>,
    %get3A_404 = vector.shape_cast %get3A_403 : vector<16xi32> to vector<16xi32>
    %slice3A_405 = vector.extract_strided_slice %get3A_404 {offsets = [8], sizes = [1], strides = [1]} : vector<16xi32> to vector<1xi32>
    %squeeze3A_406 = vector.extract %slice3A_405[0] : i32 from vector<1xi32>
    %shift_right_arithmetic3A_407 = arith.constant 3 : i32
    %shift_right_arithmetic3A_408 = arith.shrsi %squeeze3A_406, %shift_right_arithmetic3A_407 : i32
    %shift_left3A_409 = arith.constant 3 : i32
    %shift_left3A_410 = arith.shli %shift_right_arithmetic3A_408, %shift_left3A_409 : i32
    %multiple_of3A_411 = tpu.assume_multiple %shift_left3A_410, 8 : i32
    %get3A_412 = arith.constant 32 : index
    %get3A_413 = tpu.vector_load %arg6[%get3A_412] {strides = array<i32>} : memref<64xi32, #tpu.memory_space<vmem>>, vector<16xi32>,
    %get3A_414 = vector.shape_cast %get3A_413 : vector<16xi32> to vector<16xi32>
    %slice3A_415 = vector.extract_strided_slice %get3A_414 {offsets = [9], sizes = [1], strides = [1]} : vector<16xi32> to vector<1xi32>
    %squeeze3A_416 = vector.extract %slice3A_415[0] : i32 from vector<1xi32>
    %shift_right_arithmetic3A_417 = arith.constant 3 : i32
    %shift_right_arithmetic3A_418 = arith.shrsi %squeeze3A_416, %shift_right_arithmetic3A_417 : i32
    %shift_left3A_419 = arith.constant 3 : i32
    %shift_left3A_420 = arith.shli %shift_right_arithmetic3A_418, %shift_left3A_419 : i32
    %multiple_of3A_421 = tpu.assume_multiple %shift_left3A_420, 8 : i32
    %get3A_422 = arith.constant 32 : index
    %get3A_423 = tpu.vector_load %arg6[%get3A_422] {strides = array<i32>} : memref<64xi32, #tpu.memory_space<vmem>>, vector<16xi32>,
    %get3A_424 = vector.shape_cast %get3A_423 : vector<16xi32> to vector<16xi32>
    %slice3A_425 = vector.extract_strided_slice %get3A_424 {offsets = [10], sizes = [1], strides = [1]} : vector<16xi32> to vector<1xi32>
    %squeeze3A_426 = vector.extract %slice3A_425[0] : i32 from vector<1xi32>
    %shift_right_arithmetic3A_427 = arith.constant 3 : i32
    %shift_right_arithmetic3A_428 = arith.shrsi %squeeze3A_426, %shift_right_arithmetic3A_427 : i32
    %shift_left3A_429 = arith.constant 3 : i32
    %shift_left3A_430 = arith.shli %shift_right_arithmetic3A_428, %shift_left3A_429 : i32
    %multiple_of3A_431 = tpu.assume_multiple %shift_left3A_430, 8 : i32
    %get3A_432 = arith.constant 32 : index
    %get3A_433 = tpu.vector_load %arg6[%get3A_432] {strides = array<i32>} : memref<64xi32, #tpu.memory_space<vmem>>, vector<16xi32>,
    %get3A_434 = vector.shape_cast %get3A_433 : vector<16xi32> to vector<16xi32>
    %slice3A_435 = vector.extract_strided_slice %get3A_434 {offsets = [11], sizes = [1], strides = [1]} : vector<16xi32> to vector<1xi32>
    %squeeze3A_436 = vector.extract %slice3A_435[0] : i32 from vector<1xi32>
    %shift_right_arithmetic3A_437 = arith.constant 3 : i32
    %shift_right_arithmetic3A_438 = arith.shrsi %squeeze3A_436, %shift_right_arithmetic3A_437 : i32
    %shift_left3A_439 = arith.constant 3 : i32
    %shift_left3A_440 = arith.shli %shift_right_arithmetic3A_438, %shift_left3A_439 : i32
    %multiple_of3A_441 = tpu.assume_multiple %shift_left3A_440, 8 : i32
    %get3A_442 = arith.constant 32 : index
    %get3A_443 = tpu.vector_load %arg6[%get3A_442] {strides = array<i32>} : memref<64xi32, #tpu.memory_space<vmem>>, vector<16xi32>,
    %get3A_444 = vector.shape_cast %get3A_443 : vector<16xi32> to vector<16xi32>
    %slice3A_445 = vector.extract_strided_slice %get3A_444 {offsets = [12], sizes = [1], strides = [1]} : vector<16xi32> to vector<1xi32>
    %squeeze3A_446 = vector.extract %slice3A_445[0] : i32 from vector<1xi32>
    %shift_right_arithmetic3A_447 = arith.constant 3 : i32
    %shift_right_arithmetic3A_448 = arith.shrsi %squeeze3A_446, %shift_right_arithmetic3A_447 : i32
    %shift_left3A_449 = arith.constant 3 : i32
    %shift_left3A_450 = arith.shli %shift_right_arithmetic3A_448, %shift_left3A_449 : i32
    %multiple_of3A_451 = tpu.assume_multiple %shift_left3A_450, 8 : i32
    %get3A_452 = arith.constant 32 : index
    %get3A_453 = tpu.vector_load %arg6[%get3A_452] {strides = array<i32>} : memref<64xi32, #tpu.memory_space<vmem>>, vector<16xi32>,
    %get3A_454 = vector.shape_cast %get3A_453 : vector<16xi32> to vector<16xi32>
    %slice3A_455 = vector.extract_strided_slice %get3A_454 {offsets = [13], sizes = [1], strides = [1]} : vector<16xi32> to vector<1xi32>
    %squeeze3A_456 = vector.extract %slice3A_455[0] : i32 from vector<1xi32>
    %shift_right_arithmetic3A_457 = arith.constant 3 : i32
    %shift_right_arithmetic3A_458 = arith.shrsi %squeeze3A_456, %shift_right_arithmetic3A_457 : i32
    %shift_left3A_459 = arith.constant 3 : i32
    %shift_left3A_460 = arith.shli %shift_right_arithmetic3A_458, %shift_left3A_459 : i32
    %multiple_of3A_461 = tpu.assume_multiple %shift_left3A_460, 8 : i32
    %get3A_462 = arith.constant 32 : index
    %get3A_463 = tpu.vector_load %arg6[%get3A_462] {strides = array<i32>} : memref<64xi32, #tpu.memory_space<vmem>>, vector<16xi32>,
    %get3A_464 = vector.shape_cast %get3A_463 : vector<16xi32> to vector<16xi32>
    %slice3A_465 = vector.extract_strided_slice %get3A_464 {offsets = [14], sizes = [1], strides = [1]} : vector<16xi32> to vector<1xi32>
    %squeeze3A_466 = vector.extract %slice3A_465[0] : i32 from vector<1xi32>
    %shift_right_arithmetic3A_467 = arith.constant 3 : i32
    %shift_right_arithmetic3A_468 = arith.shrsi %squeeze3A_466, %shift_right_arithmetic3A_467 : i32
    %shift_left3A_469 = arith.constant 3 : i32
    %shift_left3A_470 = arith.shli %shift_right_arithmetic3A_468, %shift_left3A_469 : i32
    %multiple_of3A_471 = tpu.assume_multiple %shift_left3A_470, 8 : i32
    %get3A_472 = arith.constant 32 : index
    %get3A_473 = tpu.vector_load %arg6[%get3A_472] {strides = array<i32>} : memref<64xi32, #tpu.memory_space<vmem>>, vector<16xi32>,
    %get3A_474 = vector.shape_cast %get3A_473 : vector<16xi32> to vector<16xi32>
    %slice3A_475 = vector.extract_strided_slice %get3A_474 {offsets = [15], sizes = [1], strides = [1]} : vector<16xi32> to vector<1xi32>
    %squeeze3A_476 = vector.extract %slice3A_475[0] : i32 from vector<1xi32>
    %shift_right_arithmetic3A_477 = arith.constant 3 : i32
    %shift_right_arithmetic3A_478 = arith.shrsi %squeeze3A_476, %shift_right_arithmetic3A_477 : i32
    %shift_left3A_479 = arith.constant 3 : i32
    %shift_left3A_480 = arith.shli %shift_right_arithmetic3A_478, %shift_left3A_479 : i32
    %multiple_of3A_481 = tpu.assume_multiple %shift_left3A_480, 8 : i32
    %get3A_482 = arith.constant 48 : index
    %get3A_483 = tpu.vector_load %arg6[%get3A_482] {strides = array<i32>} : memref<64xi32, #tpu.memory_space<vmem>>, vector<16xi32>,
    %get3A_484 = vector.shape_cast %get3A_483 : vector<16xi32> to vector<16xi32>
    %slice3A_485 = vector.extract_strided_slice %get3A_484 {offsets = [0], sizes = [1], strides = [1]} : vector<16xi32> to vector<1xi32>
    %squeeze3A_486 = vector.extract %slice3A_485[0] : i32 from vector<1xi32>
    %shift_right_arithmetic3A_487 = arith.constant 3 : i32
    %shift_right_arithmetic3A_488 = arith.shrsi %squeeze3A_486, %shift_right_arithmetic3A_487 : i32
    %shift_left3A_489 = arith.constant 3 : i32
    %shift_left3A_490 = arith.shli %shift_right_arithmetic3A_488, %shift_left3A_489 : i32
    %multiple_of3A_491 = tpu.assume_multiple %shift_left3A_490, 8 : i32
    %get3A_492 = arith.constant 48 : index
    %get3A_493 = tpu.vector_load %arg6[%get3A_492] {strides = array<i32>} : memref<64xi32, #tpu.memory_space<vmem>>, vector<16xi32>,
    %get3A_494 = vector.shape_cast %get3A_493 : vector<16xi32> to vector<16xi32>
    %slice3A_495 = vector.extract_strided_slice %get3A_494 {offsets = [1], sizes = [1], strides = [1]} : vector<16xi32> to vector<1xi32>
    %squeeze3A_496 = vector.extract %slice3A_495[0] : i32 from vector<1xi32>
    %shift_right_arithmetic3A_497 = arith.constant 3 : i32
    %shift_right_arithmetic3A_498 = arith.shrsi %squeeze3A_496, %shift_right_arithmetic3A_497 : i32
    %shift_left3A_499 = arith.constant 3 : i32
    %shift_left3A_500 = arith.shli %shift_right_arithmetic3A_498, %shift_left3A_499 : i32
    %multiple_of3A_501 = tpu.assume_multiple %shift_left3A_500, 8 : i32
    %get3A_502 = arith.constant 48 : index
    %get3A_503 = tpu.vector_load %arg6[%get3A_502] {strides = array<i32>} : memref<64xi32, #tpu.memory_space<vmem>>, vector<16xi32>,
    %get3A_504 = vector.shape_cast %get3A_503 : vector<16xi32> to vector<16xi32>
    %slice3A_505 = vector.extract_strided_slice %get3A_504 {offsets = [2], sizes = [1], strides = [1]} : vector<16xi32> to vector<1xi32>
    %squeeze3A_506 = vector.extract %slice3A_505[0] : i32 from vector<1xi32>
    %shift_right_arithmetic3A_507 = arith.constant 3 : i32
    %shift_right_arithmetic3A_508 = arith.shrsi %squeeze3A_506, %shift_right_arithmetic3A_507 : i32
    %shift_left3A_509 = arith.constant 3 : i32
    %shift_left3A_510 = arith.shli %shift_right_arithmetic3A_508, %shift_left3A_509 : i32
    %multiple_of3A_511 = tpu.assume_multiple %shift_left3A_510, 8 : i32
    %get3A_512 = arith.constant 48 : index
    %get3A_513 = tpu.vector_load %arg6[%get3A_512] {strides = array<i32>} : memref<64xi32, #tpu.memory_space<vmem>>, vector<16xi32>,
    %get3A_514 = vector.shape_cast %get3A_513 : vector<16xi32> to vector<16xi32>
    %slice3A_515 = vector.extract_strided_slice %get3A_514 {offsets = [3], sizes = [1], strides = [1]} : vector<16xi32> to vector<1xi32>
    %squeeze3A_516 = vector.extract %slice3A_515[0] : i32 from vector<1xi32>
    %shift_right_arithmetic3A_517 = arith.constant 3 : i32
    %shift_right_arithmetic3A_518 = arith.shrsi %squeeze3A_516, %shift_right_arithmetic3A_517 : i32
    %shift_left3A_519 = arith.constant 3 : i32
    %shift_left3A_520 = arith.shli %shift_right_arithmetic3A_518, %shift_left3A_519 : i32
    %multiple_of3A_521 = tpu.assume_multiple %shift_left3A_520, 8 : i32
    %get3A_522 = arith.constant 48 : index
    %get3A_523 = tpu.vector_load %arg6[%get3A_522] {strides = array<i32>} : memref<64xi32, #tpu.memory_space<vmem>>, vector<16xi32>,
    %get3A_524 = vector.shape_cast %get3A_523 : vector<16xi32> to vector<16xi32>
    %slice3A_525 = vector.extract_strided_slice %get3A_524 {offsets = [4], sizes = [1], strides = [1]} : vector<16xi32> to vector<1xi32>
    %squeeze3A_526 = vector.extract %slice3A_525[0] : i32 from vector<1xi32>
    %shift_right_arithmetic3A_527 = arith.constant 3 : i32
    %shift_right_arithmetic3A_528 = arith.shrsi %squeeze3A_526, %shift_right_arithmetic3A_527 : i32
    %shift_left3A_529 = arith.constant 3 : i32
    %shift_left3A_530 = arith.shli %shift_right_arithmetic3A_528, %shift_left3A_529 : i32
    %multiple_of3A_531 = tpu.assume_multiple %shift_left3A_530, 8 : i32
    %get3A_532 = arith.constant 48 : index
    %get3A_533 = tpu.vector_load %arg6[%get3A_532] {strides = array<i32>} : memref<64xi32, #tpu.memory_space<vmem>>, vector<16xi32>,
    %get3A_534 = vector.shape_cast %get3A_533 : vector<16xi32> to vector<16xi32>
    %slice3A_535 = vector.extract_strided_slice %get3A_534 {offsets = [5], sizes = [1], strides = [1]} : vector<16xi32> to vector<1xi32>
    %squeeze3A_536 = vector.extract %slice3A_535[0] : i32 from vector<1xi32>
    %shift_right_arithmetic3A_537 = arith.constant 3 : i32
    %shift_right_arithmetic3A_538 = arith.shrsi %squeeze3A_536, %shift_right_arithmetic3A_537 : i32
    %shift_left3A_539 = arith.constant 3 : i32
    %shift_left3A_540 = arith.shli %shift_right_arithmetic3A_538, %shift_left3A_539 : i32
    %multiple_of3A_541 = tpu.assume_multiple %shift_left3A_540, 8 : i32
    %get3A_542 = arith.constant 48 : index
    %get3A_543 = tpu.vector_load %arg6[%get3A_542] {strides = array<i32>} : memref<64xi32, #tpu.memory_space<vmem>>, vector<16xi32>,
    %get3A_544 = vector.shape_cast %get3A_543 : vector<16xi32> to vector<16xi32>
    %slice3A_545 = vector.extract_strided_slice %get3A_544 {offsets = [6], sizes = [1], strides = [1]} : vector<16xi32> to vector<1xi32>
    %squeeze3A_546 = vector.extract %slice3A_545[0] : i32 from vector<1xi32>
    %shift_right_arithmetic3A_547 = arith.constant 3 : i32
    %shift_right_arithmetic3A_548 = arith.shrsi %squeeze3A_546, %shift_right_arithmetic3A_547 : i32
    %shift_left3A_549 = arith.constant 3 : i32
    %shift_left3A_550 = arith.shli %shift_right_arithmetic3A_548, %shift_left3A_549 : i32
    %multiple_of3A_551 = tpu.assume_multiple %shift_left3A_550, 8 : i32
    %get3A_552 = arith.constant 48 : index
    %get3A_553 = tpu.vector_load %arg6[%get3A_552] {strides = array<i32>} : memref<64xi32, #tpu.memory_space<vmem>>, vector<16xi32>,
    %get3A_554 = vector.shape_cast %get3A_553 : vector<16xi32> to vector<16xi32>
    %slice3A_555 = vector.extract_strided_slice %get3A_554 {offsets = [7], sizes = [1], strides = [1]} : vector<16xi32> to vector<1xi32>
    %squeeze3A_556 = vector.extract %slice3A_555[0] : i32 from vector<1xi32>
    %shift_right_arithmetic3A_557 = arith.constant 3 : i32
    %shift_right_arithmetic3A_558 = arith.shrsi %squeeze3A_556, %shift_right_arithmetic3A_557 : i32
    %shift_left3A_559 = arith.constant 3 : i32
    %shift_left3A_560 = arith.shli %shift_right_arithmetic3A_558, %shift_left3A_559 : i32
    %multiple_of3A_561 = tpu.assume_multiple %shift_left3A_560, 8 : i32
    %get3A_562 = arith.constant 48 : index
    %get3A_563 = tpu.vector_load %arg6[%get3A_562] {strides = array<i32>} : memref<64xi32, #tpu.memory_space<vmem>>, vector<16xi32>,
    %get3A_564 = vector.shape_cast %get3A_563 : vector<16xi32> to vector<16xi32>
    %slice3A_565 = vector.extract_strided_slice %get3A_564 {offsets = [8], sizes = [1], strides = [1]} : vector<16xi32> to vector<1xi32>
    %squeeze3A_566 = vector.extract %slice3A_565[0] : i32 from vector<1xi32>
    %shift_right_arithmetic3A_567 = arith.constant 3 : i32
    %shift_right_arithmetic3A_568 = arith.shrsi %squeeze3A_566, %shift_right_arithmetic3A_567 : i32
    %shift_left3A_569 = arith.constant 3 : i32
    %shift_left3A_570 = arith.shli %shift_right_arithmetic3A_568, %shift_left3A_569 : i32
    %multiple_of3A_571 = tpu.assume_multiple %shift_left3A_570, 8 : i32
    %get3A_572 = arith.constant 48 : index
    %get3A_573 = tpu.vector_load %arg6[%get3A_572] {strides = array<i32>} : memref<64xi32, #tpu.memory_space<vmem>>, vector<16xi32>,
    %get3A_574 = vector.shape_cast %get3A_573 : vector<16xi32> to vector<16xi32>
    %slice3A_575 = vector.extract_strided_slice %get3A_574 {offsets = [9], sizes = [1], strides = [1]} : vector<16xi32> to vector<1xi32>
    %squeeze3A_576 = vector.extract %slice3A_575[0] : i32 from vector<1xi32>
    %shift_right_arithmetic3A_577 = arith.constant 3 : i32
    %shift_right_arithmetic3A_578 = arith.shrsi %squeeze3A_576, %shift_right_arithmetic3A_577 : i32
    %shift_left3A_579 = arith.constant 3 : i32
    %shift_left3A_580 = arith.shli %shift_right_arithmetic3A_578, %shift_left3A_579 : i32
    %multiple_of3A_581 = tpu.assume_multiple %shift_left3A_580, 8 : i32
    %get3A_582 = arith.constant 48 : index
    %get3A_583 = tpu.vector_load %arg6[%get3A_582] {strides = array<i32>} : memref<64xi32, #tpu.memory_space<vmem>>, vector<16xi32>,
    %get3A_584 = vector.shape_cast %get3A_583 : vector<16xi32> to vector<16xi32>
    %slice3A_585 = vector.extract_strided_slice %get3A_584 {offsets = [10], sizes = [1], strides = [1]} : vector<16xi32> to vector<1xi32>
    %squeeze3A_586 = vector.extract %slice3A_585[0] : i32 from vector<1xi32>
    %shift_right_arithmetic3A_587 = arith.constant 3 : i32
    %shift_right_arithmetic3A_588 = arith.shrsi %squeeze3A_586, %shift_right_arithmetic3A_587 : i32
    %shift_left3A_589 = arith.constant 3 : i32
    %shift_left3A_590 = arith.shli %shift_right_arithmetic3A_588, %shift_left3A_589 : i32
    %multiple_of3A_591 = tpu.assume_multiple %shift_left3A_590, 8 : i32
    %get3A_592 = arith.constant 48 : index
    %get3A_593 = tpu.vector_load %arg6[%get3A_592] {strides = array<i32>} : memref<64xi32, #tpu.memory_space<vmem>>, vector<16xi32>,
    %get3A_594 = vector.shape_cast %get3A_593 : vector<16xi32> to vector<16xi32>
    %slice3A_595 = vector.extract_strided_slice %get3A_594 {offsets = [11], sizes = [1], strides = [1]} : vector<16xi32> to vector<1xi32>
    %squeeze3A_596 = vector.extract %slice3A_595[0] : i32 from vector<1xi32>
    %shift_right_arithmetic3A_597 = arith.constant 3 : i32
    %shift_right_arithmetic3A_598 = arith.shrsi %squeeze3A_596, %shift_right_arithmetic3A_597 : i32
    %shift_left3A_599 = arith.constant 3 : i32
    %shift_left3A_600 = arith.shli %shift_right_arithmetic3A_598, %shift_left3A_599 : i32
    %multiple_of3A_601 = tpu.assume_multiple %shift_left3A_600, 8 : i32
    %get3A_602 = arith.constant 48 : index
    %get3A_603 = tpu.vector_load %arg6[%get3A_602] {strides = array<i32>} : memref<64xi32, #tpu.memory_space<vmem>>, vector<16xi32>,
    %get3A_604 = vector.shape_cast %get3A_603 : vector<16xi32> to vector<16xi32>
    %slice3A_605 = vector.extract_strided_slice %get3A_604 {offsets = [12], sizes = [1], strides = [1]} : vector<16xi32> to vector<1xi32>
    %squeeze3A_606 = vector.extract %slice3A_605[0] : i32 from vector<1xi32>
    %shift_right_arithmetic3A_607 = arith.constant 3 : i32
    %shift_right_arithmetic3A_608 = arith.shrsi %squeeze3A_606, %shift_right_arithmetic3A_607 : i32
    %shift_left3A_609 = arith.constant 3 : i32
    %shift_left3A_610 = arith.shli %shift_right_arithmetic3A_608, %shift_left3A_609 : i32
    %multiple_of3A_611 = tpu.assume_multiple %shift_left3A_610, 8 : i32
    %get3A_612 = arith.constant 48 : index
    %get3A_613 = tpu.vector_load %arg6[%get3A_612] {strides = array<i32>} : memref<64xi32, #tpu.memory_space<vmem>>, vector<16xi32>,
    %get3A_614 = vector.shape_cast %get3A_613 : vector<16xi32> to vector<16xi32>
    %slice3A_615 = vector.extract_strided_slice %get3A_614 {offsets = [13], sizes = [1], strides = [1]} : vector<16xi32> to vector<1xi32>
    %squeeze3A_616 = vector.extract %slice3A_615[0] : i32 from vector<1xi32>
    %shift_right_arithmetic3A_617 = arith.constant 3 : i32
    %shift_right_arithmetic3A_618 = arith.shrsi %squeeze3A_616, %shift_right_arithmetic3A_617 : i32
    %shift_left3A_619 = arith.constant 3 : i32
    %shift_left3A_620 = arith.shli %shift_right_arithmetic3A_618, %shift_left3A_619 : i32
    %multiple_of3A_621 = tpu.assume_multiple %shift_left3A_620, 8 : i32
    %get3A_622 = arith.constant 48 : index
    %get3A_623 = tpu.vector_load %arg6[%get3A_622] {strides = array<i32>} : memref<64xi32, #tpu.memory_space<vmem>>, vector<16xi32>,
    %get3A_624 = vector.shape_cast %get3A_623 : vector<16xi32> to vector<16xi32>
    %slice3A_625 = vector.extract_strided_slice %get3A_624 {offsets = [14], sizes = [1], strides = [1]} : vector<16xi32> to vector<1xi32>
    %squeeze3A_626 = vector.extract %slice3A_625[0] : i32 from vector<1xi32>
    %shift_right_arithmetic3A_627 = arith.constant 3 : i32
    %shift_right_arithmetic3A_628 = arith.shrsi %squeeze3A_626, %shift_right_arithmetic3A_627 : i32
    %shift_left3A_629 = arith.constant 3 : i32
    %shift_left3A_630 = arith.shli %shift_right_arithmetic3A_628, %shift_left3A_629 : i32
    %multiple_of3A_631 = tpu.assume_multiple %shift_left3A_630, 8 : i32
    %get3A_632 = arith.constant 48 : index
    %get3A_633 = tpu.vector_load %arg6[%get3A_632] {strides = array<i32>} : memref<64xi32, #tpu.memory_space<vmem>>, vector<16xi32>,
    %get3A_634 = vector.shape_cast %get3A_633 : vector<16xi32> to vector<16xi32>
    %slice3A_635 = vector.extract_strided_slice %get3A_634 {offsets = [15], sizes = [1], strides = [1]} : vector<16xi32> to vector<1xi32>
    %squeeze3A_636 = vector.extract %slice3A_635[0] : i32 from vector<1xi32>
    %shift_right_arithmetic3A_637 = arith.constant 3 : i32
    %shift_right_arithmetic3A_638 = arith.shrsi %squeeze3A_636, %shift_right_arithmetic3A_637 : i32
    %shift_left3A_639 = arith.constant 3 : i32
    %shift_left3A_640 = arith.shli %shift_right_arithmetic3A_638, %shift_left3A_639 : i32
    %multiple_of3A_641 = tpu.assume_multiple %shift_left3A_640, 8 : i32
    %dma_start3A = arith.constant 0 : i32
    %dma_start3A_642 = arith.constant 0 : i32
    %dma_start3A_643 = arith.constant 0 : i32
    %dma_start3A_644 = tpu.memref_slice %arg7[%dma_start3A, %dma_start3A_642, %dma_start3A_643] : memref<64x8x128xf32, #tpu.memory_space<vmem>> -> memref<1x8x128xf32, #tpu.memory_space<vmem>>
    %dma_start3A_645 = tpu.memref_squeeze %dma_start3A_644 : memref<1x8x128xf32, #tpu.memory_space<vmem>> -> memref<8x128xf32, #tpu.memory_space<vmem>>
    %dma_start3A_646 = tpu.memref_slice %arg2[%multiple_of3A_11, %multiple_of3A] : memref<100000x1024xf32, #tpu.memory_space<hbm>> -> memref<8x128xf32, #tpu.memory_space<hbm>>
    %dma_start3A_647 = arith.constant 0 : i32
    %dma_start3A_648 = arith.constant 0 : i32
    %dma_start3A_649 = tpu.memref_slice %arg7[%dma_start3A, %dma_start3A_647, %dma_start3A_648] : memref<64x8x128xf32, #tpu.memory_space<vmem>> -> memref<1x8x128xf32, #tpu.memory_space<vmem>>
    %dma_start3A_650 = tpu.memref_squeeze %dma_start3A_649 : memref<1x8x128xf32, #tpu.memory_space<vmem>> -> memref<8x128xf32, #tpu.memory_space<vmem>>
    %dma_start3A_651 = tpu.memref_slice %arg2[%multiple_of3A_11, %multiple_of3A] : memref<100000x1024xf32, #tpu.memory_space<hbm>> -> memref<8x128xf32, #tpu.memory_space<hbm>>
    tpu.enqueue_dma source(%dma_start3A_651 : memref<8x128xf32, #tpu.memory_space<hbm>>) target(%dma_start3A_650 : memref<8x128xf32, #tpu.memory_space<vmem>>) target_semaphore(%arg9 : memref<!tpu.dma_semaphore, #tpu.memory_space<semaphore_mem>>)
    %dma_start3A_652 = arith.constant 1 : i32
    %dma_start3A_653 = arith.constant 0 : i32
    %dma_start3A_654 = arith.constant 0 : i32
    %dma_start3A_655 = tpu.memref_slice %arg7[%dma_start3A_652, %dma_start3A_653, %dma_start3A_654] : memref<64x8x128xf32, #tpu.memory_space<vmem>> -> memref<1x8x128xf32, #tpu.memory_space<vmem>>
    %dma_start3A_656 = tpu.memref_squeeze %dma_start3A_655 : memref<1x8x128xf32, #tpu.memory_space<vmem>> -> memref<8x128xf32, #tpu.memory_space<vmem>>
    %dma_start3A_657 = tpu.memref_slice %arg2[%multiple_of3A_21, %multiple_of3A] : memref<100000x1024xf32, #tpu.memory_space<hbm>> -> memref<8x128xf32, #tpu.memory_space<hbm>>
    %dma_start3A_658 = arith.constant 0 : i32
    %dma_start3A_659 = arith.constant 0 : i32
    %dma_start3A_660 = tpu.memref_slice %arg7[%dma_start3A_652, %dma_start3A_658, %dma_start3A_659] : memref<64x8x128xf32, #tpu.memory_space<vmem>> -> memref<1x8x128xf32, #tpu.memory_space<vmem>>
    %dma_start3A_661 = tpu.memref_squeeze %dma_start3A_660 : memref<1x8x128xf32, #tpu.memory_space<vmem>> -> memref<8x128xf32, #tpu.memory_space<vmem>>
    %dma_start3A_662 = tpu.memref_slice %arg2[%multiple_of3A_21, %multiple_of3A] : memref<100000x1024xf32, #tpu.memory_space<hbm>> -> memref<8x128xf32, #tpu.memory_space<hbm>>
    tpu.enqueue_dma source(%dma_start3A_662 : memref<8x128xf32, #tpu.memory_space<hbm>>) target(%dma_start3A_661 : memref<8x128xf32, #tpu.memory_space<vmem>>) target_semaphore(%arg9 : memref<!tpu.dma_semaphore, #tpu.memory_space<semaphore_mem>>)
    %dma_start3A_663 = arith.constant 2 : i32
    %dma_start3A_664 = arith.constant 0 : i32
    %dma_start3A_665 = arith.constant 0 : i32
    %dma_start3A_666 = tpu.memref_slice %arg7[%dma_start3A_663, %dma_start3A_664, %dma_start3A_665] : memref<64x8x128xf32, #tpu.memory_space<vmem>> -> memref<1x8x128xf32, #tpu.memory_space<vmem>>
    %dma_start3A_667 = tpu.memref_squeeze %dma_start3A_666 : memref<1x8x128xf32, #tpu.memory_space<vmem>> -> memref<8x128xf32, #tpu.memory_space<vmem>>
    %dma_start3A_668 = tpu.memref_slice %arg2[%multiple_of3A_31, %multiple_of3A] : memref<100000x1024xf32, #tpu.memory_space<hbm>> -> memref<8x128xf32, #tpu.memory_space<hbm>>
    %dma_start3A_669 = arith.constant 0 : i32
    %dma_start3A_670 = arith.constant 0 : i32
    %dma_start3A_671 = tpu.memref_slice %arg7[%dma_start3A_663, %dma_start3A_669, %dma_start3A_670] : memref<64x8x128xf32, #tpu.memory_space<vmem>> -> memref<1x8x128xf32, #tpu.memory_space<vmem>>
    %dma_start3A_672 = tpu.memref_squeeze %dma_start3A_671 : memref<1x8x128xf32, #tpu.memory_space<vmem>> -> memref<8x128xf32, #tpu.memory_space<vmem>>
    %dma_start3A_673 = tpu.memref_slice %arg2[%multiple_of3A_31, %multiple_of3A] : memref<100000x1024xf32, #tpu.memory_space<hbm>> -> memref<8x128xf32, #tpu.memory_space<hbm>>
    tpu.enqueue_dma source(%dma_start3A_673 : memref<8x128xf32, #tpu.memory_space<hbm>>) target(%dma_start3A_672 : memref<8x128xf32, #tpu.memory_space<vmem>>) target_semaphore(%arg9 : memref<!tpu.dma_semaphore, #tpu.memory_space<semaphore_mem>>)
    %dma_start3A_674 = arith.constant 3 : i32
    %dma_start3A_675 = arith.constant 0 : i32
    %dma_start3A_676 = arith.constant 0 : i32
    %dma_start3A_677 = tpu.memref_slice %arg7[%dma_start3A_674, %dma_start3A_675, %dma_start3A_676] : memref<64x8x128xf32, #tpu.memory_space<vmem>> -> memref<1x8x128xf32, #tpu.memory_space<vmem>>
    %dma_start3A_678 = tpu.memref_squeeze %dma_start3A_677 : memref<1x8x128xf32, #tpu.memory_space<vmem>> -> memref<8x128xf32, #tpu.memory_space<vmem>>
    %dma_start3A_679 = tpu.memref_slice %arg2[%multiple_of3A_41, %multiple_of3A] : memref<100000x1024xf32, #tpu.memory_space<hbm>> -> memref<8x128xf32, #tpu.memory_space<hbm>>
    %dma_start3A_680 = arith.constant 0 : i32
    %dma_start3A_681 = arith.constant 0 : i32
    %dma_start3A_682 = tpu.memref_slice %arg7[%dma_start3A_674, %dma_start3A_680, %dma_start3A_681] : memref<64x8x128xf32, #tpu.memory_space<vmem>> -> memref<1x8x128xf32, #tpu.memory_space<vmem>>
    %dma_start3A_683 = tpu.memref_squeeze %dma_start3A_682 : memref<1x8x128xf32, #tpu.memory_space<vmem>> -> memref<8x128xf32, #tpu.memory_space<vmem>>
    %dma_start3A_684 = tpu.memref_slice %arg2[%multiple_of3A_41, %multiple_of3A] : memref<100000x1024xf32, #tpu.memory_space<hbm>> -> memref<8x128xf32, #tpu.memory_space<hbm>>
    tpu.enqueue_dma source(%dma_start3A_684 : memref<8x128xf32, #tpu.memory_space<hbm>>) target(%dma_start3A_683 : memref<8x128xf32, #tpu.memory_space<vmem>>) target_semaphore(%arg9 : memref<!tpu.dma_semaphore, #tpu.memory_space<semaphore_mem>>)
    %dma_start3A_685 = arith.constant 4 : i32
    %dma_start3A_686 = arith.constant 0 : i32
    %dma_start3A_687 = arith.constant 0 : i32
    %dma_start3A_688 = tpu.memref_slice %arg7[%dma_start3A_685, %dma_start3A_686, %dma_start3A_687] : memref<64x8x128xf32, #tpu.memory_space<vmem>> -> memref<1x8x128xf32, #tpu.memory_space<vmem>>
    %dma_start3A_689 = tpu.memref_squeeze %dma_start3A_688 : memref<1x8x128xf32, #tpu.memory_space<vmem>> -> memref<8x128xf32, #tpu.memory_space<vmem>>
    %dma_start3A_690 = tpu.memref_slice %arg2[%multiple_of3A_51, %multiple_of3A] : memref<100000x1024xf32, #tpu.memory_space<hbm>> -> memref<8x128xf32, #tpu.memory_space<hbm>>
    %dma_start3A_691 = arith.constant 0 : i32
    %dma_start3A_692 = arith.constant 0 : i32
    %dma_start3A_693 = tpu.memref_slice %arg7[%dma_start3A_685, %dma_start3A_691, %dma_start3A_692] : memref<64x8x128xf32, #tpu.memory_space<vmem>> -> memref<1x8x128xf32, #tpu.memory_space<vmem>>
    %dma_start3A_694 = tpu.memref_squeeze %dma_start3A_693 : memref<1x8x128xf32, #tpu.memory_space<vmem>> -> memref<8x128xf32, #tpu.memory_space<vmem>>
    %dma_start3A_695 = tpu.memref_slice %arg2[%multiple_of3A_51, %multiple_of3A] : memref<100000x1024xf32, #tpu.memory_space<hbm>> -> memref<8x128xf32, #tpu.memory_space<hbm>>
    tpu.enqueue_dma source(%dma_start3A_695 : memref<8x128xf32, #tpu.memory_space<hbm>>) target(%dma_start3A_694 : memref<8x128xf32, #tpu.memory_space<vmem>>) target_semaphore(%arg9 : memref<!tpu.dma_semaphore, #tpu.memory_space<semaphore_mem>>)
    %dma_start3A_696 = arith.constant 5 : i32
    %dma_start3A_697 = arith.constant 0 : i32
    %dma_start3A_698 = arith.constant 0 : i32
    %dma_start3A_699 = tpu.memref_slice %arg7[%dma_start3A_696, %dma_start3A_697, %dma_start3A_698] : memref<64x8x128xf32, #tpu.memory_space<vmem>> -> memref<1x8x128xf32, #tpu.memory_space<vmem>>
    %dma_start3A_700 = tpu.memref_squeeze %dma_start3A_699 : memref<1x8x128xf32, #tpu.memory_space<vmem>> -> memref<8x128xf32, #tpu.memory_space<vmem>>
    %dma_start3A_701 = tpu.memref_slice %arg2[%multiple_of3A_61, %multiple_of3A] : memref<100000x1024xf32, #tpu.memory_space<hbm>> -> memref<8x128xf32, #tpu.memory_space<hbm>>
    %dma_start3A_702 = arith.constant 0 : i32
    %dma_start3A_703 = arith.constant 0 : i32
    %dma_start3A_704 = tpu.memref_slice %arg7[%dma_start3A_696, %dma_start3A_702, %dma_start3A_703] : memref<64x8x128xf32, #tpu.memory_space<vmem>> -> memref<1x8x128xf32, #tpu.memory_space<vmem>>
    %dma_start3A_705 = tpu.memref_squeeze %dma_start3A_704 : memref<1x8x128xf32, #tpu.memory_space<vmem>> -> memref<8x128xf32, #tpu.memory_space<vmem>>
    %dma_start3A_706 = tpu.memref_slice %arg2[%multiple_of3A_61, %multiple_of3A] : memref<100000x1024xf32, #tpu.memory_space<hbm>> -> memref<8x128xf32, #tpu.memory_space<hbm>>
    tpu.enqueue_dma source(%dma_start3A_706 : memref<8x128xf32, #tpu.memory_space<hbm>>) target(%dma_start3A_705 : memref<8x128xf32, #tpu.memory_space<vmem>>) target_semaphore(%arg9 : memref<!tpu.dma_semaphore, #tpu.memory_space<semaphore_mem>>)
    %dma_start3A_707 = arith.constant 6 : i32
    %dma_start3A_708 = arith.constant 0 : i32
    %dma_start3A_709 = arith.constant 0 : i32
    %dma_start3A_710 = tpu.memref_slice %arg7[%dma_start3A_707, %dma_start3A_708, %dma_start3A_709] : memref<64x8x128xf32, #tpu.memory_space<vmem>> -> memref<1x8x128xf32, #tpu.memory_space<vmem>>
    %dma_start3A_711 = tpu.memref_squeeze %dma_start3A_710 : memref<1x8x128xf32, #tpu.memory_space<vmem>> -> memref<8x128xf32, #tpu.memory_space<vmem>>
    %dma_start3A_712 = tpu.memref_slice %arg2[%multiple_of3A_71, %multiple_of3A] : memref<100000x1024xf32, #tpu.memory_space<hbm>> -> memref<8x128xf32, #tpu.memory_space<hbm>>
    %dma_start3A_713 = arith.constant 0 : i32
    %dma_start3A_714 = arith.constant 0 : i32
    %dma_start3A_715 = tpu.memref_slice %arg7[%dma_start3A_707, %dma_start3A_713, %dma_start3A_714] : memref<64x8x128xf32, #tpu.memory_space<vmem>> -> memref<1x8x128xf32, #tpu.memory_space<vmem>>
    %dma_start3A_716 = tpu.memref_squeeze %dma_start3A_715 : memref<1x8x128xf32, #tpu.memory_space<vmem>> -> memref<8x128xf32, #tpu.memory_space<vmem>>
    %dma_start3A_717 = tpu.memref_slice %arg2[%multiple_of3A_71, %multiple_of3A] : memref<100000x1024xf32, #tpu.memory_space<hbm>> -> memref<8x128xf32, #tpu.memory_space<hbm>>
    tpu.enqueue_dma source(%dma_start3A_717 : memref<8x128xf32, #tpu.memory_space<hbm>>) target(%dma_start3A_716 : memref<8x128xf32, #tpu.memory_space<vmem>>) target_semaphore(%arg9 : memref<!tpu.dma_semaphore, #tpu.memory_space<semaphore_mem>>)
    %dma_start3A_718 = arith.constant 7 : i32
    %dma_start3A_719 = arith.constant 0 : i32
    %dma_start3A_720 = arith.constant 0 : i32
    %dma_start3A_721 = tpu.memref_slice %arg7[%dma_start3A_718, %dma_start3A_719, %dma_start3A_720] : memref<64x8x128xf32, #tpu.memory_space<vmem>> -> memref<1x8x128xf32, #tpu.memory_space<vmem>>
    %dma_start3A_722 = tpu.memref_squeeze %dma_start3A_721 : memref<1x8x128xf32, #tpu.memory_space<vmem>> -> memref<8x128xf32, #tpu.memory_space<vmem>>
    %dma_start3A_723 = tpu.memref_slice %arg2[%multiple_of3A_81, %multiple_of3A] : memref<100000x1024xf32, #tpu.memory_space<hbm>> -> memref<8x128xf32, #tpu.memory_space<hbm>>
    %dma_start3A_724 = arith.constant 0 : i32
    %dma_start3A_725 = arith.constant 0 : i32
    %dma_start3A_726 = tpu.memref_slice %arg7[%dma_start3A_718, %dma_start3A_724, %dma_start3A_725] : memref<64x8x128xf32, #tpu.memory_space<vmem>> -> memref<1x8x128xf32, #tpu.memory_space<vmem>>
    %dma_start3A_727 = tpu.memref_squeeze %dma_start3A_726 : memref<1x8x128xf32, #tpu.memory_space<vmem>> -> memref<8x128xf32, #tpu.memory_space<vmem>>
    %dma_start3A_728 = tpu.memref_slice %arg2[%multiple_of3A_81, %multiple_of3A] : memref<100000x1024xf32, #tpu.memory_space<hbm>> -> memref<8x128xf32, #tpu.memory_space<hbm>>
    tpu.enqueue_dma source(%dma_start3A_728 : memref<8x128xf32, #tpu.memory_space<hbm>>) target(%dma_start3A_727 : memref<8x128xf32, #tpu.memory_space<vmem>>) target_semaphore(%arg9 : memref<!tpu.dma_semaphore, #tpu.memory_space<semaphore_mem>>)
    %dma_start3A_729 = arith.constant 8 : i32
    %dma_start3A_730 = arith.constant 0 : i32
    %dma_start3A_731 = arith.constant 0 : i32
    %dma_start3A_732 = tpu.memref_slice %arg7[%dma_start3A_729, %dma_start3A_730, %dma_start3A_731] : memref<64x8x128xf32, #tpu.memory_space<vmem>> -> memref<1x8x128xf32, #tpu.memory_space<vmem>>
    %dma_start3A_733 = tpu.memref_squeeze %dma_start3A_732 : memref<1x8x128xf32, #tpu.memory_space<vmem>> -> memref<8x128xf32, #tpu.memory_space<vmem>>
    %dma_start3A_734 = tpu.memref_slice %arg2[%multiple_of3A_91, %multiple_of3A] : memref<100000x1024xf32, #tpu.memory_space<hbm>> -> memref<8x128xf32, #tpu.memory_space<hbm>>
    %dma_start3A_735 = arith.constant 0 : i32
    %dma_start3A_736 = arith.constant 0 : i32
    %dma_start3A_737 = tpu.memref_slice %arg7[%dma_start3A_729, %dma_start3A_735, %dma_start3A_736] : memref<64x8x128xf32, #tpu.memory_space<vmem>> -> memref<1x8x128xf32, #tpu.memory_space<vmem>>
    %dma_start3A_738 = tpu.memref_squeeze %dma_start3A_737 : memref<1x8x128xf32, #tpu.memory_space<vmem>> -> memref<8x128xf32, #tpu.memory_space<vmem>>
    %dma_start3A_739 = tpu.memref_slice %arg2[%multiple_of3A_91, %multiple_of3A] : memref<100000x1024xf32, #tpu.memory_space<hbm>> -> memref<8x128xf32, #tpu.memory_space<hbm>>
    tpu.enqueue_dma source(%dma_start3A_739 : memref<8x128xf32, #tpu.memory_space<hbm>>) target(%dma_start3A_738 : memref<8x128xf32, #tpu.memory_space<vmem>>) target_semaphore(%arg9 : memref<!tpu.dma_semaphore, #tpu.memory_space<semaphore_mem>>)
    %dma_start3A_740 = arith.constant 9 : i32
    %dma_start3A_741 = arith.constant 0 : i32
    %dma_start3A_742 = arith.constant 0 : i32
    %dma_start3A_743 = tpu.memref_slice %arg7[%dma_start3A_740, %dma_start3A_741, %dma_start3A_742] : memref<64x8x128xf32, #tpu.memory_space<vmem>> -> memref<1x8x128xf32, #tpu.memory_space<vmem>>
    %dma_start3A_744 = tpu.memref_squeeze %dma_start3A_743 : memref<1x8x128xf32, #tpu.memory_space<vmem>> -> memref<8x128xf32, #tpu.memory_space<vmem>>
    %dma_start3A_745 = tpu.memref_slice %arg2[%multiple_of3A_101, %multiple_of3A] : memref<100000x1024xf32, #tpu.memory_space<hbm>> -> memref<8x128xf32, #tpu.memory_space<hbm>>
    %dma_start3A_746 = arith.constant 0 : i32
    %dma_start3A_747 = arith.constant 0 : i32
    %dma_start3A_748 = tpu.memref_slice %arg7[%dma_start3A_740, %dma_start3A_746, %dma_start3A_747] : memref<64x8x128xf32, #tpu.memory_space<vmem>> -> memref<1x8x128xf32, #tpu.memory_space<vmem>>
    %dma_start3A_749 = tpu.memref_squeeze %dma_start3A_748 : memref<1x8x128xf32, #tpu.memory_space<vmem>> -> memref<8x128xf32, #tpu.memory_space<vmem>>
    %dma_start3A_750 = tpu.memref_slice %arg2[%multiple_of3A_101, %multiple_of3A] : memref<100000x1024xf32, #tpu.memory_space<hbm>> -> memref<8x128xf32, #tpu.memory_space<hbm>>
    tpu.enqueue_dma source(%dma_start3A_750 : memref<8x128xf32, #tpu.memory_space<hbm>>) target(%dma_start3A_749 : memref<8x128xf32, #tpu.memory_space<vmem>>) target_semaphore(%arg9 : memref<!tpu.dma_semaphore, #tpu.memory_space<semaphore_mem>>)
    %dma_start3A_751 = arith.constant 10 : i32
    %dma_start3A_752 = arith.constant 0 : i32
    %dma_start3A_753 = arith.constant 0 : i32
    %dma_start3A_754 = tpu.memref_slice %arg7[%dma_start3A_751, %dma_start3A_752, %dma_start3A_753] : memref<64x8x128xf32, #tpu.memory_space<vmem>> -> memref<1x8x128xf32, #tpu.memory_space<vmem>>
    %dma_start3A_755 = tpu.memref_squeeze %dma_start3A_754 : memref<1x8x128xf32, #tpu.memory_space<vmem>> -> memref<8x128xf32, #tpu.memory_space<vmem>>
    %dma_start3A_756 = tpu.memref_slice %arg2[%multiple_of3A_111, %multiple_of3A] : memref<100000x1024xf32, #tpu.memory_space<hbm>> -> memref<8x128xf32, #tpu.memory_space<hbm>>
    %dma_start3A_757 = arith.constant 0 : i32
    %dma_start3A_758 = arith.constant 0 : i32
    %dma_start3A_759 = tpu.memref_slice %arg7[%dma_start3A_751, %dma_start3A_757, %dma_start3A_758] : memref<64x8x128xf32, #tpu.memory_space<vmem>> -> memref<1x8x128xf32, #tpu.memory_space<vmem>>
    %dma_start3A_760 = tpu.memref_squeeze %dma_start3A_759 : memref<1x8x128xf32, #tpu.memory_space<vmem>> -> memref<8x128xf32, #tpu.memory_space<vmem>>
    %dma_start3A_761 = tpu.memref_slice %arg2[%multiple_of3A_111, %multiple_of3A] : memref<100000x1024xf32, #tpu.memory_space<hbm>> -> memref<8x128xf32, #tpu.memory_space<hbm>>
    tpu.enqueue_dma source(%dma_start3A_761 : memref<8x128xf32, #tpu.memory_space<hbm>>) target(%dma_start3A_760 : memref<8x128xf32, #tpu.memory_space<vmem>>) target_semaphore(%arg9 : memref<!tpu.dma_semaphore, #tpu.memory_space<semaphore_mem>>)
    %dma_start3A_762 = arith.constant 11 : i32
    %dma_start3A_763 = arith.constant 0 : i32
    %dma_start3A_764 = arith.constant 0 : i32
    %dma_start3A_765 = tpu.memref_slice %arg7[%dma_start3A_762, %dma_start3A_763, %dma_start3A_764] : memref<64x8x128xf32, #tpu.memory_space<vmem>> -> memref<1x8x128xf32, #tpu.memory_space<vmem>>
    %dma_start3A_766 = tpu.memref_squeeze %dma_start3A_765 : memref<1x8x128xf32, #tpu.memory_space<vmem>> -> memref<8x128xf32, #tpu.memory_space<vmem>>
    %dma_start3A_767 = tpu.memref_slice %arg2[%multiple_of3A_121, %multiple_of3A] : memref<100000x1024xf32, #tpu.memory_space<hbm>> -> memref<8x128xf32, #tpu.memory_space<hbm>>
    %dma_start3A_768 = arith.constant 0 : i32
    %dma_start3A_769 = arith.constant 0 : i32
    %dma_start3A_770 = tpu.memref_slice %arg7[%dma_start3A_762, %dma_start3A_768, %dma_start3A_769] : memref<64x8x128xf32, #tpu.memory_space<vmem>> -> memref<1x8x128xf32, #tpu.memory_space<vmem>>
    %dma_start3A_771 = tpu.memref_squeeze %dma_start3A_770 : memref<1x8x128xf32, #tpu.memory_space<vmem>> -> memref<8x128xf32, #tpu.memory_space<vmem>>
    %dma_start3A_772 = tpu.memref_slice %arg2[%multiple_of3A_121, %multiple_of3A] : memref<100000x1024xf32, #tpu.memory_space<hbm>> -> memref<8x128xf32, #tpu.memory_space<hbm>>
    tpu.enqueue_dma source(%dma_start3A_772 : memref<8x128xf32, #tpu.memory_space<hbm>>) target(%dma_start3A_771 : memref<8x128xf32, #tpu.memory_space<vmem>>) target_semaphore(%arg9 : memref<!tpu.dma_semaphore, #tpu.memory_space<semaphore_mem>>)
    %dma_start3A_773 = arith.constant 12 : i32
    %dma_start3A_774 = arith.constant 0 : i32
    %dma_start3A_775 = arith.constant 0 : i32
    %dma_start3A_776 = tpu.memref_slice %arg7[%dma_start3A_773, %dma_start3A_774, %dma_start3A_775] : memref<64x8x128xf32, #tpu.memory_space<vmem>> -> memref<1x8x128xf32, #tpu.memory_space<vmem>>
    %dma_start3A_777 = tpu.memref_squeeze %dma_start3A_776 : memref<1x8x128xf32, #tpu.memory_space<vmem>> -> memref<8x128xf32, #tpu.memory_space<vmem>>
    %dma_start3A_778 = tpu.memref_slice %arg2[%multiple_of3A_131, %multiple_of3A] : memref<100000x1024xf32, #tpu.memory_space<hbm>> -> memref<8x128xf32, #tpu.memory_space<hbm>>
    %dma_start3A_779 = arith.constant 0 : i32
    %dma_start3A_780 = arith.constant 0 : i32
    %dma_start3A_781 = tpu.memref_slice %arg7[%dma_start3A_773, %dma_start3A_779, %dma_start3A_780] : memref<64x8x128xf32, #tpu.memory_space<vmem>> -> memref<1x8x128xf32, #tpu.memory_space<vmem>>
    %dma_start3A_782 = tpu.memref_squeeze %dma_start3A_781 : memref<1x8x128xf32, #tpu.memory_space<vmem>> -> memref<8x128xf32, #tpu.memory_space<vmem>>
    %dma_start3A_783 = tpu.memref_slice %arg2[%multiple_of3A_131, %multiple_of3A] : memref<100000x1024xf32, #tpu.memory_space<hbm>> -> memref<8x128xf32, #tpu.memory_space<hbm>>
    tpu.enqueue_dma source(%dma_start3A_783 : memref<8x128xf32, #tpu.memory_space<hbm>>) target(%dma_start3A_782 : memref<8x128xf32, #tpu.memory_space<vmem>>) target_semaphore(%arg9 : memref<!tpu.dma_semaphore, #tpu.memory_space<semaphore_mem>>)
    %dma_start3A_784 = arith.constant 13 : i32
    %dma_start3A_785 = arith.constant 0 : i32
    %dma_start3A_786 = arith.constant 0 : i32
    %dma_start3A_787 = tpu.memref_slice %arg7[%dma_start3A_784, %dma_start3A_785, %dma_start3A_786] : memref<64x8x128xf32, #tpu.memory_space<vmem>> -> memref<1x8x128xf32, #tpu.memory_space<vmem>>
    %dma_start3A_788 = tpu.memref_squeeze %dma_start3A_787 : memref<1x8x128xf32, #tpu.memory_space<vmem>> -> memref<8x128xf32, #tpu.memory_space<vmem>>
    %dma_start3A_789 = tpu.memref_slice %arg2[%multiple_of3A_141, %multiple_of3A] : memref<100000x1024xf32, #tpu.memory_space<hbm>> -> memref<8x128xf32, #tpu.memory_space<hbm>>
    %dma_start3A_790 = arith.constant 0 : i32
    %dma_start3A_791 = arith.constant 0 : i32
    %dma_start3A_792 = tpu.memref_slice %arg7[%dma_start3A_784, %dma_start3A_790, %dma_start3A_791] : memref<64x8x128xf32, #tpu.memory_space<vmem>> -> memref<1x8x128xf32, #tpu.memory_space<vmem>>
    %dma_start3A_793 = tpu.memref_squeeze %dma_start3A_792 : memref<1x8x128xf32, #tpu.memory_space<vmem>> -> memref<8x128xf32, #tpu.memory_space<vmem>>
    %dma_start3A_794 = tpu.memref_slice %arg2[%multiple_of3A_141, %multiple_of3A] : memref<100000x1024xf32, #tpu.memory_space<hbm>> -> memref<8x128xf32, #tpu.memory_space<hbm>>
    tpu.enqueue_dma source(%dma_start3A_794 : memref<8x128xf32, #tpu.memory_space<hbm>>) target(%dma_start3A_793 : memref<8x128xf32, #tpu.memory_space<vmem>>) target_semaphore(%arg9 : memref<!tpu.dma_semaphore, #tpu.memory_space<semaphore_mem>>)
    %dma_start3A_795 = arith.constant 14 : i32
    %dma_start3A_796 = arith.constant 0 : i32
    %dma_start3A_797 = arith.constant 0 : i32
    %dma_start3A_798 = tpu.memref_slice %arg7[%dma_start3A_795, %dma_start3A_796, %dma_start3A_797] : memref<64x8x128xf32, #tpu.memory_space<vmem>> -> memref<1x8x128xf32, #tpu.memory_space<vmem>>
    %dma_start3A_799 = tpu.memref_squeeze %dma_start3A_798 : memref<1x8x128xf32, #tpu.memory_space<vmem>> -> memref<8x128xf32, #tpu.memory_space<vmem>>
    %dma_start3A_800 = tpu.memref_slice %arg2[%multiple_of3A_151, %multiple_of3A] : memref<100000x1024xf32, #tpu.memory_space<hbm>> -> memref<8x128xf32, #tpu.memory_space<hbm>>
    %dma_start3A_801 = arith.constant 0 : i32
    %dma_start3A_802 = arith.constant 0 : i32
    %dma_start3A_803 = tpu.memref_slice %arg7[%dma_start3A_795, %dma_start3A_801, %dma_start3A_802] : memref<64x8x128xf32, #tpu.memory_space<vmem>> -> memref<1x8x128xf32, #tpu.memory_space<vmem>>
    %dma_start3A_804 = tpu.memref_squeeze %dma_start3A_803 : memref<1x8x128xf32, #tpu.memory_space<vmem>> -> memref<8x128xf32, #tpu.memory_space<vmem>>
    %dma_start3A_805 = tpu.memref_slice %arg2[%multiple_of3A_151, %multiple_of3A] : memref<100000x1024xf32, #tpu.memory_space<hbm>> -> memref<8x128xf32, #tpu.memory_space<hbm>>
    tpu.enqueue_dma source(%dma_start3A_805 : memref<8x128xf32, #tpu.memory_space<hbm>>) target(%dma_start3A_804 : memref<8x128xf32, #tpu.memory_space<vmem>>) target_semaphore(%arg9 : memref<!tpu.dma_semaphore, #tpu.memory_space<semaphore_mem>>)
    %dma_start3A_806 = arith.constant 15 : i32
    %dma_start3A_807 = arith.constant 0 : i32
    %dma_start3A_808 = arith.constant 0 : i32
    %dma_start3A_809 = tpu.memref_slice %arg7[%dma_start3A_806, %dma_start3A_807, %dma_start3A_808] : memref<64x8x128xf32, #tpu.memory_space<vmem>> -> memref<1x8x128xf32, #tpu.memory_space<vmem>>
    %dma_start3A_810 = tpu.memref_squeeze %dma_start3A_809 : memref<1x8x128xf32, #tpu.memory_space<vmem>> -> memref<8x128xf32, #tpu.memory_space<vmem>>
    %dma_start3A_811 = tpu.memref_slice %arg2[%multiple_of3A_161, %multiple_of3A] : memref<100000x1024xf32, #tpu.memory_space<hbm>> -> memref<8x128xf32, #tpu.memory_space<hbm>>
    %dma_start3A_812 = arith.constant 0 : i32
    %dma_start3A_813 = arith.constant 0 : i32
    %dma_start3A_814 = tpu.memref_slice %arg7[%dma_start3A_806, %dma_start3A_812, %dma_start3A_813] : memref<64x8x128xf32, #tpu.memory_space<vmem>> -> memref<1x8x128xf32, #tpu.memory_space<vmem>>
    %dma_start3A_815 = tpu.memref_squeeze %dma_start3A_814 : memref<1x8x128xf32, #tpu.memory_space<vmem>> -> memref<8x128xf32, #tpu.memory_space<vmem>>
    %dma_start3A_816 = tpu.memref_slice %arg2[%multiple_of3A_161, %multiple_of3A] : memref<100000x1024xf32, #tpu.memory_space<hbm>> -> memref<8x128xf32, #tpu.memory_space<hbm>>
    tpu.enqueue_dma source(%dma_start3A_816 : memref<8x128xf32, #tpu.memory_space<hbm>>) target(%dma_start3A_815 : memref<8x128xf32, #tpu.memory_space<vmem>>) target_semaphore(%arg9 : memref<!tpu.dma_semaphore, #tpu.memory_space<semaphore_mem>>)
    %dma_start3A_817 = arith.constant 16 : i32
    %dma_start3A_818 = arith.constant 0 : i32
    %dma_start3A_819 = arith.constant 0 : i32
    %dma_start3A_820 = tpu.memref_slice %arg7[%dma_start3A_817, %dma_start3A_818, %dma_start3A_819] : memref<64x8x128xf32, #tpu.memory_space<vmem>> -> memref<1x8x128xf32, #tpu.memory_space<vmem>>
    %dma_start3A_821 = tpu.memref_squeeze %dma_start3A_820 : memref<1x8x128xf32, #tpu.memory_space<vmem>> -> memref<8x128xf32, #tpu.memory_space<vmem>>
    %dma_start3A_822 = tpu.memref_slice %arg2[%multiple_of3A_171, %multiple_of3A] : memref<100000x1024xf32, #tpu.memory_space<hbm>> -> memref<8x128xf32, #tpu.memory_space<hbm>>
    %dma_start3A_823 = arith.constant 0 : i32
    %dma_start3A_824 = arith.constant 0 : i32
    %dma_start3A_825 = tpu.memref_slice %arg7[%dma_start3A_817, %dma_start3A_823, %dma_start3A_824] : memref<64x8x128xf32, #tpu.memory_space<vmem>> -> memref<1x8x128xf32, #tpu.memory_space<vmem>>
    %dma_start3A_826 = tpu.memref_squeeze %dma_start3A_825 : memref<1x8x128xf32, #tpu.memory_space<vmem>> -> memref<8x128xf32, #tpu.memory_space<vmem>>
    %dma_start3A_827 = tpu.memref_slice %arg2[%multiple_of3A_171, %multiple_of3A] : memref<100000x1024xf32, #tpu.memory_space<hbm>> -> memref<8x128xf32, #tpu.memory_space<hbm>>
    tpu.enqueue_dma source(%dma_start3A_827 : memref<8x128xf32, #tpu.memory_space<hbm>>) target(%dma_start3A_826 : memref<8x128xf32, #tpu.memory_space<vmem>>) target_semaphore(%arg9 : memref<!tpu.dma_semaphore, #tpu.memory_space<semaphore_mem>>)
    %dma_start3A_828 = arith.constant 17 : i32
    %dma_start3A_829 = arith.constant 0 : i32
    %dma_start3A_830 = arith.constant 0 : i32
    %dma_start3A_831 = tpu.memref_slice %arg7[%dma_start3A_828, %dma_start3A_829, %dma_start3A_830] : memref<64x8x128xf32, #tpu.memory_space<vmem>> -> memref<1x8x128xf32, #tpu.memory_space<vmem>>
    %dma_start3A_832 = tpu.memref_squeeze %dma_start3A_831 : memref<1x8x128xf32, #tpu.memory_space<vmem>> -> memref<8x128xf32, #tpu.memory_space<vmem>>
    %dma_start3A_833 = tpu.memref_slice %arg2[%multiple_of3A_181, %multiple_of3A] : memref<100000x1024xf32, #tpu.memory_space<hbm>> -> memref<8x128xf32, #tpu.memory_space<hbm>>
    %dma_start3A_834 = arith.constant 0 : i32
    %dma_start3A_835 = arith.constant 0 : i32
    %dma_start3A_836 = tpu.memref_slice %arg7[%dma_start3A_828, %dma_start3A_834, %dma_start3A_835] : memref<64x8x128xf32, #tpu.memory_space<vmem>> -> memref<1x8x128xf32, #tpu.memory_space<vmem>>
    %dma_start3A_837 = tpu.memref_squeeze %dma_start3A_836 : memref<1x8x128xf32, #tpu.memory_space<vmem>> -> memref<8x128xf32, #tpu.memory_space<vmem>>
    %dma_start3A_838 = tpu.memref_slice %arg2[%multiple_of3A_181, %multiple_of3A] : memref<100000x1024xf32, #tpu.memory_space<hbm>> -> memref<8x128xf32, #tpu.memory_space<hbm>>
    tpu.enqueue_dma source(%dma_start3A_838 : memref<8x128xf32, #tpu.memory_space<hbm>>) target(%dma_start3A_837 : memref<8x128xf32, #tpu.memory_space<vmem>>) target_semaphore(%arg9 : memref<!tpu.dma_semaphore, #tpu.memory_space<semaphore_mem>>)
    %dma_start3A_839 = arith.constant 18 : i32
    %dma_start3A_840 = arith.constant 0 : i32
    %dma_start3A_841 = arith.constant 0 : i32
    %dma_start3A_842 = tpu.memref_slice %arg7[%dma_start3A_839, %dma_start3A_840, %dma_start3A_841] : memref<64x8x128xf32, #tpu.memory_space<vmem>> -> memref<1x8x128xf32, #tpu.memory_space<vmem>>
    %dma_start3A_843 = tpu.memref_squeeze %dma_start3A_842 : memref<1x8x128xf32, #tpu.memory_space<vmem>> -> memref<8x128xf32, #tpu.memory_space<vmem>>
    %dma_start3A_844 = tpu.memref_slice %arg2[%multiple_of3A_191, %multiple_of3A] : memref<100000x1024xf32, #tpu.memory_space<hbm>> -> memref<8x128xf32, #tpu.memory_space<hbm>>
    %dma_start3A_845 = arith.constant 0 : i32
    %dma_start3A_846 = arith.constant 0 : i32
    %dma_start3A_847 = tpu.memref_slice %arg7[%dma_start3A_839, %dma_start3A_845, %dma_start3A_846] : memref<64x8x128xf32, #tpu.memory_space<vmem>> -> memref<1x8x128xf32, #tpu.memory_space<vmem>>
    %dma_start3A_848 = tpu.memref_squeeze %dma_start3A_847 : memref<1x8x128xf32, #tpu.memory_space<vmem>> -> memref<8x128xf32, #tpu.memory_space<vmem>>
    %dma_start3A_849 = tpu.memref_slice %arg2[%multiple_of3A_191, %multiple_of3A] : memref<100000x1024xf32, #tpu.memory_space<hbm>> -> memref<8x128xf32, #tpu.memory_space<hbm>>
    tpu.enqueue_dma source(%dma_start3A_849 : memref<8x128xf32, #tpu.memory_space<hbm>>) target(%dma_start3A_848 : memref<8x128xf32, #tpu.memory_space<vmem>>) target_semaphore(%arg9 : memref<!tpu.dma_semaphore, #tpu.memory_space<semaphore_mem>>)
    %dma_start3A_850 = arith.constant 19 : i32
    %dma_start3A_851 = arith.constant 0 : i32
    %dma_start3A_852 = arith.constant 0 : i32
    %dma_start3A_853 = tpu.memref_slice %arg7[%dma_start3A_850, %dma_start3A_851, %dma_start3A_852] : memref<64x8x128xf32, #tpu.memory_space<vmem>> -> memref<1x8x128xf32, #tpu.memory_space<vmem>>
    %dma_start3A_854 = tpu.memref_squeeze %dma_start3A_853 : memref<1x8x128xf32, #tpu.memory_space<vmem>> -> memref<8x128xf32, #tpu.memory_space<vmem>>
    %dma_start3A_855 = tpu.memref_slice %arg2[%multiple_of3A_201, %multiple_of3A] : memref<100000x1024xf32, #tpu.memory_space<hbm>> -> memref<8x128xf32, #tpu.memory_space<hbm>>
    %dma_start3A_856 = arith.constant 0 : i32
    %dma_start3A_857 = arith.constant 0 : i32
    %dma_start3A_858 = tpu.memref_slice %arg7[%dma_start3A_850, %dma_start3A_856, %dma_start3A_857] : memref<64x8x128xf32, #tpu.memory_space<vmem>> -> memref<1x8x128xf32, #tpu.memory_space<vmem>>
    %dma_start3A_859 = tpu.memref_squeeze %dma_start3A_858 : memref<1x8x128xf32, #tpu.memory_space<vmem>> -> memref<8x128xf32, #tpu.memory_space<vmem>>
    %dma_start3A_860 = tpu.memref_slice %arg2[%multiple_of3A_201, %multiple_of3A] : memref<100000x1024xf32, #tpu.memory_space<hbm>> -> memref<8x128xf32, #tpu.memory_space<hbm>>
    tpu.enqueue_dma source(%dma_start3A_860 : memref<8x128xf32, #tpu.memory_space<hbm>>) target(%dma_start3A_859 : memref<8x128xf32, #tpu.memory_space<vmem>>) target_semaphore(%arg9 : memref<!tpu.dma_semaphore, #tpu.memory_space<semaphore_mem>>)
    %dma_start3A_861 = arith.constant 20 : i32
    %dma_start3A_862 = arith.constant 0 : i32
    %dma_start3A_863 = arith.constant 0 : i32
    %dma_start3A_864 = tpu.memref_slice %arg7[%dma_start3A_861, %dma_start3A_862, %dma_start3A_863] : memref<64x8x128xf32, #tpu.memory_space<vmem>> -> memref<1x8x128xf32, #tpu.memory_space<vmem>>
    %dma_start3A_865 = tpu.memref_squeeze %dma_start3A_864 : memref<1x8x128xf32, #tpu.memory_space<vmem>> -> memref<8x128xf32, #tpu.memory_space<vmem>>
    %dma_start3A_866 = tpu.memref_slice %arg2[%multiple_of3A_211, %multiple_of3A] : memref<100000x1024xf32, #tpu.memory_space<hbm>> -> memref<8x128xf32, #tpu.memory_space<hbm>>
    %dma_start3A_867 = arith.constant 0 : i32
    %dma_start3A_868 = arith.constant 0 : i32
    %dma_start3A_869 = tpu.memref_slice %arg7[%dma_start3A_861, %dma_start3A_867, %dma_start3A_868] : memref<64x8x128xf32, #tpu.memory_space<vmem>> -> memref<1x8x128xf32, #tpu.memory_space<vmem>>
    %dma_start3A_870 = tpu.memref_squeeze %dma_start3A_869 : memref<1x8x128xf32, #tpu.memory_space<vmem>> -> memref<8x128xf32, #tpu.memory_space<vmem>>
    %dma_start3A_871 = tpu.memref_slice %arg2[%multiple_of3A_211, %multiple_of3A] : memref<100000x1024xf32, #tpu.memory_space<hbm>> -> memref<8x128xf32, #tpu.memory_space<hbm>>
    tpu.enqueue_dma source(%dma_start3A_871 : memref<8x128xf32, #tpu.memory_space<hbm>>) target(%dma_start3A_870 : memref<8x128xf32, #tpu.memory_space<vmem>>) target_semaphore(%arg9 : memref<!tpu.dma_semaphore, #tpu.memory_space<semaphore_mem>>)
    %dma_start3A_872 = arith.constant 21 : i32
    %dma_start3A_873 = arith.constant 0 : i32
    %dma_start3A_874 = arith.constant 0 : i32
    %dma_start3A_875 = tpu.memref_slice %arg7[%dma_start3A_872, %dma_start3A_873, %dma_start3A_874] : memref<64x8x128xf32, #tpu.memory_space<vmem>> -> memref<1x8x128xf32, #tpu.memory_space<vmem>>
    %dma_start3A_876 = tpu.memref_squeeze %dma_start3A_875 : memref<1x8x128xf32, #tpu.memory_space<vmem>> -> memref<8x128xf32, #tpu.memory_space<vmem>>
    %dma_start3A_877 = tpu.memref_slice %arg2[%multiple_of3A_221, %multiple_of3A] : memref<100000x1024xf32, #tpu.memory_space<hbm>> -> memref<8x128xf32, #tpu.memory_space<hbm>>
    %dma_start3A_878 = arith.constant 0 : i32
    %dma_start3A_879 = arith.constant 0 : i32
    %dma_start3A_880 = tpu.memref_slice %arg7[%dma_start3A_872, %dma_start3A_878, %dma_start3A_879] : memref<64x8x128xf32, #tpu.memory_space<vmem>> -> memref<1x8x128xf32, #tpu.memory_space<vmem>>
    %dma_start3A_881 = tpu.memref_squeeze %dma_start3A_880 : memref<1x8x128xf32, #tpu.memory_space<vmem>> -> memref<8x128xf32, #tpu.memory_space<vmem>>
    %dma_start3A_882 = tpu.memref_slice %arg2[%multiple_of3A_221, %multiple_of3A] : memref<100000x1024xf32, #tpu.memory_space<hbm>> -> memref<8x128xf32, #tpu.memory_space<hbm>>
    tpu.enqueue_dma source(%dma_start3A_882 : memref<8x128xf32, #tpu.memory_space<hbm>>) target(%dma_start3A_881 : memref<8x128xf32, #tpu.memory_space<vmem>>) target_semaphore(%arg9 : memref<!tpu.dma_semaphore, #tpu.memory_space<semaphore_mem>>)
    %dma_start3A_883 = arith.constant 22 : i32
    %dma_start3A_884 = arith.constant 0 : i32
    %dma_start3A_885 = arith.constant 0 : i32
    %dma_start3A_886 = tpu.memref_slice %arg7[%dma_start3A_883, %dma_start3A_884, %dma_start3A_885] : memref<64x8x128xf32, #tpu.memory_space<vmem>> -> memref<1x8x128xf32, #tpu.memory_space<vmem>>
    %dma_start3A_887 = tpu.memref_squeeze %dma_start3A_886 : memref<1x8x128xf32, #tpu.memory_space<vmem>> -> memref<8x128xf32, #tpu.memory_space<vmem>>
    %dma_start3A_888 = tpu.memref_slice %arg2[%multiple_of3A_231, %multiple_of3A] : memref<100000x1024xf32, #tpu.memory_space<hbm>> -> memref<8x128xf32, #tpu.memory_space<hbm>>
    %dma_start3A_889 = arith.constant 0 : i32
    %dma_start3A_890 = arith.constant 0 : i32
    %dma_start3A_891 = tpu.memref_slice %arg7[%dma_start3A_883, %dma_start3A_889, %dma_start3A_890] : memref<64x8x128xf32, #tpu.memory_space<vmem>> -> memref<1x8x128xf32, #tpu.memory_space<vmem>>
    %dma_start3A_892 = tpu.memref_squeeze %dma_start3A_891 : memref<1x8x128xf32, #tpu.memory_space<vmem>> -> memref<8x128xf32, #tpu.memory_space<vmem>>
    %dma_start3A_893 = tpu.memref_slice %arg2[%multiple_of3A_231, %multiple_of3A] : memref<100000x1024xf32, #tpu.memory_space<hbm>> -> memref<8x128xf32, #tpu.memory_space<hbm>>
    tpu.enqueue_dma source(%dma_start3A_893 : memref<8x128xf32, #tpu.memory_space<hbm>>) target(%dma_start3A_892 : memref<8x128xf32, #tpu.memory_space<vmem>>) target_semaphore(%arg9 : memref<!tpu.dma_semaphore, #tpu.memory_space<semaphore_mem>>)
    %dma_start3A_894 = arith.constant 23 : i32
    %dma_start3A_895 = arith.constant 0 : i32
    %dma_start3A_896 = arith.constant 0 : i32
    %dma_start3A_897 = tpu.memref_slice %arg7[%dma_start3A_894, %dma_start3A_895, %dma_start3A_896] : memref<64x8x128xf32, #tpu.memory_space<vmem>> -> memref<1x8x128xf32, #tpu.memory_space<vmem>>
    %dma_start3A_898 = tpu.memref_squeeze %dma_start3A_897 : memref<1x8x128xf32, #tpu.memory_space<vmem>> -> memref<8x128xf32, #tpu.memory_space<vmem>>
    %dma_start3A_899 = tpu.memref_slice %arg2[%multiple_of3A_241, %multiple_of3A] : memref<100000x1024xf32, #tpu.memory_space<hbm>> -> memref<8x128xf32, #tpu.memory_space<hbm>>
    %dma_start3A_900 = arith.constant 0 : i32
    %dma_start3A_901 = arith.constant 0 : i32
    %dma_start3A_902 = tpu.memref_slice %arg7[%dma_start3A_894, %dma_start3A_900, %dma_start3A_901] : memref<64x8x128xf32, #tpu.memory_space<vmem>> -> memref<1x8x128xf32, #tpu.memory_space<vmem>>
    %dma_start3A_903 = tpu.memref_squeeze %dma_start3A_902 : memref<1x8x128xf32, #tpu.memory_space<vmem>> -> memref<8x128xf32, #tpu.memory_space<vmem>>
    %dma_start3A_904 = tpu.memref_slice %arg2[%multiple_of3A_241, %multiple_of3A] : memref<100000x1024xf32, #tpu.memory_space<hbm>> -> memref<8x128xf32, #tpu.memory_space<hbm>>
    tpu.enqueue_dma source(%dma_start3A_904 : memref<8x128xf32, #tpu.memory_space<hbm>>) target(%dma_start3A_903 : memref<8x128xf32, #tpu.memory_space<vmem>>) target_semaphore(%arg9 : memref<!tpu.dma_semaphore, #tpu.memory_space<semaphore_mem>>)
    %dma_start3A_905 = arith.constant 24 : i32
    %dma_start3A_906 = arith.constant 0 : i32
    %dma_start3A_907 = arith.constant 0 : i32
    %dma_start3A_908 = tpu.memref_slice %arg7[%dma_start3A_905, %dma_start3A_906, %dma_start3A_907] : memref<64x8x128xf32, #tpu.memory_space<vmem>> -> memref<1x8x128xf32, #tpu.memory_space<vmem>>
    %dma_start3A_909 = tpu.memref_squeeze %dma_start3A_908 : memref<1x8x128xf32, #tpu.memory_space<vmem>> -> memref<8x128xf32, #tpu.memory_space<vmem>>
    %dma_start3A_910 = tpu.memref_slice %arg2[%multiple_of3A_251, %multiple_of3A] : memref<100000x1024xf32, #tpu.memory_space<hbm>> -> memref<8x128xf32, #tpu.memory_space<hbm>>
    %dma_start3A_911 = arith.constant 0 : i32
    %dma_start3A_912 = arith.constant 0 : i32
    %dma_start3A_913 = tpu.memref_slice %arg7[%dma_start3A_905, %dma_start3A_911, %dma_start3A_912] : memref<64x8x128xf32, #tpu.memory_space<vmem>> -> memref<1x8x128xf32, #tpu.memory_space<vmem>>
    %dma_start3A_914 = tpu.memref_squeeze %dma_start3A_913 : memref<1x8x128xf32, #tpu.memory_space<vmem>> -> memref<8x128xf32, #tpu.memory_space<vmem>>
    %dma_start3A_915 = tpu.memref_slice %arg2[%multiple_of3A_251, %multiple_of3A] : memref<100000x1024xf32, #tpu.memory_space<hbm>> -> memref<8x128xf32, #tpu.memory_space<hbm>>
    tpu.enqueue_dma source(%dma_start3A_915 : memref<8x128xf32, #tpu.memory_space<hbm>>) target(%dma_start3A_914 : memref<8x128xf32, #tpu.memory_space<vmem>>) target_semaphore(%arg9 : memref<!tpu.dma_semaphore, #tpu.memory_space<semaphore_mem>>)
    %dma_start3A_916 = arith.constant 25 : i32
    %dma_start3A_917 = arith.constant 0 : i32
    %dma_start3A_918 = arith.constant 0 : i32
    %dma_start3A_919 = tpu.memref_slice %arg7[%dma_start3A_916, %dma_start3A_917, %dma_start3A_918] : memref<64x8x128xf32, #tpu.memory_space<vmem>> -> memref<1x8x128xf32, #tpu.memory_space<vmem>>
    %dma_start3A_920 = tpu.memref_squeeze %dma_start3A_919 : memref<1x8x128xf32, #tpu.memory_space<vmem>> -> memref<8x128xf32, #tpu.memory_space<vmem>>
    %dma_start3A_921 = tpu.memref_slice %arg2[%multiple_of3A_261, %multiple_of3A] : memref<100000x1024xf32, #tpu.memory_space<hbm>> -> memref<8x128xf32, #tpu.memory_space<hbm>>
    %dma_start3A_922 = arith.constant 0 : i32
    %dma_start3A_923 = arith.constant 0 : i32
    %dma_start3A_924 = tpu.memref_slice %arg7[%dma_start3A_916, %dma_start3A_922, %dma_start3A_923] : memref<64x8x128xf32, #tpu.memory_space<vmem>> -> memref<1x8x128xf32, #tpu.memory_space<vmem>>
    %dma_start3A_925 = tpu.memref_squeeze %dma_start3A_924 : memref<1x8x128xf32, #tpu.memory_space<vmem>> -> memref<8x128xf32, #tpu.memory_space<vmem>>
    %dma_start3A_926 = tpu.memref_slice %arg2[%multiple_of3A_261, %multiple_of3A] : memref<100000x1024xf32, #tpu.memory_space<hbm>> -> memref<8x128xf32, #tpu.memory_space<hbm>>
    tpu.enqueue_dma source(%dma_start3A_926 : memref<8x128xf32, #tpu.memory_space<hbm>>) target(%dma_start3A_925 : memref<8x128xf32, #tpu.memory_space<vmem>>) target_semaphore(%arg9 : memref<!tpu.dma_semaphore, #tpu.memory_space<semaphore_mem>>)
    %dma_start3A_927 = arith.constant 26 : i32
    %dma_start3A_928 = arith.constant 0 : i32
    %dma_start3A_929 = arith.constant 0 : i32
    %dma_start3A_930 = tpu.memref_slice %arg7[%dma_start3A_927, %dma_start3A_928, %dma_start3A_929] : memref<64x8x128xf32, #tpu.memory_space<vmem>> -> memref<1x8x128xf32, #tpu.memory_space<vmem>>
    %dma_start3A_931 = tpu.memref_squeeze %dma_start3A_930 : memref<1x8x128xf32, #tpu.memory_space<vmem>> -> memref<8x128xf32, #tpu.memory_space<vmem>>
    %dma_start3A_932 = tpu.memref_slice %arg2[%multiple_of3A_271, %multiple_of3A] : memref<100000x1024xf32, #tpu.memory_space<hbm>> -> memref<8x128xf32, #tpu.memory_space<hbm>>
    %dma_start3A_933 = arith.constant 0 : i32
    %dma_start3A_934 = arith.constant 0 : i32
    %dma_start3A_935 = tpu.memref_slice %arg7[%dma_start3A_927, %dma_start3A_933, %dma_start3A_934] : memref<64x8x128xf32, #tpu.memory_space<vmem>> -> memref<1x8x128xf32, #tpu.memory_space<vmem>>
    %dma_start3A_936 = tpu.memref_squeeze %dma_start3A_935 : memref<1x8x128xf32, #tpu.memory_space<vmem>> -> memref<8x128xf32, #tpu.memory_space<vmem>>
    %dma_start3A_937 = tpu.memref_slice %arg2[%multiple_of3A_271, %multiple_of3A] : memref<100000x1024xf32, #tpu.memory_space<hbm>> -> memref<8x128xf32, #tpu.memory_space<hbm>>
    tpu.enqueue_dma source(%dma_start3A_937 : memref<8x128xf32, #tpu.memory_space<hbm>>) target(%dma_start3A_936 : memref<8x128xf32, #tpu.memory_space<vmem>>) target_semaphore(%arg9 : memref<!tpu.dma_semaphore, #tpu.memory_space<semaphore_mem>>)
    %dma_start3A_938 = arith.constant 27 : i32
    %dma_start3A_939 = arith.constant 0 : i32
    %dma_start3A_940 = arith.constant 0 : i32
    %dma_start3A_941 = tpu.memref_slice %arg7[%dma_start3A_938, %dma_start3A_939, %dma_start3A_940] : memref<64x8x128xf32, #tpu.memory_space<vmem>> -> memref<1x8x128xf32, #tpu.memory_space<vmem>>
    %dma_start3A_942 = tpu.memref_squeeze %dma_start3A_941 : memref<1x8x128xf32, #tpu.memory_space<vmem>> -> memref<8x128xf32, #tpu.memory_space<vmem>>
    %dma_start3A_943 = tpu.memref_slice %arg2[%multiple_of3A_281, %multiple_of3A] : memref<100000x1024xf32, #tpu.memory_space<hbm>> -> memref<8x128xf32, #tpu.memory_space<hbm>>
    %dma_start3A_944 = arith.constant 0 : i32
    %dma_start3A_945 = arith.constant 0 : i32
    %dma_start3A_946 = tpu.memref_slice %arg7[%dma_start3A_938, %dma_start3A_944, %dma_start3A_945] : memref<64x8x128xf32, #tpu.memory_space<vmem>> -> memref<1x8x128xf32, #tpu.memory_space<vmem>>
    %dma_start3A_947 = tpu.memref_squeeze %dma_start3A_946 : memref<1x8x128xf32, #tpu.memory_space<vmem>> -> memref<8x128xf32, #tpu.memory_space<vmem>>
    %dma_start3A_948 = tpu.memref_slice %arg2[%multiple_of3A_281, %multiple_of3A] : memref<100000x1024xf32, #tpu.memory_space<hbm>> -> memref<8x128xf32, #tpu.memory_space<hbm>>
    tpu.enqueue_dma source(%dma_start3A_948 : memref<8x128xf32, #tpu.memory_space<hbm>>) target(%dma_start3A_947 : memref<8x128xf32, #tpu.memory_space<vmem>>) target_semaphore(%arg9 : memref<!tpu.dma_semaphore, #tpu.memory_space<semaphore_mem>>)
    %dma_start3A_949 = arith.constant 28 : i32
    %dma_start3A_950 = arith.constant 0 : i32
    %dma_start3A_951 = arith.constant 0 : i32
    %dma_start3A_952 = tpu.memref_slice %arg7[%dma_start3A_949, %dma_start3A_950, %dma_start3A_951] : memref<64x8x128xf32, #tpu.memory_space<vmem>> -> memref<1x8x128xf32, #tpu.memory_space<vmem>>
    %dma_start3A_953 = tpu.memref_squeeze %dma_start3A_952 : memref<1x8x128xf32, #tpu.memory_space<vmem>> -> memref<8x128xf32, #tpu.memory_space<vmem>>
    %dma_start3A_954 = tpu.memref_slice %arg2[%multiple_of3A_291, %multiple_of3A] : memref<100000x1024xf32, #tpu.memory_space<hbm>> -> memref<8x128xf32, #tpu.memory_space<hbm>>
    %dma_start3A_955 = arith.constant 0 : i32
    %dma_start3A_956 = arith.constant 0 : i32
    %dma_start3A_957 = tpu.memref_slice %arg7[%dma_start3A_949, %dma_start3A_955, %dma_start3A_956] : memref<64x8x128xf32, #tpu.memory_space<vmem>> -> memref<1x8x128xf32, #tpu.memory_space<vmem>>
    %dma_start3A_958 = tpu.memref_squeeze %dma_start3A_957 : memref<1x8x128xf32, #tpu.memory_space<vmem>> -> memref<8x128xf32, #tpu.memory_space<vmem>>
    %dma_start3A_959 = tpu.memref_slice %arg2[%multiple_of3A_291, %multiple_of3A] : memref<100000x1024xf32, #tpu.memory_space<hbm>> -> memref<8x128xf32, #tpu.memory_space<hbm>>
    tpu.enqueue_dma source(%dma_start3A_959 : memref<8x128xf32, #tpu.memory_space<hbm>>) target(%dma_start3A_958 : memref<8x128xf32, #tpu.memory_space<vmem>>) target_semaphore(%arg9 : memref<!tpu.dma_semaphore, #tpu.memory_space<semaphore_mem>>)
    %dma_start3A_960 = arith.constant 29 : i32
    %dma_start3A_961 = arith.constant 0 : i32
    %dma_start3A_962 = arith.constant 0 : i32
    %dma_start3A_963 = tpu.memref_slice %arg7[%dma_start3A_960, %dma_start3A_961, %dma_start3A_962] : memref<64x8x128xf32, #tpu.memory_space<vmem>> -> memref<1x8x128xf32, #tpu.memory_space<vmem>>
    %dma_start3A_964 = tpu.memref_squeeze %dma_start3A_963 : memref<1x8x128xf32, #tpu.memory_space<vmem>> -> memref<8x128xf32, #tpu.memory_space<vmem>>
    %dma_start3A_965 = tpu.memref_slice %arg2[%multiple_of3A_301, %multiple_of3A] : memref<100000x1024xf32, #tpu.memory_space<hbm>> -> memref<8x128xf32, #tpu.memory_space<hbm>>
    %dma_start3A_966 = arith.constant 0 : i32
    %dma_start3A_967 = arith.constant 0 : i32
    %dma_start3A_968 = tpu.memref_slice %arg7[%dma_start3A_960, %dma_start3A_966, %dma_start3A_967] : memref<64x8x128xf32, #tpu.memory_space<vmem>> -> memref<1x8x128xf32, #tpu.memory_space<vmem>>
    %dma_start3A_969 = tpu.memref_squeeze %dma_start3A_968 : memref<1x8x128xf32, #tpu.memory_space<vmem>> -> memref<8x128xf32, #tpu.memory_space<vmem>>
    %dma_start3A_970 = tpu.memref_slice %arg2[%multiple_of3A_301, %multiple_of3A] : memref<100000x1024xf32, #tpu.memory_space<hbm>> -> memref<8x128xf32, #tpu.memory_space<hbm>>
    tpu.enqueue_dma source(%dma_start3A_970 : memref<8x128xf32, #tpu.memory_space<hbm>>) target(%dma_start3A_969 : memref<8x128xf32, #tpu.memory_space<vmem>>) target_semaphore(%arg9 : memref<!tpu.dma_semaphore, #tpu.memory_space<semaphore_mem>>)
    %dma_start3A_971 = arith.constant 30 : i32
    %dma_start3A_972 = arith.constant 0 : i32
    %dma_start3A_973 = arith.constant 0 : i32
    %dma_start3A_974 = tpu.memref_slice %arg7[%dma_start3A_971, %dma_start3A_972, %dma_start3A_973] : memref<64x8x128xf32, #tpu.memory_space<vmem>> -> memref<1x8x128xf32, #tpu.memory_space<vmem>>
    %dma_start3A_975 = tpu.memref_squeeze %dma_start3A_974 : memref<1x8x128xf32, #tpu.memory_space<vmem>> -> memref<8x128xf32, #tpu.memory_space<vmem>>
    %dma_start3A_976 = tpu.memref_slice %arg2[%multiple_of3A_311, %multiple_of3A] : memref<100000x1024xf32, #tpu.memory_space<hbm>> -> memref<8x128xf32, #tpu.memory_space<hbm>>
    %dma_start3A_977 = arith.constant 0 : i32
    %dma_start3A_978 = arith.constant 0 : i32
    %dma_start3A_979 = tpu.memref_slice %arg7[%dma_start3A_971, %dma_start3A_977, %dma_start3A_978] : memref<64x8x128xf32, #tpu.memory_space<vmem>> -> memref<1x8x128xf32, #tpu.memory_space<vmem>>
    %dma_start3A_980 = tpu.memref_squeeze %dma_start3A_979 : memref<1x8x128xf32, #tpu.memory_space<vmem>> -> memref<8x128xf32, #tpu.memory_space<vmem>>
    %dma_start3A_981 = tpu.memref_slice %arg2[%multiple_of3A_311, %multiple_of3A] : memref<100000x1024xf32, #tpu.memory_space<hbm>> -> memref<8x128xf32, #tpu.memory_space<hbm>>
    tpu.enqueue_dma source(%dma_start3A_981 : memref<8x128xf32, #tpu.memory_space<hbm>>) target(%dma_start3A_980 : memref<8x128xf32, #tpu.memory_space<vmem>>) target_semaphore(%arg9 : memref<!tpu.dma_semaphore, #tpu.memory_space<semaphore_mem>>)
    %dma_start3A_982 = arith.constant 31 : i32
    %dma_start3A_983 = arith.constant 0 : i32
    %dma_start3A_984 = arith.constant 0 : i32
    %dma_start3A_985 = tpu.memref_slice %arg7[%dma_start3A_982, %dma_start3A_983, %dma_start3A_984] : memref<64x8x128xf32, #tpu.memory_space<vmem>> -> memref<1x8x128xf32, #tpu.memory_space<vmem>>
    %dma_start3A_986 = tpu.memref_squeeze %dma_start3A_985 : memref<1x8x128xf32, #tpu.memory_space<vmem>> -> memref<8x128xf32, #tpu.memory_space<vmem>>
    %dma_start3A_987 = tpu.memref_slice %arg2[%multiple_of3A_321, %multiple_of3A] : memref<100000x1024xf32, #tpu.memory_space<hbm>> -> memref<8x128xf32, #tpu.memory_space<hbm>>
    %dma_start3A_988 = arith.constant 0 : i32
    %dma_start3A_989 = arith.constant 0 : i32
    %dma_start3A_990 = tpu.memref_slice %arg7[%dma_start3A_982, %dma_start3A_988, %dma_start3A_989] : memref<64x8x128xf32, #tpu.memory_space<vmem>> -> memref<1x8x128xf32, #tpu.memory_space<vmem>>
    %dma_start3A_991 = tpu.memref_squeeze %dma_start3A_990 : memref<1x8x128xf32, #tpu.memory_space<vmem>> -> memref<8x128xf32, #tpu.memory_space<vmem>>
    %dma_start3A_992 = tpu.memref_slice %arg2[%multiple_of3A_321, %multiple_of3A] : memref<100000x1024xf32, #tpu.memory_space<hbm>> -> memref<8x128xf32, #tpu.memory_space<hbm>>
    tpu.enqueue_dma source(%dma_start3A_992 : memref<8x128xf32, #tpu.memory_space<hbm>>) target(%dma_start3A_991 : memref<8x128xf32, #tpu.memory_space<vmem>>) target_semaphore(%arg9 : memref<!tpu.dma_semaphore, #tpu.memory_space<semaphore_mem>>)
    %dma_start3A_993 = arith.constant 32 : i32
    %dma_start3A_994 = arith.constant 0 : i32
    %dma_start3A_995 = arith.constant 0 : i32
    %dma_start3A_996 = tpu.memref_slice %arg7[%dma_start3A_993, %dma_start3A_994, %dma_start3A_995] : memref<64x8x128xf32, #tpu.memory_space<vmem>> -> memref<1x8x128xf32, #tpu.memory_space<vmem>>
    %dma_start3A_997 = tpu.memref_squeeze %dma_start3A_996 : memref<1x8x128xf32, #tpu.memory_space<vmem>> -> memref<8x128xf32, #tpu.memory_space<vmem>>
    %dma_start3A_998 = tpu.memref_slice %arg2[%multiple_of3A_331, %multiple_of3A] : memref<100000x1024xf32, #tpu.memory_space<hbm>> -> memref<8x128xf32, #tpu.memory_space<hbm>>
    %dma_start3A_999 = arith.constant 0 : i32
    %dma_start3A_1000 = arith.constant 0 : i32
    %dma_start3A_1001 = tpu.memref_slice %arg7[%dma_start3A_993, %dma_start3A_999, %dma_start3A_1000] : memref<64x8x128xf32, #tpu.memory_space<vmem>> -> memref<1x8x128xf32, #tpu.memory_space<vmem>>
    %dma_start3A_1002 = tpu.memref_squeeze %dma_start3A_1001 : memref<1x8x128xf32, #tpu.memory_space<vmem>> -> memref<8x128xf32, #tpu.memory_space<vmem>>
    %dma_start3A_1003 = tpu.memref_slice %arg2[%multiple_of3A_331, %multiple_of3A] : memref<100000x1024xf32, #tpu.memory_space<hbm>> -> memref<8x128xf32, #tpu.memory_space<hbm>>
    tpu.enqueue_dma source(%dma_start3A_1003 : memref<8x128xf32, #tpu.memory_space<hbm>>) target(%dma_start3A_1002 : memref<8x128xf32, #tpu.memory_space<vmem>>) target_semaphore(%arg9 : memref<!tpu.dma_semaphore, #tpu.memory_space<semaphore_mem>>)
    %dma_start3A_1004 = arith.constant 33 : i32
    %dma_start3A_1005 = arith.constant 0 : i32
    %dma_start3A_1006 = arith.constant 0 : i32
    %dma_start3A_1007 = tpu.memref_slice %arg7[%dma_start3A_1004, %dma_start3A_1005, %dma_start3A_1006] : memref<64x8x128xf32, #tpu.memory_space<vmem>> -> memref<1x8x128xf32, #tpu.memory_space<vmem>>
    %dma_start3A_1008 = tpu.memref_squeeze %dma_start3A_1007 : memref<1x8x128xf32, #tpu.memory_space<vmem>> -> memref<8x128xf32, #tpu.memory_space<vmem>>
    %dma_start3A_1009 = tpu.memref_slice %arg2[%multiple_of3A_341, %multiple_of3A] : memref<100000x1024xf32, #tpu.memory_space<hbm>> -> memref<8x128xf32, #tpu.memory_space<hbm>>
    %dma_start3A_1010 = arith.constant 0 : i32
    %dma_start3A_1011 = arith.constant 0 : i32
    %dma_start3A_1012 = tpu.memref_slice %arg7[%dma_start3A_1004, %dma_start3A_1010, %dma_start3A_1011] : memref<64x8x128xf32, #tpu.memory_space<vmem>> -> memref<1x8x128xf32, #tpu.memory_space<vmem>>
    %dma_start3A_1013 = tpu.memref_squeeze %dma_start3A_1012 : memref<1x8x128xf32, #tpu.memory_space<vmem>> -> memref<8x128xf32, #tpu.memory_space<vmem>>
    %dma_start3A_1014 = tpu.memref_slice %arg2[%multiple_of3A_341, %multiple_of3A] : memref<100000x1024xf32, #tpu.memory_space<hbm>> -> memref<8x128xf32, #tpu.memory_space<hbm>>
    tpu.enqueue_dma source(%dma_start3A_1014 : memref<8x128xf32, #tpu.memory_space<hbm>>) target(%dma_start3A_1013 : memref<8x128xf32, #tpu.memory_space<vmem>>) target_semaphore(%arg9 : memref<!tpu.dma_semaphore, #tpu.memory_space<semaphore_mem>>)
    %dma_start3A_1015 = arith.constant 34 : i32
    %dma_start3A_1016 = arith.constant 0 : i32
    %dma_start3A_1017 = arith.constant 0 : i32
    %dma_start3A_1018 = tpu.memref_slice %arg7[%dma_start3A_1015, %dma_start3A_1016, %dma_start3A_1017] : memref<64x8x128xf32, #tpu.memory_space<vmem>> -> memref<1x8x128xf32, #tpu.memory_space<vmem>>
    %dma_start3A_1019 = tpu.memref_squeeze %dma_start3A_1018 : memref<1x8x128xf32, #tpu.memory_space<vmem>> -> memref<8x128xf32, #tpu.memory_space<vmem>>
    %dma_start3A_1020 = tpu.memref_slice %arg2[%multiple_of3A_351, %multiple_of3A] : memref<100000x1024xf32, #tpu.memory_space<hbm>> -> memref<8x128xf32, #tpu.memory_space<hbm>>
    %dma_start3A_1021 = arith.constant 0 : i32
    %dma_start3A_1022 = arith.constant 0 : i32
    %dma_start3A_1023 = tpu.memref_slice %arg7[%dma_start3A_1015, %dma_start3A_1021, %dma_start3A_1022] : memref<64x8x128xf32, #tpu.memory_space<vmem>> -> memref<1x8x128xf32, #tpu.memory_space<vmem>>
    %dma_start3A_1024 = tpu.memref_squeeze %dma_start3A_1023 : memref<1x8x128xf32, #tpu.memory_space<vmem>> -> memref<8x128xf32, #tpu.memory_space<vmem>>
    %dma_start3A_1025 = tpu.memref_slice %arg2[%multiple_of3A_351, %multiple_of3A] : memref<100000x1024xf32, #tpu.memory_space<hbm>> -> memref<8x128xf32, #tpu.memory_space<hbm>>
    tpu.enqueue_dma source(%dma_start3A_1025 : memref<8x128xf32, #tpu.memory_space<hbm>>) target(%dma_start3A_1024 : memref<8x128xf32, #tpu.memory_space<vmem>>) target_semaphore(%arg9 : memref<!tpu.dma_semaphore, #tpu.memory_space<semaphore_mem>>)
    %dma_start3A_1026 = arith.constant 35 : i32
    %dma_start3A_1027 = arith.constant 0 : i32
    %dma_start3A_1028 = arith.constant 0 : i32
    %dma_start3A_1029 = tpu.memref_slice %arg7[%dma_start3A_1026, %dma_start3A_1027, %dma_start3A_1028] : memref<64x8x128xf32, #tpu.memory_space<vmem>> -> memref<1x8x128xf32, #tpu.memory_space<vmem>>
    %dma_start3A_1030 = tpu.memref_squeeze %dma_start3A_1029 : memref<1x8x128xf32, #tpu.memory_space<vmem>> -> memref<8x128xf32, #tpu.memory_space<vmem>>
    %dma_start3A_1031 = tpu.memref_slice %arg2[%multiple_of3A_361, %multiple_of3A] : memref<100000x1024xf32, #tpu.memory_space<hbm>> -> memref<8x128xf32, #tpu.memory_space<hbm>>
    %dma_start3A_1032 = arith.constant 0 : i32
    %dma_start3A_1033 = arith.constant 0 : i32
    %dma_start3A_1034 = tpu.memref_slice %arg7[%dma_start3A_1026, %dma_start3A_1032, %dma_start3A_1033] : memref<64x8x128xf32, #tpu.memory_space<vmem>> -> memref<1x8x128xf32, #tpu.memory_space<vmem>>
    %dma_start3A_1035 = tpu.memref_squeeze %dma_start3A_1034 : memref<1x8x128xf32, #tpu.memory_space<vmem>> -> memref<8x128xf32, #tpu.memory_space<vmem>>
    %dma_start3A_1036 = tpu.memref_slice %arg2[%multiple_of3A_361, %multiple_of3A] : memref<100000x1024xf32, #tpu.memory_space<hbm>> -> memref<8x128xf32, #tpu.memory_space<hbm>>
    tpu.enqueue_dma source(%dma_start3A_1036 : memref<8x128xf32, #tpu.memory_space<hbm>>) target(%dma_start3A_1035 : memref<8x128xf32, #tpu.memory_space<vmem>>) target_semaphore(%arg9 : memref<!tpu.dma_semaphore, #tpu.memory_space<semaphore_mem>>)
    %dma_start3A_1037 = arith.constant 36 : i32
    %dma_start3A_1038 = arith.constant 0 : i32
    %dma_start3A_1039 = arith.constant 0 : i32
    %dma_start3A_1040 = tpu.memref_slice %arg7[%dma_start3A_1037, %dma_start3A_1038, %dma_start3A_1039] : memref<64x8x128xf32, #tpu.memory_space<vmem>> -> memref<1x8x128xf32, #tpu.memory_space<vmem>>
    %dma_start3A_1041 = tpu.memref_squeeze %dma_start3A_1040 : memref<1x8x128xf32, #tpu.memory_space<vmem>> -> memref<8x128xf32, #tpu.memory_space<vmem>>
    %dma_start3A_1042 = tpu.memref_slice %arg2[%multiple_of3A_371, %multiple_of3A] : memref<100000x1024xf32, #tpu.memory_space<hbm>> -> memref<8x128xf32, #tpu.memory_space<hbm>>
    %dma_start3A_1043 = arith.constant 0 : i32
    %dma_start3A_1044 = arith.constant 0 : i32
    %dma_start3A_1045 = tpu.memref_slice %arg7[%dma_start3A_1037, %dma_start3A_1043, %dma_start3A_1044] : memref<64x8x128xf32, #tpu.memory_space<vmem>> -> memref<1x8x128xf32, #tpu.memory_space<vmem>>
    %dma_start3A_1046 = tpu.memref_squeeze %dma_start3A_1045 : memref<1x8x128xf32, #tpu.memory_space<vmem>> -> memref<8x128xf32, #tpu.memory_space<vmem>>
    %dma_start3A_1047 = tpu.memref_slice %arg2[%multiple_of3A_371, %multiple_of3A] : memref<100000x1024xf32, #tpu.memory_space<hbm>> -> memref<8x128xf32, #tpu.memory_space<hbm>>
    tpu.enqueue_dma source(%dma_start3A_1047 : memref<8x128xf32, #tpu.memory_space<hbm>>) target(%dma_start3A_1046 : memref<8x128xf32, #tpu.memory_space<vmem>>) target_semaphore(%arg9 : memref<!tpu.dma_semaphore, #tpu.memory_space<semaphore_mem>>)
    %dma_start3A_1048 = arith.constant 37 : i32
    %dma_start3A_1049 = arith.constant 0 : i32
    %dma_start3A_1050 = arith.constant 0 : i32
    %dma_start3A_1051 = tpu.memref_slice %arg7[%dma_start3A_1048, %dma_start3A_1049, %dma_start3A_1050] : memref<64x8x128xf32, #tpu.memory_space<vmem>> -> memref<1x8x128xf32, #tpu.memory_space<vmem>>
    %dma_start3A_1052 = tpu.memref_squeeze %dma_start3A_1051 : memref<1x8x128xf32, #tpu.memory_space<vmem>> -> memref<8x128xf32, #tpu.memory_space<vmem>>
    %dma_start3A_1053 = tpu.memref_slice %arg2[%multiple_of3A_381, %multiple_of3A] : memref<100000x1024xf32, #tpu.memory_space<hbm>> -> memref<8x128xf32, #tpu.memory_space<hbm>>
    %dma_start3A_1054 = arith.constant 0 : i32
    %dma_start3A_1055 = arith.constant 0 : i32
    %dma_start3A_1056 = tpu.memref_slice %arg7[%dma_start3A_1048, %dma_start3A_1054, %dma_start3A_1055] : memref<64x8x128xf32, #tpu.memory_space<vmem>> -> memref<1x8x128xf32, #tpu.memory_space<vmem>>
    %dma_start3A_1057 = tpu.memref_squeeze %dma_start3A_1056 : memref<1x8x128xf32, #tpu.memory_space<vmem>> -> memref<8x128xf32, #tpu.memory_space<vmem>>
    %dma_start3A_1058 = tpu.memref_slice %arg2[%multiple_of3A_381, %multiple_of3A] : memref<100000x1024xf32, #tpu.memory_space<hbm>> -> memref<8x128xf32, #tpu.memory_space<hbm>>
    tpu.enqueue_dma source(%dma_start3A_1058 : memref<8x128xf32, #tpu.memory_space<hbm>>) target(%dma_start3A_1057 : memref<8x128xf32, #tpu.memory_space<vmem>>) target_semaphore(%arg9 : memref<!tpu.dma_semaphore, #tpu.memory_space<semaphore_mem>>)
    %dma_start3A_1059 = arith.constant 38 : i32
    %dma_start3A_1060 = arith.constant 0 : i32
    %dma_start3A_1061 = arith.constant 0 : i32
    %dma_start3A_1062 = tpu.memref_slice %arg7[%dma_start3A_1059, %dma_start3A_1060, %dma_start3A_1061] : memref<64x8x128xf32, #tpu.memory_space<vmem>> -> memref<1x8x128xf32, #tpu.memory_space<vmem>>
    %dma_start3A_1063 = tpu.memref_squeeze %dma_start3A_1062 : memref<1x8x128xf32, #tpu.memory_space<vmem>> -> memref<8x128xf32, #tpu.memory_space<vmem>>
    %dma_start3A_1064 = tpu.memref_slice %arg2[%multiple_of3A_391, %multiple_of3A] : memref<100000x1024xf32, #tpu.memory_space<hbm>> -> memref<8x128xf32, #tpu.memory_space<hbm>>
    %dma_start3A_1065 = arith.constant 0 : i32
    %dma_start3A_1066 = arith.constant 0 : i32
    %dma_start3A_1067 = tpu.memref_slice %arg7[%dma_start3A_1059, %dma_start3A_1065, %dma_start3A_1066] : memref<64x8x128xf32, #tpu.memory_space<vmem>> -> memref<1x8x128xf32, #tpu.memory_space<vmem>>
    %dma_start3A_1068 = tpu.memref_squeeze %dma_start3A_1067 : memref<1x8x128xf32, #tpu.memory_space<vmem>> -> memref<8x128xf32, #tpu.memory_space<vmem>>
    %dma_start3A_1069 = tpu.memref_slice %arg2[%multiple_of3A_391, %multiple_of3A] : memref<100000x1024xf32, #tpu.memory_space<hbm>> -> memref<8x128xf32, #tpu.memory_space<hbm>>
    tpu.enqueue_dma source(%dma_start3A_1069 : memref<8x128xf32, #tpu.memory_space<hbm>>) target(%dma_start3A_1068 : memref<8x128xf32, #tpu.memory_space<vmem>>) target_semaphore(%arg9 : memref<!tpu.dma_semaphore, #tpu.memory_space<semaphore_mem>>)
    %dma_start3A_1070 = arith.constant 39 : i32
    %dma_start3A_1071 = arith.constant 0 : i32
    %dma_start3A_1072 = arith.constant 0 : i32
    %dma_start3A_1073 = tpu.memref_slice %arg7[%dma_start3A_1070, %dma_start3A_1071, %dma_start3A_1072] : memref<64x8x128xf32, #tpu.memory_space<vmem>> -> memref<1x8x128xf32, #tpu.memory_space<vmem>>
    %dma_start3A_1074 = tpu.memref_squeeze %dma_start3A_1073 : memref<1x8x128xf32, #tpu.memory_space<vmem>> -> memref<8x128xf32, #tpu.memory_space<vmem>>
    %dma_start3A_1075 = tpu.memref_slice %arg2[%multiple_of3A_401, %multiple_of3A] : memref<100000x1024xf32, #tpu.memory_space<hbm>> -> memref<8x128xf32, #tpu.memory_space<hbm>>
    %dma_start3A_1076 = arith.constant 0 : i32
    %dma_start3A_1077 = arith.constant 0 : i32
    %dma_start3A_1078 = tpu.memref_slice %arg7[%dma_start3A_1070, %dma_start3A_1076, %dma_start3A_1077] : memref<64x8x128xf32, #tpu.memory_space<vmem>> -> memref<1x8x128xf32, #tpu.memory_space<vmem>>
    %dma_start3A_1079 = tpu.memref_squeeze %dma_start3A_1078 : memref<1x8x128xf32, #tpu.memory_space<vmem>> -> memref<8x128xf32, #tpu.memory_space<vmem>>
    %dma_start3A_1080 = tpu.memref_slice %arg2[%multiple_of3A_401, %multiple_of3A] : memref<100000x1024xf32, #tpu.memory_space<hbm>> -> memref<8x128xf32, #tpu.memory_space<hbm>>
    tpu.enqueue_dma source(%dma_start3A_1080 : memref<8x128xf32, #tpu.memory_space<hbm>>) target(%dma_start3A_1079 : memref<8x128xf32, #tpu.memory_space<vmem>>) target_semaphore(%arg9 : memref<!tpu.dma_semaphore, #tpu.memory_space<semaphore_mem>>)
    %dma_start3A_1081 = arith.constant 40 : i32
    %dma_start3A_1082 = arith.constant 0 : i32
    %dma_start3A_1083 = arith.constant 0 : i32
    %dma_start3A_1084 = tpu.memref_slice %arg7[%dma_start3A_1081, %dma_start3A_1082, %dma_start3A_1083] : memref<64x8x128xf32, #tpu.memory_space<vmem>> -> memref<1x8x128xf32, #tpu.memory_space<vmem>>
    %dma_start3A_1085 = tpu.memref_squeeze %dma_start3A_1084 : memref<1x8x128xf32, #tpu.memory_space<vmem>> -> memref<8x128xf32, #tpu.memory_space<vmem>>
    %dma_start3A_1086 = tpu.memref_slice %arg2[%multiple_of3A_411, %multiple_of3A] : memref<100000x1024xf32, #tpu.memory_space<hbm>> -> memref<8x128xf32, #tpu.memory_space<hbm>>
    %dma_start3A_1087 = arith.constant 0 : i32
    %dma_start3A_1088 = arith.constant 0 : i32
    %dma_start3A_1089 = tpu.memref_slice %arg7[%dma_start3A_1081, %dma_start3A_1087, %dma_start3A_1088] : memref<64x8x128xf32, #tpu.memory_space<vmem>> -> memref<1x8x128xf32, #tpu.memory_space<vmem>>
    %dma_start3A_1090 = tpu.memref_squeeze %dma_start3A_1089 : memref<1x8x128xf32, #tpu.memory_space<vmem>> -> memref<8x128xf32, #tpu.memory_space<vmem>>
    %dma_start3A_1091 = tpu.memref_slice %arg2[%multiple_of3A_411, %multiple_of3A] : memref<100000x1024xf32, #tpu.memory_space<hbm>> -> memref<8x128xf32, #tpu.memory_space<hbm>>
    tpu.enqueue_dma source(%dma_start3A_1091 : memref<8x128xf32, #tpu.memory_space<hbm>>) target(%dma_start3A_1090 : memref<8x128xf32, #tpu.memory_space<vmem>>) target_semaphore(%arg9 : memref<!tpu.dma_semaphore, #tpu.memory_space<semaphore_mem>>)
    %dma_start3A_1092 = arith.constant 41 : i32
    %dma_start3A_1093 = arith.constant 0 : i32
    %dma_start3A_1094 = arith.constant 0 : i32
    %dma_start3A_1095 = tpu.memref_slice %arg7[%dma_start3A_1092, %dma_start3A_1093, %dma_start3A_1094] : memref<64x8x128xf32, #tpu.memory_space<vmem>> -> memref<1x8x128xf32, #tpu.memory_space<vmem>>
    %dma_start3A_1096 = tpu.memref_squeeze %dma_start3A_1095 : memref<1x8x128xf32, #tpu.memory_space<vmem>> -> memref<8x128xf32, #tpu.memory_space<vmem>>
    %dma_start3A_1097 = tpu.memref_slice %arg2[%multiple_of3A_421, %multiple_of3A] : memref<100000x1024xf32, #tpu.memory_space<hbm>> -> memref<8x128xf32, #tpu.memory_space<hbm>>
    %dma_start3A_1098 = arith.constant 0 : i32
    %dma_start3A_1099 = arith.constant 0 : i32
    %dma_start3A_1100 = tpu.memref_slice %arg7[%dma_start3A_1092, %dma_start3A_1098, %dma_start3A_1099] : memref<64x8x128xf32, #tpu.memory_space<vmem>> -> memref<1x8x128xf32, #tpu.memory_space<vmem>>
    %dma_start3A_1101 = tpu.memref_squeeze %dma_start3A_1100 : memref<1x8x128xf32, #tpu.memory_space<vmem>> -> memref<8x128xf32, #tpu.memory_space<vmem>>
    %dma_start3A_1102 = tpu.memref_slice %arg2[%multiple_of3A_421, %multiple_of3A] : memref<100000x1024xf32, #tpu.memory_space<hbm>> -> memref<8x128xf32, #tpu.memory_space<hbm>>
    tpu.enqueue_dma source(%dma_start3A_1102 : memref<8x128xf32, #tpu.memory_space<hbm>>) target(%dma_start3A_1101 : memref<8x128xf32, #tpu.memory_space<vmem>>) target_semaphore(%arg9 : memref<!tpu.dma_semaphore, #tpu.memory_space<semaphore_mem>>)
    %dma_start3A_1103 = arith.constant 42 : i32
    %dma_start3A_1104 = arith.constant 0 : i32
    %dma_start3A_1105 = arith.constant 0 : i32
    %dma_start3A_1106 = tpu.memref_slice %arg7[%dma_start3A_1103, %dma_start3A_1104, %dma_start3A_1105] : memref<64x8x128xf32, #tpu.memory_space<vmem>> -> memref<1x8x128xf32, #tpu.memory_space<vmem>>
    %dma_start3A_1107 = tpu.memref_squeeze %dma_start3A_1106 : memref<1x8x128xf32, #tpu.memory_space<vmem>> -> memref<8x128xf32, #tpu.memory_space<vmem>>
    %dma_start3A_1108 = tpu.memref_slice %arg2[%multiple_of3A_431, %multiple_of3A] : memref<100000x1024xf32, #tpu.memory_space<hbm>> -> memref<8x128xf32, #tpu.memory_space<hbm>>
    %dma_start3A_1109 = arith.constant 0 : i32
    %dma_start3A_1110 = arith.constant 0 : i32
    %dma_start3A_1111 = tpu.memref_slice %arg7[%dma_start3A_1103, %dma_start3A_1109, %dma_start3A_1110] : memref<64x8x128xf32, #tpu.memory_space<vmem>> -> memref<1x8x128xf32, #tpu.memory_space<vmem>>
    %dma_start3A_1112 = tpu.memref_squeeze %dma_start3A_1111 : memref<1x8x128xf32, #tpu.memory_space<vmem>> -> memref<8x128xf32, #tpu.memory_space<vmem>>
    %dma_start3A_1113 = tpu.memref_slice %arg2[%multiple_of3A_431, %multiple_of3A] : memref<100000x1024xf32, #tpu.memory_space<hbm>> -> memref<8x128xf32, #tpu.memory_space<hbm>>
    tpu.enqueue_dma source(%dma_start3A_1113 : memref<8x128xf32, #tpu.memory_space<hbm>>) target(%dma_start3A_1112 : memref<8x128xf32, #tpu.memory_space<vmem>>) target_semaphore(%arg9 : memref<!tpu.dma_semaphore, #tpu.memory_space<semaphore_mem>>)
    %dma_start3A_1114 = arith.constant 43 : i32
    %dma_start3A_1115 = arith.constant 0 : i32
    %dma_start3A_1116 = arith.constant 0 : i32
    %dma_start3A_1117 = tpu.memref_slice %arg7[%dma_start3A_1114, %dma_start3A_1115, %dma_start3A_1116] : memref<64x8x128xf32, #tpu.memory_space<vmem>> -> memref<1x8x128xf32, #tpu.memory_space<vmem>>
    %dma_start3A_1118 = tpu.memref_squeeze %dma_start3A_1117 : memref<1x8x128xf32, #tpu.memory_space<vmem>> -> memref<8x128xf32, #tpu.memory_space<vmem>>
    %dma_start3A_1119 = tpu.memref_slice %arg2[%multiple_of3A_441, %multiple_of3A] : memref<100000x1024xf32, #tpu.memory_space<hbm>> -> memref<8x128xf32, #tpu.memory_space<hbm>>
    %dma_start3A_1120 = arith.constant 0 : i32
    %dma_start3A_1121 = arith.constant 0 : i32
    %dma_start3A_1122 = tpu.memref_slice %arg7[%dma_start3A_1114, %dma_start3A_1120, %dma_start3A_1121] : memref<64x8x128xf32, #tpu.memory_space<vmem>> -> memref<1x8x128xf32, #tpu.memory_space<vmem>>
    %dma_start3A_1123 = tpu.memref_squeeze %dma_start3A_1122 : memref<1x8x128xf32, #tpu.memory_space<vmem>> -> memref<8x128xf32, #tpu.memory_space<vmem>>
    %dma_start3A_1124 = tpu.memref_slice %arg2[%multiple_of3A_441, %multiple_of3A] : memref<100000x1024xf32, #tpu.memory_space<hbm>> -> memref<8x128xf32, #tpu.memory_space<hbm>>
    tpu.enqueue_dma source(%dma_start3A_1124 : memref<8x128xf32, #tpu.memory_space<hbm>>) target(%dma_start3A_1123 : memref<8x128xf32, #tpu.memory_space<vmem>>) target_semaphore(%arg9 : memref<!tpu.dma_semaphore, #tpu.memory_space<semaphore_mem>>)
    %dma_start3A_1125 = arith.constant 44 : i32
    %dma_start3A_1126 = arith.constant 0 : i32
    %dma_start3A_1127 = arith.constant 0 : i32
    %dma_start3A_1128 = tpu.memref_slice %arg7[%dma_start3A_1125, %dma_start3A_1126, %dma_start3A_1127] : memref<64x8x128xf32, #tpu.memory_space<vmem>> -> memref<1x8x128xf32, #tpu.memory_space<vmem>>
    %dma_start3A_1129 = tpu.memref_squeeze %dma_start3A_1128 : memref<1x8x128xf32, #tpu.memory_space<vmem>> -> memref<8x128xf32, #tpu.memory_space<vmem>>
    %dma_start3A_1130 = tpu.memref_slice %arg2[%multiple_of3A_451, %multiple_of3A] : memref<100000x1024xf32, #tpu.memory_space<hbm>> -> memref<8x128xf32, #tpu.memory_space<hbm>>
    %dma_start3A_1131 = arith.constant 0 : i32
    %dma_start3A_1132 = arith.constant 0 : i32
    %dma_start3A_1133 = tpu.memref_slice %arg7[%dma_start3A_1125, %dma_start3A_1131, %dma_start3A_1132] : memref<64x8x128xf32, #tpu.memory_space<vmem>> -> memref<1x8x128xf32, #tpu.memory_space<vmem>>
    %dma_start3A_1134 = tpu.memref_squeeze %dma_start3A_1133 : memref<1x8x128xf32, #tpu.memory_space<vmem>> -> memref<8x128xf32, #tpu.memory_space<vmem>>
    %dma_start3A_1135 = tpu.memref_slice %arg2[%multiple_of3A_451, %multiple_of3A] : memref<100000x1024xf32, #tpu.memory_space<hbm>> -> memref<8x128xf32, #tpu.memory_space<hbm>>
    tpu.enqueue_dma source(%dma_start3A_1135 : memref<8x128xf32, #tpu.memory_space<hbm>>) target(%dma_start3A_1134 : memref<8x128xf32, #tpu.memory_space<vmem>>) target_semaphore(%arg9 : memref<!tpu.dma_semaphore, #tpu.memory_space<semaphore_mem>>)
    %dma_start3A_1136 = arith.constant 45 : i32
    %dma_start3A_1137 = arith.constant 0 : i32
    %dma_start3A_1138 = arith.constant 0 : i32
    %dma_start3A_1139 = tpu.memref_slice %arg7[%dma_start3A_1136, %dma_start3A_1137, %dma_start3A_1138] : memref<64x8x128xf32, #tpu.memory_space<vmem>> -> memref<1x8x128xf32, #tpu.memory_space<vmem>>
    %dma_start3A_1140 = tpu.memref_squeeze %dma_start3A_1139 : memref<1x8x128xf32, #tpu.memory_space<vmem>> -> memref<8x128xf32, #tpu.memory_space<vmem>>
    %dma_start3A_1141 = tpu.memref_slice %arg2[%multiple_of3A_461, %multiple_of3A] : memref<100000x1024xf32, #tpu.memory_space<hbm>> -> memref<8x128xf32, #tpu.memory_space<hbm>>
    %dma_start3A_1142 = arith.constant 0 : i32
    %dma_start3A_1143 = arith.constant 0 : i32
    %dma_start3A_1144 = tpu.memref_slice %arg7[%dma_start3A_1136, %dma_start3A_1142, %dma_start3A_1143] : memref<64x8x128xf32, #tpu.memory_space<vmem>> -> memref<1x8x128xf32, #tpu.memory_space<vmem>>
    %dma_start3A_1145 = tpu.memref_squeeze %dma_start3A_1144 : memref<1x8x128xf32, #tpu.memory_space<vmem>> -> memref<8x128xf32, #tpu.memory_space<vmem>>
    %dma_start3A_1146 = tpu.memref_slice %arg2[%multiple_of3A_461, %multiple_of3A] : memref<100000x1024xf32, #tpu.memory_space<hbm>> -> memref<8x128xf32, #tpu.memory_space<hbm>>
    tpu.enqueue_dma source(%dma_start3A_1146 : memref<8x128xf32, #tpu.memory_space<hbm>>) target(%dma_start3A_1145 : memref<8x128xf32, #tpu.memory_space<vmem>>) target_semaphore(%arg9 : memref<!tpu.dma_semaphore, #tpu.memory_space<semaphore_mem>>)
    %dma_start3A_1147 = arith.constant 46 : i32
    %dma_start3A_1148 = arith.constant 0 : i32
    %dma_start3A_1149 = arith.constant 0 : i32
    %dma_start3A_1150 = tpu.memref_slice %arg7[%dma_start3A_1147, %dma_start3A_1148, %dma_start3A_1149] : memref<64x8x128xf32, #tpu.memory_space<vmem>> -> memref<1x8x128xf32, #tpu.memory_space<vmem>>
    %dma_start3A_1151 = tpu.memref_squeeze %dma_start3A_1150 : memref<1x8x128xf32, #tpu.memory_space<vmem>> -> memref<8x128xf32, #tpu.memory_space<vmem>>
    %dma_start3A_1152 = tpu.memref_slice %arg2[%multiple_of3A_471, %multiple_of3A] : memref<100000x1024xf32, #tpu.memory_space<hbm>> -> memref<8x128xf32, #tpu.memory_space<hbm>>
    %dma_start3A_1153 = arith.constant 0 : i32
    %dma_start3A_1154 = arith.constant 0 : i32
    %dma_start3A_1155 = tpu.memref_slice %arg7[%dma_start3A_1147, %dma_start3A_1153, %dma_start3A_1154] : memref<64x8x128xf32, #tpu.memory_space<vmem>> -> memref<1x8x128xf32, #tpu.memory_space<vmem>>
    %dma_start3A_1156 = tpu.memref_squeeze %dma_start3A_1155 : memref<1x8x128xf32, #tpu.memory_space<vmem>> -> memref<8x128xf32, #tpu.memory_space<vmem>>
    %dma_start3A_1157 = tpu.memref_slice %arg2[%multiple_of3A_471, %multiple_of3A] : memref<100000x1024xf32, #tpu.memory_space<hbm>> -> memref<8x128xf32, #tpu.memory_space<hbm>>
    tpu.enqueue_dma source(%dma_start3A_1157 : memref<8x128xf32, #tpu.memory_space<hbm>>) target(%dma_start3A_1156 : memref<8x128xf32, #tpu.memory_space<vmem>>) target_semaphore(%arg9 : memref<!tpu.dma_semaphore, #tpu.memory_space<semaphore_mem>>)
    %dma_start3A_1158 = arith.constant 47 : i32
    %dma_start3A_1159 = arith.constant 0 : i32
    %dma_start3A_1160 = arith.constant 0 : i32
    %dma_start3A_1161 = tpu.memref_slice %arg7[%dma_start3A_1158, %dma_start3A_1159, %dma_start3A_1160] : memref<64x8x128xf32, #tpu.memory_space<vmem>> -> memref<1x8x128xf32, #tpu.memory_space<vmem>>
    %dma_start3A_1162 = tpu.memref_squeeze %dma_start3A_1161 : memref<1x8x128xf32, #tpu.memory_space<vmem>> -> memref<8x128xf32, #tpu.memory_space<vmem>>
    %dma_start3A_1163 = tpu.memref_slice %arg2[%multiple_of3A_481, %multiple_of3A] : memref<100000x1024xf32, #tpu.memory_space<hbm>> -> memref<8x128xf32, #tpu.memory_space<hbm>>
    %dma_start3A_1164 = arith.constant 0 : i32
    %dma_start3A_1165 = arith.constant 0 : i32
    %dma_start3A_1166 = tpu.memref_slice %arg7[%dma_start3A_1158, %dma_start3A_1164, %dma_start3A_1165] : memref<64x8x128xf32, #tpu.memory_space<vmem>> -> memref<1x8x128xf32, #tpu.memory_space<vmem>>
    %dma_start3A_1167 = tpu.memref_squeeze %dma_start3A_1166 : memref<1x8x128xf32, #tpu.memory_space<vmem>> -> memref<8x128xf32, #tpu.memory_space<vmem>>
    %dma_start3A_1168 = tpu.memref_slice %arg2[%multiple_of3A_481, %multiple_of3A] : memref<100000x1024xf32, #tpu.memory_space<hbm>> -> memref<8x128xf32, #tpu.memory_space<hbm>>
    tpu.enqueue_dma source(%dma_start3A_1168 : memref<8x128xf32, #tpu.memory_space<hbm>>) target(%dma_start3A_1167 : memref<8x128xf32, #tpu.memory_space<vmem>>) target_semaphore(%arg9 : memref<!tpu.dma_semaphore, #tpu.memory_space<semaphore_mem>>)
    %dma_start3A_1169 = arith.constant 48 : i32
    %dma_start3A_1170 = arith.constant 0 : i32
    %dma_start3A_1171 = arith.constant 0 : i32
    %dma_start3A_1172 = tpu.memref_slice %arg7[%dma_start3A_1169, %dma_start3A_1170, %dma_start3A_1171] : memref<64x8x128xf32, #tpu.memory_space<vmem>> -> memref<1x8x128xf32, #tpu.memory_space<vmem>>
    %dma_start3A_1173 = tpu.memref_squeeze %dma_start3A_1172 : memref<1x8x128xf32, #tpu.memory_space<vmem>> -> memref<8x128xf32, #tpu.memory_space<vmem>>
    %dma_start3A_1174 = tpu.memref_slice %arg2[%multiple_of3A_491, %multiple_of3A] : memref<100000x1024xf32, #tpu.memory_space<hbm>> -> memref<8x128xf32, #tpu.memory_space<hbm>>
    %dma_start3A_1175 = arith.constant 0 : i32
    %dma_start3A_1176 = arith.constant 0 : i32
    %dma_start3A_1177 = tpu.memref_slice %arg7[%dma_start3A_1169, %dma_start3A_1175, %dma_start3A_1176] : memref<64x8x128xf32, #tpu.memory_space<vmem>> -> memref<1x8x128xf32, #tpu.memory_space<vmem>>
    %dma_start3A_1178 = tpu.memref_squeeze %dma_start3A_1177 : memref<1x8x128xf32, #tpu.memory_space<vmem>> -> memref<8x128xf32, #tpu.memory_space<vmem>>
    %dma_start3A_1179 = tpu.memref_slice %arg2[%multiple_of3A_491, %multiple_of3A] : memref<100000x1024xf32, #tpu.memory_space<hbm>> -> memref<8x128xf32, #tpu.memory_space<hbm>>
    tpu.enqueue_dma source(%dma_start3A_1179 : memref<8x128xf32, #tpu.memory_space<hbm>>) target(%dma_start3A_1178 : memref<8x128xf32, #tpu.memory_space<vmem>>) target_semaphore(%arg9 : memref<!tpu.dma_semaphore, #tpu.memory_space<semaphore_mem>>)
    %dma_start3A_1180 = arith.constant 49 : i32
    %dma_start3A_1181 = arith.constant 0 : i32
    %dma_start3A_1182 = arith.constant 0 : i32
    %dma_start3A_1183 = tpu.memref_slice %arg7[%dma_start3A_1180, %dma_start3A_1181, %dma_start3A_1182] : memref<64x8x128xf32, #tpu.memory_space<vmem>> -> memref<1x8x128xf32, #tpu.memory_space<vmem>>
    %dma_start3A_1184 = tpu.memref_squeeze %dma_start3A_1183 : memref<1x8x128xf32, #tpu.memory_space<vmem>> -> memref<8x128xf32, #tpu.memory_space<vmem>>
    %dma_start3A_1185 = tpu.memref_slice %arg2[%multiple_of3A_501, %multiple_of3A] : memref<100000x1024xf32, #tpu.memory_space<hbm>> -> memref<8x128xf32, #tpu.memory_space<hbm>>
    %dma_start3A_1186 = arith.constant 0 : i32
    %dma_start3A_1187 = arith.constant 0 : i32
    %dma_start3A_1188 = tpu.memref_slice %arg7[%dma_start3A_1180, %dma_start3A_1186, %dma_start3A_1187] : memref<64x8x128xf32, #tpu.memory_space<vmem>> -> memref<1x8x128xf32, #tpu.memory_space<vmem>>
    %dma_start3A_1189 = tpu.memref_squeeze %dma_start3A_1188 : memref<1x8x128xf32, #tpu.memory_space<vmem>> -> memref<8x128xf32, #tpu.memory_space<vmem>>
    %dma_start3A_1190 = tpu.memref_slice %arg2[%multiple_of3A_501, %multiple_of3A] : memref<100000x1024xf32, #tpu.memory_space<hbm>> -> memref<8x128xf32, #tpu.memory_space<hbm>>
    tpu.enqueue_dma source(%dma_start3A_1190 : memref<8x128xf32, #tpu.memory_space<hbm>>) target(%dma_start3A_1189 : memref<8x128xf32, #tpu.memory_space<vmem>>) target_semaphore(%arg9 : memref<!tpu.dma_semaphore, #tpu.memory_space<semaphore_mem>>)
    %dma_start3A_1191 = arith.constant 50 : i32
    %dma_start3A_1192 = arith.constant 0 : i32
    %dma_start3A_1193 = arith.constant 0 : i32
    %dma_start3A_1194 = tpu.memref_slice %arg7[%dma_start3A_1191, %dma_start3A_1192, %dma_start3A_1193] : memref<64x8x128xf32, #tpu.memory_space<vmem>> -> memref<1x8x128xf32, #tpu.memory_space<vmem>>
    %dma_start3A_1195 = tpu.memref_squeeze %dma_start3A_1194 : memref<1x8x128xf32, #tpu.memory_space<vmem>> -> memref<8x128xf32, #tpu.memory_space<vmem>>
    %dma_start3A_1196 = tpu.memref_slice %arg2[%multiple_of3A_511, %multiple_of3A] : memref<100000x1024xf32, #tpu.memory_space<hbm>> -> memref<8x128xf32, #tpu.memory_space<hbm>>
    %dma_start3A_1197 = arith.constant 0 : i32
    %dma_start3A_1198 = arith.constant 0 : i32
    %dma_start3A_1199 = tpu.memref_slice %arg7[%dma_start3A_1191, %dma_start3A_1197, %dma_start3A_1198] : memref<64x8x128xf32, #tpu.memory_space<vmem>> -> memref<1x8x128xf32, #tpu.memory_space<vmem>>
    %dma_start3A_1200 = tpu.memref_squeeze %dma_start3A_1199 : memref<1x8x128xf32, #tpu.memory_space<vmem>> -> memref<8x128xf32, #tpu.memory_space<vmem>>
    %dma_start3A_1201 = tpu.memref_slice %arg2[%multiple_of3A_511, %multiple_of3A] : memref<100000x1024xf32, #tpu.memory_space<hbm>> -> memref<8x128xf32, #tpu.memory_space<hbm>>
    tpu.enqueue_dma source(%dma_start3A_1201 : memref<8x128xf32, #tpu.memory_space<hbm>>) target(%dma_start3A_1200 : memref<8x128xf32, #tpu.memory_space<vmem>>) target_semaphore(%arg9 : memref<!tpu.dma_semaphore, #tpu.memory_space<semaphore_mem>>)
    %dma_start3A_1202 = arith.constant 51 : i32
    %dma_start3A_1203 = arith.constant 0 : i32
    %dma_start3A_1204 = arith.constant 0 : i32
    %dma_start3A_1205 = tpu.memref_slice %arg7[%dma_start3A_1202, %dma_start3A_1203, %dma_start3A_1204] : memref<64x8x128xf32, #tpu.memory_space<vmem>> -> memref<1x8x128xf32, #tpu.memory_space<vmem>>
    %dma_start3A_1206 = tpu.memref_squeeze %dma_start3A_1205 : memref<1x8x128xf32, #tpu.memory_space<vmem>> -> memref<8x128xf32, #tpu.memory_space<vmem>>
    %dma_start3A_1207 = tpu.memref_slice %arg2[%multiple_of3A_521, %multiple_of3A] : memref<100000x1024xf32, #tpu.memory_space<hbm>> -> memref<8x128xf32, #tpu.memory_space<hbm>>
    %dma_start3A_1208 = arith.constant 0 : i32
    %dma_start3A_1209 = arith.constant 0 : i32
    %dma_start3A_1210 = tpu.memref_slice %arg7[%dma_start3A_1202, %dma_start3A_1208, %dma_start3A_1209] : memref<64x8x128xf32, #tpu.memory_space<vmem>> -> memref<1x8x128xf32, #tpu.memory_space<vmem>>
    %dma_start3A_1211 = tpu.memref_squeeze %dma_start3A_1210 : memref<1x8x128xf32, #tpu.memory_space<vmem>> -> memref<8x128xf32, #tpu.memory_space<vmem>>
    %dma_start3A_1212 = tpu.memref_slice %arg2[%multiple_of3A_521, %multiple_of3A] : memref<100000x1024xf32, #tpu.memory_space<hbm>> -> memref<8x128xf32, #tpu.memory_space<hbm>>
    tpu.enqueue_dma source(%dma_start3A_1212 : memref<8x128xf32, #tpu.memory_space<hbm>>) target(%dma_start3A_1211 : memref<8x128xf32, #tpu.memory_space<vmem>>) target_semaphore(%arg9 : memref<!tpu.dma_semaphore, #tpu.memory_space<semaphore_mem>>)
    %dma_start3A_1213 = arith.constant 52 : i32
    %dma_start3A_1214 = arith.constant 0 : i32
    %dma_start3A_1215 = arith.constant 0 : i32
    %dma_start3A_1216 = tpu.memref_slice %arg7[%dma_start3A_1213, %dma_start3A_1214, %dma_start3A_1215] : memref<64x8x128xf32, #tpu.memory_space<vmem>> -> memref<1x8x128xf32, #tpu.memory_space<vmem>>
    %dma_start3A_1217 = tpu.memref_squeeze %dma_start3A_1216 : memref<1x8x128xf32, #tpu.memory_space<vmem>> -> memref<8x128xf32, #tpu.memory_space<vmem>>
    %dma_start3A_1218 = tpu.memref_slice %arg2[%multiple_of3A_531, %multiple_of3A] : memref<100000x1024xf32, #tpu.memory_space<hbm>> -> memref<8x128xf32, #tpu.memory_space<hbm>>
    %dma_start3A_1219 = arith.constant 0 : i32
    %dma_start3A_1220 = arith.constant 0 : i32
    %dma_start3A_1221 = tpu.memref_slice %arg7[%dma_start3A_1213, %dma_start3A_1219, %dma_start3A_1220] : memref<64x8x128xf32, #tpu.memory_space<vmem>> -> memref<1x8x128xf32, #tpu.memory_space<vmem>>
    %dma_start3A_1222 = tpu.memref_squeeze %dma_start3A_1221 : memref<1x8x128xf32, #tpu.memory_space<vmem>> -> memref<8x128xf32, #tpu.memory_space<vmem>>
    %dma_start3A_1223 = tpu.memref_slice %arg2[%multiple_of3A_531, %multiple_of3A] : memref<100000x1024xf32, #tpu.memory_space<hbm>> -> memref<8x128xf32, #tpu.memory_space<hbm>>
    tpu.enqueue_dma source(%dma_start3A_1223 : memref<8x128xf32, #tpu.memory_space<hbm>>) target(%dma_start3A_1222 : memref<8x128xf32, #tpu.memory_space<vmem>>) target_semaphore(%arg9 : memref<!tpu.dma_semaphore, #tpu.memory_space<semaphore_mem>>)
    %dma_start3A_1224 = arith.constant 53 : i32
    %dma_start3A_1225 = arith.constant 0 : i32
    %dma_start3A_1226 = arith.constant 0 : i32
    %dma_start3A_1227 = tpu.memref_slice %arg7[%dma_start3A_1224, %dma_start3A_1225, %dma_start3A_1226] : memref<64x8x128xf32, #tpu.memory_space<vmem>> -> memref<1x8x128xf32, #tpu.memory_space<vmem>>
    %dma_start3A_1228 = tpu.memref_squeeze %dma_start3A_1227 : memref<1x8x128xf32, #tpu.memory_space<vmem>> -> memref<8x128xf32, #tpu.memory_space<vmem>>
    %dma_start3A_1229 = tpu.memref_slice %arg2[%multiple_of3A_541, %multiple_of3A] : memref<100000x1024xf32, #tpu.memory_space<hbm>> -> memref<8x128xf32, #tpu.memory_space<hbm>>
    %dma_start3A_1230 = arith.constant 0 : i32
    %dma_start3A_1231 = arith.constant 0 : i32
    %dma_start3A_1232 = tpu.memref_slice %arg7[%dma_start3A_1224, %dma_start3A_1230, %dma_start3A_1231] : memref<64x8x128xf32, #tpu.memory_space<vmem>> -> memref<1x8x128xf32, #tpu.memory_space<vmem>>
    %dma_start3A_1233 = tpu.memref_squeeze %dma_start3A_1232 : memref<1x8x128xf32, #tpu.memory_space<vmem>> -> memref<8x128xf32, #tpu.memory_space<vmem>>
    %dma_start3A_1234 = tpu.memref_slice %arg2[%multiple_of3A_541, %multiple_of3A] : memref<100000x1024xf32, #tpu.memory_space<hbm>> -> memref<8x128xf32, #tpu.memory_space<hbm>>
    tpu.enqueue_dma source(%dma_start3A_1234 : memref<8x128xf32, #tpu.memory_space<hbm>>) target(%dma_start3A_1233 : memref<8x128xf32, #tpu.memory_space<vmem>>) target_semaphore(%arg9 : memref<!tpu.dma_semaphore, #tpu.memory_space<semaphore_mem>>)
    %dma_start3A_1235 = arith.constant 54 : i32
    %dma_start3A_1236 = arith.constant 0 : i32
    %dma_start3A_1237 = arith.constant 0 : i32
    %dma_start3A_1238 = tpu.memref_slice %arg7[%dma_start3A_1235, %dma_start3A_1236, %dma_start3A_1237] : memref<64x8x128xf32, #tpu.memory_space<vmem>> -> memref<1x8x128xf32, #tpu.memory_space<vmem>>
    %dma_start3A_1239 = tpu.memref_squeeze %dma_start3A_1238 : memref<1x8x128xf32, #tpu.memory_space<vmem>> -> memref<8x128xf32, #tpu.memory_space<vmem>>
    %dma_start3A_1240 = tpu.memref_slice %arg2[%multiple_of3A_551, %multiple_of3A] : memref<100000x1024xf32, #tpu.memory_space<hbm>> -> memref<8x128xf32, #tpu.memory_space<hbm>>
    %dma_start3A_1241 = arith.constant 0 : i32
    %dma_start3A_1242 = arith.constant 0 : i32
    %dma_start3A_1243 = tpu.memref_slice %arg7[%dma_start3A_1235, %dma_start3A_1241, %dma_start3A_1242] : memref<64x8x128xf32, #tpu.memory_space<vmem>> -> memref<1x8x128xf32, #tpu.memory_space<vmem>>
    %dma_start3A_1244 = tpu.memref_squeeze %dma_start3A_1243 : memref<1x8x128xf32, #tpu.memory_space<vmem>> -> memref<8x128xf32, #tpu.memory_space<vmem>>
    %dma_start3A_1245 = tpu.memref_slice %arg2[%multiple_of3A_551, %multiple_of3A] : memref<100000x1024xf32, #tpu.memory_space<hbm>> -> memref<8x128xf32, #tpu.memory_space<hbm>>
    tpu.enqueue_dma source(%dma_start3A_1245 : memref<8x128xf32, #tpu.memory_space<hbm>>) target(%dma_start3A_1244 : memref<8x128xf32, #tpu.memory_space<vmem>>) target_semaphore(%arg9 : memref<!tpu.dma_semaphore, #tpu.memory_space<semaphore_mem>>)
    %dma_start3A_1246 = arith.constant 55 : i32
    %dma_start3A_1247 = arith.constant 0 : i32
    %dma_start3A_1248 = arith.constant 0 : i32
    %dma_start3A_1249 = tpu.memref_slice %arg7[%dma_start3A_1246, %dma_start3A_1247, %dma_start3A_1248] : memref<64x8x128xf32, #tpu.memory_space<vmem>> -> memref<1x8x128xf32, #tpu.memory_space<vmem>>
    %dma_start3A_1250 = tpu.memref_squeeze %dma_start3A_1249 : memref<1x8x128xf32, #tpu.memory_space<vmem>> -> memref<8x128xf32, #tpu.memory_space<vmem>>
    %dma_start3A_1251 = tpu.memref_slice %arg2[%multiple_of3A_561, %multiple_of3A] : memref<100000x1024xf32, #tpu.memory_space<hbm>> -> memref<8x128xf32, #tpu.memory_space<hbm>>
    %dma_start3A_1252 = arith.constant 0 : i32
    %dma_start3A_1253 = arith.constant 0 : i32
    %dma_start3A_1254 = tpu.memref_slice %arg7[%dma_start3A_1246, %dma_start3A_1252, %dma_start3A_1253] : memref<64x8x128xf32, #tpu.memory_space<vmem>> -> memref<1x8x128xf32, #tpu.memory_space<vmem>>
    %dma_start3A_1255 = tpu.memref_squeeze %dma_start3A_1254 : memref<1x8x128xf32, #tpu.memory_space<vmem>> -> memref<8x128xf32, #tpu.memory_space<vmem>>
    %dma_start3A_1256 = tpu.memref_slice %arg2[%multiple_of3A_561, %multiple_of3A] : memref<100000x1024xf32, #tpu.memory_space<hbm>> -> memref<8x128xf32, #tpu.memory_space<hbm>>
    tpu.enqueue_dma source(%dma_start3A_1256 : memref<8x128xf32, #tpu.memory_space<hbm>>) target(%dma_start3A_1255 : memref<8x128xf32, #tpu.memory_space<vmem>>) target_semaphore(%arg9 : memref<!tpu.dma_semaphore, #tpu.memory_space<semaphore_mem>>)
    %dma_start3A_1257 = arith.constant 56 : i32
    %dma_start3A_1258 = arith.constant 0 : i32
    %dma_start3A_1259 = arith.constant 0 : i32
    %dma_start3A_1260 = tpu.memref_slice %arg7[%dma_start3A_1257, %dma_start3A_1258, %dma_start3A_1259] : memref<64x8x128xf32, #tpu.memory_space<vmem>> -> memref<1x8x128xf32, #tpu.memory_space<vmem>>
    %dma_start3A_1261 = tpu.memref_squeeze %dma_start3A_1260 : memref<1x8x128xf32, #tpu.memory_space<vmem>> -> memref<8x128xf32, #tpu.memory_space<vmem>>
    %dma_start3A_1262 = tpu.memref_slice %arg2[%multiple_of3A_571, %multiple_of3A] : memref<100000x1024xf32, #tpu.memory_space<hbm>> -> memref<8x128xf32, #tpu.memory_space<hbm>>
    %dma_start3A_1263 = arith.constant 0 : i32
    %dma_start3A_1264 = arith.constant 0 : i32
    %dma_start3A_1265 = tpu.memref_slice %arg7[%dma_start3A_1257, %dma_start3A_1263, %dma_start3A_1264] : memref<64x8x128xf32, #tpu.memory_space<vmem>> -> memref<1x8x128xf32, #tpu.memory_space<vmem>>
    %dma_start3A_1266 = tpu.memref_squeeze %dma_start3A_1265 : memref<1x8x128xf32, #tpu.memory_space<vmem>> -> memref<8x128xf32, #tpu.memory_space<vmem>>
    %dma_start3A_1267 = tpu.memref_slice %arg2[%multiple_of3A_571, %multiple_of3A] : memref<100000x1024xf32, #tpu.memory_space<hbm>> -> memref<8x128xf32, #tpu.memory_space<hbm>>
    tpu.enqueue_dma source(%dma_start3A_1267 : memref<8x128xf32, #tpu.memory_space<hbm>>) target(%dma_start3A_1266 : memref<8x128xf32, #tpu.memory_space<vmem>>) target_semaphore(%arg9 : memref<!tpu.dma_semaphore, #tpu.memory_space<semaphore_mem>>)
    %dma_start3A_1268 = arith.constant 57 : i32
    %dma_start3A_1269 = arith.constant 0 : i32
    %dma_start3A_1270 = arith.constant 0 : i32
    %dma_start3A_1271 = tpu.memref_slice %arg7[%dma_start3A_1268, %dma_start3A_1269, %dma_start3A_1270] : memref<64x8x128xf32, #tpu.memory_space<vmem>> -> memref<1x8x128xf32, #tpu.memory_space<vmem>>
    %dma_start3A_1272 = tpu.memref_squeeze %dma_start3A_1271 : memref<1x8x128xf32, #tpu.memory_space<vmem>> -> memref<8x128xf32, #tpu.memory_space<vmem>>
    %dma_start3A_1273 = tpu.memref_slice %arg2[%multiple_of3A_581, %multiple_of3A] : memref<100000x1024xf32, #tpu.memory_space<hbm>> -> memref<8x128xf32, #tpu.memory_space<hbm>>
    %dma_start3A_1274 = arith.constant 0 : i32
    %dma_start3A_1275 = arith.constant 0 : i32
    %dma_start3A_1276 = tpu.memref_slice %arg7[%dma_start3A_1268, %dma_start3A_1274, %dma_start3A_1275] : memref<64x8x128xf32, #tpu.memory_space<vmem>> -> memref<1x8x128xf32, #tpu.memory_space<vmem>>
    %dma_start3A_1277 = tpu.memref_squeeze %dma_start3A_1276 : memref<1x8x128xf32, #tpu.memory_space<vmem>> -> memref<8x128xf32, #tpu.memory_space<vmem>>
    %dma_start3A_1278 = tpu.memref_slice %arg2[%multiple_of3A_581, %multiple_of3A] : memref<100000x1024xf32, #tpu.memory_space<hbm>> -> memref<8x128xf32, #tpu.memory_space<hbm>>
    tpu.enqueue_dma source(%dma_start3A_1278 : memref<8x128xf32, #tpu.memory_space<hbm>>) target(%dma_start3A_1277 : memref<8x128xf32, #tpu.memory_space<vmem>>) target_semaphore(%arg9 : memref<!tpu.dma_semaphore, #tpu.memory_space<semaphore_mem>>)
    %dma_start3A_1279 = arith.constant 58 : i32
    %dma_start3A_1280 = arith.constant 0 : i32
    %dma_start3A_1281 = arith.constant 0 : i32
    %dma_start3A_1282 = tpu.memref_slice %arg7[%dma_start3A_1279, %dma_start3A_1280, %dma_start3A_1281] : memref<64x8x128xf32, #tpu.memory_space<vmem>> -> memref<1x8x128xf32, #tpu.memory_space<vmem>>
    %dma_start3A_1283 = tpu.memref_squeeze %dma_start3A_1282 : memref<1x8x128xf32, #tpu.memory_space<vmem>> -> memref<8x128xf32, #tpu.memory_space<vmem>>
    %dma_start3A_1284 = tpu.memref_slice %arg2[%multiple_of3A_591, %multiple_of3A] : memref<100000x1024xf32, #tpu.memory_space<hbm>> -> memref<8x128xf32, #tpu.memory_space<hbm>>
    %dma_start3A_1285 = arith.constant 0 : i32
    %dma_start3A_1286 = arith.constant 0 : i32
    %dma_start3A_1287 = tpu.memref_slice %arg7[%dma_start3A_1279, %dma_start3A_1285, %dma_start3A_1286] : memref<64x8x128xf32, #tpu.memory_space<vmem>> -> memref<1x8x128xf32, #tpu.memory_space<vmem>>
    %dma_start3A_1288 = tpu.memref_squeeze %dma_start3A_1287 : memref<1x8x128xf32, #tpu.memory_space<vmem>> -> memref<8x128xf32, #tpu.memory_space<vmem>>
    %dma_start3A_1289 = tpu.memref_slice %arg2[%multiple_of3A_591, %multiple_of3A] : memref<100000x1024xf32, #tpu.memory_space<hbm>> -> memref<8x128xf32, #tpu.memory_space<hbm>>
    tpu.enqueue_dma source(%dma_start3A_1289 : memref<8x128xf32, #tpu.memory_space<hbm>>) target(%dma_start3A_1288 : memref<8x128xf32, #tpu.memory_space<vmem>>) target_semaphore(%arg9 : memref<!tpu.dma_semaphore, #tpu.memory_space<semaphore_mem>>)
    %dma_start3A_1290 = arith.constant 59 : i32
    %dma_start3A_1291 = arith.constant 0 : i32
    %dma_start3A_1292 = arith.constant 0 : i32
    %dma_start3A_1293 = tpu.memref_slice %arg7[%dma_start3A_1290, %dma_start3A_1291, %dma_start3A_1292] : memref<64x8x128xf32, #tpu.memory_space<vmem>> -> memref<1x8x128xf32, #tpu.memory_space<vmem>>
    %dma_start3A_1294 = tpu.memref_squeeze %dma_start3A_1293 : memref<1x8x128xf32, #tpu.memory_space<vmem>> -> memref<8x128xf32, #tpu.memory_space<vmem>>
    %dma_start3A_1295 = tpu.memref_slice %arg2[%multiple_of3A_601, %multiple_of3A] : memref<100000x1024xf32, #tpu.memory_space<hbm>> -> memref<8x128xf32, #tpu.memory_space<hbm>>
    %dma_start3A_1296 = arith.constant 0 : i32
    %dma_start3A_1297 = arith.constant 0 : i32
    %dma_start3A_1298 = tpu.memref_slice %arg7[%dma_start3A_1290, %dma_start3A_1296, %dma_start3A_1297] : memref<64x8x128xf32, #tpu.memory_space<vmem>> -> memref<1x8x128xf32, #tpu.memory_space<vmem>>
    %dma_start3A_1299 = tpu.memref_squeeze %dma_start3A_1298 : memref<1x8x128xf32, #tpu.memory_space<vmem>> -> memref<8x128xf32, #tpu.memory_space<vmem>>
    %dma_start3A_1300 = tpu.memref_slice %arg2[%multiple_of3A_601, %multiple_of3A] : memref<100000x1024xf32, #tpu.memory_space<hbm>> -> memref<8x128xf32, #tpu.memory_space<hbm>>
    tpu.enqueue_dma source(%dma_start3A_1300 : memref<8x128xf32, #tpu.memory_space<hbm>>) target(%dma_start3A_1299 : memref<8x128xf32, #tpu.memory_space<vmem>>) target_semaphore(%arg9 : memref<!tpu.dma_semaphore, #tpu.memory_space<semaphore_mem>>)
    %dma_start3A_1301 = arith.constant 60 : i32
    %dma_start3A_1302 = arith.constant 0 : i32
    %dma_start3A_1303 = arith.constant 0 : i32
    %dma_start3A_1304 = tpu.memref_slice %arg7[%dma_start3A_1301, %dma_start3A_1302, %dma_start3A_1303] : memref<64x8x128xf32, #tpu.memory_space<vmem>> -> memref<1x8x128xf32, #tpu.memory_space<vmem>>
    %dma_start3A_1305 = tpu.memref_squeeze %dma_start3A_1304 : memref<1x8x128xf32, #tpu.memory_space<vmem>> -> memref<8x128xf32, #tpu.memory_space<vmem>>
    %dma_start3A_1306 = tpu.memref_slice %arg2[%multiple_of3A_611, %multiple_of3A] : memref<100000x1024xf32, #tpu.memory_space<hbm>> -> memref<8x128xf32, #tpu.memory_space<hbm>>
    %dma_start3A_1307 = arith.constant 0 : i32
    %dma_start3A_1308 = arith.constant 0 : i32
    %dma_start3A_1309 = tpu.memref_slice %arg7[%dma_start3A_1301, %dma_start3A_1307, %dma_start3A_1308] : memref<64x8x128xf32, #tpu.memory_space<vmem>> -> memref<1x8x128xf32, #tpu.memory_space<vmem>>
    %dma_start3A_1310 = tpu.memref_squeeze %dma_start3A_1309 : memref<1x8x128xf32, #tpu.memory_space<vmem>> -> memref<8x128xf32, #tpu.memory_space<vmem>>
    %dma_start3A_1311 = tpu.memref_slice %arg2[%multiple_of3A_611, %multiple_of3A] : memref<100000x1024xf32, #tpu.memory_space<hbm>> -> memref<8x128xf32, #tpu.memory_space<hbm>>
    tpu.enqueue_dma source(%dma_start3A_1311 : memref<8x128xf32, #tpu.memory_space<hbm>>) target(%dma_start3A_1310 : memref<8x128xf32, #tpu.memory_space<vmem>>) target_semaphore(%arg9 : memref<!tpu.dma_semaphore, #tpu.memory_space<semaphore_mem>>)
    %dma_start3A_1312 = arith.constant 61 : i32
    %dma_start3A_1313 = arith.constant 0 : i32
    %dma_start3A_1314 = arith.constant 0 : i32
    %dma_start3A_1315 = tpu.memref_slice %arg7[%dma_start3A_1312, %dma_start3A_1313, %dma_start3A_1314] : memref<64x8x128xf32, #tpu.memory_space<vmem>> -> memref<1x8x128xf32, #tpu.memory_space<vmem>>
    %dma_start3A_1316 = tpu.memref_squeeze %dma_start3A_1315 : memref<1x8x128xf32, #tpu.memory_space<vmem>> -> memref<8x128xf32, #tpu.memory_space<vmem>>
    %dma_start3A_1317 = tpu.memref_slice %arg2[%multiple_of3A_621, %multiple_of3A] : memref<100000x1024xf32, #tpu.memory_space<hbm>> -> memref<8x128xf32, #tpu.memory_space<hbm>>
    %dma_start3A_1318 = arith.constant 0 : i32
    %dma_start3A_1319 = arith.constant 0 : i32
    %dma_start3A_1320 = tpu.memref_slice %arg7[%dma_start3A_1312, %dma_start3A_1318, %dma_start3A_1319] : memref<64x8x128xf32, #tpu.memory_space<vmem>> -> memref<1x8x128xf32, #tpu.memory_space<vmem>>
    %dma_start3A_1321 = tpu.memref_squeeze %dma_start3A_1320 : memref<1x8x128xf32, #tpu.memory_space<vmem>> -> memref<8x128xf32, #tpu.memory_space<vmem>>
    %dma_start3A_1322 = tpu.memref_slice %arg2[%multiple_of3A_621, %multiple_of3A] : memref<100000x1024xf32, #tpu.memory_space<hbm>> -> memref<8x128xf32, #tpu.memory_space<hbm>>
    tpu.enqueue_dma source(%dma_start3A_1322 : memref<8x128xf32, #tpu.memory_space<hbm>>) target(%dma_start3A_1321 : memref<8x128xf32, #tpu.memory_space<vmem>>) target_semaphore(%arg9 : memref<!tpu.dma_semaphore, #tpu.memory_space<semaphore_mem>>)
    %dma_start3A_1323 = arith.constant 62 : i32
    %dma_start3A_1324 = arith.constant 0 : i32
    %dma_start3A_1325 = arith.constant 0 : i32
    %dma_start3A_1326 = tpu.memref_slice %arg7[%dma_start3A_1323, %dma_start3A_1324, %dma_start3A_1325] : memref<64x8x128xf32, #tpu.memory_space<vmem>> -> memref<1x8x128xf32, #tpu.memory_space<vmem>>
    %dma_start3A_1327 = tpu.memref_squeeze %dma_start3A_1326 : memref<1x8x128xf32, #tpu.memory_space<vmem>> -> memref<8x128xf32, #tpu.memory_space<vmem>>
    %dma_start3A_1328 = tpu.memref_slice %arg2[%multiple_of3A_631, %multiple_of3A] : memref<100000x1024xf32, #tpu.memory_space<hbm>> -> memref<8x128xf32, #tpu.memory_space<hbm>>
    %dma_start3A_1329 = arith.constant 0 : i32
    %dma_start3A_1330 = arith.constant 0 : i32
    %dma_start3A_1331 = tpu.memref_slice %arg7[%dma_start3A_1323, %dma_start3A_1329, %dma_start3A_1330] : memref<64x8x128xf32, #tpu.memory_space<vmem>> -> memref<1x8x128xf32, #tpu.memory_space<vmem>>
    %dma_start3A_1332 = tpu.memref_squeeze %dma_start3A_1331 : memref<1x8x128xf32, #tpu.memory_space<vmem>> -> memref<8x128xf32, #tpu.memory_space<vmem>>
    %dma_start3A_1333 = tpu.memref_slice %arg2[%multiple_of3A_631, %multiple_of3A] : memref<100000x1024xf32, #tpu.memory_space<hbm>> -> memref<8x128xf32, #tpu.memory_space<hbm>>
    tpu.enqueue_dma source(%dma_start3A_1333 : memref<8x128xf32, #tpu.memory_space<hbm>>) target(%dma_start3A_1332 : memref<8x128xf32, #tpu.memory_space<vmem>>) target_semaphore(%arg9 : memref<!tpu.dma_semaphore, #tpu.memory_space<semaphore_mem>>)
    %dma_start3A_1334 = arith.constant 63 : i32
    %dma_start3A_1335 = arith.constant 0 : i32
    %dma_start3A_1336 = arith.constant 0 : i32
    %dma_start3A_1337 = tpu.memref_slice %arg7[%dma_start3A_1334, %dma_start3A_1335, %dma_start3A_1336] : memref<64x8x128xf32, #tpu.memory_space<vmem>> -> memref<1x8x128xf32, #tpu.memory_space<vmem>>
    %dma_start3A_1338 = tpu.memref_squeeze %dma_start3A_1337 : memref<1x8x128xf32, #tpu.memory_space<vmem>> -> memref<8x128xf32, #tpu.memory_space<vmem>>
    %dma_start3A_1339 = tpu.memref_slice %arg2[%multiple_of3A_641, %multiple_of3A] : memref<100000x1024xf32, #tpu.memory_space<hbm>> -> memref<8x128xf32, #tpu.memory_space<hbm>>
    %dma_start3A_1340 = arith.constant 0 : i32
    %dma_start3A_1341 = arith.constant 0 : i32
    %dma_start3A_1342 = tpu.memref_slice %arg7[%dma_start3A_1334, %dma_start3A_1340, %dma_start3A_1341] : memref<64x8x128xf32, #tpu.memory_space<vmem>> -> memref<1x8x128xf32, #tpu.memory_space<vmem>>
    %dma_start3A_1343 = tpu.memref_squeeze %dma_start3A_1342 : memref<1x8x128xf32, #tpu.memory_space<vmem>> -> memref<8x128xf32, #tpu.memory_space<vmem>>
    %dma_start3A_1344 = tpu.memref_slice %arg2[%multiple_of3A_641, %multiple_of3A] : memref<100000x1024xf32, #tpu.memory_space<hbm>> -> memref<8x128xf32, #tpu.memory_space<hbm>>
    tpu.enqueue_dma source(%dma_start3A_1344 : memref<8x128xf32, #tpu.memory_space<hbm>>) target(%dma_start3A_1343 : memref<8x128xf32, #tpu.memory_space<vmem>>) target_semaphore(%arg9 : memref<!tpu.dma_semaphore, #tpu.memory_space<semaphore_mem>>)
    %dma_wait3A = arith.constant 0 : i32
    %dma_wait3A_1345 = arith.constant 0 : i32
    %dma_wait3A_1346 = arith.constant 0 : i32
    %dma_wait3A_1347 = tpu.memref_slice %arg7[%dma_wait3A, %dma_wait3A_1345, %dma_wait3A_1346] : memref<64x8x128xf32, #tpu.memory_space<vmem>> -> memref<1x8x128xf32, #tpu.memory_space<vmem>>
    %dma_wait3A_1348 = tpu.memref_squeeze %dma_wait3A_1347 : memref<1x8x128xf32, #tpu.memory_space<vmem>> -> memref<8x128xf32, #tpu.memory_space<vmem>>
    %dma_wait3A_1349 = tpu.memref_slice %arg2[%multiple_of3A_11, %multiple_of3A] : memref<100000x1024xf32, #tpu.memory_space<hbm>> -> memref<8x128xf32, #tpu.memory_space<hbm>>
    %dma_wait3A_1350 = arith.constant 0 : i32
    %dma_wait3A_1351 = arith.constant 0 : i32
    %dma_wait3A_1352 = tpu.memref_slice %arg7[%dma_wait3A, %dma_wait3A_1350, %dma_wait3A_1351] : memref<64x8x128xf32, #tpu.memory_space<vmem>> -> memref<1x8x128xf32, #tpu.memory_space<vmem>>
    %dma_wait3A_1353 = tpu.memref_squeeze %dma_wait3A_1352 : memref<1x8x128xf32, #tpu.memory_space<vmem>> -> memref<8x128xf32, #tpu.memory_space<vmem>>
    %dma_wait3A_1354 = tpu.memref_slice %arg2[%multiple_of3A_11, %multiple_of3A] : memref<100000x1024xf32, #tpu.memory_space<hbm>> -> memref<8x128xf32, #tpu.memory_space<hbm>>
    tpu.wait_dma2 semaphore(%arg9 : memref<!tpu.dma_semaphore, #tpu.memory_space<semaphore_mem>>) src(%dma_wait3A_1354 : memref<8x128xf32, #tpu.memory_space<hbm>>) dst(%dma_wait3A_1353 : memref<8x128xf32, #tpu.memory_space<vmem>>)
    %dma_wait3A_1355 = arith.constant 1 : i32
    %dma_wait3A_1356 = arith.constant 0 : i32
    %dma_wait3A_1357 = arith.constant 0 : i32
    %dma_wait3A_1358 = tpu.memref_slice %arg7[%dma_wait3A_1355, %dma_wait3A_1356, %dma_wait3A_1357] : memref<64x8x128xf32, #tpu.memory_space<vmem>> -> memref<1x8x128xf32, #tpu.memory_space<vmem>>
    %dma_wait3A_1359 = tpu.memref_squeeze %dma_wait3A_1358 : memref<1x8x128xf32, #tpu.memory_space<vmem>> -> memref<8x128xf32, #tpu.memory_space<vmem>>
    %dma_wait3A_1360 = tpu.memref_slice %arg2[%multiple_of3A_21, %multiple_of3A] : memref<100000x1024xf32, #tpu.memory_space<hbm>> -> memref<8x128xf32, #tpu.memory_space<hbm>>
    %dma_wait3A_1361 = arith.constant 0 : i32
    %dma_wait3A_1362 = arith.constant 0 : i32
    %dma_wait3A_1363 = tpu.memref_slice %arg7[%dma_wait3A_1355, %dma_wait3A_1361, %dma_wait3A_1362] : memref<64x8x128xf32, #tpu.memory_space<vmem>> -> memref<1x8x128xf32, #tpu.memory_space<vmem>>
    %dma_wait3A_1364 = tpu.memref_squeeze %dma_wait3A_1363 : memref<1x8x128xf32, #tpu.memory_space<vmem>> -> memref<8x128xf32, #tpu.memory_space<vmem>>
    %dma_wait3A_1365 = tpu.memref_slice %arg2[%multiple_of3A_21, %multiple_of3A] : memref<100000x1024xf32, #tpu.memory_space<hbm>> -> memref<8x128xf32, #tpu.memory_space<hbm>>
    tpu.wait_dma2 semaphore(%arg9 : memref<!tpu.dma_semaphore, #tpu.memory_space<semaphore_mem>>) src(%dma_wait3A_1365 : memref<8x128xf32, #tpu.memory_space<hbm>>) dst(%dma_wait3A_1364 : memref<8x128xf32, #tpu.memory_space<vmem>>)
    %dma_wait3A_1366 = arith.constant 2 : i32
    %dma_wait3A_1367 = arith.constant 0 : i32
    %dma_wait3A_1368 = arith.constant 0 : i32
    %dma_wait3A_1369 = tpu.memref_slice %arg7[%dma_wait3A_1366, %dma_wait3A_1367, %dma_wait3A_1368] : memref<64x8x128xf32, #tpu.memory_space<vmem>> -> memref<1x8x128xf32, #tpu.memory_space<vmem>>
    %dma_wait3A_1370 = tpu.memref_squeeze %dma_wait3A_1369 : memref<1x8x128xf32, #tpu.memory_space<vmem>> -> memref<8x128xf32, #tpu.memory_space<vmem>>
    %dma_wait3A_1371 = tpu.memref_slice %arg2[%multiple_of3A_31, %multiple_of3A] : memref<100000x1024xf32, #tpu.memory_space<hbm>> -> memref<8x128xf32, #tpu.memory_space<hbm>>
    %dma_wait3A_1372 = arith.constant 0 : i32
    %dma_wait3A_1373 = arith.constant 0 : i32
    %dma_wait3A_1374 = tpu.memref_slice %arg7[%dma_wait3A_1366, %dma_wait3A_1372, %dma_wait3A_1373] : memref<64x8x128xf32, #tpu.memory_space<vmem>> -> memref<1x8x128xf32, #tpu.memory_space<vmem>>
    %dma_wait3A_1375 = tpu.memref_squeeze %dma_wait3A_1374 : memref<1x8x128xf32, #tpu.memory_space<vmem>> -> memref<8x128xf32, #tpu.memory_space<vmem>>
    %dma_wait3A_1376 = tpu.memref_slice %arg2[%multiple_of3A_31, %multiple_of3A] : memref<100000x1024xf32, #tpu.memory_space<hbm>> -> memref<8x128xf32, #tpu.memory_space<hbm>>
    tpu.wait_dma2 semaphore(%arg9 : memref<!tpu.dma_semaphore, #tpu.memory_space<semaphore_mem>>) src(%dma_wait3A_1376 : memref<8x128xf32, #tpu.memory_space<hbm>>) dst(%dma_wait3A_1375 : memref<8x128xf32, #tpu.memory_space<vmem>>)
    %dma_wait3A_1377 = arith.constant 3 : i32
    %dma_wait3A_1378 = arith.constant 0 : i32
    %dma_wait3A_1379 = arith.constant 0 : i32
    %dma_wait3A_1380 = tpu.memref_slice %arg7[%dma_wait3A_1377, %dma_wait3A_1378, %dma_wait3A_1379] : memref<64x8x128xf32, #tpu.memory_space<vmem>> -> memref<1x8x128xf32, #tpu.memory_space<vmem>>
    %dma_wait3A_1381 = tpu.memref_squeeze %dma_wait3A_1380 : memref<1x8x128xf32, #tpu.memory_space<vmem>> -> memref<8x128xf32, #tpu.memory_space<vmem>>
    %dma_wait3A_1382 = tpu.memref_slice %arg2[%multiple_of3A_41, %multiple_of3A] : memref<100000x1024xf32, #tpu.memory_space<hbm>> -> memref<8x128xf32, #tpu.memory_space<hbm>>
    %dma_wait3A_1383 = arith.constant 0 : i32
    %dma_wait3A_1384 = arith.constant 0 : i32
    %dma_wait3A_1385 = tpu.memref_slice %arg7[%dma_wait3A_1377, %dma_wait3A_1383, %dma_wait3A_1384] : memref<64x8x128xf32, #tpu.memory_space<vmem>> -> memref<1x8x128xf32, #tpu.memory_space<vmem>>
    %dma_wait3A_1386 = tpu.memref_squeeze %dma_wait3A_1385 : memref<1x8x128xf32, #tpu.memory_space<vmem>> -> memref<8x128xf32, #tpu.memory_space<vmem>>
    %dma_wait3A_1387 = tpu.memref_slice %arg2[%multiple_of3A_41, %multiple_of3A] : memref<100000x1024xf32, #tpu.memory_space<hbm>> -> memref<8x128xf32, #tpu.memory_space<hbm>>
    tpu.wait_dma2 semaphore(%arg9 : memref<!tpu.dma_semaphore, #tpu.memory_space<semaphore_mem>>) src(%dma_wait3A_1387 : memref<8x128xf32, #tpu.memory_space<hbm>>) dst(%dma_wait3A_1386 : memref<8x128xf32, #tpu.memory_space<vmem>>)
    %dma_wait3A_1388 = arith.constant 4 : i32
    %dma_wait3A_1389 = arith.constant 0 : i32
    %dma_wait3A_1390 = arith.constant 0 : i32
    %dma_wait3A_1391 = tpu.memref_slice %arg7[%dma_wait3A_1388, %dma_wait3A_1389, %dma_wait3A_1390] : memref<64x8x128xf32, #tpu.memory_space<vmem>> -> memref<1x8x128xf32, #tpu.memory_space<vmem>>
    %dma_wait3A_1392 = tpu.memref_squeeze %dma_wait3A_1391 : memref<1x8x128xf32, #tpu.memory_space<vmem>> -> memref<8x128xf32, #tpu.memory_space<vmem>>
    %dma_wait3A_1393 = tpu.memref_slice %arg2[%multiple_of3A_51, %multiple_of3A] : memref<100000x1024xf32, #tpu.memory_space<hbm>> -> memref<8x128xf32, #tpu.memory_space<hbm>>
    %dma_wait3A_1394 = arith.constant 0 : i32
    %dma_wait3A_1395 = arith.constant 0 : i32
    %dma_wait3A_1396 = tpu.memref_slice %arg7[%dma_wait3A_1388, %dma_wait3A_1394, %dma_wait3A_1395] : memref<64x8x128xf32, #tpu.memory_space<vmem>> -> memref<1x8x128xf32, #tpu.memory_space<vmem>>
    %dma_wait3A_1397 = tpu.memref_squeeze %dma_wait3A_1396 : memref<1x8x128xf32, #tpu.memory_space<vmem>> -> memref<8x128xf32, #tpu.memory_space<vmem>>
    %dma_wait3A_1398 = tpu.memref_slice %arg2[%multiple_of3A_51, %multiple_of3A] : memref<100000x1024xf32, #tpu.memory_space<hbm>> -> memref<8x128xf32, #tpu.memory_space<hbm>>
    tpu.wait_dma2 semaphore(%arg9 : memref<!tpu.dma_semaphore, #tpu.memory_space<semaphore_mem>>) src(%dma_wait3A_1398 : memref<8x128xf32, #tpu.memory_space<hbm>>) dst(%dma_wait3A_1397 : memref<8x128xf32, #tpu.memory_space<vmem>>)
    %dma_wait3A_1399 = arith.constant 5 : i32
    %dma_wait3A_1400 = arith.constant 0 : i32
    %dma_wait3A_1401 = arith.constant 0 : i32
    %dma_wait3A_1402 = tpu.memref_slice %arg7[%dma_wait3A_1399, %dma_wait3A_1400, %dma_wait3A_1401] : memref<64x8x128xf32, #tpu.memory_space<vmem>> -> memref<1x8x128xf32, #tpu.memory_space<vmem>>
    %dma_wait3A_1403 = tpu.memref_squeeze %dma_wait3A_1402 : memref<1x8x128xf32, #tpu.memory_space<vmem>> -> memref<8x128xf32, #tpu.memory_space<vmem>>
    %dma_wait3A_1404 = tpu.memref_slice %arg2[%multiple_of3A_61, %multiple_of3A] : memref<100000x1024xf32, #tpu.memory_space<hbm>> -> memref<8x128xf32, #tpu.memory_space<hbm>>
    %dma_wait3A_1405 = arith.constant 0 : i32
    %dma_wait3A_1406 = arith.constant 0 : i32
    %dma_wait3A_1407 = tpu.memref_slice %arg7[%dma_wait3A_1399, %dma_wait3A_1405, %dma_wait3A_1406] : memref<64x8x128xf32, #tpu.memory_space<vmem>> -> memref<1x8x128xf32, #tpu.memory_space<vmem>>
    %dma_wait3A_1408 = tpu.memref_squeeze %dma_wait3A_1407 : memref<1x8x128xf32, #tpu.memory_space<vmem>> -> memref<8x128xf32, #tpu.memory_space<vmem>>
    %dma_wait3A_1409 = tpu.memref_slice %arg2[%multiple_of3A_61, %multiple_of3A] : memref<100000x1024xf32, #tpu.memory_space<hbm>> -> memref<8x128xf32, #tpu.memory_space<hbm>>
    tpu.wait_dma2 semaphore(%arg9 : memref<!tpu.dma_semaphore, #tpu.memory_space<semaphore_mem>>) src(%dma_wait3A_1409 : memref<8x128xf32, #tpu.memory_space<hbm>>) dst(%dma_wait3A_1408 : memref<8x128xf32, #tpu.memory_space<vmem>>)
    %dma_wait3A_1410 = arith.constant 6 : i32
    %dma_wait3A_1411 = arith.constant 0 : i32
    %dma_wait3A_1412 = arith.constant 0 : i32
    %dma_wait3A_1413 = tpu.memref_slice %arg7[%dma_wait3A_1410, %dma_wait3A_1411, %dma_wait3A_1412] : memref<64x8x128xf32, #tpu.memory_space<vmem>> -> memref<1x8x128xf32, #tpu.memory_space<vmem>>
    %dma_wait3A_1414 = tpu.memref_squeeze %dma_wait3A_1413 : memref<1x8x128xf32, #tpu.memory_space<vmem>> -> memref<8x128xf32, #tpu.memory_space<vmem>>
    %dma_wait3A_1415 = tpu.memref_slice %arg2[%multiple_of3A_71, %multiple_of3A] : memref<100000x1024xf32, #tpu.memory_space<hbm>> -> memref<8x128xf32, #tpu.memory_space<hbm>>
    %dma_wait3A_1416 = arith.constant 0 : i32
    %dma_wait3A_1417 = arith.constant 0 : i32
    %dma_wait3A_1418 = tpu.memref_slice %arg7[%dma_wait3A_1410, %dma_wait3A_1416, %dma_wait3A_1417] : memref<64x8x128xf32, #tpu.memory_space<vmem>> -> memref<1x8x128xf32, #tpu.memory_space<vmem>>
    %dma_wait3A_1419 = tpu.memref_squeeze %dma_wait3A_1418 : memref<1x8x128xf32, #tpu.memory_space<vmem>> -> memref<8x128xf32, #tpu.memory_space<vmem>>
    %dma_wait3A_1420 = tpu.memref_slice %arg2[%multiple_of3A_71, %multiple_of3A] : memref<100000x1024xf32, #tpu.memory_space<hbm>> -> memref<8x128xf32, #tpu.memory_space<hbm>>
    tpu.wait_dma2 semaphore(%arg9 : memref<!tpu.dma_semaphore, #tpu.memory_space<semaphore_mem>>) src(%dma_wait3A_1420 : memref<8x128xf32, #tpu.memory_space<hbm>>) dst(%dma_wait3A_1419 : memref<8x128xf32, #tpu.memory_space<vmem>>)
    %dma_wait3A_1421 = arith.constant 7 : i32
    %dma_wait3A_1422 = arith.constant 0 : i32
    %dma_wait3A_1423 = arith.constant 0 : i32
    %dma_wait3A_1424 = tpu.memref_slice %arg7[%dma_wait3A_1421, %dma_wait3A_1422, %dma_wait3A_1423] : memref<64x8x128xf32, #tpu.memory_space<vmem>> -> memref<1x8x128xf32, #tpu.memory_space<vmem>>
    %dma_wait3A_1425 = tpu.memref_squeeze %dma_wait3A_1424 : memref<1x8x128xf32, #tpu.memory_space<vmem>> -> memref<8x128xf32, #tpu.memory_space<vmem>>
    %dma_wait3A_1426 = tpu.memref_slice %arg2[%multiple_of3A_81, %multiple_of3A] : memref<100000x1024xf32, #tpu.memory_space<hbm>> -> memref<8x128xf32, #tpu.memory_space<hbm>>
    %dma_wait3A_1427 = arith.constant 0 : i32
    %dma_wait3A_1428 = arith.constant 0 : i32
    %dma_wait3A_1429 = tpu.memref_slice %arg7[%dma_wait3A_1421, %dma_wait3A_1427, %dma_wait3A_1428] : memref<64x8x128xf32, #tpu.memory_space<vmem>> -> memref<1x8x128xf32, #tpu.memory_space<vmem>>
    %dma_wait3A_1430 = tpu.memref_squeeze %dma_wait3A_1429 : memref<1x8x128xf32, #tpu.memory_space<vmem>> -> memref<8x128xf32, #tpu.memory_space<vmem>>
    %dma_wait3A_1431 = tpu.memref_slice %arg2[%multiple_of3A_81, %multiple_of3A] : memref<100000x1024xf32, #tpu.memory_space<hbm>> -> memref<8x128xf32, #tpu.memory_space<hbm>>
    tpu.wait_dma2 semaphore(%arg9 : memref<!tpu.dma_semaphore, #tpu.memory_space<semaphore_mem>>) src(%dma_wait3A_1431 : memref<8x128xf32, #tpu.memory_space<hbm>>) dst(%dma_wait3A_1430 : memref<8x128xf32, #tpu.memory_space<vmem>>)
    %dma_wait3A_1432 = arith.constant 8 : i32
    %dma_wait3A_1433 = arith.constant 0 : i32
    %dma_wait3A_1434 = arith.constant 0 : i32
    %dma_wait3A_1435 = tpu.memref_slice %arg7[%dma_wait3A_1432, %dma_wait3A_1433, %dma_wait3A_1434] : memref<64x8x128xf32, #tpu.memory_space<vmem>> -> memref<1x8x128xf32, #tpu.memory_space<vmem>>
    %dma_wait3A_1436 = tpu.memref_squeeze %dma_wait3A_1435 : memref<1x8x128xf32, #tpu.memory_space<vmem>> -> memref<8x128xf32, #tpu.memory_space<vmem>>
    %dma_wait3A_1437 = tpu.memref_slice %arg2[%multiple_of3A_91, %multiple_of3A] : memref<100000x1024xf32, #tpu.memory_space<hbm>> -> memref<8x128xf32, #tpu.memory_space<hbm>>
    %dma_wait3A_1438 = arith.constant 0 : i32
    %dma_wait3A_1439 = arith.constant 0 : i32
    %dma_wait3A_1440 = tpu.memref_slice %arg7[%dma_wait3A_1432, %dma_wait3A_1438, %dma_wait3A_1439] : memref<64x8x128xf32, #tpu.memory_space<vmem>> -> memref<1x8x128xf32, #tpu.memory_space<vmem>>
    %dma_wait3A_1441 = tpu.memref_squeeze %dma_wait3A_1440 : memref<1x8x128xf32, #tpu.memory_space<vmem>> -> memref<8x128xf32, #tpu.memory_space<vmem>>
    %dma_wait3A_1442 = tpu.memref_slice %arg2[%multiple_of3A_91, %multiple_of3A] : memref<100000x1024xf32, #tpu.memory_space<hbm>> -> memref<8x128xf32, #tpu.memory_space<hbm>>
    tpu.wait_dma2 semaphore(%arg9 : memref<!tpu.dma_semaphore, #tpu.memory_space<semaphore_mem>>) src(%dma_wait3A_1442 : memref<8x128xf32, #tpu.memory_space<hbm>>) dst(%dma_wait3A_1441 : memref<8x128xf32, #tpu.memory_space<vmem>>)
    %dma_wait3A_1443 = arith.constant 9 : i32
    %dma_wait3A_1444 = arith.constant 0 : i32
    %dma_wait3A_1445 = arith.constant 0 : i32
    %dma_wait3A_1446 = tpu.memref_slice %arg7[%dma_wait3A_1443, %dma_wait3A_1444, %dma_wait3A_1445] : memref<64x8x128xf32, #tpu.memory_space<vmem>> -> memref<1x8x128xf32, #tpu.memory_space<vmem>>
    %dma_wait3A_1447 = tpu.memref_squeeze %dma_wait3A_1446 : memref<1x8x128xf32, #tpu.memory_space<vmem>> -> memref<8x128xf32, #tpu.memory_space<vmem>>
    %dma_wait3A_1448 = tpu.memref_slice %arg2[%multiple_of3A_101, %multiple_of3A] : memref<100000x1024xf32, #tpu.memory_space<hbm>> -> memref<8x128xf32, #tpu.memory_space<hbm>>
    %dma_wait3A_1449 = arith.constant 0 : i32
    %dma_wait3A_1450 = arith.constant 0 : i32
    %dma_wait3A_1451 = tpu.memref_slice %arg7[%dma_wait3A_1443, %dma_wait3A_1449, %dma_wait3A_1450] : memref<64x8x128xf32, #tpu.memory_space<vmem>> -> memref<1x8x128xf32, #tpu.memory_space<vmem>>
    %dma_wait3A_1452 = tpu.memref_squeeze %dma_wait3A_1451 : memref<1x8x128xf32, #tpu.memory_space<vmem>> -> memref<8x128xf32, #tpu.memory_space<vmem>>
    %dma_wait3A_1453 = tpu.memref_slice %arg2[%multiple_of3A_101, %multiple_of3A] : memref<100000x1024xf32, #tpu.memory_space<hbm>> -> memref<8x128xf32, #tpu.memory_space<hbm>>
    tpu.wait_dma2 semaphore(%arg9 : memref<!tpu.dma_semaphore, #tpu.memory_space<semaphore_mem>>) src(%dma_wait3A_1453 : memref<8x128xf32, #tpu.memory_space<hbm>>) dst(%dma_wait3A_1452 : memref<8x128xf32, #tpu.memory_space<vmem>>)
    %dma_wait3A_1454 = arith.constant 10 : i32
    %dma_wait3A_1455 = arith.constant 0 : i32
    %dma_wait3A_1456 = arith.constant 0 : i32
    %dma_wait3A_1457 = tpu.memref_slice %arg7[%dma_wait3A_1454, %dma_wait3A_1455, %dma_wait3A_1456] : memref<64x8x128xf32, #tpu.memory_space<vmem>> -> memref<1x8x128xf32, #tpu.memory_space<vmem>>
    %dma_wait3A_1458 = tpu.memref_squeeze %dma_wait3A_1457 : memref<1x8x128xf32, #tpu.memory_space<vmem>> -> memref<8x128xf32, #tpu.memory_space<vmem>>
    %dma_wait3A_1459 = tpu.memref_slice %arg2[%multiple_of3A_111, %multiple_of3A] : memref<100000x1024xf32, #tpu.memory_space<hbm>> -> memref<8x128xf32, #tpu.memory_space<hbm>>
    %dma_wait3A_1460 = arith.constant 0 : i32
    %dma_wait3A_1461 = arith.constant 0 : i32
    %dma_wait3A_1462 = tpu.memref_slice %arg7[%dma_wait3A_1454, %dma_wait3A_1460, %dma_wait3A_1461] : memref<64x8x128xf32, #tpu.memory_space<vmem>> -> memref<1x8x128xf32, #tpu.memory_space<vmem>>
    %dma_wait3A_1463 = tpu.memref_squeeze %dma_wait3A_1462 : memref<1x8x128xf32, #tpu.memory_space<vmem>> -> memref<8x128xf32, #tpu.memory_space<vmem>>
    %dma_wait3A_1464 = tpu.memref_slice %arg2[%multiple_of3A_111, %multiple_of3A] : memref<100000x1024xf32, #tpu.memory_space<hbm>> -> memref<8x128xf32, #tpu.memory_space<hbm>>
    tpu.wait_dma2 semaphore(%arg9 : memref<!tpu.dma_semaphore, #tpu.memory_space<semaphore_mem>>) src(%dma_wait3A_1464 : memref<8x128xf32, #tpu.memory_space<hbm>>) dst(%dma_wait3A_1463 : memref<8x128xf32, #tpu.memory_space<vmem>>)
    %dma_wait3A_1465 = arith.constant 11 : i32
    %dma_wait3A_1466 = arith.constant 0 : i32
    %dma_wait3A_1467 = arith.constant 0 : i32
    %dma_wait3A_1468 = tpu.memref_slice %arg7[%dma_wait3A_1465, %dma_wait3A_1466, %dma_wait3A_1467] : memref<64x8x128xf32, #tpu.memory_space<vmem>> -> memref<1x8x128xf32, #tpu.memory_space<vmem>>
    %dma_wait3A_1469 = tpu.memref_squeeze %dma_wait3A_1468 : memref<1x8x128xf32, #tpu.memory_space<vmem>> -> memref<8x128xf32, #tpu.memory_space<vmem>>
    %dma_wait3A_1470 = tpu.memref_slice %arg2[%multiple_of3A_121, %multiple_of3A] : memref<100000x1024xf32, #tpu.memory_space<hbm>> -> memref<8x128xf32, #tpu.memory_space<hbm>>
    %dma_wait3A_1471 = arith.constant 0 : i32
    %dma_wait3A_1472 = arith.constant 0 : i32
    %dma_wait3A_1473 = tpu.memref_slice %arg7[%dma_wait3A_1465, %dma_wait3A_1471, %dma_wait3A_1472] : memref<64x8x128xf32, #tpu.memory_space<vmem>> -> memref<1x8x128xf32, #tpu.memory_space<vmem>>
    %dma_wait3A_1474 = tpu.memref_squeeze %dma_wait3A_1473 : memref<1x8x128xf32, #tpu.memory_space<vmem>> -> memref<8x128xf32, #tpu.memory_space<vmem>>
    %dma_wait3A_1475 = tpu.memref_slice %arg2[%multiple_of3A_121, %multiple_of3A] : memref<100000x1024xf32, #tpu.memory_space<hbm>> -> memref<8x128xf32, #tpu.memory_space<hbm>>
    tpu.wait_dma2 semaphore(%arg9 : memref<!tpu.dma_semaphore, #tpu.memory_space<semaphore_mem>>) src(%dma_wait3A_1475 : memref<8x128xf32, #tpu.memory_space<hbm>>) dst(%dma_wait3A_1474 : memref<8x128xf32, #tpu.memory_space<vmem>>)
    %dma_wait3A_1476 = arith.constant 12 : i32
    %dma_wait3A_1477 = arith.constant 0 : i32
    %dma_wait3A_1478 = arith.constant 0 : i32
    %dma_wait3A_1479 = tpu.memref_slice %arg7[%dma_wait3A_1476, %dma_wait3A_1477, %dma_wait3A_1478] : memref<64x8x128xf32, #tpu.memory_space<vmem>> -> memref<1x8x128xf32, #tpu.memory_space<vmem>>
    %dma_wait3A_1480 = tpu.memref_squeeze %dma_wait3A_1479 : memref<1x8x128xf32, #tpu.memory_space<vmem>> -> memref<8x128xf32, #tpu.memory_space<vmem>>
    %dma_wait3A_1481 = tpu.memref_slice %arg2[%multiple_of3A_131, %multiple_of3A] : memref<100000x1024xf32, #tpu.memory_space<hbm>> -> memref<8x128xf32, #tpu.memory_space<hbm>>
    %dma_wait3A_1482 = arith.constant 0 : i32
    %dma_wait3A_1483 = arith.constant 0 : i32
    %dma_wait3A_1484 = tpu.memref_slice %arg7[%dma_wait3A_1476, %dma_wait3A_1482, %dma_wait3A_1483] : memref<64x8x128xf32, #tpu.memory_space<vmem>> -> memref<1x8x128xf32, #tpu.memory_space<vmem>>
    %dma_wait3A_1485 = tpu.memref_squeeze %dma_wait3A_1484 : memref<1x8x128xf32, #tpu.memory_space<vmem>> -> memref<8x128xf32, #tpu.memory_space<vmem>>
    %dma_wait3A_1486 = tpu.memref_slice %arg2[%multiple_of3A_131, %multiple_of3A] : memref<100000x1024xf32, #tpu.memory_space<hbm>> -> memref<8x128xf32, #tpu.memory_space<hbm>>
    tpu.wait_dma2 semaphore(%arg9 : memref<!tpu.dma_semaphore, #tpu.memory_space<semaphore_mem>>) src(%dma_wait3A_1486 : memref<8x128xf32, #tpu.memory_space<hbm>>) dst(%dma_wait3A_1485 : memref<8x128xf32, #tpu.memory_space<vmem>>)
    %dma_wait3A_1487 = arith.constant 13 : i32
    %dma_wait3A_1488 = arith.constant 0 : i32
    %dma_wait3A_1489 = arith.constant 0 : i32
    %dma_wait3A_1490 = tpu.memref_slice %arg7[%dma_wait3A_1487, %dma_wait3A_1488, %dma_wait3A_1489] : memref<64x8x128xf32, #tpu.memory_space<vmem>> -> memref<1x8x128xf32, #tpu.memory_space<vmem>>
    %dma_wait3A_1491 = tpu.memref_squeeze %dma_wait3A_1490 : memref<1x8x128xf32, #tpu.memory_space<vmem>> -> memref<8x128xf32, #tpu.memory_space<vmem>>
    %dma_wait3A_1492 = tpu.memref_slice %arg2[%multiple_of3A_141, %multiple_of3A] : memref<100000x1024xf32, #tpu.memory_space<hbm>> -> memref<8x128xf32, #tpu.memory_space<hbm>>
    %dma_wait3A_1493 = arith.constant 0 : i32
    %dma_wait3A_1494 = arith.constant 0 : i32
    %dma_wait3A_1495 = tpu.memref_slice %arg7[%dma_wait3A_1487, %dma_wait3A_1493, %dma_wait3A_1494] : memref<64x8x128xf32, #tpu.memory_space<vmem>> -> memref<1x8x128xf32, #tpu.memory_space<vmem>>
    %dma_wait3A_1496 = tpu.memref_squeeze %dma_wait3A_1495 : memref<1x8x128xf32, #tpu.memory_space<vmem>> -> memref<8x128xf32, #tpu.memory_space<vmem>>
    %dma_wait3A_1497 = tpu.memref_slice %arg2[%multiple_of3A_141, %multiple_of3A] : memref<100000x1024xf32, #tpu.memory_space<hbm>> -> memref<8x128xf32, #tpu.memory_space<hbm>>
    tpu.wait_dma2 semaphore(%arg9 : memref<!tpu.dma_semaphore, #tpu.memory_space<semaphore_mem>>) src(%dma_wait3A_1497 : memref<8x128xf32, #tpu.memory_space<hbm>>) dst(%dma_wait3A_1496 : memref<8x128xf32, #tpu.memory_space<vmem>>)
    %dma_wait3A_1498 = arith.constant 14 : i32
    %dma_wait3A_1499 = arith.constant 0 : i32
    %dma_wait3A_1500 = arith.constant 0 : i32
    %dma_wait3A_1501 = tpu.memref_slice %arg7[%dma_wait3A_1498, %dma_wait3A_1499, %dma_wait3A_1500] : memref<64x8x128xf32, #tpu.memory_space<vmem>> -> memref<1x8x128xf32, #tpu.memory_space<vmem>>
    %dma_wait3A_1502 = tpu.memref_squeeze %dma_wait3A_1501 : memref<1x8x128xf32, #tpu.memory_space<vmem>> -> memref<8x128xf32, #tpu.memory_space<vmem>>
    %dma_wait3A_1503 = tpu.memref_slice %arg2[%multiple_of3A_151, %multiple_of3A] : memref<100000x1024xf32, #tpu.memory_space<hbm>> -> memref<8x128xf32, #tpu.memory_space<hbm>>
    %dma_wait3A_1504 = arith.constant 0 : i32
    %dma_wait3A_1505 = arith.constant 0 : i32
    %dma_wait3A_1506 = tpu.memref_slice %arg7[%dma_wait3A_1498, %dma_wait3A_1504, %dma_wait3A_1505] : memref<64x8x128xf32, #tpu.memory_space<vmem>> -> memref<1x8x128xf32, #tpu.memory_space<vmem>>
    %dma_wait3A_1507 = tpu.memref_squeeze %dma_wait3A_1506 : memref<1x8x128xf32, #tpu.memory_space<vmem>> -> memref<8x128xf32, #tpu.memory_space<vmem>>
    %dma_wait3A_1508 = tpu.memref_slice %arg2[%multiple_of3A_151, %multiple_of3A] : memref<100000x1024xf32, #tpu.memory_space<hbm>> -> memref<8x128xf32, #tpu.memory_space<hbm>>
    tpu.wait_dma2 semaphore(%arg9 : memref<!tpu.dma_semaphore, #tpu.memory_space<semaphore_mem>>) src(%dma_wait3A_1508 : memref<8x128xf32, #tpu.memory_space<hbm>>) dst(%dma_wait3A_1507 : memref<8x128xf32, #tpu.memory_space<vmem>>)
    %dma_wait3A_1509 = arith.constant 15 : i32
    %dma_wait3A_1510 = arith.constant 0 : i32
    %dma_wait3A_1511 = arith.constant 0 : i32
    %dma_wait3A_1512 = tpu.memref_slice %arg7[%dma_wait3A_1509, %dma_wait3A_1510, %dma_wait3A_1511] : memref<64x8x128xf32, #tpu.memory_space<vmem>> -> memref<1x8x128xf32, #tpu.memory_space<vmem>>
    %dma_wait3A_1513 = tpu.memref_squeeze %dma_wait3A_1512 : memref<1x8x128xf32, #tpu.memory_space<vmem>> -> memref<8x128xf32, #tpu.memory_space<vmem>>
    %dma_wait3A_1514 = tpu.memref_slice %arg2[%multiple_of3A_161, %multiple_of3A] : memref<100000x1024xf32, #tpu.memory_space<hbm>> -> memref<8x128xf32, #tpu.memory_space<hbm>>
    %dma_wait3A_1515 = arith.constant 0 : i32
    %dma_wait3A_1516 = arith.constant 0 : i32
    %dma_wait3A_1517 = tpu.memref_slice %arg7[%dma_wait3A_1509, %dma_wait3A_1515, %dma_wait3A_1516] : memref<64x8x128xf32, #tpu.memory_space<vmem>> -> memref<1x8x128xf32, #tpu.memory_space<vmem>>
    %dma_wait3A_1518 = tpu.memref_squeeze %dma_wait3A_1517 : memref<1x8x128xf32, #tpu.memory_space<vmem>> -> memref<8x128xf32, #tpu.memory_space<vmem>>
    %dma_wait3A_1519 = tpu.memref_slice %arg2[%multiple_of3A_161, %multiple_of3A] : memref<100000x1024xf32, #tpu.memory_space<hbm>> -> memref<8x128xf32, #tpu.memory_space<hbm>>
    tpu.wait_dma2 semaphore(%arg9 : memref<!tpu.dma_semaphore, #tpu.memory_space<semaphore_mem>>) src(%dma_wait3A_1519 : memref<8x128xf32, #tpu.memory_space<hbm>>) dst(%dma_wait3A_1518 : memref<8x128xf32, #tpu.memory_space<vmem>>)
    %dma_wait3A_1520 = arith.constant 16 : i32
    %dma_wait3A_1521 = arith.constant 0 : i32
    %dma_wait3A_1522 = arith.constant 0 : i32
    %dma_wait3A_1523 = tpu.memref_slice %arg7[%dma_wait3A_1520, %dma_wait3A_1521, %dma_wait3A_1522] : memref<64x8x128xf32, #tpu.memory_space<vmem>> -> memref<1x8x128xf32, #tpu.memory_space<vmem>>
    %dma_wait3A_1524 = tpu.memref_squeeze %dma_wait3A_1523 : memref<1x8x128xf32, #tpu.memory_space<vmem>> -> memref<8x128xf32, #tpu.memory_space<vmem>>
    %dma_wait3A_1525 = tpu.memref_slice %arg2[%multiple_of3A_171, %multiple_of3A] : memref<100000x1024xf32, #tpu.memory_space<hbm>> -> memref<8x128xf32, #tpu.memory_space<hbm>>
    %dma_wait3A_1526 = arith.constant 0 : i32
    %dma_wait3A_1527 = arith.constant 0 : i32
    %dma_wait3A_1528 = tpu.memref_slice %arg7[%dma_wait3A_1520, %dma_wait3A_1526, %dma_wait3A_1527] : memref<64x8x128xf32, #tpu.memory_space<vmem>> -> memref<1x8x128xf32, #tpu.memory_space<vmem>>
    %dma_wait3A_1529 = tpu.memref_squeeze %dma_wait3A_1528 : memref<1x8x128xf32, #tpu.memory_space<vmem>> -> memref<8x128xf32, #tpu.memory_space<vmem>>
    %dma_wait3A_1530 = tpu.memref_slice %arg2[%multiple_of3A_171, %multiple_of3A] : memref<100000x1024xf32, #tpu.memory_space<hbm>> -> memref<8x128xf32, #tpu.memory_space<hbm>>
    tpu.wait_dma2 semaphore(%arg9 : memref<!tpu.dma_semaphore, #tpu.memory_space<semaphore_mem>>) src(%dma_wait3A_1530 : memref<8x128xf32, #tpu.memory_space<hbm>>) dst(%dma_wait3A_1529 : memref<8x128xf32, #tpu.memory_space<vmem>>)
    %dma_wait3A_1531 = arith.constant 17 : i32
    %dma_wait3A_1532 = arith.constant 0 : i32
    %dma_wait3A_1533 = arith.constant 0 : i32
    %dma_wait3A_1534 = tpu.memref_slice %arg7[%dma_wait3A_1531, %dma_wait3A_1532, %dma_wait3A_1533] : memref<64x8x128xf32, #tpu.memory_space<vmem>> -> memref<1x8x128xf32, #tpu.memory_space<vmem>>
    %dma_wait3A_1535 = tpu.memref_squeeze %dma_wait3A_1534 : memref<1x8x128xf32, #tpu.memory_space<vmem>> -> memref<8x128xf32, #tpu.memory_space<vmem>>
    %dma_wait3A_1536 = tpu.memref_slice %arg2[%multiple_of3A_181, %multiple_of3A] : memref<100000x1024xf32, #tpu.memory_space<hbm>> -> memref<8x128xf32, #tpu.memory_space<hbm>>
    %dma_wait3A_1537 = arith.constant 0 : i32
    %dma_wait3A_1538 = arith.constant 0 : i32
    %dma_wait3A_1539 = tpu.memref_slice %arg7[%dma_wait3A_1531, %dma_wait3A_1537, %dma_wait3A_1538] : memref<64x8x128xf32, #tpu.memory_space<vmem>> -> memref<1x8x128xf32, #tpu.memory_space<vmem>>
    %dma_wait3A_1540 = tpu.memref_squeeze %dma_wait3A_1539 : memref<1x8x128xf32, #tpu.memory_space<vmem>> -> memref<8x128xf32, #tpu.memory_space<vmem>>
    %dma_wait3A_1541 = tpu.memref_slice %arg2[%multiple_of3A_181, %multiple_of3A] : memref<100000x1024xf32, #tpu.memory_space<hbm>> -> memref<8x128xf32, #tpu.memory_space<hbm>>
    tpu.wait_dma2 semaphore(%arg9 : memref<!tpu.dma_semaphore, #tpu.memory_space<semaphore_mem>>) src(%dma_wait3A_1541 : memref<8x128xf32, #tpu.memory_space<hbm>>) dst(%dma_wait3A_1540 : memref<8x128xf32, #tpu.memory_space<vmem>>)
    %dma_wait3A_1542 = arith.constant 18 : i32
    %dma_wait3A_1543 = arith.constant 0 : i32
    %dma_wait3A_1544 = arith.constant 0 : i32
    %dma_wait3A_1545 = tpu.memref_slice %arg7[%dma_wait3A_1542, %dma_wait3A_1543, %dma_wait3A_1544] : memref<64x8x128xf32, #tpu.memory_space<vmem>> -> memref<1x8x128xf32, #tpu.memory_space<vmem>>
    %dma_wait3A_1546 = tpu.memref_squeeze %dma_wait3A_1545 : memref<1x8x128xf32, #tpu.memory_space<vmem>> -> memref<8x128xf32, #tpu.memory_space<vmem>>
    %dma_wait3A_1547 = tpu.memref_slice %arg2[%multiple_of3A_191, %multiple_of3A] : memref<100000x1024xf32, #tpu.memory_space<hbm>> -> memref<8x128xf32, #tpu.memory_space<hbm>>
    %dma_wait3A_1548 = arith.constant 0 : i32
    %dma_wait3A_1549 = arith.constant 0 : i32
    %dma_wait3A_1550 = tpu.memref_slice %arg7[%dma_wait3A_1542, %dma_wait3A_1548, %dma_wait3A_1549] : memref<64x8x128xf32, #tpu.memory_space<vmem>> -> memref<1x8x128xf32, #tpu.memory_space<vmem>>
    %dma_wait3A_1551 = tpu.memref_squeeze %dma_wait3A_1550 : memref<1x8x128xf32, #tpu.memory_space<vmem>> -> memref<8x128xf32, #tpu.memory_space<vmem>>
    %dma_wait3A_1552 = tpu.memref_slice %arg2[%multiple_of3A_191, %multiple_of3A] : memref<100000x1024xf32, #tpu.memory_space<hbm>> -> memref<8x128xf32, #tpu.memory_space<hbm>>
    tpu.wait_dma2 semaphore(%arg9 : memref<!tpu.dma_semaphore, #tpu.memory_space<semaphore_mem>>) src(%dma_wait3A_1552 : memref<8x128xf32, #tpu.memory_space<hbm>>) dst(%dma_wait3A_1551 : memref<8x128xf32, #tpu.memory_space<vmem>>)
    %dma_wait3A_1553 = arith.constant 19 : i32
    %dma_wait3A_1554 = arith.constant 0 : i32
    %dma_wait3A_1555 = arith.constant 0 : i32
    %dma_wait3A_1556 = tpu.memref_slice %arg7[%dma_wait3A_1553, %dma_wait3A_1554, %dma_wait3A_1555] : memref<64x8x128xf32, #tpu.memory_space<vmem>> -> memref<1x8x128xf32, #tpu.memory_space<vmem>>
    %dma_wait3A_1557 = tpu.memref_squeeze %dma_wait3A_1556 : memref<1x8x128xf32, #tpu.memory_space<vmem>> -> memref<8x128xf32, #tpu.memory_space<vmem>>
    %dma_wait3A_1558 = tpu.memref_slice %arg2[%multiple_of3A_201, %multiple_of3A] : memref<100000x1024xf32, #tpu.memory_space<hbm>> -> memref<8x128xf32, #tpu.memory_space<hbm>>
    %dma_wait3A_1559 = arith.constant 0 : i32
    %dma_wait3A_1560 = arith.constant 0 : i32
    %dma_wait3A_1561 = tpu.memref_slice %arg7[%dma_wait3A_1553, %dma_wait3A_1559, %dma_wait3A_1560] : memref<64x8x128xf32, #tpu.memory_space<vmem>> -> memref<1x8x128xf32, #tpu.memory_space<vmem>>
    %dma_wait3A_1562 = tpu.memref_squeeze %dma_wait3A_1561 : memref<1x8x128xf32, #tpu.memory_space<vmem>> -> memref<8x128xf32, #tpu.memory_space<vmem>>
    %dma_wait3A_1563 = tpu.memref_slice %arg2[%multiple_of3A_201, %multiple_of3A] : memref<100000x1024xf32, #tpu.memory_space<hbm>> -> memref<8x128xf32, #tpu.memory_space<hbm>>
    tpu.wait_dma2 semaphore(%arg9 : memref<!tpu.dma_semaphore, #tpu.memory_space<semaphore_mem>>) src(%dma_wait3A_1563 : memref<8x128xf32, #tpu.memory_space<hbm>>) dst(%dma_wait3A_1562 : memref<8x128xf32, #tpu.memory_space<vmem>>)
    %dma_wait3A_1564 = arith.constant 20 : i32
    %dma_wait3A_1565 = arith.constant 0 : i32
    %dma_wait3A_1566 = arith.constant 0 : i32
    %dma_wait3A_1567 = tpu.memref_slice %arg7[%dma_wait3A_1564, %dma_wait3A_1565, %dma_wait3A_1566] : memref<64x8x128xf32, #tpu.memory_space<vmem>> -> memref<1x8x128xf32, #tpu.memory_space<vmem>>
    %dma_wait3A_1568 = tpu.memref_squeeze %dma_wait3A_1567 : memref<1x8x128xf32, #tpu.memory_space<vmem>> -> memref<8x128xf32, #tpu.memory_space<vmem>>
    %dma_wait3A_1569 = tpu.memref_slice %arg2[%multiple_of3A_211, %multiple_of3A] : memref<100000x1024xf32, #tpu.memory_space<hbm>> -> memref<8x128xf32, #tpu.memory_space<hbm>>
    %dma_wait3A_1570 = arith.constant 0 : i32
    %dma_wait3A_1571 = arith.constant 0 : i32
    %dma_wait3A_1572 = tpu.memref_slice %arg7[%dma_wait3A_1564, %dma_wait3A_1570, %dma_wait3A_1571] : memref<64x8x128xf32, #tpu.memory_space<vmem>> -> memref<1x8x128xf32, #tpu.memory_space<vmem>>
    %dma_wait3A_1573 = tpu.memref_squeeze %dma_wait3A_1572 : memref<1x8x128xf32, #tpu.memory_space<vmem>> -> memref<8x128xf32, #tpu.memory_space<vmem>>
    %dma_wait3A_1574 = tpu.memref_slice %arg2[%multiple_of3A_211, %multiple_of3A] : memref<100000x1024xf32, #tpu.memory_space<hbm>> -> memref<8x128xf32, #tpu.memory_space<hbm>>
    tpu.wait_dma2 semaphore(%arg9 : memref<!tpu.dma_semaphore, #tpu.memory_space<semaphore_mem>>) src(%dma_wait3A_1574 : memref<8x128xf32, #tpu.memory_space<hbm>>) dst(%dma_wait3A_1573 : memref<8x128xf32, #tpu.memory_space<vmem>>)
    %dma_wait3A_1575 = arith.constant 21 : i32
    %dma_wait3A_1576 = arith.constant 0 : i32
    %dma_wait3A_1577 = arith.constant 0 : i32
    %dma_wait3A_1578 = tpu.memref_slice %arg7[%dma_wait3A_1575, %dma_wait3A_1576, %dma_wait3A_1577] : memref<64x8x128xf32, #tpu.memory_space<vmem>> -> memref<1x8x128xf32, #tpu.memory_space<vmem>>
    %dma_wait3A_1579 = tpu.memref_squeeze %dma_wait3A_1578 : memref<1x8x128xf32, #tpu.memory_space<vmem>> -> memref<8x128xf32, #tpu.memory_space<vmem>>
    %dma_wait3A_1580 = tpu.memref_slice %arg2[%multiple_of3A_221, %multiple_of3A] : memref<100000x1024xf32, #tpu.memory_space<hbm>> -> memref<8x128xf32, #tpu.memory_space<hbm>>
    %dma_wait3A_1581 = arith.constant 0 : i32
    %dma_wait3A_1582 = arith.constant 0 : i32
    %dma_wait3A_1583 = tpu.memref_slice %arg7[%dma_wait3A_1575, %dma_wait3A_1581, %dma_wait3A_1582] : memref<64x8x128xf32, #tpu.memory_space<vmem>> -> memref<1x8x128xf32, #tpu.memory_space<vmem>>
    %dma_wait3A_1584 = tpu.memref_squeeze %dma_wait3A_1583 : memref<1x8x128xf32, #tpu.memory_space<vmem>> -> memref<8x128xf32, #tpu.memory_space<vmem>>
    %dma_wait3A_1585 = tpu.memref_slice %arg2[%multiple_of3A_221, %multiple_of3A] : memref<100000x1024xf32, #tpu.memory_space<hbm>> -> memref<8x128xf32, #tpu.memory_space<hbm>>
    tpu.wait_dma2 semaphore(%arg9 : memref<!tpu.dma_semaphore, #tpu.memory_space<semaphore_mem>>) src(%dma_wait3A_1585 : memref<8x128xf32, #tpu.memory_space<hbm>>) dst(%dma_wait3A_1584 : memref<8x128xf32, #tpu.memory_space<vmem>>)
    %dma_wait3A_1586 = arith.constant 22 : i32
    %dma_wait3A_1587 = arith.constant 0 : i32
    %dma_wait3A_1588 = arith.constant 0 : i32
    %dma_wait3A_1589 = tpu.memref_slice %arg7[%dma_wait3A_1586, %dma_wait3A_1587, %dma_wait3A_1588] : memref<64x8x128xf32, #tpu.memory_space<vmem>> -> memref<1x8x128xf32, #tpu.memory_space<vmem>>
    %dma_wait3A_1590 = tpu.memref_squeeze %dma_wait3A_1589 : memref<1x8x128xf32, #tpu.memory_space<vmem>> -> memref<8x128xf32, #tpu.memory_space<vmem>>
    %dma_wait3A_1591 = tpu.memref_slice %arg2[%multiple_of3A_231, %multiple_of3A] : memref<100000x1024xf32, #tpu.memory_space<hbm>> -> memref<8x128xf32, #tpu.memory_space<hbm>>
    %dma_wait3A_1592 = arith.constant 0 : i32
    %dma_wait3A_1593 = arith.constant 0 : i32
    %dma_wait3A_1594 = tpu.memref_slice %arg7[%dma_wait3A_1586, %dma_wait3A_1592, %dma_wait3A_1593] : memref<64x8x128xf32, #tpu.memory_space<vmem>> -> memref<1x8x128xf32, #tpu.memory_space<vmem>>
    %dma_wait3A_1595 = tpu.memref_squeeze %dma_wait3A_1594 : memref<1x8x128xf32, #tpu.memory_space<vmem>> -> memref<8x128xf32, #tpu.memory_space<vmem>>
    %dma_wait3A_1596 = tpu.memref_slice %arg2[%multiple_of3A_231, %multiple_of3A] : memref<100000x1024xf32, #tpu.memory_space<hbm>> -> memref<8x128xf32, #tpu.memory_space<hbm>>
    tpu.wait_dma2 semaphore(%arg9 : memref<!tpu.dma_semaphore, #tpu.memory_space<semaphore_mem>>) src(%dma_wait3A_1596 : memref<8x128xf32, #tpu.memory_space<hbm>>) dst(%dma_wait3A_1595 : memref<8x128xf32, #tpu.memory_space<vmem>>)
    %dma_wait3A_1597 = arith.constant 23 : i32
    %dma_wait3A_1598 = arith.constant 0 : i32
    %dma_wait3A_1599 = arith.constant 0 : i32
    %dma_wait3A_1600 = tpu.memref_slice %arg7[%dma_wait3A_1597, %dma_wait3A_1598, %dma_wait3A_1599] : memref<64x8x128xf32, #tpu.memory_space<vmem>> -> memref<1x8x128xf32, #tpu.memory_space<vmem>>
    %dma_wait3A_1601 = tpu.memref_squeeze %dma_wait3A_1600 : memref<1x8x128xf32, #tpu.memory_space<vmem>> -> memref<8x128xf32, #tpu.memory_space<vmem>>
    %dma_wait3A_1602 = tpu.memref_slice %arg2[%multiple_of3A_241, %multiple_of3A] : memref<100000x1024xf32, #tpu.memory_space<hbm>> -> memref<8x128xf32, #tpu.memory_space<hbm>>
    %dma_wait3A_1603 = arith.constant 0 : i32
    %dma_wait3A_1604 = arith.constant 0 : i32
    %dma_wait3A_1605 = tpu.memref_slice %arg7[%dma_wait3A_1597, %dma_wait3A_1603, %dma_wait3A_1604] : memref<64x8x128xf32, #tpu.memory_space<vmem>> -> memref<1x8x128xf32, #tpu.memory_space<vmem>>
    %dma_wait3A_1606 = tpu.memref_squeeze %dma_wait3A_1605 : memref<1x8x128xf32, #tpu.memory_space<vmem>> -> memref<8x128xf32, #tpu.memory_space<vmem>>
    %dma_wait3A_1607 = tpu.memref_slice %arg2[%multiple_of3A_241, %multiple_of3A] : memref<100000x1024xf32, #tpu.memory_space<hbm>> -> memref<8x128xf32, #tpu.memory_space<hbm>>
    tpu.wait_dma2 semaphore(%arg9 : memref<!tpu.dma_semaphore, #tpu.memory_space<semaphore_mem>>) src(%dma_wait3A_1607 : memref<8x128xf32, #tpu.memory_space<hbm>>) dst(%dma_wait3A_1606 : memref<8x128xf32, #tpu.memory_space<vmem>>)
    %dma_wait3A_1608 = arith.constant 24 : i32
    %dma_wait3A_1609 = arith.constant 0 : i32
    %dma_wait3A_1610 = arith.constant 0 : i32
    %dma_wait3A_1611 = tpu.memref_slice %arg7[%dma_wait3A_1608, %dma_wait3A_1609, %dma_wait3A_1610] : memref<64x8x128xf32, #tpu.memory_space<vmem>> -> memref<1x8x128xf32, #tpu.memory_space<vmem>>
    %dma_wait3A_1612 = tpu.memref_squeeze %dma_wait3A_1611 : memref<1x8x128xf32, #tpu.memory_space<vmem>> -> memref<8x128xf32, #tpu.memory_space<vmem>>
    %dma_wait3A_1613 = tpu.memref_slice %arg2[%multiple_of3A_251, %multiple_of3A] : memref<100000x1024xf32, #tpu.memory_space<hbm>> -> memref<8x128xf32, #tpu.memory_space<hbm>>
    %dma_wait3A_1614 = arith.constant 0 : i32
    %dma_wait3A_1615 = arith.constant 0 : i32
    %dma_wait3A_1616 = tpu.memref_slice %arg7[%dma_wait3A_1608, %dma_wait3A_1614, %dma_wait3A_1615] : memref<64x8x128xf32, #tpu.memory_space<vmem>> -> memref<1x8x128xf32, #tpu.memory_space<vmem>>
    %dma_wait3A_1617 = tpu.memref_squeeze %dma_wait3A_1616 : memref<1x8x128xf32, #tpu.memory_space<vmem>> -> memref<8x128xf32, #tpu.memory_space<vmem>>
    %dma_wait3A_1618 = tpu.memref_slice %arg2[%multiple_of3A_251, %multiple_of3A] : memref<100000x1024xf32, #tpu.memory_space<hbm>> -> memref<8x128xf32, #tpu.memory_space<hbm>>
    tpu.wait_dma2 semaphore(%arg9 : memref<!tpu.dma_semaphore, #tpu.memory_space<semaphore_mem>>) src(%dma_wait3A_1618 : memref<8x128xf32, #tpu.memory_space<hbm>>) dst(%dma_wait3A_1617 : memref<8x128xf32, #tpu.memory_space<vmem>>)
    %dma_wait3A_1619 = arith.constant 25 : i32
    %dma_wait3A_1620 = arith.constant 0 : i32
    %dma_wait3A_1621 = arith.constant 0 : i32
    %dma_wait3A_1622 = tpu.memref_slice %arg7[%dma_wait3A_1619, %dma_wait3A_1620, %dma_wait3A_1621] : memref<64x8x128xf32, #tpu.memory_space<vmem>> -> memref<1x8x128xf32, #tpu.memory_space<vmem>>
    %dma_wait3A_1623 = tpu.memref_squeeze %dma_wait3A_1622 : memref<1x8x128xf32, #tpu.memory_space<vmem>> -> memref<8x128xf32, #tpu.memory_space<vmem>>
    %dma_wait3A_1624 = tpu.memref_slice %arg2[%multiple_of3A_261, %multiple_of3A] : memref<100000x1024xf32, #tpu.memory_space<hbm>> -> memref<8x128xf32, #tpu.memory_space<hbm>>
    %dma_wait3A_1625 = arith.constant 0 : i32
    %dma_wait3A_1626 = arith.constant 0 : i32
    %dma_wait3A_1627 = tpu.memref_slice %arg7[%dma_wait3A_1619, %dma_wait3A_1625, %dma_wait3A_1626] : memref<64x8x128xf32, #tpu.memory_space<vmem>> -> memref<1x8x128xf32, #tpu.memory_space<vmem>>
    %dma_wait3A_1628 = tpu.memref_squeeze %dma_wait3A_1627 : memref<1x8x128xf32, #tpu.memory_space<vmem>> -> memref<8x128xf32, #tpu.memory_space<vmem>>
    %dma_wait3A_1629 = tpu.memref_slice %arg2[%multiple_of3A_261, %multiple_of3A] : memref<100000x1024xf32, #tpu.memory_space<hbm>> -> memref<8x128xf32, #tpu.memory_space<hbm>>
    tpu.wait_dma2 semaphore(%arg9 : memref<!tpu.dma_semaphore, #tpu.memory_space<semaphore_mem>>) src(%dma_wait3A_1629 : memref<8x128xf32, #tpu.memory_space<hbm>>) dst(%dma_wait3A_1628 : memref<8x128xf32, #tpu.memory_space<vmem>>)
    %dma_wait3A_1630 = arith.constant 26 : i32
    %dma_wait3A_1631 = arith.constant 0 : i32
    %dma_wait3A_1632 = arith.constant 0 : i32
    %dma_wait3A_1633 = tpu.memref_slice %arg7[%dma_wait3A_1630, %dma_wait3A_1631, %dma_wait3A_1632] : memref<64x8x128xf32, #tpu.memory_space<vmem>> -> memref<1x8x128xf32, #tpu.memory_space<vmem>>
    %dma_wait3A_1634 = tpu.memref_squeeze %dma_wait3A_1633 : memref<1x8x128xf32, #tpu.memory_space<vmem>> -> memref<8x128xf32, #tpu.memory_space<vmem>>
    %dma_wait3A_1635 = tpu.memref_slice %arg2[%multiple_of3A_271, %multiple_of3A] : memref<100000x1024xf32, #tpu.memory_space<hbm>> -> memref<8x128xf32, #tpu.memory_space<hbm>>
    %dma_wait3A_1636 = arith.constant 0 : i32
    %dma_wait3A_1637 = arith.constant 0 : i32
    %dma_wait3A_1638 = tpu.memref_slice %arg7[%dma_wait3A_1630, %dma_wait3A_1636, %dma_wait3A_1637] : memref<64x8x128xf32, #tpu.memory_space<vmem>> -> memref<1x8x128xf32, #tpu.memory_space<vmem>>
    %dma_wait3A_1639 = tpu.memref_squeeze %dma_wait3A_1638 : memref<1x8x128xf32, #tpu.memory_space<vmem>> -> memref<8x128xf32, #tpu.memory_space<vmem>>
    %dma_wait3A_1640 = tpu.memref_slice %arg2[%multiple_of3A_271, %multiple_of3A] : memref<100000x1024xf32, #tpu.memory_space<hbm>> -> memref<8x128xf32, #tpu.memory_space<hbm>>
    tpu.wait_dma2 semaphore(%arg9 : memref<!tpu.dma_semaphore, #tpu.memory_space<semaphore_mem>>) src(%dma_wait3A_1640 : memref<8x128xf32, #tpu.memory_space<hbm>>) dst(%dma_wait3A_1639 : memref<8x128xf32, #tpu.memory_space<vmem>>)
    %dma_wait3A_1641 = arith.constant 27 : i32
    %dma_wait3A_1642 = arith.constant 0 : i32
    %dma_wait3A_1643 = arith.constant 0 : i32
    %dma_wait3A_1644 = tpu.memref_slice %arg7[%dma_wait3A_1641, %dma_wait3A_1642, %dma_wait3A_1643] : memref<64x8x128xf32, #tpu.memory_space<vmem>> -> memref<1x8x128xf32, #tpu.memory_space<vmem>>
    %dma_wait3A_1645 = tpu.memref_squeeze %dma_wait3A_1644 : memref<1x8x128xf32, #tpu.memory_space<vmem>> -> memref<8x128xf32, #tpu.memory_space<vmem>>
    %dma_wait3A_1646 = tpu.memref_slice %arg2[%multiple_of3A_281, %multiple_of3A] : memref<100000x1024xf32, #tpu.memory_space<hbm>> -> memref<8x128xf32, #tpu.memory_space<hbm>>
    %dma_wait3A_1647 = arith.constant 0 : i32
    %dma_wait3A_1648 = arith.constant 0 : i32
    %dma_wait3A_1649 = tpu.memref_slice %arg7[%dma_wait3A_1641, %dma_wait3A_1647, %dma_wait3A_1648] : memref<64x8x128xf32, #tpu.memory_space<vmem>> -> memref<1x8x128xf32, #tpu.memory_space<vmem>>
    %dma_wait3A_1650 = tpu.memref_squeeze %dma_wait3A_1649 : memref<1x8x128xf32, #tpu.memory_space<vmem>> -> memref<8x128xf32, #tpu.memory_space<vmem>>
    %dma_wait3A_1651 = tpu.memref_slice %arg2[%multiple_of3A_281, %multiple_of3A] : memref<100000x1024xf32, #tpu.memory_space<hbm>> -> memref<8x128xf32, #tpu.memory_space<hbm>>
    tpu.wait_dma2 semaphore(%arg9 : memref<!tpu.dma_semaphore, #tpu.memory_space<semaphore_mem>>) src(%dma_wait3A_1651 : memref<8x128xf32, #tpu.memory_space<hbm>>) dst(%dma_wait3A_1650 : memref<8x128xf32, #tpu.memory_space<vmem>>)
    %dma_wait3A_1652 = arith.constant 28 : i32
    %dma_wait3A_1653 = arith.constant 0 : i32
    %dma_wait3A_1654 = arith.constant 0 : i32
    %dma_wait3A_1655 = tpu.memref_slice %arg7[%dma_wait3A_1652, %dma_wait3A_1653, %dma_wait3A_1654] : memref<64x8x128xf32, #tpu.memory_space<vmem>> -> memref<1x8x128xf32, #tpu.memory_space<vmem>>
    %dma_wait3A_1656 = tpu.memref_squeeze %dma_wait3A_1655 : memref<1x8x128xf32, #tpu.memory_space<vmem>> -> memref<8x128xf32, #tpu.memory_space<vmem>>
    %dma_wait3A_1657 = tpu.memref_slice %arg2[%multiple_of3A_291, %multiple_of3A] : memref<100000x1024xf32, #tpu.memory_space<hbm>> -> memref<8x128xf32, #tpu.memory_space<hbm>>
    %dma_wait3A_1658 = arith.constant 0 : i32
    %dma_wait3A_1659 = arith.constant 0 : i32
    %dma_wait3A_1660 = tpu.memref_slice %arg7[%dma_wait3A_1652, %dma_wait3A_1658, %dma_wait3A_1659] : memref<64x8x128xf32, #tpu.memory_space<vmem>> -> memref<1x8x128xf32, #tpu.memory_space<vmem>>
    %dma_wait3A_1661 = tpu.memref_squeeze %dma_wait3A_1660 : memref<1x8x128xf32, #tpu.memory_space<vmem>> -> memref<8x128xf32, #tpu.memory_space<vmem>>
    %dma_wait3A_1662 = tpu.memref_slice %arg2[%multiple_of3A_291, %multiple_of3A] : memref<100000x1024xf32, #tpu.memory_space<hbm>> -> memref<8x128xf32, #tpu.memory_space<hbm>>
    tpu.wait_dma2 semaphore(%arg9 : memref<!tpu.dma_semaphore, #tpu.memory_space<semaphore_mem>>) src(%dma_wait3A_1662 : memref<8x128xf32, #tpu.memory_space<hbm>>) dst(%dma_wait3A_1661 : memref<8x128xf32, #tpu.memory_space<vmem>>)
    %dma_wait3A_1663 = arith.constant 29 : i32
    %dma_wait3A_1664 = arith.constant 0 : i32
    %dma_wait3A_1665 = arith.constant 0 : i32
    %dma_wait3A_1666 = tpu.memref_slice %arg7[%dma_wait3A_1663, %dma_wait3A_1664, %dma_wait3A_1665] : memref<64x8x128xf32, #tpu.memory_space<vmem>> -> memref<1x8x128xf32, #tpu.memory_space<vmem>>
    %dma_wait3A_1667 = tpu.memref_squeeze %dma_wait3A_1666 : memref<1x8x128xf32, #tpu.memory_space<vmem>> -> memref<8x128xf32, #tpu.memory_space<vmem>>
    %dma_wait3A_1668 = tpu.memref_slice %arg2[%multiple_of3A_301, %multiple_of3A] : memref<100000x1024xf32, #tpu.memory_space<hbm>> -> memref<8x128xf32, #tpu.memory_space<hbm>>
    %dma_wait3A_1669 = arith.constant 0 : i32
    %dma_wait3A_1670 = arith.constant 0 : i32
    %dma_wait3A_1671 = tpu.memref_slice %arg7[%dma_wait3A_1663, %dma_wait3A_1669, %dma_wait3A_1670] : memref<64x8x128xf32, #tpu.memory_space<vmem>> -> memref<1x8x128xf32, #tpu.memory_space<vmem>>
    %dma_wait3A_1672 = tpu.memref_squeeze %dma_wait3A_1671 : memref<1x8x128xf32, #tpu.memory_space<vmem>> -> memref<8x128xf32, #tpu.memory_space<vmem>>
    %dma_wait3A_1673 = tpu.memref_slice %arg2[%multiple_of3A_301, %multiple_of3A] : memref<100000x1024xf32, #tpu.memory_space<hbm>> -> memref<8x128xf32, #tpu.memory_space<hbm>>
    tpu.wait_dma2 semaphore(%arg9 : memref<!tpu.dma_semaphore, #tpu.memory_space<semaphore_mem>>) src(%dma_wait3A_1673 : memref<8x128xf32, #tpu.memory_space<hbm>>) dst(%dma_wait3A_1672 : memref<8x128xf32, #tpu.memory_space<vmem>>)
    %dma_wait3A_1674 = arith.constant 30 : i32
    %dma_wait3A_1675 = arith.constant 0 : i32
    %dma_wait3A_1676 = arith.constant 0 : i32
    %dma_wait3A_1677 = tpu.memref_slice %arg7[%dma_wait3A_1674, %dma_wait3A_1675, %dma_wait3A_1676] : memref<64x8x128xf32, #tpu.memory_space<vmem>> -> memref<1x8x128xf32, #tpu.memory_space<vmem>>
    %dma_wait3A_1678 = tpu.memref_squeeze %dma_wait3A_1677 : memref<1x8x128xf32, #tpu.memory_space<vmem>> -> memref<8x128xf32, #tpu.memory_space<vmem>>
    %dma_wait3A_1679 = tpu.memref_slice %arg2[%multiple_of3A_311, %multiple_of3A] : memref<100000x1024xf32, #tpu.memory_space<hbm>> -> memref<8x128xf32, #tpu.memory_space<hbm>>
    %dma_wait3A_1680 = arith.constant 0 : i32
    %dma_wait3A_1681 = arith.constant 0 : i32
    %dma_wait3A_1682 = tpu.memref_slice %arg7[%dma_wait3A_1674, %dma_wait3A_1680, %dma_wait3A_1681] : memref<64x8x128xf32, #tpu.memory_space<vmem>> -> memref<1x8x128xf32, #tpu.memory_space<vmem>>
    %dma_wait3A_1683 = tpu.memref_squeeze %dma_wait3A_1682 : memref<1x8x128xf32, #tpu.memory_space<vmem>> -> memref<8x128xf32, #tpu.memory_space<vmem>>
    %dma_wait3A_1684 = tpu.memref_slice %arg2[%multiple_of3A_311, %multiple_of3A] : memref<100000x1024xf32, #tpu.memory_space<hbm>> -> memref<8x128xf32, #tpu.memory_space<hbm>>
    tpu.wait_dma2 semaphore(%arg9 : memref<!tpu.dma_semaphore, #tpu.memory_space<semaphore_mem>>) src(%dma_wait3A_1684 : memref<8x128xf32, #tpu.memory_space<hbm>>) dst(%dma_wait3A_1683 : memref<8x128xf32, #tpu.memory_space<vmem>>)
    %dma_wait3A_1685 = arith.constant 31 : i32
    %dma_wait3A_1686 = arith.constant 0 : i32
    %dma_wait3A_1687 = arith.constant 0 : i32
    %dma_wait3A_1688 = tpu.memref_slice %arg7[%dma_wait3A_1685, %dma_wait3A_1686, %dma_wait3A_1687] : memref<64x8x128xf32, #tpu.memory_space<vmem>> -> memref<1x8x128xf32, #tpu.memory_space<vmem>>
    %dma_wait3A_1689 = tpu.memref_squeeze %dma_wait3A_1688 : memref<1x8x128xf32, #tpu.memory_space<vmem>> -> memref<8x128xf32, #tpu.memory_space<vmem>>
    %dma_wait3A_1690 = tpu.memref_slice %arg2[%multiple_of3A_321, %multiple_of3A] : memref<100000x1024xf32, #tpu.memory_space<hbm>> -> memref<8x128xf32, #tpu.memory_space<hbm>>
    %dma_wait3A_1691 = arith.constant 0 : i32
    %dma_wait3A_1692 = arith.constant 0 : i32
    %dma_wait3A_1693 = tpu.memref_slice %arg7[%dma_wait3A_1685, %dma_wait3A_1691, %dma_wait3A_1692] : memref<64x8x128xf32, #tpu.memory_space<vmem>> -> memref<1x8x128xf32, #tpu.memory_space<vmem>>
    %dma_wait3A_1694 = tpu.memref_squeeze %dma_wait3A_1693 : memref<1x8x128xf32, #tpu.memory_space<vmem>> -> memref<8x128xf32, #tpu.memory_space<vmem>>
    %dma_wait3A_1695 = tpu.memref_slice %arg2[%multiple_of3A_321, %multiple_of3A] : memref<100000x1024xf32, #tpu.memory_space<hbm>> -> memref<8x128xf32, #tpu.memory_space<hbm>>
    tpu.wait_dma2 semaphore(%arg9 : memref<!tpu.dma_semaphore, #tpu.memory_space<semaphore_mem>>) src(%dma_wait3A_1695 : memref<8x128xf32, #tpu.memory_space<hbm>>) dst(%dma_wait3A_1694 : memref<8x128xf32, #tpu.memory_space<vmem>>)
    %dma_wait3A_1696 = arith.constant 32 : i32
    %dma_wait3A_1697 = arith.constant 0 : i32
    %dma_wait3A_1698 = arith.constant 0 : i32
    %dma_wait3A_1699 = tpu.memref_slice %arg7[%dma_wait3A_1696, %dma_wait3A_1697, %dma_wait3A_1698] : memref<64x8x128xf32, #tpu.memory_space<vmem>> -> memref<1x8x128xf32, #tpu.memory_space<vmem>>
    %dma_wait3A_1700 = tpu.memref_squeeze %dma_wait3A_1699 : memref<1x8x128xf32, #tpu.memory_space<vmem>> -> memref<8x128xf32, #tpu.memory_space<vmem>>
    %dma_wait3A_1701 = tpu.memref_slice %arg2[%multiple_of3A_331, %multiple_of3A] : memref<100000x1024xf32, #tpu.memory_space<hbm>> -> memref<8x128xf32, #tpu.memory_space<hbm>>
    %dma_wait3A_1702 = arith.constant 0 : i32
    %dma_wait3A_1703 = arith.constant 0 : i32
    %dma_wait3A_1704 = tpu.memref_slice %arg7[%dma_wait3A_1696, %dma_wait3A_1702, %dma_wait3A_1703] : memref<64x8x128xf32, #tpu.memory_space<vmem>> -> memref<1x8x128xf32, #tpu.memory_space<vmem>>
    %dma_wait3A_1705 = tpu.memref_squeeze %dma_wait3A_1704 : memref<1x8x128xf32, #tpu.memory_space<vmem>> -> memref<8x128xf32, #tpu.memory_space<vmem>>
    %dma_wait3A_1706 = tpu.memref_slice %arg2[%multiple_of3A_331, %multiple_of3A] : memref<100000x1024xf32, #tpu.memory_space<hbm>> -> memref<8x128xf32, #tpu.memory_space<hbm>>
    tpu.wait_dma2 semaphore(%arg9 : memref<!tpu.dma_semaphore, #tpu.memory_space<semaphore_mem>>) src(%dma_wait3A_1706 : memref<8x128xf32, #tpu.memory_space<hbm>>) dst(%dma_wait3A_1705 : memref<8x128xf32, #tpu.memory_space<vmem>>)
    %dma_wait3A_1707 = arith.constant 33 : i32
    %dma_wait3A_1708 = arith.constant 0 : i32
    %dma_wait3A_1709 = arith.constant 0 : i32
    %dma_wait3A_1710 = tpu.memref_slice %arg7[%dma_wait3A_1707, %dma_wait3A_1708, %dma_wait3A_1709] : memref<64x8x128xf32, #tpu.memory_space<vmem>> -> memref<1x8x128xf32, #tpu.memory_space<vmem>>
    %dma_wait3A_1711 = tpu.memref_squeeze %dma_wait3A_1710 : memref<1x8x128xf32, #tpu.memory_space<vmem>> -> memref<8x128xf32, #tpu.memory_space<vmem>>
    %dma_wait3A_1712 = tpu.memref_slice %arg2[%multiple_of3A_341, %multiple_of3A] : memref<100000x1024xf32, #tpu.memory_space<hbm>> -> memref<8x128xf32, #tpu.memory_space<hbm>>
    %dma_wait3A_1713 = arith.constant 0 : i32
    %dma_wait3A_1714 = arith.constant 0 : i32
    %dma_wait3A_1715 = tpu.memref_slice %arg7[%dma_wait3A_1707, %dma_wait3A_1713, %dma_wait3A_1714] : memref<64x8x128xf32, #tpu.memory_space<vmem>> -> memref<1x8x128xf32, #tpu.memory_space<vmem>>
    %dma_wait3A_1716 = tpu.memref_squeeze %dma_wait3A_1715 : memref<1x8x128xf32, #tpu.memory_space<vmem>> -> memref<8x128xf32, #tpu.memory_space<vmem>>
    %dma_wait3A_1717 = tpu.memref_slice %arg2[%multiple_of3A_341, %multiple_of3A] : memref<100000x1024xf32, #tpu.memory_space<hbm>> -> memref<8x128xf32, #tpu.memory_space<hbm>>
    tpu.wait_dma2 semaphore(%arg9 : memref<!tpu.dma_semaphore, #tpu.memory_space<semaphore_mem>>) src(%dma_wait3A_1717 : memref<8x128xf32, #tpu.memory_space<hbm>>) dst(%dma_wait3A_1716 : memref<8x128xf32, #tpu.memory_space<vmem>>)
    %dma_wait3A_1718 = arith.constant 34 : i32
    %dma_wait3A_1719 = arith.constant 0 : i32
    %dma_wait3A_1720 = arith.constant 0 : i32
    %dma_wait3A_1721 = tpu.memref_slice %arg7[%dma_wait3A_1718, %dma_wait3A_1719, %dma_wait3A_1720] : memref<64x8x128xf32, #tpu.memory_space<vmem>> -> memref<1x8x128xf32, #tpu.memory_space<vmem>>
    %dma_wait3A_1722 = tpu.memref_squeeze %dma_wait3A_1721 : memref<1x8x128xf32, #tpu.memory_space<vmem>> -> memref<8x128xf32, #tpu.memory_space<vmem>>
    %dma_wait3A_1723 = tpu.memref_slice %arg2[%multiple_of3A_351, %multiple_of3A] : memref<100000x1024xf32, #tpu.memory_space<hbm>> -> memref<8x128xf32, #tpu.memory_space<hbm>>
    %dma_wait3A_1724 = arith.constant 0 : i32
    %dma_wait3A_1725 = arith.constant 0 : i32
    %dma_wait3A_1726 = tpu.memref_slice %arg7[%dma_wait3A_1718, %dma_wait3A_1724, %dma_wait3A_1725] : memref<64x8x128xf32, #tpu.memory_space<vmem>> -> memref<1x8x128xf32, #tpu.memory_space<vmem>>
    %dma_wait3A_1727 = tpu.memref_squeeze %dma_wait3A_1726 : memref<1x8x128xf32, #tpu.memory_space<vmem>> -> memref<8x128xf32, #tpu.memory_space<vmem>>
    %dma_wait3A_1728 = tpu.memref_slice %arg2[%multiple_of3A_351, %multiple_of3A] : memref<100000x1024xf32, #tpu.memory_space<hbm>> -> memref<8x128xf32, #tpu.memory_space<hbm>>
    tpu.wait_dma2 semaphore(%arg9 : memref<!tpu.dma_semaphore, #tpu.memory_space<semaphore_mem>>) src(%dma_wait3A_1728 : memref<8x128xf32, #tpu.memory_space<hbm>>) dst(%dma_wait3A_1727 : memref<8x128xf32, #tpu.memory_space<vmem>>)
    %dma_wait3A_1729 = arith.constant 35 : i32
    %dma_wait3A_1730 = arith.constant 0 : i32
    %dma_wait3A_1731 = arith.constant 0 : i32
    %dma_wait3A_1732 = tpu.memref_slice %arg7[%dma_wait3A_1729, %dma_wait3A_1730, %dma_wait3A_1731] : memref<64x8x128xf32, #tpu.memory_space<vmem>> -> memref<1x8x128xf32, #tpu.memory_space<vmem>>
    %dma_wait3A_1733 = tpu.memref_squeeze %dma_wait3A_1732 : memref<1x8x128xf32, #tpu.memory_space<vmem>> -> memref<8x128xf32, #tpu.memory_space<vmem>>
    %dma_wait3A_1734 = tpu.memref_slice %arg2[%multiple_of3A_361, %multiple_of3A] : memref<100000x1024xf32, #tpu.memory_space<hbm>> -> memref<8x128xf32, #tpu.memory_space<hbm>>
    %dma_wait3A_1735 = arith.constant 0 : i32
    %dma_wait3A_1736 = arith.constant 0 : i32
    %dma_wait3A_1737 = tpu.memref_slice %arg7[%dma_wait3A_1729, %dma_wait3A_1735, %dma_wait3A_1736] : memref<64x8x128xf32, #tpu.memory_space<vmem>> -> memref<1x8x128xf32, #tpu.memory_space<vmem>>
    %dma_wait3A_1738 = tpu.memref_squeeze %dma_wait3A_1737 : memref<1x8x128xf32, #tpu.memory_space<vmem>> -> memref<8x128xf32, #tpu.memory_space<vmem>>
    %dma_wait3A_1739 = tpu.memref_slice %arg2[%multiple_of3A_361, %multiple_of3A] : memref<100000x1024xf32, #tpu.memory_space<hbm>> -> memref<8x128xf32, #tpu.memory_space<hbm>>
    tpu.wait_dma2 semaphore(%arg9 : memref<!tpu.dma_semaphore, #tpu.memory_space<semaphore_mem>>) src(%dma_wait3A_1739 : memref<8x128xf32, #tpu.memory_space<hbm>>) dst(%dma_wait3A_1738 : memref<8x128xf32, #tpu.memory_space<vmem>>)
    %dma_wait3A_1740 = arith.constant 36 : i32
    %dma_wait3A_1741 = arith.constant 0 : i32
    %dma_wait3A_1742 = arith.constant 0 : i32
    %dma_wait3A_1743 = tpu.memref_slice %arg7[%dma_wait3A_1740, %dma_wait3A_1741, %dma_wait3A_1742] : memref<64x8x128xf32, #tpu.memory_space<vmem>> -> memref<1x8x128xf32, #tpu.memory_space<vmem>>
    %dma_wait3A_1744 = tpu.memref_squeeze %dma_wait3A_1743 : memref<1x8x128xf32, #tpu.memory_space<vmem>> -> memref<8x128xf32, #tpu.memory_space<vmem>>
    %dma_wait3A_1745 = tpu.memref_slice %arg2[%multiple_of3A_371, %multiple_of3A] : memref<100000x1024xf32, #tpu.memory_space<hbm>> -> memref<8x128xf32, #tpu.memory_space<hbm>>
    %dma_wait3A_1746 = arith.constant 0 : i32
    %dma_wait3A_1747 = arith.constant 0 : i32
    %dma_wait3A_1748 = tpu.memref_slice %arg7[%dma_wait3A_1740, %dma_wait3A_1746, %dma_wait3A_1747] : memref<64x8x128xf32, #tpu.memory_space<vmem>> -> memref<1x8x128xf32, #tpu.memory_space<vmem>>
    %dma_wait3A_1749 = tpu.memref_squeeze %dma_wait3A_1748 : memref<1x8x128xf32, #tpu.memory_space<vmem>> -> memref<8x128xf32, #tpu.memory_space<vmem>>
    %dma_wait3A_1750 = tpu.memref_slice %arg2[%multiple_of3A_371, %multiple_of3A] : memref<100000x1024xf32, #tpu.memory_space<hbm>> -> memref<8x128xf32, #tpu.memory_space<hbm>>
    tpu.wait_dma2 semaphore(%arg9 : memref<!tpu.dma_semaphore, #tpu.memory_space<semaphore_mem>>) src(%dma_wait3A_1750 : memref<8x128xf32, #tpu.memory_space<hbm>>) dst(%dma_wait3A_1749 : memref<8x128xf32, #tpu.memory_space<vmem>>)
    %dma_wait3A_1751 = arith.constant 37 : i32
    %dma_wait3A_1752 = arith.constant 0 : i32
    %dma_wait3A_1753 = arith.constant 0 : i32
    %dma_wait3A_1754 = tpu.memref_slice %arg7[%dma_wait3A_1751, %dma_wait3A_1752, %dma_wait3A_1753] : memref<64x8x128xf32, #tpu.memory_space<vmem>> -> memref<1x8x128xf32, #tpu.memory_space<vmem>>
    %dma_wait3A_1755 = tpu.memref_squeeze %dma_wait3A_1754 : memref<1x8x128xf32, #tpu.memory_space<vmem>> -> memref<8x128xf32, #tpu.memory_space<vmem>>
    %dma_wait3A_1756 = tpu.memref_slice %arg2[%multiple_of3A_381, %multiple_of3A] : memref<100000x1024xf32, #tpu.memory_space<hbm>> -> memref<8x128xf32, #tpu.memory_space<hbm>>
    %dma_wait3A_1757 = arith.constant 0 : i32
    %dma_wait3A_1758 = arith.constant 0 : i32
    %dma_wait3A_1759 = tpu.memref_slice %arg7[%dma_wait3A_1751, %dma_wait3A_1757, %dma_wait3A_1758] : memref<64x8x128xf32, #tpu.memory_space<vmem>> -> memref<1x8x128xf32, #tpu.memory_space<vmem>>
    %dma_wait3A_1760 = tpu.memref_squeeze %dma_wait3A_1759 : memref<1x8x128xf32, #tpu.memory_space<vmem>> -> memref<8x128xf32, #tpu.memory_space<vmem>>
    %dma_wait3A_1761 = tpu.memref_slice %arg2[%multiple_of3A_381, %multiple_of3A] : memref<100000x1024xf32, #tpu.memory_space<hbm>> -> memref<8x128xf32, #tpu.memory_space<hbm>>
    tpu.wait_dma2 semaphore(%arg9 : memref<!tpu.dma_semaphore, #tpu.memory_space<semaphore_mem>>) src(%dma_wait3A_1761 : memref<8x128xf32, #tpu.memory_space<hbm>>) dst(%dma_wait3A_1760 : memref<8x128xf32, #tpu.memory_space<vmem>>)
    %dma_wait3A_1762 = arith.constant 38 : i32
    %dma_wait3A_1763 = arith.constant 0 : i32
    %dma_wait3A_1764 = arith.constant 0 : i32
    %dma_wait3A_1765 = tpu.memref_slice %arg7[%dma_wait3A_1762, %dma_wait3A_1763, %dma_wait3A_1764] : memref<64x8x128xf32, #tpu.memory_space<vmem>> -> memref<1x8x128xf32, #tpu.memory_space<vmem>>
    %dma_wait3A_1766 = tpu.memref_squeeze %dma_wait3A_1765 : memref<1x8x128xf32, #tpu.memory_space<vmem>> -> memref<8x128xf32, #tpu.memory_space<vmem>>
    %dma_wait3A_1767 = tpu.memref_slice %arg2[%multiple_of3A_391, %multiple_of3A] : memref<100000x1024xf32, #tpu.memory_space<hbm>> -> memref<8x128xf32, #tpu.memory_space<hbm>>
    %dma_wait3A_1768 = arith.constant 0 : i32
    %dma_wait3A_1769 = arith.constant 0 : i32
    %dma_wait3A_1770 = tpu.memref_slice %arg7[%dma_wait3A_1762, %dma_wait3A_1768, %dma_wait3A_1769] : memref<64x8x128xf32, #tpu.memory_space<vmem>> -> memref<1x8x128xf32, #tpu.memory_space<vmem>>
    %dma_wait3A_1771 = tpu.memref_squeeze %dma_wait3A_1770 : memref<1x8x128xf32, #tpu.memory_space<vmem>> -> memref<8x128xf32, #tpu.memory_space<vmem>>
    %dma_wait3A_1772 = tpu.memref_slice %arg2[%multiple_of3A_391, %multiple_of3A] : memref<100000x1024xf32, #tpu.memory_space<hbm>> -> memref<8x128xf32, #tpu.memory_space<hbm>>
    tpu.wait_dma2 semaphore(%arg9 : memref<!tpu.dma_semaphore, #tpu.memory_space<semaphore_mem>>) src(%dma_wait3A_1772 : memref<8x128xf32, #tpu.memory_space<hbm>>) dst(%dma_wait3A_1771 : memref<8x128xf32, #tpu.memory_space<vmem>>)
    %dma_wait3A_1773 = arith.constant 39 : i32
    %dma_wait3A_1774 = arith.constant 0 : i32
    %dma_wait3A_1775 = arith.constant 0 : i32
    %dma_wait3A_1776 = tpu.memref_slice %arg7[%dma_wait3A_1773, %dma_wait3A_1774, %dma_wait3A_1775] : memref<64x8x128xf32, #tpu.memory_space<vmem>> -> memref<1x8x128xf32, #tpu.memory_space<vmem>>
    %dma_wait3A_1777 = tpu.memref_squeeze %dma_wait3A_1776 : memref<1x8x128xf32, #tpu.memory_space<vmem>> -> memref<8x128xf32, #tpu.memory_space<vmem>>
    %dma_wait3A_1778 = tpu.memref_slice %arg2[%multiple_of3A_401, %multiple_of3A] : memref<100000x1024xf32, #tpu.memory_space<hbm>> -> memref<8x128xf32, #tpu.memory_space<hbm>>
    %dma_wait3A_1779 = arith.constant 0 : i32
    %dma_wait3A_1780 = arith.constant 0 : i32
    %dma_wait3A_1781 = tpu.memref_slice %arg7[%dma_wait3A_1773, %dma_wait3A_1779, %dma_wait3A_1780] : memref<64x8x128xf32, #tpu.memory_space<vmem>> -> memref<1x8x128xf32, #tpu.memory_space<vmem>>
    %dma_wait3A_1782 = tpu.memref_squeeze %dma_wait3A_1781 : memref<1x8x128xf32, #tpu.memory_space<vmem>> -> memref<8x128xf32, #tpu.memory_space<vmem>>
    %dma_wait3A_1783 = tpu.memref_slice %arg2[%multiple_of3A_401, %multiple_of3A] : memref<100000x1024xf32, #tpu.memory_space<hbm>> -> memref<8x128xf32, #tpu.memory_space<hbm>>
    tpu.wait_dma2 semaphore(%arg9 : memref<!tpu.dma_semaphore, #tpu.memory_space<semaphore_mem>>) src(%dma_wait3A_1783 : memref<8x128xf32, #tpu.memory_space<hbm>>) dst(%dma_wait3A_1782 : memref<8x128xf32, #tpu.memory_space<vmem>>)
    %dma_wait3A_1784 = arith.constant 40 : i32
    %dma_wait3A_1785 = arith.constant 0 : i32
    %dma_wait3A_1786 = arith.constant 0 : i32
    %dma_wait3A_1787 = tpu.memref_slice %arg7[%dma_wait3A_1784, %dma_wait3A_1785, %dma_wait3A_1786] : memref<64x8x128xf32, #tpu.memory_space<vmem>> -> memref<1x8x128xf32, #tpu.memory_space<vmem>>
    %dma_wait3A_1788 = tpu.memref_squeeze %dma_wait3A_1787 : memref<1x8x128xf32, #tpu.memory_space<vmem>> -> memref<8x128xf32, #tpu.memory_space<vmem>>
    %dma_wait3A_1789 = tpu.memref_slice %arg2[%multiple_of3A_411, %multiple_of3A] : memref<100000x1024xf32, #tpu.memory_space<hbm>> -> memref<8x128xf32, #tpu.memory_space<hbm>>
    %dma_wait3A_1790 = arith.constant 0 : i32
    %dma_wait3A_1791 = arith.constant 0 : i32
    %dma_wait3A_1792 = tpu.memref_slice %arg7[%dma_wait3A_1784, %dma_wait3A_1790, %dma_wait3A_1791] : memref<64x8x128xf32, #tpu.memory_space<vmem>> -> memref<1x8x128xf32, #tpu.memory_space<vmem>>
    %dma_wait3A_1793 = tpu.memref_squeeze %dma_wait3A_1792 : memref<1x8x128xf32, #tpu.memory_space<vmem>> -> memref<8x128xf32, #tpu.memory_space<vmem>>
    %dma_wait3A_1794 = tpu.memref_slice %arg2[%multiple_of3A_411, %multiple_of3A] : memref<100000x1024xf32, #tpu.memory_space<hbm>> -> memref<8x128xf32, #tpu.memory_space<hbm>>
    tpu.wait_dma2 semaphore(%arg9 : memref<!tpu.dma_semaphore, #tpu.memory_space<semaphore_mem>>) src(%dma_wait3A_1794 : memref<8x128xf32, #tpu.memory_space<hbm>>) dst(%dma_wait3A_1793 : memref<8x128xf32, #tpu.memory_space<vmem>>)
    %dma_wait3A_1795 = arith.constant 41 : i32
    %dma_wait3A_1796 = arith.constant 0 : i32
    %dma_wait3A_1797 = arith.constant 0 : i32
    %dma_wait3A_1798 = tpu.memref_slice %arg7[%dma_wait3A_1795, %dma_wait3A_1796, %dma_wait3A_1797] : memref<64x8x128xf32, #tpu.memory_space<vmem>> -> memref<1x8x128xf32, #tpu.memory_space<vmem>>
    %dma_wait3A_1799 = tpu.memref_squeeze %dma_wait3A_1798 : memref<1x8x128xf32, #tpu.memory_space<vmem>> -> memref<8x128xf32, #tpu.memory_space<vmem>>
    %dma_wait3A_1800 = tpu.memref_slice %arg2[%multiple_of3A_421, %multiple_of3A] : memref<100000x1024xf32, #tpu.memory_space<hbm>> -> memref<8x128xf32, #tpu.memory_space<hbm>>
    %dma_wait3A_1801 = arith.constant 0 : i32
    %dma_wait3A_1802 = arith.constant 0 : i32
    %dma_wait3A_1803 = tpu.memref_slice %arg7[%dma_wait3A_1795, %dma_wait3A_1801, %dma_wait3A_1802] : memref<64x8x128xf32, #tpu.memory_space<vmem>> -> memref<1x8x128xf32, #tpu.memory_space<vmem>>
    %dma_wait3A_1804 = tpu.memref_squeeze %dma_wait3A_1803 : memref<1x8x128xf32, #tpu.memory_space<vmem>> -> memref<8x128xf32, #tpu.memory_space<vmem>>
    %dma_wait3A_1805 = tpu.memref_slice %arg2[%multiple_of3A_421, %multiple_of3A] : memref<100000x1024xf32, #tpu.memory_space<hbm>> -> memref<8x128xf32, #tpu.memory_space<hbm>>
    tpu.wait_dma2 semaphore(%arg9 : memref<!tpu.dma_semaphore, #tpu.memory_space<semaphore_mem>>) src(%dma_wait3A_1805 : memref<8x128xf32, #tpu.memory_space<hbm>>) dst(%dma_wait3A_1804 : memref<8x128xf32, #tpu.memory_space<vmem>>)
    %dma_wait3A_1806 = arith.constant 42 : i32
    %dma_wait3A_1807 = arith.constant 0 : i32
    %dma_wait3A_1808 = arith.constant 0 : i32
    %dma_wait3A_1809 = tpu.memref_slice %arg7[%dma_wait3A_1806, %dma_wait3A_1807, %dma_wait3A_1808] : memref<64x8x128xf32, #tpu.memory_space<vmem>> -> memref<1x8x128xf32, #tpu.memory_space<vmem>>
    %dma_wait3A_1810 = tpu.memref_squeeze %dma_wait3A_1809 : memref<1x8x128xf32, #tpu.memory_space<vmem>> -> memref<8x128xf32, #tpu.memory_space<vmem>>
    %dma_wait3A_1811 = tpu.memref_slice %arg2[%multiple_of3A_431, %multiple_of3A] : memref<100000x1024xf32, #tpu.memory_space<hbm>> -> memref<8x128xf32, #tpu.memory_space<hbm>>
    %dma_wait3A_1812 = arith.constant 0 : i32
    %dma_wait3A_1813 = arith.constant 0 : i32
    %dma_wait3A_1814 = tpu.memref_slice %arg7[%dma_wait3A_1806, %dma_wait3A_1812, %dma_wait3A_1813] : memref<64x8x128xf32, #tpu.memory_space<vmem>> -> memref<1x8x128xf32, #tpu.memory_space<vmem>>
    %dma_wait3A_1815 = tpu.memref_squeeze %dma_wait3A_1814 : memref<1x8x128xf32, #tpu.memory_space<vmem>> -> memref<8x128xf32, #tpu.memory_space<vmem>>
    %dma_wait3A_1816 = tpu.memref_slice %arg2[%multiple_of3A_431, %multiple_of3A] : memref<100000x1024xf32, #tpu.memory_space<hbm>> -> memref<8x128xf32, #tpu.memory_space<hbm>>
    tpu.wait_dma2 semaphore(%arg9 : memref<!tpu.dma_semaphore, #tpu.memory_space<semaphore_mem>>) src(%dma_wait3A_1816 : memref<8x128xf32, #tpu.memory_space<hbm>>) dst(%dma_wait3A_1815 : memref<8x128xf32, #tpu.memory_space<vmem>>)
    %dma_wait3A_1817 = arith.constant 43 : i32
    %dma_wait3A_1818 = arith.constant 0 : i32
    %dma_wait3A_1819 = arith.constant 0 : i32
    %dma_wait3A_1820 = tpu.memref_slice %arg7[%dma_wait3A_1817, %dma_wait3A_1818, %dma_wait3A_1819] : memref<64x8x128xf32, #tpu.memory_space<vmem>> -> memref<1x8x128xf32, #tpu.memory_space<vmem>>
    %dma_wait3A_1821 = tpu.memref_squeeze %dma_wait3A_1820 : memref<1x8x128xf32, #tpu.memory_space<vmem>> -> memref<8x128xf32, #tpu.memory_space<vmem>>
    %dma_wait3A_1822 = tpu.memref_slice %arg2[%multiple_of3A_441, %multiple_of3A] : memref<100000x1024xf32, #tpu.memory_space<hbm>> -> memref<8x128xf32, #tpu.memory_space<hbm>>
    %dma_wait3A_1823 = arith.constant 0 : i32
    %dma_wait3A_1824 = arith.constant 0 : i32
    %dma_wait3A_1825 = tpu.memref_slice %arg7[%dma_wait3A_1817, %dma_wait3A_1823, %dma_wait3A_1824] : memref<64x8x128xf32, #tpu.memory_space<vmem>> -> memref<1x8x128xf32, #tpu.memory_space<vmem>>
    %dma_wait3A_1826 = tpu.memref_squeeze %dma_wait3A_1825 : memref<1x8x128xf32, #tpu.memory_space<vmem>> -> memref<8x128xf32, #tpu.memory_space<vmem>>
    %dma_wait3A_1827 = tpu.memref_slice %arg2[%multiple_of3A_441, %multiple_of3A] : memref<100000x1024xf32, #tpu.memory_space<hbm>> -> memref<8x128xf32, #tpu.memory_space<hbm>>
    tpu.wait_dma2 semaphore(%arg9 : memref<!tpu.dma_semaphore, #tpu.memory_space<semaphore_mem>>) src(%dma_wait3A_1827 : memref<8x128xf32, #tpu.memory_space<hbm>>) dst(%dma_wait3A_1826 : memref<8x128xf32, #tpu.memory_space<vmem>>)
    %dma_wait3A_1828 = arith.constant 44 : i32
    %dma_wait3A_1829 = arith.constant 0 : i32
    %dma_wait3A_1830 = arith.constant 0 : i32
    %dma_wait3A_1831 = tpu.memref_slice %arg7[%dma_wait3A_1828, %dma_wait3A_1829, %dma_wait3A_1830] : memref<64x8x128xf32, #tpu.memory_space<vmem>> -> memref<1x8x128xf32, #tpu.memory_space<vmem>>
    %dma_wait3A_1832 = tpu.memref_squeeze %dma_wait3A_1831 : memref<1x8x128xf32, #tpu.memory_space<vmem>> -> memref<8x128xf32, #tpu.memory_space<vmem>>
    %dma_wait3A_1833 = tpu.memref_slice %arg2[%multiple_of3A_451, %multiple_of3A] : memref<100000x1024xf32, #tpu.memory_space<hbm>> -> memref<8x128xf32, #tpu.memory_space<hbm>>
    %dma_wait3A_1834 = arith.constant 0 : i32
    %dma_wait3A_1835 = arith.constant 0 : i32
    %dma_wait3A_1836 = tpu.memref_slice %arg7[%dma_wait3A_1828, %dma_wait3A_1834, %dma_wait3A_1835] : memref<64x8x128xf32, #tpu.memory_space<vmem>> -> memref<1x8x128xf32, #tpu.memory_space<vmem>>
    %dma_wait3A_1837 = tpu.memref_squeeze %dma_wait3A_1836 : memref<1x8x128xf32, #tpu.memory_space<vmem>> -> memref<8x128xf32, #tpu.memory_space<vmem>>
    %dma_wait3A_1838 = tpu.memref_slice %arg2[%multiple_of3A_451, %multiple_of3A] : memref<100000x1024xf32, #tpu.memory_space<hbm>> -> memref<8x128xf32, #tpu.memory_space<hbm>>
    tpu.wait_dma2 semaphore(%arg9 : memref<!tpu.dma_semaphore, #tpu.memory_space<semaphore_mem>>) src(%dma_wait3A_1838 : memref<8x128xf32, #tpu.memory_space<hbm>>) dst(%dma_wait3A_1837 : memref<8x128xf32, #tpu.memory_space<vmem>>)
    %dma_wait3A_1839 = arith.constant 45 : i32
    %dma_wait3A_1840 = arith.constant 0 : i32
    %dma_wait3A_1841 = arith.constant 0 : i32
    %dma_wait3A_1842 = tpu.memref_slice %arg7[%dma_wait3A_1839, %dma_wait3A_1840, %dma_wait3A_1841] : memref<64x8x128xf32, #tpu.memory_space<vmem>> -> memref<1x8x128xf32, #tpu.memory_space<vmem>>
    %dma_wait3A_1843 = tpu.memref_squeeze %dma_wait3A_1842 : memref<1x8x128xf32, #tpu.memory_space<vmem>> -> memref<8x128xf32, #tpu.memory_space<vmem>>
    %dma_wait3A_1844 = tpu.memref_slice %arg2[%multiple_of3A_461, %multiple_of3A] : memref<100000x1024xf32, #tpu.memory_space<hbm>> -> memref<8x128xf32, #tpu.memory_space<hbm>>
    %dma_wait3A_1845 = arith.constant 0 : i32
    %dma_wait3A_1846 = arith.constant 0 : i32
    %dma_wait3A_1847 = tpu.memref_slice %arg7[%dma_wait3A_1839, %dma_wait3A_1845, %dma_wait3A_1846] : memref<64x8x128xf32, #tpu.memory_space<vmem>> -> memref<1x8x128xf32, #tpu.memory_space<vmem>>
    %dma_wait3A_1848 = tpu.memref_squeeze %dma_wait3A_1847 : memref<1x8x128xf32, #tpu.memory_space<vmem>> -> memref<8x128xf32, #tpu.memory_space<vmem>>
    %dma_wait3A_1849 = tpu.memref_slice %arg2[%multiple_of3A_461, %multiple_of3A] : memref<100000x1024xf32, #tpu.memory_space<hbm>> -> memref<8x128xf32, #tpu.memory_space<hbm>>
    tpu.wait_dma2 semaphore(%arg9 : memref<!tpu.dma_semaphore, #tpu.memory_space<semaphore_mem>>) src(%dma_wait3A_1849 : memref<8x128xf32, #tpu.memory_space<hbm>>) dst(%dma_wait3A_1848 : memref<8x128xf32, #tpu.memory_space<vmem>>)
    %dma_wait3A_1850 = arith.constant 46 : i32
    %dma_wait3A_1851 = arith.constant 0 : i32
    %dma_wait3A_1852 = arith.constant 0 : i32
    %dma_wait3A_1853 = tpu.memref_slice %arg7[%dma_wait3A_1850, %dma_wait3A_1851, %dma_wait3A_1852] : memref<64x8x128xf32, #tpu.memory_space<vmem>> -> memref<1x8x128xf32, #tpu.memory_space<vmem>>
    %dma_wait3A_1854 = tpu.memref_squeeze %dma_wait3A_1853 : memref<1x8x128xf32, #tpu.memory_space<vmem>> -> memref<8x128xf32, #tpu.memory_space<vmem>>
    %dma_wait3A_1855 = tpu.memref_slice %arg2[%multiple_of3A_471, %multiple_of3A] : memref<100000x1024xf32, #tpu.memory_space<hbm>> -> memref<8x128xf32, #tpu.memory_space<hbm>>
    %dma_wait3A_1856 = arith.constant 0 : i32
    %dma_wait3A_1857 = arith.constant 0 : i32
    %dma_wait3A_1858 = tpu.memref_slice %arg7[%dma_wait3A_1850, %dma_wait3A_1856, %dma_wait3A_1857] : memref<64x8x128xf32, #tpu.memory_space<vmem>> -> memref<1x8x128xf32, #tpu.memory_space<vmem>>
    %dma_wait3A_1859 = tpu.memref_squeeze %dma_wait3A_1858 : memref<1x8x128xf32, #tpu.memory_space<vmem>> -> memref<8x128xf32, #tpu.memory_space<vmem>>
    %dma_wait3A_1860 = tpu.memref_slice %arg2[%multiple_of3A_471, %multiple_of3A] : memref<100000x1024xf32, #tpu.memory_space<hbm>> -> memref<8x128xf32, #tpu.memory_space<hbm>>
    tpu.wait_dma2 semaphore(%arg9 : memref<!tpu.dma_semaphore, #tpu.memory_space<semaphore_mem>>) src(%dma_wait3A_1860 : memref<8x128xf32, #tpu.memory_space<hbm>>) dst(%dma_wait3A_1859 : memref<8x128xf32, #tpu.memory_space<vmem>>)
    %dma_wait3A_1861 = arith.constant 47 : i32
    %dma_wait3A_1862 = arith.constant 0 : i32
    %dma_wait3A_1863 = arith.constant 0 : i32
    %dma_wait3A_1864 = tpu.memref_slice %arg7[%dma_wait3A_1861, %dma_wait3A_1862, %dma_wait3A_1863] : memref<64x8x128xf32, #tpu.memory_space<vmem>> -> memref<1x8x128xf32, #tpu.memory_space<vmem>>
    %dma_wait3A_1865 = tpu.memref_squeeze %dma_wait3A_1864 : memref<1x8x128xf32, #tpu.memory_space<vmem>> -> memref<8x128xf32, #tpu.memory_space<vmem>>
    %dma_wait3A_1866 = tpu.memref_slice %arg2[%multiple_of3A_481, %multiple_of3A] : memref<100000x1024xf32, #tpu.memory_space<hbm>> -> memref<8x128xf32, #tpu.memory_space<hbm>>
    %dma_wait3A_1867 = arith.constant 0 : i32
    %dma_wait3A_1868 = arith.constant 0 : i32
    %dma_wait3A_1869 = tpu.memref_slice %arg7[%dma_wait3A_1861, %dma_wait3A_1867, %dma_wait3A_1868] : memref<64x8x128xf32, #tpu.memory_space<vmem>> -> memref<1x8x128xf32, #tpu.memory_space<vmem>>
    %dma_wait3A_1870 = tpu.memref_squeeze %dma_wait3A_1869 : memref<1x8x128xf32, #tpu.memory_space<vmem>> -> memref<8x128xf32, #tpu.memory_space<vmem>>
    %dma_wait3A_1871 = tpu.memref_slice %arg2[%multiple_of3A_481, %multiple_of3A] : memref<100000x1024xf32, #tpu.memory_space<hbm>> -> memref<8x128xf32, #tpu.memory_space<hbm>>
    tpu.wait_dma2 semaphore(%arg9 : memref<!tpu.dma_semaphore, #tpu.memory_space<semaphore_mem>>) src(%dma_wait3A_1871 : memref<8x128xf32, #tpu.memory_space<hbm>>) dst(%dma_wait3A_1870 : memref<8x128xf32, #tpu.memory_space<vmem>>)
    %dma_wait3A_1872 = arith.constant 48 : i32
    %dma_wait3A_1873 = arith.constant 0 : i32
    %dma_wait3A_1874 = arith.constant 0 : i32
    %dma_wait3A_1875 = tpu.memref_slice %arg7[%dma_wait3A_1872, %dma_wait3A_1873, %dma_wait3A_1874] : memref<64x8x128xf32, #tpu.memory_space<vmem>> -> memref<1x8x128xf32, #tpu.memory_space<vmem>>
    %dma_wait3A_1876 = tpu.memref_squeeze %dma_wait3A_1875 : memref<1x8x128xf32, #tpu.memory_space<vmem>> -> memref<8x128xf32, #tpu.memory_space<vmem>>
    %dma_wait3A_1877 = tpu.memref_slice %arg2[%multiple_of3A_491, %multiple_of3A] : memref<100000x1024xf32, #tpu.memory_space<hbm>> -> memref<8x128xf32, #tpu.memory_space<hbm>>
    %dma_wait3A_1878 = arith.constant 0 : i32
    %dma_wait3A_1879 = arith.constant 0 : i32
    %dma_wait3A_1880 = tpu.memref_slice %arg7[%dma_wait3A_1872, %dma_wait3A_1878, %dma_wait3A_1879] : memref<64x8x128xf32, #tpu.memory_space<vmem>> -> memref<1x8x128xf32, #tpu.memory_space<vmem>>
    %dma_wait3A_1881 = tpu.memref_squeeze %dma_wait3A_1880 : memref<1x8x128xf32, #tpu.memory_space<vmem>> -> memref<8x128xf32, #tpu.memory_space<vmem>>
    %dma_wait3A_1882 = tpu.memref_slice %arg2[%multiple_of3A_491, %multiple_of3A] : memref<100000x1024xf32, #tpu.memory_space<hbm>> -> memref<8x128xf32, #tpu.memory_space<hbm>>
    tpu.wait_dma2 semaphore(%arg9 : memref<!tpu.dma_semaphore, #tpu.memory_space<semaphore_mem>>) src(%dma_wait3A_1882 : memref<8x128xf32, #tpu.memory_space<hbm>>) dst(%dma_wait3A_1881 : memref<8x128xf32, #tpu.memory_space<vmem>>)
    %dma_wait3A_1883 = arith.constant 49 : i32
    %dma_wait3A_1884 = arith.constant 0 : i32
    %dma_wait3A_1885 = arith.constant 0 : i32
    %dma_wait3A_1886 = tpu.memref_slice %arg7[%dma_wait3A_1883, %dma_wait3A_1884, %dma_wait3A_1885] : memref<64x8x128xf32, #tpu.memory_space<vmem>> -> memref<1x8x128xf32, #tpu.memory_space<vmem>>
    %dma_wait3A_1887 = tpu.memref_squeeze %dma_wait3A_1886 : memref<1x8x128xf32, #tpu.memory_space<vmem>> -> memref<8x128xf32, #tpu.memory_space<vmem>>
    %dma_wait3A_1888 = tpu.memref_slice %arg2[%multiple_of3A_501, %multiple_of3A] : memref<100000x1024xf32, #tpu.memory_space<hbm>> -> memref<8x128xf32, #tpu.memory_space<hbm>>
    %dma_wait3A_1889 = arith.constant 0 : i32
    %dma_wait3A_1890 = arith.constant 0 : i32
    %dma_wait3A_1891 = tpu.memref_slice %arg7[%dma_wait3A_1883, %dma_wait3A_1889, %dma_wait3A_1890] : memref<64x8x128xf32, #tpu.memory_space<vmem>> -> memref<1x8x128xf32, #tpu.memory_space<vmem>>
    %dma_wait3A_1892 = tpu.memref_squeeze %dma_wait3A_1891 : memref<1x8x128xf32, #tpu.memory_space<vmem>> -> memref<8x128xf32, #tpu.memory_space<vmem>>
    %dma_wait3A_1893 = tpu.memref_slice %arg2[%multiple_of3A_501, %multiple_of3A] : memref<100000x1024xf32, #tpu.memory_space<hbm>> -> memref<8x128xf32, #tpu.memory_space<hbm>>
    tpu.wait_dma2 semaphore(%arg9 : memref<!tpu.dma_semaphore, #tpu.memory_space<semaphore_mem>>) src(%dma_wait3A_1893 : memref<8x128xf32, #tpu.memory_space<hbm>>) dst(%dma_wait3A_1892 : memref<8x128xf32, #tpu.memory_space<vmem>>)
    %dma_wait3A_1894 = arith.constant 50 : i32
    %dma_wait3A_1895 = arith.constant 0 : i32
    %dma_wait3A_1896 = arith.constant 0 : i32
    %dma_wait3A_1897 = tpu.memref_slice %arg7[%dma_wait3A_1894, %dma_wait3A_1895, %dma_wait3A_1896] : memref<64x8x128xf32, #tpu.memory_space<vmem>> -> memref<1x8x128xf32, #tpu.memory_space<vmem>>
    %dma_wait3A_1898 = tpu.memref_squeeze %dma_wait3A_1897 : memref<1x8x128xf32, #tpu.memory_space<vmem>> -> memref<8x128xf32, #tpu.memory_space<vmem>>
    %dma_wait3A_1899 = tpu.memref_slice %arg2[%multiple_of3A_511, %multiple_of3A] : memref<100000x1024xf32, #tpu.memory_space<hbm>> -> memref<8x128xf32, #tpu.memory_space<hbm>>
    %dma_wait3A_1900 = arith.constant 0 : i32
    %dma_wait3A_1901 = arith.constant 0 : i32
    %dma_wait3A_1902 = tpu.memref_slice %arg7[%dma_wait3A_1894, %dma_wait3A_1900, %dma_wait3A_1901] : memref<64x8x128xf32, #tpu.memory_space<vmem>> -> memref<1x8x128xf32, #tpu.memory_space<vmem>>
    %dma_wait3A_1903 = tpu.memref_squeeze %dma_wait3A_1902 : memref<1x8x128xf32, #tpu.memory_space<vmem>> -> memref<8x128xf32, #tpu.memory_space<vmem>>
    %dma_wait3A_1904 = tpu.memref_slice %arg2[%multiple_of3A_511, %multiple_of3A] : memref<100000x1024xf32, #tpu.memory_space<hbm>> -> memref<8x128xf32, #tpu.memory_space<hbm>>
    tpu.wait_dma2 semaphore(%arg9 : memref<!tpu.dma_semaphore, #tpu.memory_space<semaphore_mem>>) src(%dma_wait3A_1904 : memref<8x128xf32, #tpu.memory_space<hbm>>) dst(%dma_wait3A_1903 : memref<8x128xf32, #tpu.memory_space<vmem>>)
    %dma_wait3A_1905 = arith.constant 51 : i32
    %dma_wait3A_1906 = arith.constant 0 : i32
    %dma_wait3A_1907 = arith.constant 0 : i32
    %dma_wait3A_1908 = tpu.memref_slice %arg7[%dma_wait3A_1905, %dma_wait3A_1906, %dma_wait3A_1907] : memref<64x8x128xf32, #tpu.memory_space<vmem>> -> memref<1x8x128xf32, #tpu.memory_space<vmem>>
    %dma_wait3A_1909 = tpu.memref_squeeze %dma_wait3A_1908 : memref<1x8x128xf32, #tpu.memory_space<vmem>> -> memref<8x128xf32, #tpu.memory_space<vmem>>
    %dma_wait3A_1910 = tpu.memref_slice %arg2[%multiple_of3A_521, %multiple_of3A] : memref<100000x1024xf32, #tpu.memory_space<hbm>> -> memref<8x128xf32, #tpu.memory_space<hbm>>
    %dma_wait3A_1911 = arith.constant 0 : i32
    %dma_wait3A_1912 = arith.constant 0 : i32
    %dma_wait3A_1913 = tpu.memref_slice %arg7[%dma_wait3A_1905, %dma_wait3A_1911, %dma_wait3A_1912] : memref<64x8x128xf32, #tpu.memory_space<vmem>> -> memref<1x8x128xf32, #tpu.memory_space<vmem>>
    %dma_wait3A_1914 = tpu.memref_squeeze %dma_wait3A_1913 : memref<1x8x128xf32, #tpu.memory_space<vmem>> -> memref<8x128xf32, #tpu.memory_space<vmem>>
    %dma_wait3A_1915 = tpu.memref_slice %arg2[%multiple_of3A_521, %multiple_of3A] : memref<100000x1024xf32, #tpu.memory_space<hbm>> -> memref<8x128xf32, #tpu.memory_space<hbm>>
    tpu.wait_dma2 semaphore(%arg9 : memref<!tpu.dma_semaphore, #tpu.memory_space<semaphore_mem>>) src(%dma_wait3A_1915 : memref<8x128xf32, #tpu.memory_space<hbm>>) dst(%dma_wait3A_1914 : memref<8x128xf32, #tpu.memory_space<vmem>>)
    %dma_wait3A_1916 = arith.constant 52 : i32
    %dma_wait3A_1917 = arith.constant 0 : i32
    %dma_wait3A_1918 = arith.constant 0 : i32
    %dma_wait3A_1919 = tpu.memref_slice %arg7[%dma_wait3A_1916, %dma_wait3A_1917, %dma_wait3A_1918] : memref<64x8x128xf32, #tpu.memory_space<vmem>> -> memref<1x8x128xf32, #tpu.memory_space<vmem>>
    %dma_wait3A_1920 = tpu.memref_squeeze %dma_wait3A_1919 : memref<1x8x128xf32, #tpu.memory_space<vmem>> -> memref<8x128xf32, #tpu.memory_space<vmem>>
    %dma_wait3A_1921 = tpu.memref_slice %arg2[%multiple_of3A_531, %multiple_of3A] : memref<100000x1024xf32, #tpu.memory_space<hbm>> -> memref<8x128xf32, #tpu.memory_space<hbm>>
    %dma_wait3A_1922 = arith.constant 0 : i32
    %dma_wait3A_1923 = arith.constant 0 : i32
    %dma_wait3A_1924 = tpu.memref_slice %arg7[%dma_wait3A_1916, %dma_wait3A_1922, %dma_wait3A_1923] : memref<64x8x128xf32, #tpu.memory_space<vmem>> -> memref<1x8x128xf32, #tpu.memory_space<vmem>>
    %dma_wait3A_1925 = tpu.memref_squeeze %dma_wait3A_1924 : memref<1x8x128xf32, #tpu.memory_space<vmem>> -> memref<8x128xf32, #tpu.memory_space<vmem>>
    %dma_wait3A_1926 = tpu.memref_slice %arg2[%multiple_of3A_531, %multiple_of3A] : memref<100000x1024xf32, #tpu.memory_space<hbm>> -> memref<8x128xf32, #tpu.memory_space<hbm>>
    tpu.wait_dma2 semaphore(%arg9 : memref<!tpu.dma_semaphore, #tpu.memory_space<semaphore_mem>>) src(%dma_wait3A_1926 : memref<8x128xf32, #tpu.memory_space<hbm>>) dst(%dma_wait3A_1925 : memref<8x128xf32, #tpu.memory_space<vmem>>)
    %dma_wait3A_1927 = arith.constant 53 : i32
    %dma_wait3A_1928 = arith.constant 0 : i32
    %dma_wait3A_1929 = arith.constant 0 : i32
    %dma_wait3A_1930 = tpu.memref_slice %arg7[%dma_wait3A_1927, %dma_wait3A_1928, %dma_wait3A_1929] : memref<64x8x128xf32, #tpu.memory_space<vmem>> -> memref<1x8x128xf32, #tpu.memory_space<vmem>>
    %dma_wait3A_1931 = tpu.memref_squeeze %dma_wait3A_1930 : memref<1x8x128xf32, #tpu.memory_space<vmem>> -> memref<8x128xf32, #tpu.memory_space<vmem>>
    %dma_wait3A_1932 = tpu.memref_slice %arg2[%multiple_of3A_541, %multiple_of3A] : memref<100000x1024xf32, #tpu.memory_space<hbm>> -> memref<8x128xf32, #tpu.memory_space<hbm>>
    %dma_wait3A_1933 = arith.constant 0 : i32
    %dma_wait3A_1934 = arith.constant 0 : i32
    %dma_wait3A_1935 = tpu.memref_slice %arg7[%dma_wait3A_1927, %dma_wait3A_1933, %dma_wait3A_1934] : memref<64x8x128xf32, #tpu.memory_space<vmem>> -> memref<1x8x128xf32, #tpu.memory_space<vmem>>
    %dma_wait3A_1936 = tpu.memref_squeeze %dma_wait3A_1935 : memref<1x8x128xf32, #tpu.memory_space<vmem>> -> memref<8x128xf32, #tpu.memory_space<vmem>>
    %dma_wait3A_1937 = tpu.memref_slice %arg2[%multiple_of3A_541, %multiple_of3A] : memref<100000x1024xf32, #tpu.memory_space<hbm>> -> memref<8x128xf32, #tpu.memory_space<hbm>>
    tpu.wait_dma2 semaphore(%arg9 : memref<!tpu.dma_semaphore, #tpu.memory_space<semaphore_mem>>) src(%dma_wait3A_1937 : memref<8x128xf32, #tpu.memory_space<hbm>>) dst(%dma_wait3A_1936 : memref<8x128xf32, #tpu.memory_space<vmem>>)
    %dma_wait3A_1938 = arith.constant 54 : i32
    %dma_wait3A_1939 = arith.constant 0 : i32
    %dma_wait3A_1940 = arith.constant 0 : i32
    %dma_wait3A_1941 = tpu.memref_slice %arg7[%dma_wait3A_1938, %dma_wait3A_1939, %dma_wait3A_1940] : memref<64x8x128xf32, #tpu.memory_space<vmem>> -> memref<1x8x128xf32, #tpu.memory_space<vmem>>
    %dma_wait3A_1942 = tpu.memref_squeeze %dma_wait3A_1941 : memref<1x8x128xf32, #tpu.memory_space<vmem>> -> memref<8x128xf32, #tpu.memory_space<vmem>>
    %dma_wait3A_1943 = tpu.memref_slice %arg2[%multiple_of3A_551, %multiple_of3A] : memref<100000x1024xf32, #tpu.memory_space<hbm>> -> memref<8x128xf32, #tpu.memory_space<hbm>>
    %dma_wait3A_1944 = arith.constant 0 : i32
    %dma_wait3A_1945 = arith.constant 0 : i32
    %dma_wait3A_1946 = tpu.memref_slice %arg7[%dma_wait3A_1938, %dma_wait3A_1944, %dma_wait3A_1945] : memref<64x8x128xf32, #tpu.memory_space<vmem>> -> memref<1x8x128xf32, #tpu.memory_space<vmem>>
    %dma_wait3A_1947 = tpu.memref_squeeze %dma_wait3A_1946 : memref<1x8x128xf32, #tpu.memory_space<vmem>> -> memref<8x128xf32, #tpu.memory_space<vmem>>
    %dma_wait3A_1948 = tpu.memref_slice %arg2[%multiple_of3A_551, %multiple_of3A] : memref<100000x1024xf32, #tpu.memory_space<hbm>> -> memref<8x128xf32, #tpu.memory_space<hbm>>
    tpu.wait_dma2 semaphore(%arg9 : memref<!tpu.dma_semaphore, #tpu.memory_space<semaphore_mem>>) src(%dma_wait3A_1948 : memref<8x128xf32, #tpu.memory_space<hbm>>) dst(%dma_wait3A_1947 : memref<8x128xf32, #tpu.memory_space<vmem>>)
    %dma_wait3A_1949 = arith.constant 55 : i32
    %dma_wait3A_1950 = arith.constant 0 : i32
    %dma_wait3A_1951 = arith.constant 0 : i32
    %dma_wait3A_1952 = tpu.memref_slice %arg7[%dma_wait3A_1949, %dma_wait3A_1950, %dma_wait3A_1951] : memref<64x8x128xf32, #tpu.memory_space<vmem>> -> memref<1x8x128xf32, #tpu.memory_space<vmem>>
    %dma_wait3A_1953 = tpu.memref_squeeze %dma_wait3A_1952 : memref<1x8x128xf32, #tpu.memory_space<vmem>> -> memref<8x128xf32, #tpu.memory_space<vmem>>
    %dma_wait3A_1954 = tpu.memref_slice %arg2[%multiple_of3A_561, %multiple_of3A] : memref<100000x1024xf32, #tpu.memory_space<hbm>> -> memref<8x128xf32, #tpu.memory_space<hbm>>
    %dma_wait3A_1955 = arith.constant 0 : i32
    %dma_wait3A_1956 = arith.constant 0 : i32
    %dma_wait3A_1957 = tpu.memref_slice %arg7[%dma_wait3A_1949, %dma_wait3A_1955, %dma_wait3A_1956] : memref<64x8x128xf32, #tpu.memory_space<vmem>> -> memref<1x8x128xf32, #tpu.memory_space<vmem>>
    %dma_wait3A_1958 = tpu.memref_squeeze %dma_wait3A_1957 : memref<1x8x128xf32, #tpu.memory_space<vmem>> -> memref<8x128xf32, #tpu.memory_space<vmem>>
    %dma_wait3A_1959 = tpu.memref_slice %arg2[%multiple_of3A_561, %multiple_of3A] : memref<100000x1024xf32, #tpu.memory_space<hbm>> -> memref<8x128xf32, #tpu.memory_space<hbm>>
    tpu.wait_dma2 semaphore(%arg9 : memref<!tpu.dma_semaphore, #tpu.memory_space<semaphore_mem>>) src(%dma_wait3A_1959 : memref<8x128xf32, #tpu.memory_space<hbm>>) dst(%dma_wait3A_1958 : memref<8x128xf32, #tpu.memory_space<vmem>>)
    %dma_wait3A_1960 = arith.constant 56 : i32
    %dma_wait3A_1961 = arith.constant 0 : i32
    %dma_wait3A_1962 = arith.constant 0 : i32
    %dma_wait3A_1963 = tpu.memref_slice %arg7[%dma_wait3A_1960, %dma_wait3A_1961, %dma_wait3A_1962] : memref<64x8x128xf32, #tpu.memory_space<vmem>> -> memref<1x8x128xf32, #tpu.memory_space<vmem>>
    %dma_wait3A_1964 = tpu.memref_squeeze %dma_wait3A_1963 : memref<1x8x128xf32, #tpu.memory_space<vmem>> -> memref<8x128xf32, #tpu.memory_space<vmem>>
    %dma_wait3A_1965 = tpu.memref_slice %arg2[%multiple_of3A_571, %multiple_of3A] : memref<100000x1024xf32, #tpu.memory_space<hbm>> -> memref<8x128xf32, #tpu.memory_space<hbm>>
    %dma_wait3A_1966 = arith.constant 0 : i32
    %dma_wait3A_1967 = arith.constant 0 : i32
    %dma_wait3A_1968 = tpu.memref_slice %arg7[%dma_wait3A_1960, %dma_wait3A_1966, %dma_wait3A_1967] : memref<64x8x128xf32, #tpu.memory_space<vmem>> -> memref<1x8x128xf32, #tpu.memory_space<vmem>>
    %dma_wait3A_1969 = tpu.memref_squeeze %dma_wait3A_1968 : memref<1x8x128xf32, #tpu.memory_space<vmem>> -> memref<8x128xf32, #tpu.memory_space<vmem>>
    %dma_wait3A_1970 = tpu.memref_slice %arg2[%multiple_of3A_571, %multiple_of3A] : memref<100000x1024xf32, #tpu.memory_space<hbm>> -> memref<8x128xf32, #tpu.memory_space<hbm>>
    tpu.wait_dma2 semaphore(%arg9 : memref<!tpu.dma_semaphore, #tpu.memory_space<semaphore_mem>>) src(%dma_wait3A_1970 : memref<8x128xf32, #tpu.memory_space<hbm>>) dst(%dma_wait3A_1969 : memref<8x128xf32, #tpu.memory_space<vmem>>)
    %dma_wait3A_1971 = arith.constant 57 : i32
    %dma_wait3A_1972 = arith.constant 0 : i32
    %dma_wait3A_1973 = arith.constant 0 : i32
    %dma_wait3A_1974 = tpu.memref_slice %arg7[%dma_wait3A_1971, %dma_wait3A_1972, %dma_wait3A_1973] : memref<64x8x128xf32, #tpu.memory_space<vmem>> -> memref<1x8x128xf32, #tpu.memory_space<vmem>>
    %dma_wait3A_1975 = tpu.memref_squeeze %dma_wait3A_1974 : memref<1x8x128xf32, #tpu.memory_space<vmem>> -> memref<8x128xf32, #tpu.memory_space<vmem>>
    %dma_wait3A_1976 = tpu.memref_slice %arg2[%multiple_of3A_581, %multiple_of3A] : memref<100000x1024xf32, #tpu.memory_space<hbm>> -> memref<8x128xf32, #tpu.memory_space<hbm>>
    %dma_wait3A_1977 = arith.constant 0 : i32
    %dma_wait3A_1978 = arith.constant 0 : i32
    %dma_wait3A_1979 = tpu.memref_slice %arg7[%dma_wait3A_1971, %dma_wait3A_1977, %dma_wait3A_1978] : memref<64x8x128xf32, #tpu.memory_space<vmem>> -> memref<1x8x128xf32, #tpu.memory_space<vmem>>
    %dma_wait3A_1980 = tpu.memref_squeeze %dma_wait3A_1979 : memref<1x8x128xf32, #tpu.memory_space<vmem>> -> memref<8x128xf32, #tpu.memory_space<vmem>>
    %dma_wait3A_1981 = tpu.memref_slice %arg2[%multiple_of3A_581, %multiple_of3A] : memref<100000x1024xf32, #tpu.memory_space<hbm>> -> memref<8x128xf32, #tpu.memory_space<hbm>>
    tpu.wait_dma2 semaphore(%arg9 : memref<!tpu.dma_semaphore, #tpu.memory_space<semaphore_mem>>) src(%dma_wait3A_1981 : memref<8x128xf32, #tpu.memory_space<hbm>>) dst(%dma_wait3A_1980 : memref<8x128xf32, #tpu.memory_space<vmem>>)
    %dma_wait3A_1982 = arith.constant 58 : i32
    %dma_wait3A_1983 = arith.constant 0 : i32
    %dma_wait3A_1984 = arith.constant 0 : i32
    %dma_wait3A_1985 = tpu.memref_slice %arg7[%dma_wait3A_1982, %dma_wait3A_1983, %dma_wait3A_1984] : memref<64x8x128xf32, #tpu.memory_space<vmem>> -> memref<1x8x128xf32, #tpu.memory_space<vmem>>
    %dma_wait3A_1986 = tpu.memref_squeeze %dma_wait3A_1985 : memref<1x8x128xf32, #tpu.memory_space<vmem>> -> memref<8x128xf32, #tpu.memory_space<vmem>>
    %dma_wait3A_1987 = tpu.memref_slice %arg2[%multiple_of3A_591, %multiple_of3A] : memref<100000x1024xf32, #tpu.memory_space<hbm>> -> memref<8x128xf32, #tpu.memory_space<hbm>>
    %dma_wait3A_1988 = arith.constant 0 : i32
    %dma_wait3A_1989 = arith.constant 0 : i32
    %dma_wait3A_1990 = tpu.memref_slice %arg7[%dma_wait3A_1982, %dma_wait3A_1988, %dma_wait3A_1989] : memref<64x8x128xf32, #tpu.memory_space<vmem>> -> memref<1x8x128xf32, #tpu.memory_space<vmem>>
    %dma_wait3A_1991 = tpu.memref_squeeze %dma_wait3A_1990 : memref<1x8x128xf32, #tpu.memory_space<vmem>> -> memref<8x128xf32, #tpu.memory_space<vmem>>
    %dma_wait3A_1992 = tpu.memref_slice %arg2[%multiple_of3A_591, %multiple_of3A] : memref<100000x1024xf32, #tpu.memory_space<hbm>> -> memref<8x128xf32, #tpu.memory_space<hbm>>
    tpu.wait_dma2 semaphore(%arg9 : memref<!tpu.dma_semaphore, #tpu.memory_space<semaphore_mem>>) src(%dma_wait3A_1992 : memref<8x128xf32, #tpu.memory_space<hbm>>) dst(%dma_wait3A_1991 : memref<8x128xf32, #tpu.memory_space<vmem>>)
    %dma_wait3A_1993 = arith.constant 59 : i32
    %dma_wait3A_1994 = arith.constant 0 : i32
    %dma_wait3A_1995 = arith.constant 0 : i32
    %dma_wait3A_1996 = tpu.memref_slice %arg7[%dma_wait3A_1993, %dma_wait3A_1994, %dma_wait3A_1995] : memref<64x8x128xf32, #tpu.memory_space<vmem>> -> memref<1x8x128xf32, #tpu.memory_space<vmem>>
    %dma_wait3A_1997 = tpu.memref_squeeze %dma_wait3A_1996 : memref<1x8x128xf32, #tpu.memory_space<vmem>> -> memref<8x128xf32, #tpu.memory_space<vmem>>
    %dma_wait3A_1998 = tpu.memref_slice %arg2[%multiple_of3A_601, %multiple_of3A] : memref<100000x1024xf32, #tpu.memory_space<hbm>> -> memref<8x128xf32, #tpu.memory_space<hbm>>
    %dma_wait3A_1999 = arith.constant 0 : i32
    %dma_wait3A_2000 = arith.constant 0 : i32
    %dma_wait3A_2001 = tpu.memref_slice %arg7[%dma_wait3A_1993, %dma_wait3A_1999, %dma_wait3A_2000] : memref<64x8x128xf32, #tpu.memory_space<vmem>> -> memref<1x8x128xf32, #tpu.memory_space<vmem>>
    %dma_wait3A_2002 = tpu.memref_squeeze %dma_wait3A_2001 : memref<1x8x128xf32, #tpu.memory_space<vmem>> -> memref<8x128xf32, #tpu.memory_space<vmem>>
    %dma_wait3A_2003 = tpu.memref_slice %arg2[%multiple_of3A_601, %multiple_of3A] : memref<100000x1024xf32, #tpu.memory_space<hbm>> -> memref<8x128xf32, #tpu.memory_space<hbm>>
    tpu.wait_dma2 semaphore(%arg9 : memref<!tpu.dma_semaphore, #tpu.memory_space<semaphore_mem>>) src(%dma_wait3A_2003 : memref<8x128xf32, #tpu.memory_space<hbm>>) dst(%dma_wait3A_2002 : memref<8x128xf32, #tpu.memory_space<vmem>>)
    %dma_wait3A_2004 = arith.constant 60 : i32
    %dma_wait3A_2005 = arith.constant 0 : i32
    %dma_wait3A_2006 = arith.constant 0 : i32
    %dma_wait3A_2007 = tpu.memref_slice %arg7[%dma_wait3A_2004, %dma_wait3A_2005, %dma_wait3A_2006] : memref<64x8x128xf32, #tpu.memory_space<vmem>> -> memref<1x8x128xf32, #tpu.memory_space<vmem>>
    %dma_wait3A_2008 = tpu.memref_squeeze %dma_wait3A_2007 : memref<1x8x128xf32, #tpu.memory_space<vmem>> -> memref<8x128xf32, #tpu.memory_space<vmem>>
    %dma_wait3A_2009 = tpu.memref_slice %arg2[%multiple_of3A_611, %multiple_of3A] : memref<100000x1024xf32, #tpu.memory_space<hbm>> -> memref<8x128xf32, #tpu.memory_space<hbm>>
    %dma_wait3A_2010 = arith.constant 0 : i32
    %dma_wait3A_2011 = arith.constant 0 : i32
    %dma_wait3A_2012 = tpu.memref_slice %arg7[%dma_wait3A_2004, %dma_wait3A_2010, %dma_wait3A_2011] : memref<64x8x128xf32, #tpu.memory_space<vmem>> -> memref<1x8x128xf32, #tpu.memory_space<vmem>>
    %dma_wait3A_2013 = tpu.memref_squeeze %dma_wait3A_2012 : memref<1x8x128xf32, #tpu.memory_space<vmem>> -> memref<8x128xf32, #tpu.memory_space<vmem>>
    %dma_wait3A_2014 = tpu.memref_slice %arg2[%multiple_of3A_611, %multiple_of3A] : memref<100000x1024xf32, #tpu.memory_space<hbm>> -> memref<8x128xf32, #tpu.memory_space<hbm>>
    tpu.wait_dma2 semaphore(%arg9 : memref<!tpu.dma_semaphore, #tpu.memory_space<semaphore_mem>>) src(%dma_wait3A_2014 : memref<8x128xf32, #tpu.memory_space<hbm>>) dst(%dma_wait3A_2013 : memref<8x128xf32, #tpu.memory_space<vmem>>)
    %dma_wait3A_2015 = arith.constant 61 : i32
    %dma_wait3A_2016 = arith.constant 0 : i32
    %dma_wait3A_2017 = arith.constant 0 : i32
    %dma_wait3A_2018 = tpu.memref_slice %arg7[%dma_wait3A_2015, %dma_wait3A_2016, %dma_wait3A_2017] : memref<64x8x128xf32, #tpu.memory_space<vmem>> -> memref<1x8x128xf32, #tpu.memory_space<vmem>>
    %dma_wait3A_2019 = tpu.memref_squeeze %dma_wait3A_2018 : memref<1x8x128xf32, #tpu.memory_space<vmem>> -> memref<8x128xf32, #tpu.memory_space<vmem>>
    %dma_wait3A_2020 = tpu.memref_slice %arg2[%multiple_of3A_621, %multiple_of3A] : memref<100000x1024xf32, #tpu.memory_space<hbm>> -> memref<8x128xf32, #tpu.memory_space<hbm>>
    %dma_wait3A_2021 = arith.constant 0 : i32
    %dma_wait3A_2022 = arith.constant 0 : i32
    %dma_wait3A_2023 = tpu.memref_slice %arg7[%dma_wait3A_2015, %dma_wait3A_2021, %dma_wait3A_2022] : memref<64x8x128xf32, #tpu.memory_space<vmem>> -> memref<1x8x128xf32, #tpu.memory_space<vmem>>
    %dma_wait3A_2024 = tpu.memref_squeeze %dma_wait3A_2023 : memref<1x8x128xf32, #tpu.memory_space<vmem>> -> memref<8x128xf32, #tpu.memory_space<vmem>>
    %dma_wait3A_2025 = tpu.memref_slice %arg2[%multiple_of3A_621, %multiple_of3A] : memref<100000x1024xf32, #tpu.memory_space<hbm>> -> memref<8x128xf32, #tpu.memory_space<hbm>>
    tpu.wait_dma2 semaphore(%arg9 : memref<!tpu.dma_semaphore, #tpu.memory_space<semaphore_mem>>) src(%dma_wait3A_2025 : memref<8x128xf32, #tpu.memory_space<hbm>>) dst(%dma_wait3A_2024 : memref<8x128xf32, #tpu.memory_space<vmem>>)
    %dma_wait3A_2026 = arith.constant 62 : i32
    %dma_wait3A_2027 = arith.constant 0 : i32
    %dma_wait3A_2028 = arith.constant 0 : i32
    %dma_wait3A_2029 = tpu.memref_slice %arg7[%dma_wait3A_2026, %dma_wait3A_2027, %dma_wait3A_2028] : memref<64x8x128xf32, #tpu.memory_space<vmem>> -> memref<1x8x128xf32, #tpu.memory_space<vmem>>
    %dma_wait3A_2030 = tpu.memref_squeeze %dma_wait3A_2029 : memref<1x8x128xf32, #tpu.memory_space<vmem>> -> memref<8x128xf32, #tpu.memory_space<vmem>>
    %dma_wait3A_2031 = tpu.memref_slice %arg2[%multiple_of3A_631, %multiple_of3A] : memref<100000x1024xf32, #tpu.memory_space<hbm>> -> memref<8x128xf32, #tpu.memory_space<hbm>>
    %dma_wait3A_2032 = arith.constant 0 : i32
    %dma_wait3A_2033 = arith.constant 0 : i32
    %dma_wait3A_2034 = tpu.memref_slice %arg7[%dma_wait3A_2026, %dma_wait3A_2032, %dma_wait3A_2033] : memref<64x8x128xf32, #tpu.memory_space<vmem>> -> memref<1x8x128xf32, #tpu.memory_space<vmem>>
    %dma_wait3A_2035 = tpu.memref_squeeze %dma_wait3A_2034 : memref<1x8x128xf32, #tpu.memory_space<vmem>> -> memref<8x128xf32, #tpu.memory_space<vmem>>
    %dma_wait3A_2036 = tpu.memref_slice %arg2[%multiple_of3A_631, %multiple_of3A] : memref<100000x1024xf32, #tpu.memory_space<hbm>> -> memref<8x128xf32, #tpu.memory_space<hbm>>
    tpu.wait_dma2 semaphore(%arg9 : memref<!tpu.dma_semaphore, #tpu.memory_space<semaphore_mem>>) src(%dma_wait3A_2036 : memref<8x128xf32, #tpu.memory_space<hbm>>) dst(%dma_wait3A_2035 : memref<8x128xf32, #tpu.memory_space<vmem>>)
    %dma_wait3A_2037 = arith.constant 63 : i32
    %dma_wait3A_2038 = arith.constant 0 : i32
    %dma_wait3A_2039 = arith.constant 0 : i32
    %dma_wait3A_2040 = tpu.memref_slice %arg7[%dma_wait3A_2037, %dma_wait3A_2038, %dma_wait3A_2039] : memref<64x8x128xf32, #tpu.memory_space<vmem>> -> memref<1x8x128xf32, #tpu.memory_space<vmem>>
    %dma_wait3A_2041 = tpu.memref_squeeze %dma_wait3A_2040 : memref<1x8x128xf32, #tpu.memory_space<vmem>> -> memref<8x128xf32, #tpu.memory_space<vmem>>
    %dma_wait3A_2042 = tpu.memref_slice %arg2[%multiple_of3A_641, %multiple_of3A] : memref<100000x1024xf32, #tpu.memory_space<hbm>> -> memref<8x128xf32, #tpu.memory_space<hbm>>
    %dma_wait3A_2043 = arith.constant 0 : i32
    %dma_wait3A_2044 = arith.constant 0 : i32
    %dma_wait3A_2045 = tpu.memref_slice %arg7[%dma_wait3A_2037, %dma_wait3A_2043, %dma_wait3A_2044] : memref<64x8x128xf32, #tpu.memory_space<vmem>> -> memref<1x8x128xf32, #tpu.memory_space<vmem>>
    %dma_wait3A_2046 = tpu.memref_squeeze %dma_wait3A_2045 : memref<1x8x128xf32, #tpu.memory_space<vmem>> -> memref<8x128xf32, #tpu.memory_space<vmem>>
    %dma_wait3A_2047 = tpu.memref_slice %arg2[%multiple_of3A_641, %multiple_of3A] : memref<100000x1024xf32, #tpu.memory_space<hbm>> -> memref<8x128xf32, #tpu.memory_space<hbm>>
    tpu.wait_dma2 semaphore(%arg9 : memref<!tpu.dma_semaphore, #tpu.memory_space<semaphore_mem>>) src(%dma_wait3A_2047 : memref<8x128xf32, #tpu.memory_space<hbm>>) dst(%dma_wait3A_2046 : memref<8x128xf32, #tpu.memory_space<vmem>>)
    %and3A = arith.constant 3 : i32
    %and3A_2048 = arith.andi %add3A, %and3A : i32
    %mul3A_2049 = arith.constant 32 : i32
    %mul3A_2050 = arith.muli %and3A_2048, %mul3A_2049 : i32
    %iota3A = tpu.iota {dimensions = array<i32: 0>} : vector<16xi32>
    %add3A_2051 = arith.constant 0 : i32
    %add3A_2052 = arith.addi %mul3A_2050, %add3A_2051 : i32
    %multiple_of3A_2053 = tpu.assume_multiple %add3A_2052, 16 : i32
    %broadcast_in_dim3A = arith.constant 0xFF800000 : f32
    %broadcast_in_dim3A_2054 = vector.broadcast %broadcast_in_dim3A : f32 to vector<16xf32>
    %get3A_2055 = arith.constant 0 : index
    %get3A_2056 = tpu.vector_load %arg6[%get3A_2055] {strides = array<i32>} : memref<64xi32, #tpu.memory_space<vmem>>, vector<16xi32>,
    %get3A_2057 = vector.shape_cast %get3A_2056 : vector<16xi32> to vector<16xi32>
    %slice3A_2058 = vector.extract_strided_slice %get3A_2057 {offsets = [0], sizes = [1], strides = [1]} : vector<16xi32> to vector<1xi32>
    %squeeze3A_2059 = vector.extract %slice3A_2058[0] : i32 from vector<1xi32>
    %and3A_2060 = arith.constant 7 : i32
    %and3A_2061 = arith.andi %squeeze3A_2059, %and3A_2060 : i32
    %get3A_2062 = arith.constant 0 : i32
    %get3A_2063 = arith.index_cast %get3A_2062 : i32 to index
    %get3A_2064 = arith.index_cast %and3A_2061 : i32 to index
    %get3A_2065 = arith.index_cast %multiple_of3A_2053 : i32 to index
    %get3A_2066 = tpu.vector_load %arg7[%get3A_2063, %get3A_2064, %get3A_2065] {strides = array<i32>} : memref<64x8x128xf32, #tpu.memory_space<vmem>>, vector<1x1x16xf32>,
    %get3A_2067 = vector.shape_cast %get3A_2066 : vector<1x1x16xf32> to vector<16xf32>
    %eq3A = arith.constant 0 : i32
    %eq3A_2068 = vector.broadcast %eq3A : i32 to vector<16xi32>
    %eq3A_2069 = arith.cmpi eq, %iota3A, %eq3A_2068 : vector<16xi32>
    %jit3A = arith.constant 0xFF800000 : f32
    %broadcast_in_dim3A_2070 = vector.broadcast %jit3A : f32 to vector<16xf32>
    %select_n3A = arith.select %eq3A_2069, %get3A_2067, %broadcast_in_dim3A_2070 : vector<16xi1>, vector<16xf32>
    %max3A = arith.maximumf %broadcast_in_dim3A_2054, %select_n3A : vector<16xf32>
    %get3A_2071 = arith.constant 32 : index
    %get3A_2072 = tpu.vector_load %arg6[%get3A_2071] {strides = array<i32>} : memref<64xi32, #tpu.memory_space<vmem>>, vector<16xi32>,
    %get3A_2073 = vector.shape_cast %get3A_2072 : vector<16xi32> to vector<16xi32>
    %slice3A_2074 = vector.extract_strided_slice %get3A_2073 {offsets = [0], sizes = [1], strides = [1]} : vector<16xi32> to vector<1xi32>
    %squeeze3A_2075 = vector.extract %slice3A_2074[0] : i32 from vector<1xi32>
    %and3A_2076 = arith.constant 7 : i32
    %and3A_2077 = arith.andi %squeeze3A_2075, %and3A_2076 : i32
    %get3A_2078 = arith.constant 32 : i32
    %get3A_2079 = arith.index_cast %get3A_2078 : i32 to index
    %get3A_2080 = arith.index_cast %and3A_2077 : i32 to index
    %get3A_2081 = arith.index_cast %multiple_of3A_2053 : i32 to index
    %get3A_2082 = tpu.vector_load %arg7[%get3A_2079, %get3A_2080, %get3A_2081] {strides = array<i32>} : memref<64x8x128xf32, #tpu.memory_space<vmem>>, vector<1x1x16xf32>,
    %get3A_2083 = vector.shape_cast %get3A_2082 : vector<1x1x16xf32> to vector<16xf32>
    %eq3A_2084 = arith.constant 0 : i32
    %eq3A_2085 = vector.broadcast %eq3A_2084 : i32 to vector<16xi32>
    %eq3A_2086 = arith.cmpi eq, %iota3A, %eq3A_2085 : vector<16xi32>
    %jit3A_2087 = arith.constant 0xFF800000 : f32
    %broadcast_in_dim3A_2088 = vector.broadcast %jit3A_2087 : f32 to vector<16xf32>
    %select_n3A_2089 = arith.select %eq3A_2086, %get3A_2083, %broadcast_in_dim3A_2088 : vector<16xi1>, vector<16xf32>
    %max3A_2090 = arith.maximumf %max3A, %select_n3A_2089 : vector<16xf32>
    %get3A_2091 = arith.constant 0 : index
    %get3A_2092 = tpu.vector_load %arg6[%get3A_2091] {strides = array<i32>} : memref<64xi32, #tpu.memory_space<vmem>>, vector<16xi32>,
    %get3A_2093 = vector.shape_cast %get3A_2092 : vector<16xi32> to vector<16xi32>
    %slice3A_2094 = vector.extract_strided_slice %get3A_2093 {offsets = [1], sizes = [1], strides = [1]} : vector<16xi32> to vector<1xi32>
    %squeeze3A_2095 = vector.extract %slice3A_2094[0] : i32 from vector<1xi32>
    %and3A_2096 = arith.constant 7 : i32
    %and3A_2097 = arith.andi %squeeze3A_2095, %and3A_2096 : i32
    %get3A_2098 = arith.constant 1 : i32
    %get3A_2099 = arith.index_cast %get3A_2098 : i32 to index
    %get3A_2100 = arith.index_cast %and3A_2097 : i32 to index
    %get3A_2101 = arith.index_cast %multiple_of3A_2053 : i32 to index
    %get3A_2102 = tpu.vector_load %arg7[%get3A_2099, %get3A_2100, %get3A_2101] {strides = array<i32>} : memref<64x8x128xf32, #tpu.memory_space<vmem>>, vector<1x1x16xf32>,
    %get3A_2103 = vector.shape_cast %get3A_2102 : vector<1x1x16xf32> to vector<16xf32>
    %eq3A_2104 = arith.constant 1 : i32
    %eq3A_2105 = vector.broadcast %eq3A_2104 : i32 to vector<16xi32>
    %eq3A_2106 = arith.cmpi eq, %iota3A, %eq3A_2105 : vector<16xi32>
    %jit3A_2107 = arith.constant 0xFF800000 : f32
    %broadcast_in_dim3A_2108 = vector.broadcast %jit3A_2107 : f32 to vector<16xf32>
    %select_n3A_2109 = arith.select %eq3A_2106, %get3A_2103, %broadcast_in_dim3A_2108 : vector<16xi1>, vector<16xf32>
    %max3A_2110 = arith.maximumf %max3A_2090, %select_n3A_2109 : vector<16xf32>
    %get3A_2111 = arith.constant 32 : index
    %get3A_2112 = tpu.vector_load %arg6[%get3A_2111] {strides = array<i32>} : memref<64xi32, #tpu.memory_space<vmem>>, vector<16xi32>,
    %get3A_2113 = vector.shape_cast %get3A_2112 : vector<16xi32> to vector<16xi32>
    %slice3A_2114 = vector.extract_strided_slice %get3A_2113 {offsets = [1], sizes = [1], strides = [1]} : vector<16xi32> to vector<1xi32>
    %squeeze3A_2115 = vector.extract %slice3A_2114[0] : i32 from vector<1xi32>
    %and3A_2116 = arith.constant 7 : i32
    %and3A_2117 = arith.andi %squeeze3A_2115, %and3A_2116 : i32
    %get3A_2118 = arith.constant 33 : i32
    %get3A_2119 = arith.index_cast %get3A_2118 : i32 to index
    %get3A_2120 = arith.index_cast %and3A_2117 : i32 to index
    %get3A_2121 = arith.index_cast %multiple_of3A_2053 : i32 to index
    %get3A_2122 = tpu.vector_load %arg7[%get3A_2119, %get3A_2120, %get3A_2121] {strides = array<i32>} : memref<64x8x128xf32, #tpu.memory_space<vmem>>, vector<1x1x16xf32>,
    %get3A_2123 = vector.shape_cast %get3A_2122 : vector<1x1x16xf32> to vector<16xf32>
    %eq3A_2124 = arith.constant 1 : i32
    %eq3A_2125 = vector.broadcast %eq3A_2124 : i32 to vector<16xi32>
    %eq3A_2126 = arith.cmpi eq, %iota3A, %eq3A_2125 : vector<16xi32>
    %jit3A_2127 = arith.constant 0xFF800000 : f32
    %broadcast_in_dim3A_2128 = vector.broadcast %jit3A_2127 : f32 to vector<16xf32>
    %select_n3A_2129 = arith.select %eq3A_2126, %get3A_2123, %broadcast_in_dim3A_2128 : vector<16xi1>, vector<16xf32>
    %max3A_2130 = arith.maximumf %max3A_2110, %select_n3A_2129 : vector<16xf32>
    %get3A_2131 = arith.constant 0 : index
    %get3A_2132 = tpu.vector_load %arg6[%get3A_2131] {strides = array<i32>} : memref<64xi32, #tpu.memory_space<vmem>>, vector<16xi32>,
    %get3A_2133 = vector.shape_cast %get3A_2132 : vector<16xi32> to vector<16xi32>
    %slice3A_2134 = vector.extract_strided_slice %get3A_2133 {offsets = [2], sizes = [1], strides = [1]} : vector<16xi32> to vector<1xi32>
    %squeeze3A_2135 = vector.extract %slice3A_2134[0] : i32 from vector<1xi32>
    %and3A_2136 = arith.constant 7 : i32
    %and3A_2137 = arith.andi %squeeze3A_2135, %and3A_2136 : i32
    %get3A_2138 = arith.constant 2 : i32
    %get3A_2139 = arith.index_cast %get3A_2138 : i32 to index
    %get3A_2140 = arith.index_cast %and3A_2137 : i32 to index
    %get3A_2141 = arith.index_cast %multiple_of3A_2053 : i32 to index
    %get3A_2142 = tpu.vector_load %arg7[%get3A_2139, %get3A_2140, %get3A_2141] {strides = array<i32>} : memref<64x8x128xf32, #tpu.memory_space<vmem>>, vector<1x1x16xf32>,
    %get3A_2143 = vector.shape_cast %get3A_2142 : vector<1x1x16xf32> to vector<16xf32>
    %eq3A_2144 = arith.constant 2 : i32
    %eq3A_2145 = vector.broadcast %eq3A_2144 : i32 to vector<16xi32>
    %eq3A_2146 = arith.cmpi eq, %iota3A, %eq3A_2145 : vector<16xi32>
    %jit3A_2147 = arith.constant 0xFF800000 : f32
    %broadcast_in_dim3A_2148 = vector.broadcast %jit3A_2147 : f32 to vector<16xf32>
    %select_n3A_2149 = arith.select %eq3A_2146, %get3A_2143, %broadcast_in_dim3A_2148 : vector<16xi1>, vector<16xf32>
    %max3A_2150 = arith.maximumf %max3A_2130, %select_n3A_2149 : vector<16xf32>
    %get3A_2151 = arith.constant 32 : index
    %get3A_2152 = tpu.vector_load %arg6[%get3A_2151] {strides = array<i32>} : memref<64xi32, #tpu.memory_space<vmem>>, vector<16xi32>,
    %get3A_2153 = vector.shape_cast %get3A_2152 : vector<16xi32> to vector<16xi32>
    %slice3A_2154 = vector.extract_strided_slice %get3A_2153 {offsets = [2], sizes = [1], strides = [1]} : vector<16xi32> to vector<1xi32>
    %squeeze3A_2155 = vector.extract %slice3A_2154[0] : i32 from vector<1xi32>
    %and3A_2156 = arith.constant 7 : i32
    %and3A_2157 = arith.andi %squeeze3A_2155, %and3A_2156 : i32
    %get3A_2158 = arith.constant 34 : i32
    %get3A_2159 = arith.index_cast %get3A_2158 : i32 to index
    %get3A_2160 = arith.index_cast %and3A_2157 : i32 to index
    %get3A_2161 = arith.index_cast %multiple_of3A_2053 : i32 to index
    %get3A_2162 = tpu.vector_load %arg7[%get3A_2159, %get3A_2160, %get3A_2161] {strides = array<i32>} : memref<64x8x128xf32, #tpu.memory_space<vmem>>, vector<1x1x16xf32>,
    %get3A_2163 = vector.shape_cast %get3A_2162 : vector<1x1x16xf32> to vector<16xf32>
    %eq3A_2164 = arith.constant 2 : i32
    %eq3A_2165 = vector.broadcast %eq3A_2164 : i32 to vector<16xi32>
    %eq3A_2166 = arith.cmpi eq, %iota3A, %eq3A_2165 : vector<16xi32>
    %jit3A_2167 = arith.constant 0xFF800000 : f32
    %broadcast_in_dim3A_2168 = vector.broadcast %jit3A_2167 : f32 to vector<16xf32>
    %select_n3A_2169 = arith.select %eq3A_2166, %get3A_2163, %broadcast_in_dim3A_2168 : vector<16xi1>, vector<16xf32>
    %max3A_2170 = arith.maximumf %max3A_2150, %select_n3A_2169 : vector<16xf32>
    %get3A_2171 = arith.constant 0 : index
    %get3A_2172 = tpu.vector_load %arg6[%get3A_2171] {strides = array<i32>} : memref<64xi32, #tpu.memory_space<vmem>>, vector<16xi32>,
    %get3A_2173 = vector.shape_cast %get3A_2172 : vector<16xi32> to vector<16xi32>
    %slice3A_2174 = vector.extract_strided_slice %get3A_2173 {offsets = [3], sizes = [1], strides = [1]} : vector<16xi32> to vector<1xi32>
    %squeeze3A_2175 = vector.extract %slice3A_2174[0] : i32 from vector<1xi32>
    %and3A_2176 = arith.constant 7 : i32
    %and3A_2177 = arith.andi %squeeze3A_2175, %and3A_2176 : i32
    %get3A_2178 = arith.constant 3 : i32
    %get3A_2179 = arith.index_cast %get3A_2178 : i32 to index
    %get3A_2180 = arith.index_cast %and3A_2177 : i32 to index
    %get3A_2181 = arith.index_cast %multiple_of3A_2053 : i32 to index
    %get3A_2182 = tpu.vector_load %arg7[%get3A_2179, %get3A_2180, %get3A_2181] {strides = array<i32>} : memref<64x8x128xf32, #tpu.memory_space<vmem>>, vector<1x1x16xf32>,
    %get3A_2183 = vector.shape_cast %get3A_2182 : vector<1x1x16xf32> to vector<16xf32>
    %eq3A_2184 = arith.constant 3 : i32
    %eq3A_2185 = vector.broadcast %eq3A_2184 : i32 to vector<16xi32>
    %eq3A_2186 = arith.cmpi eq, %iota3A, %eq3A_2185 : vector<16xi32>
    %jit3A_2187 = arith.constant 0xFF800000 : f32
    %broadcast_in_dim3A_2188 = vector.broadcast %jit3A_2187 : f32 to vector<16xf32>
    %select_n3A_2189 = arith.select %eq3A_2186, %get3A_2183, %broadcast_in_dim3A_2188 : vector<16xi1>, vector<16xf32>
    %max3A_2190 = arith.maximumf %max3A_2170, %select_n3A_2189 : vector<16xf32>
    %get3A_2191 = arith.constant 32 : index
    %get3A_2192 = tpu.vector_load %arg6[%get3A_2191] {strides = array<i32>} : memref<64xi32, #tpu.memory_space<vmem>>, vector<16xi32>,
    %get3A_2193 = vector.shape_cast %get3A_2192 : vector<16xi32> to vector<16xi32>
    %slice3A_2194 = vector.extract_strided_slice %get3A_2193 {offsets = [3], sizes = [1], strides = [1]} : vector<16xi32> to vector<1xi32>
    %squeeze3A_2195 = vector.extract %slice3A_2194[0] : i32 from vector<1xi32>
    %and3A_2196 = arith.constant 7 : i32
    %and3A_2197 = arith.andi %squeeze3A_2195, %and3A_2196 : i32
    %get3A_2198 = arith.constant 35 : i32
    %get3A_2199 = arith.index_cast %get3A_2198 : i32 to index
    %get3A_2200 = arith.index_cast %and3A_2197 : i32 to index
    %get3A_2201 = arith.index_cast %multiple_of3A_2053 : i32 to index
    %get3A_2202 = tpu.vector_load %arg7[%get3A_2199, %get3A_2200, %get3A_2201] {strides = array<i32>} : memref<64x8x128xf32, #tpu.memory_space<vmem>>, vector<1x1x16xf32>,
    %get3A_2203 = vector.shape_cast %get3A_2202 : vector<1x1x16xf32> to vector<16xf32>
    %eq3A_2204 = arith.constant 3 : i32
    %eq3A_2205 = vector.broadcast %eq3A_2204 : i32 to vector<16xi32>
    %eq3A_2206 = arith.cmpi eq, %iota3A, %eq3A_2205 : vector<16xi32>
    %jit3A_2207 = arith.constant 0xFF800000 : f32
    %broadcast_in_dim3A_2208 = vector.broadcast %jit3A_2207 : f32 to vector<16xf32>
    %select_n3A_2209 = arith.select %eq3A_2206, %get3A_2203, %broadcast_in_dim3A_2208 : vector<16xi1>, vector<16xf32>
    %max3A_2210 = arith.maximumf %max3A_2190, %select_n3A_2209 : vector<16xf32>
    %get3A_2211 = arith.constant 0 : index
    %get3A_2212 = tpu.vector_load %arg6[%get3A_2211] {strides = array<i32>} : memref<64xi32, #tpu.memory_space<vmem>>, vector<16xi32>,
    %get3A_2213 = vector.shape_cast %get3A_2212 : vector<16xi32> to vector<16xi32>
    %slice3A_2214 = vector.extract_strided_slice %get3A_2213 {offsets = [4], sizes = [1], strides = [1]} : vector<16xi32> to vector<1xi32>
    %squeeze3A_2215 = vector.extract %slice3A_2214[0] : i32 from vector<1xi32>
    %and3A_2216 = arith.constant 7 : i32
    %and3A_2217 = arith.andi %squeeze3A_2215, %and3A_2216 : i32
    %get3A_2218 = arith.constant 4 : i32
    %get3A_2219 = arith.index_cast %get3A_2218 : i32 to index
    %get3A_2220 = arith.index_cast %and3A_2217 : i32 to index
    %get3A_2221 = arith.index_cast %multiple_of3A_2053 : i32 to index
    %get3A_2222 = tpu.vector_load %arg7[%get3A_2219, %get3A_2220, %get3A_2221] {strides = array<i32>} : memref<64x8x128xf32, #tpu.memory_space<vmem>>, vector<1x1x16xf32>,
    %get3A_2223 = vector.shape_cast %get3A_2222 : vector<1x1x16xf32> to vector<16xf32>
    %eq3A_2224 = arith.constant 4 : i32
    %eq3A_2225 = vector.broadcast %eq3A_2224 : i32 to vector<16xi32>
    %eq3A_2226 = arith.cmpi eq, %iota3A, %eq3A_2225 : vector<16xi32>
    %jit3A_2227 = arith.constant 0xFF800000 : f32
    %broadcast_in_dim3A_2228 = vector.broadcast %jit3A_2227 : f32 to vector<16xf32>
    %select_n3A_2229 = arith.select %eq3A_2226, %get3A_2223, %broadcast_in_dim3A_2228 : vector<16xi1>, vector<16xf32>
    %max3A_2230 = arith.maximumf %max3A_2210, %select_n3A_2229 : vector<16xf32>
    %get3A_2231 = arith.constant 32 : index
    %get3A_2232 = tpu.vector_load %arg6[%get3A_2231] {strides = array<i32>} : memref<64xi32, #tpu.memory_space<vmem>>, vector<16xi32>,
    %get3A_2233 = vector.shape_cast %get3A_2232 : vector<16xi32> to vector<16xi32>
    %slice3A_2234 = vector.extract_strided_slice %get3A_2233 {offsets = [4], sizes = [1], strides = [1]} : vector<16xi32> to vector<1xi32>
    %squeeze3A_2235 = vector.extract %slice3A_2234[0] : i32 from vector<1xi32>
    %and3A_2236 = arith.constant 7 : i32
    %and3A_2237 = arith.andi %squeeze3A_2235, %and3A_2236 : i32
    %get3A_2238 = arith.constant 36 : i32
    %get3A_2239 = arith.index_cast %get3A_2238 : i32 to index
    %get3A_2240 = arith.index_cast %and3A_2237 : i32 to index
    %get3A_2241 = arith.index_cast %multiple_of3A_2053 : i32 to index
    %get3A_2242 = tpu.vector_load %arg7[%get3A_2239, %get3A_2240, %get3A_2241] {strides = array<i32>} : memref<64x8x128xf32, #tpu.memory_space<vmem>>, vector<1x1x16xf32>,
    %get3A_2243 = vector.shape_cast %get3A_2242 : vector<1x1x16xf32> to vector<16xf32>
    %eq3A_2244 = arith.constant 4 : i32
    %eq3A_2245 = vector.broadcast %eq3A_2244 : i32 to vector<16xi32>
    %eq3A_2246 = arith.cmpi eq, %iota3A, %eq3A_2245 : vector<16xi32>
    %jit3A_2247 = arith.constant 0xFF800000 : f32
    %broadcast_in_dim3A_2248 = vector.broadcast %jit3A_2247 : f32 to vector<16xf32>
    %select_n3A_2249 = arith.select %eq3A_2246, %get3A_2243, %broadcast_in_dim3A_2248 : vector<16xi1>, vector<16xf32>
    %max3A_2250 = arith.maximumf %max3A_2230, %select_n3A_2249 : vector<16xf32>
    %get3A_2251 = arith.constant 0 : index
    %get3A_2252 = tpu.vector_load %arg6[%get3A_2251] {strides = array<i32>} : memref<64xi32, #tpu.memory_space<vmem>>, vector<16xi32>,
    %get3A_2253 = vector.shape_cast %get3A_2252 : vector<16xi32> to vector<16xi32>
    %slice3A_2254 = vector.extract_strided_slice %get3A_2253 {offsets = [5], sizes = [1], strides = [1]} : vector<16xi32> to vector<1xi32>
    %squeeze3A_2255 = vector.extract %slice3A_2254[0] : i32 from vector<1xi32>
    %and3A_2256 = arith.constant 7 : i32
    %and3A_2257 = arith.andi %squeeze3A_2255, %and3A_2256 : i32
    %get3A_2258 = arith.constant 5 : i32
    %get3A_2259 = arith.index_cast %get3A_2258 : i32 to index
    %get3A_2260 = arith.index_cast %and3A_2257 : i32 to index
    %get3A_2261 = arith.index_cast %multiple_of3A_2053 : i32 to index
    %get3A_2262 = tpu.vector_load %arg7[%get3A_2259, %get3A_2260, %get3A_2261] {strides = array<i32>} : memref<64x8x128xf32, #tpu.memory_space<vmem>>, vector<1x1x16xf32>,
    %get3A_2263 = vector.shape_cast %get3A_2262 : vector<1x1x16xf32> to vector<16xf32>
    %eq3A_2264 = arith.constant 5 : i32
    %eq3A_2265 = vector.broadcast %eq3A_2264 : i32 to vector<16xi32>
    %eq3A_2266 = arith.cmpi eq, %iota3A, %eq3A_2265 : vector<16xi32>
    %jit3A_2267 = arith.constant 0xFF800000 : f32
    %broadcast_in_dim3A_2268 = vector.broadcast %jit3A_2267 : f32 to vector<16xf32>
    %select_n3A_2269 = arith.select %eq3A_2266, %get3A_2263, %broadcast_in_dim3A_2268 : vector<16xi1>, vector<16xf32>
    %max3A_2270 = arith.maximumf %max3A_2250, %select_n3A_2269 : vector<16xf32>
    %get3A_2271 = arith.constant 32 : index
    %get3A_2272 = tpu.vector_load %arg6[%get3A_2271] {strides = array<i32>} : memref<64xi32, #tpu.memory_space<vmem>>, vector<16xi32>,
    %get3A_2273 = vector.shape_cast %get3A_2272 : vector<16xi32> to vector<16xi32>
    %slice3A_2274 = vector.extract_strided_slice %get3A_2273 {offsets = [5], sizes = [1], strides = [1]} : vector<16xi32> to vector<1xi32>
    %squeeze3A_2275 = vector.extract %slice3A_2274[0] : i32 from vector<1xi32>
    %and3A_2276 = arith.constant 7 : i32
    %and3A_2277 = arith.andi %squeeze3A_2275, %and3A_2276 : i32
    %get3A_2278 = arith.constant 37 : i32
    %get3A_2279 = arith.index_cast %get3A_2278 : i32 to index
    %get3A_2280 = arith.index_cast %and3A_2277 : i32 to index
    %get3A_2281 = arith.index_cast %multiple_of3A_2053 : i32 to index
    %get3A_2282 = tpu.vector_load %arg7[%get3A_2279, %get3A_2280, %get3A_2281] {strides = array<i32>} : memref<64x8x128xf32, #tpu.memory_space<vmem>>, vector<1x1x16xf32>,
    %get3A_2283 = vector.shape_cast %get3A_2282 : vector<1x1x16xf32> to vector<16xf32>
    %eq3A_2284 = arith.constant 5 : i32
    %eq3A_2285 = vector.broadcast %eq3A_2284 : i32 to vector<16xi32>
    %eq3A_2286 = arith.cmpi eq, %iota3A, %eq3A_2285 : vector<16xi32>
    %jit3A_2287 = arith.constant 0xFF800000 : f32
    %broadcast_in_dim3A_2288 = vector.broadcast %jit3A_2287 : f32 to vector<16xf32>
    %select_n3A_2289 = arith.select %eq3A_2286, %get3A_2283, %broadcast_in_dim3A_2288 : vector<16xi1>, vector<16xf32>
    %max3A_2290 = arith.maximumf %max3A_2270, %select_n3A_2289 : vector<16xf32>
    %get3A_2291 = arith.constant 0 : index
    %get3A_2292 = tpu.vector_load %arg6[%get3A_2291] {strides = array<i32>} : memref<64xi32, #tpu.memory_space<vmem>>, vector<16xi32>,
    %get3A_2293 = vector.shape_cast %get3A_2292 : vector<16xi32> to vector<16xi32>
    %slice3A_2294 = vector.extract_strided_slice %get3A_2293 {offsets = [6], sizes = [1], strides = [1]} : vector<16xi32> to vector<1xi32>
    %squeeze3A_2295 = vector.extract %slice3A_2294[0] : i32 from vector<1xi32>
    %and3A_2296 = arith.constant 7 : i32
    %and3A_2297 = arith.andi %squeeze3A_2295, %and3A_2296 : i32
    %get3A_2298 = arith.constant 6 : i32
    %get3A_2299 = arith.index_cast %get3A_2298 : i32 to index
    %get3A_2300 = arith.index_cast %and3A_2297 : i32 to index
    %get3A_2301 = arith.index_cast %multiple_of3A_2053 : i32 to index
    %get3A_2302 = tpu.vector_load %arg7[%get3A_2299, %get3A_2300, %get3A_2301] {strides = array<i32>} : memref<64x8x128xf32, #tpu.memory_space<vmem>>, vector<1x1x16xf32>,
    %get3A_2303 = vector.shape_cast %get3A_2302 : vector<1x1x16xf32> to vector<16xf32>
    %eq3A_2304 = arith.constant 6 : i32
    %eq3A_2305 = vector.broadcast %eq3A_2304 : i32 to vector<16xi32>
    %eq3A_2306 = arith.cmpi eq, %iota3A, %eq3A_2305 : vector<16xi32>
    %jit3A_2307 = arith.constant 0xFF800000 : f32
    %broadcast_in_dim3A_2308 = vector.broadcast %jit3A_2307 : f32 to vector<16xf32>
    %select_n3A_2309 = arith.select %eq3A_2306, %get3A_2303, %broadcast_in_dim3A_2308 : vector<16xi1>, vector<16xf32>
    %max3A_2310 = arith.maximumf %max3A_2290, %select_n3A_2309 : vector<16xf32>
    %get3A_2311 = arith.constant 32 : index
    %get3A_2312 = tpu.vector_load %arg6[%get3A_2311] {strides = array<i32>} : memref<64xi32, #tpu.memory_space<vmem>>, vector<16xi32>,
    %get3A_2313 = vector.shape_cast %get3A_2312 : vector<16xi32> to vector<16xi32>
    %slice3A_2314 = vector.extract_strided_slice %get3A_2313 {offsets = [6], sizes = [1], strides = [1]} : vector<16xi32> to vector<1xi32>
    %squeeze3A_2315 = vector.extract %slice3A_2314[0] : i32 from vector<1xi32>
    %and3A_2316 = arith.constant 7 : i32
    %and3A_2317 = arith.andi %squeeze3A_2315, %and3A_2316 : i32
    %get3A_2318 = arith.constant 38 : i32
    %get3A_2319 = arith.index_cast %get3A_2318 : i32 to index
    %get3A_2320 = arith.index_cast %and3A_2317 : i32 to index
    %get3A_2321 = arith.index_cast %multiple_of3A_2053 : i32 to index
    %get3A_2322 = tpu.vector_load %arg7[%get3A_2319, %get3A_2320, %get3A_2321] {strides = array<i32>} : memref<64x8x128xf32, #tpu.memory_space<vmem>>, vector<1x1x16xf32>,
    %get3A_2323 = vector.shape_cast %get3A_2322 : vector<1x1x16xf32> to vector<16xf32>
    %eq3A_2324 = arith.constant 6 : i32
    %eq3A_2325 = vector.broadcast %eq3A_2324 : i32 to vector<16xi32>
    %eq3A_2326 = arith.cmpi eq, %iota3A, %eq3A_2325 : vector<16xi32>
    %jit3A_2327 = arith.constant 0xFF800000 : f32
    %broadcast_in_dim3A_2328 = vector.broadcast %jit3A_2327 : f32 to vector<16xf32>
    %select_n3A_2329 = arith.select %eq3A_2326, %get3A_2323, %broadcast_in_dim3A_2328 : vector<16xi1>, vector<16xf32>
    %max3A_2330 = arith.maximumf %max3A_2310, %select_n3A_2329 : vector<16xf32>
    %get3A_2331 = arith.constant 0 : index
    %get3A_2332 = tpu.vector_load %arg6[%get3A_2331] {strides = array<i32>} : memref<64xi32, #tpu.memory_space<vmem>>, vector<16xi32>,
    %get3A_2333 = vector.shape_cast %get3A_2332 : vector<16xi32> to vector<16xi32>
    %slice3A_2334 = vector.extract_strided_slice %get3A_2333 {offsets = [7], sizes = [1], strides = [1]} : vector<16xi32> to vector<1xi32>
    %squeeze3A_2335 = vector.extract %slice3A_2334[0] : i32 from vector<1xi32>
    %and3A_2336 = arith.constant 7 : i32
    %and3A_2337 = arith.andi %squeeze3A_2335, %and3A_2336 : i32
    %get3A_2338 = arith.constant 7 : i32
    %get3A_2339 = arith.index_cast %get3A_2338 : i32 to index
    %get3A_2340 = arith.index_cast %and3A_2337 : i32 to index
    %get3A_2341 = arith.index_cast %multiple_of3A_2053 : i32 to index
    %get3A_2342 = tpu.vector_load %arg7[%get3A_2339, %get3A_2340, %get3A_2341] {strides = array<i32>} : memref<64x8x128xf32, #tpu.memory_space<vmem>>, vector<1x1x16xf32>,
    %get3A_2343 = vector.shape_cast %get3A_2342 : vector<1x1x16xf32> to vector<16xf32>
    %eq3A_2344 = arith.constant 7 : i32
    %eq3A_2345 = vector.broadcast %eq3A_2344 : i32 to vector<16xi32>
    %eq3A_2346 = arith.cmpi eq, %iota3A, %eq3A_2345 : vector<16xi32>
    %jit3A_2347 = arith.constant 0xFF800000 : f32
    %broadcast_in_dim3A_2348 = vector.broadcast %jit3A_2347 : f32 to vector<16xf32>
    %select_n3A_2349 = arith.select %eq3A_2346, %get3A_2343, %broadcast_in_dim3A_2348 : vector<16xi1>, vector<16xf32>
    %max3A_2350 = arith.maximumf %max3A_2330, %select_n3A_2349 : vector<16xf32>
    %get3A_2351 = arith.constant 32 : index
    %get3A_2352 = tpu.vector_load %arg6[%get3A_2351] {strides = array<i32>} : memref<64xi32, #tpu.memory_space<vmem>>, vector<16xi32>,
    %get3A_2353 = vector.shape_cast %get3A_2352 : vector<16xi32> to vector<16xi32>
    %slice3A_2354 = vector.extract_strided_slice %get3A_2353 {offsets = [7], sizes = [1], strides = [1]} : vector<16xi32> to vector<1xi32>
    %squeeze3A_2355 = vector.extract %slice3A_2354[0] : i32 from vector<1xi32>
    %and3A_2356 = arith.constant 7 : i32
    %and3A_2357 = arith.andi %squeeze3A_2355, %and3A_2356 : i32
    %get3A_2358 = arith.constant 39 : i32
    %get3A_2359 = arith.index_cast %get3A_2358 : i32 to index
    %get3A_2360 = arith.index_cast %and3A_2357 : i32 to index
    %get3A_2361 = arith.index_cast %multiple_of3A_2053 : i32 to index
    %get3A_2362 = tpu.vector_load %arg7[%get3A_2359, %get3A_2360, %get3A_2361] {strides = array<i32>} : memref<64x8x128xf32, #tpu.memory_space<vmem>>, vector<1x1x16xf32>,
    %get3A_2363 = vector.shape_cast %get3A_2362 : vector<1x1x16xf32> to vector<16xf32>
    %eq3A_2364 = arith.constant 7 : i32
    %eq3A_2365 = vector.broadcast %eq3A_2364 : i32 to vector<16xi32>
    %eq3A_2366 = arith.cmpi eq, %iota3A, %eq3A_2365 : vector<16xi32>
    %jit3A_2367 = arith.constant 0xFF800000 : f32
    %broadcast_in_dim3A_2368 = vector.broadcast %jit3A_2367 : f32 to vector<16xf32>
    %select_n3A_2369 = arith.select %eq3A_2366, %get3A_2363, %broadcast_in_dim3A_2368 : vector<16xi1>, vector<16xf32>
    %max3A_2370 = arith.maximumf %max3A_2350, %select_n3A_2369 : vector<16xf32>
    %get3A_2371 = arith.constant 0 : index
    %get3A_2372 = tpu.vector_load %arg6[%get3A_2371] {strides = array<i32>} : memref<64xi32, #tpu.memory_space<vmem>>, vector<16xi32>,
    %get3A_2373 = vector.shape_cast %get3A_2372 : vector<16xi32> to vector<16xi32>
    %slice3A_2374 = vector.extract_strided_slice %get3A_2373 {offsets = [8], sizes = [1], strides = [1]} : vector<16xi32> to vector<1xi32>
    %squeeze3A_2375 = vector.extract %slice3A_2374[0] : i32 from vector<1xi32>
    %and3A_2376 = arith.constant 7 : i32
    %and3A_2377 = arith.andi %squeeze3A_2375, %and3A_2376 : i32
    %get3A_2378 = arith.constant 8 : i32
    %get3A_2379 = arith.index_cast %get3A_2378 : i32 to index
    %get3A_2380 = arith.index_cast %and3A_2377 : i32 to index
    %get3A_2381 = arith.index_cast %multiple_of3A_2053 : i32 to index
    %get3A_2382 = tpu.vector_load %arg7[%get3A_2379, %get3A_2380, %get3A_2381] {strides = array<i32>} : memref<64x8x128xf32, #tpu.memory_space<vmem>>, vector<1x1x16xf32>,
    %get3A_2383 = vector.shape_cast %get3A_2382 : vector<1x1x16xf32> to vector<16xf32>
    %eq3A_2384 = arith.constant 8 : i32
    %eq3A_2385 = vector.broadcast %eq3A_2384 : i32 to vector<16xi32>
    %eq3A_2386 = arith.cmpi eq, %iota3A, %eq3A_2385 : vector<16xi32>
    %jit3A_2387 = arith.constant 0xFF800000 : f32
    %broadcast_in_dim3A_2388 = vector.broadcast %jit3A_2387 : f32 to vector<16xf32>
    %select_n3A_2389 = arith.select %eq3A_2386, %get3A_2383, %broadcast_in_dim3A_2388 : vector<16xi1>, vector<16xf32>
    %max3A_2390 = arith.maximumf %max3A_2370, %select_n3A_2389 : vector<16xf32>
    %get3A_2391 = arith.constant 32 : index
    %get3A_2392 = tpu.vector_load %arg6[%get3A_2391] {strides = array<i32>} : memref<64xi32, #tpu.memory_space<vmem>>, vector<16xi32>,
    %get3A_2393 = vector.shape_cast %get3A_2392 : vector<16xi32> to vector<16xi32>
    %slice3A_2394 = vector.extract_strided_slice %get3A_2393 {offsets = [8], sizes = [1], strides = [1]} : vector<16xi32> to vector<1xi32>
    %squeeze3A_2395 = vector.extract %slice3A_2394[0] : i32 from vector<1xi32>
    %and3A_2396 = arith.constant 7 : i32
    %and3A_2397 = arith.andi %squeeze3A_2395, %and3A_2396 : i32
    %get3A_2398 = arith.constant 40 : i32
    %get3A_2399 = arith.index_cast %get3A_2398 : i32 to index
    %get3A_2400 = arith.index_cast %and3A_2397 : i32 to index
    %get3A_2401 = arith.index_cast %multiple_of3A_2053 : i32 to index
    %get3A_2402 = tpu.vector_load %arg7[%get3A_2399, %get3A_2400, %get3A_2401] {strides = array<i32>} : memref<64x8x128xf32, #tpu.memory_space<vmem>>, vector<1x1x16xf32>,
    %get3A_2403 = vector.shape_cast %get3A_2402 : vector<1x1x16xf32> to vector<16xf32>
    %eq3A_2404 = arith.constant 8 : i32
    %eq3A_2405 = vector.broadcast %eq3A_2404 : i32 to vector<16xi32>
    %eq3A_2406 = arith.cmpi eq, %iota3A, %eq3A_2405 : vector<16xi32>
    %jit3A_2407 = arith.constant 0xFF800000 : f32
    %broadcast_in_dim3A_2408 = vector.broadcast %jit3A_2407 : f32 to vector<16xf32>
    %select_n3A_2409 = arith.select %eq3A_2406, %get3A_2403, %broadcast_in_dim3A_2408 : vector<16xi1>, vector<16xf32>
    %max3A_2410 = arith.maximumf %max3A_2390, %select_n3A_2409 : vector<16xf32>
    %get3A_2411 = arith.constant 0 : index
    %get3A_2412 = tpu.vector_load %arg6[%get3A_2411] {strides = array<i32>} : memref<64xi32, #tpu.memory_space<vmem>>, vector<16xi32>,
    %get3A_2413 = vector.shape_cast %get3A_2412 : vector<16xi32> to vector<16xi32>
    %slice3A_2414 = vector.extract_strided_slice %get3A_2413 {offsets = [9], sizes = [1], strides = [1]} : vector<16xi32> to vector<1xi32>
    %squeeze3A_2415 = vector.extract %slice3A_2414[0] : i32 from vector<1xi32>
    %and3A_2416 = arith.constant 7 : i32
    %and3A_2417 = arith.andi %squeeze3A_2415, %and3A_2416 : i32
    %get3A_2418 = arith.constant 9 : i32
    %get3A_2419 = arith.index_cast %get3A_2418 : i32 to index
    %get3A_2420 = arith.index_cast %and3A_2417 : i32 to index
    %get3A_2421 = arith.index_cast %multiple_of3A_2053 : i32 to index
    %get3A_2422 = tpu.vector_load %arg7[%get3A_2419, %get3A_2420, %get3A_2421] {strides = array<i32>} : memref<64x8x128xf32, #tpu.memory_space<vmem>>, vector<1x1x16xf32>,
    %get3A_2423 = vector.shape_cast %get3A_2422 : vector<1x1x16xf32> to vector<16xf32>
    %eq3A_2424 = arith.constant 9 : i32
    %eq3A_2425 = vector.broadcast %eq3A_2424 : i32 to vector<16xi32>
    %eq3A_2426 = arith.cmpi eq, %iota3A, %eq3A_2425 : vector<16xi32>
    %jit3A_2427 = arith.constant 0xFF800000 : f32
    %broadcast_in_dim3A_2428 = vector.broadcast %jit3A_2427 : f32 to vector<16xf32>
    %select_n3A_2429 = arith.select %eq3A_2426, %get3A_2423, %broadcast_in_dim3A_2428 : vector<16xi1>, vector<16xf32>
    %max3A_2430 = arith.maximumf %max3A_2410, %select_n3A_2429 : vector<16xf32>
    %get3A_2431 = arith.constant 32 : index
    %get3A_2432 = tpu.vector_load %arg6[%get3A_2431] {strides = array<i32>} : memref<64xi32, #tpu.memory_space<vmem>>, vector<16xi32>,
    %get3A_2433 = vector.shape_cast %get3A_2432 : vector<16xi32> to vector<16xi32>
    %slice3A_2434 = vector.extract_strided_slice %get3A_2433 {offsets = [9], sizes = [1], strides = [1]} : vector<16xi32> to vector<1xi32>
    %squeeze3A_2435 = vector.extract %slice3A_2434[0] : i32 from vector<1xi32>
    %and3A_2436 = arith.constant 7 : i32
    %and3A_2437 = arith.andi %squeeze3A_2435, %and3A_2436 : i32
    %get3A_2438 = arith.constant 41 : i32
    %get3A_2439 = arith.index_cast %get3A_2438 : i32 to index
    %get3A_2440 = arith.index_cast %and3A_2437 : i32 to index
    %get3A_2441 = arith.index_cast %multiple_of3A_2053 : i32 to index
    %get3A_2442 = tpu.vector_load %arg7[%get3A_2439, %get3A_2440, %get3A_2441] {strides = array<i32>} : memref<64x8x128xf32, #tpu.memory_space<vmem>>, vector<1x1x16xf32>,
    %get3A_2443 = vector.shape_cast %get3A_2442 : vector<1x1x16xf32> to vector<16xf32>
    %eq3A_2444 = arith.constant 9 : i32
    %eq3A_2445 = vector.broadcast %eq3A_2444 : i32 to vector<16xi32>
    %eq3A_2446 = arith.cmpi eq, %iota3A, %eq3A_2445 : vector<16xi32>
    %jit3A_2447 = arith.constant 0xFF800000 : f32
    %broadcast_in_dim3A_2448 = vector.broadcast %jit3A_2447 : f32 to vector<16xf32>
    %select_n3A_2449 = arith.select %eq3A_2446, %get3A_2443, %broadcast_in_dim3A_2448 : vector<16xi1>, vector<16xf32>
    %max3A_2450 = arith.maximumf %max3A_2430, %select_n3A_2449 : vector<16xf32>
    %get3A_2451 = arith.constant 0 : index
    %get3A_2452 = tpu.vector_load %arg6[%get3A_2451] {strides = array<i32>} : memref<64xi32, #tpu.memory_space<vmem>>, vector<16xi32>,
    %get3A_2453 = vector.shape_cast %get3A_2452 : vector<16xi32> to vector<16xi32>
    %slice3A_2454 = vector.extract_strided_slice %get3A_2453 {offsets = [10], sizes = [1], strides = [1]} : vector<16xi32> to vector<1xi32>
    %squeeze3A_2455 = vector.extract %slice3A_2454[0] : i32 from vector<1xi32>
    %and3A_2456 = arith.constant 7 : i32
    %and3A_2457 = arith.andi %squeeze3A_2455, %and3A_2456 : i32
    %get3A_2458 = arith.constant 10 : i32
    %get3A_2459 = arith.index_cast %get3A_2458 : i32 to index
    %get3A_2460 = arith.index_cast %and3A_2457 : i32 to index
    %get3A_2461 = arith.index_cast %multiple_of3A_2053 : i32 to index
    %get3A_2462 = tpu.vector_load %arg7[%get3A_2459, %get3A_2460, %get3A_2461] {strides = array<i32>} : memref<64x8x128xf32, #tpu.memory_space<vmem>>, vector<1x1x16xf32>,
    %get3A_2463 = vector.shape_cast %get3A_2462 : vector<1x1x16xf32> to vector<16xf32>
    %eq3A_2464 = arith.constant 10 : i32
    %eq3A_2465 = vector.broadcast %eq3A_2464 : i32 to vector<16xi32>
    %eq3A_2466 = arith.cmpi eq, %iota3A, %eq3A_2465 : vector<16xi32>
    %jit3A_2467 = arith.constant 0xFF800000 : f32
    %broadcast_in_dim3A_2468 = vector.broadcast %jit3A_2467 : f32 to vector<16xf32>
    %select_n3A_2469 = arith.select %eq3A_2466, %get3A_2463, %broadcast_in_dim3A_2468 : vector<16xi1>, vector<16xf32>
    %max3A_2470 = arith.maximumf %max3A_2450, %select_n3A_2469 : vector<16xf32>
    %get3A_2471 = arith.constant 32 : index
    %get3A_2472 = tpu.vector_load %arg6[%get3A_2471] {strides = array<i32>} : memref<64xi32, #tpu.memory_space<vmem>>, vector<16xi32>,
    %get3A_2473 = vector.shape_cast %get3A_2472 : vector<16xi32> to vector<16xi32>
    %slice3A_2474 = vector.extract_strided_slice %get3A_2473 {offsets = [10], sizes = [1], strides = [1]} : vector<16xi32> to vector<1xi32>
    %squeeze3A_2475 = vector.extract %slice3A_2474[0] : i32 from vector<1xi32>
    %and3A_2476 = arith.constant 7 : i32
    %and3A_2477 = arith.andi %squeeze3A_2475, %and3A_2476 : i32
    %get3A_2478 = arith.constant 42 : i32
    %get3A_2479 = arith.index_cast %get3A_2478 : i32 to index
    %get3A_2480 = arith.index_cast %and3A_2477 : i32 to index
    %get3A_2481 = arith.index_cast %multiple_of3A_2053 : i32 to index
    %get3A_2482 = tpu.vector_load %arg7[%get3A_2479, %get3A_2480, %get3A_2481] {strides = array<i32>} : memref<64x8x128xf32, #tpu.memory_space<vmem>>, vector<1x1x16xf32>,
    %get3A_2483 = vector.shape_cast %get3A_2482 : vector<1x1x16xf32> to vector<16xf32>
    %eq3A_2484 = arith.constant 10 : i32
    %eq3A_2485 = vector.broadcast %eq3A_2484 : i32 to vector<16xi32>
    %eq3A_2486 = arith.cmpi eq, %iota3A, %eq3A_2485 : vector<16xi32>
    %jit3A_2487 = arith.constant 0xFF800000 : f32
    %broadcast_in_dim3A_2488 = vector.broadcast %jit3A_2487 : f32 to vector<16xf32>
    %select_n3A_2489 = arith.select %eq3A_2486, %get3A_2483, %broadcast_in_dim3A_2488 : vector<16xi1>, vector<16xf32>
    %max3A_2490 = arith.maximumf %max3A_2470, %select_n3A_2489 : vector<16xf32>
    %get3A_2491 = arith.constant 0 : index
    %get3A_2492 = tpu.vector_load %arg6[%get3A_2491] {strides = array<i32>} : memref<64xi32, #tpu.memory_space<vmem>>, vector<16xi32>,
    %get3A_2493 = vector.shape_cast %get3A_2492 : vector<16xi32> to vector<16xi32>
    %slice3A_2494 = vector.extract_strided_slice %get3A_2493 {offsets = [11], sizes = [1], strides = [1]} : vector<16xi32> to vector<1xi32>
    %squeeze3A_2495 = vector.extract %slice3A_2494[0] : i32 from vector<1xi32>
    %and3A_2496 = arith.constant 7 : i32
    %and3A_2497 = arith.andi %squeeze3A_2495, %and3A_2496 : i32
    %get3A_2498 = arith.constant 11 : i32
    %get3A_2499 = arith.index_cast %get3A_2498 : i32 to index
    %get3A_2500 = arith.index_cast %and3A_2497 : i32 to index
    %get3A_2501 = arith.index_cast %multiple_of3A_2053 : i32 to index
    %get3A_2502 = tpu.vector_load %arg7[%get3A_2499, %get3A_2500, %get3A_2501] {strides = array<i32>} : memref<64x8x128xf32, #tpu.memory_space<vmem>>, vector<1x1x16xf32>,
    %get3A_2503 = vector.shape_cast %get3A_2502 : vector<1x1x16xf32> to vector<16xf32>
    %eq3A_2504 = arith.constant 11 : i32
    %eq3A_2505 = vector.broadcast %eq3A_2504 : i32 to vector<16xi32>
    %eq3A_2506 = arith.cmpi eq, %iota3A, %eq3A_2505 : vector<16xi32>
    %jit3A_2507 = arith.constant 0xFF800000 : f32
    %broadcast_in_dim3A_2508 = vector.broadcast %jit3A_2507 : f32 to vector<16xf32>
    %select_n3A_2509 = arith.select %eq3A_2506, %get3A_2503, %broadcast_in_dim3A_2508 : vector<16xi1>, vector<16xf32>
    %max3A_2510 = arith.maximumf %max3A_2490, %select_n3A_2509 : vector<16xf32>
    %get3A_2511 = arith.constant 32 : index
    %get3A_2512 = tpu.vector_load %arg6[%get3A_2511] {strides = array<i32>} : memref<64xi32, #tpu.memory_space<vmem>>, vector<16xi32>,
    %get3A_2513 = vector.shape_cast %get3A_2512 : vector<16xi32> to vector<16xi32>
    %slice3A_2514 = vector.extract_strided_slice %get3A_2513 {offsets = [11], sizes = [1], strides = [1]} : vector<16xi32> to vector<1xi32>
    %squeeze3A_2515 = vector.extract %slice3A_2514[0] : i32 from vector<1xi32>
    %and3A_2516 = arith.constant 7 : i32
    %and3A_2517 = arith.andi %squeeze3A_2515, %and3A_2516 : i32
    %get3A_2518 = arith.constant 43 : i32
    %get3A_2519 = arith.index_cast %get3A_2518 : i32 to index
    %get3A_2520 = arith.index_cast %and3A_2517 : i32 to index
    %get3A_2521 = arith.index_cast %multiple_of3A_2053 : i32 to index
    %get3A_2522 = tpu.vector_load %arg7[%get3A_2519, %get3A_2520, %get3A_2521] {strides = array<i32>} : memref<64x8x128xf32, #tpu.memory_space<vmem>>, vector<1x1x16xf32>,
    %get3A_2523 = vector.shape_cast %get3A_2522 : vector<1x1x16xf32> to vector<16xf32>
    %eq3A_2524 = arith.constant 11 : i32
    %eq3A_2525 = vector.broadcast %eq3A_2524 : i32 to vector<16xi32>
    %eq3A_2526 = arith.cmpi eq, %iota3A, %eq3A_2525 : vector<16xi32>
    %jit3A_2527 = arith.constant 0xFF800000 : f32
    %broadcast_in_dim3A_2528 = vector.broadcast %jit3A_2527 : f32 to vector<16xf32>
    %select_n3A_2529 = arith.select %eq3A_2526, %get3A_2523, %broadcast_in_dim3A_2528 : vector<16xi1>, vector<16xf32>
    %max3A_2530 = arith.maximumf %max3A_2510, %select_n3A_2529 : vector<16xf32>
    %get3A_2531 = arith.constant 0 : index
    %get3A_2532 = tpu.vector_load %arg6[%get3A_2531] {strides = array<i32>} : memref<64xi32, #tpu.memory_space<vmem>>, vector<16xi32>,
    %get3A_2533 = vector.shape_cast %get3A_2532 : vector<16xi32> to vector<16xi32>
    %slice3A_2534 = vector.extract_strided_slice %get3A_2533 {offsets = [12], sizes = [1], strides = [1]} : vector<16xi32> to vector<1xi32>
    %squeeze3A_2535 = vector.extract %slice3A_2534[0] : i32 from vector<1xi32>
    %and3A_2536 = arith.constant 7 : i32
    %and3A_2537 = arith.andi %squeeze3A_2535, %and3A_2536 : i32
    %get3A_2538 = arith.constant 12 : i32
    %get3A_2539 = arith.index_cast %get3A_2538 : i32 to index
    %get3A_2540 = arith.index_cast %and3A_2537 : i32 to index
    %get3A_2541 = arith.index_cast %multiple_of3A_2053 : i32 to index
    %get3A_2542 = tpu.vector_load %arg7[%get3A_2539, %get3A_2540, %get3A_2541] {strides = array<i32>} : memref<64x8x128xf32, #tpu.memory_space<vmem>>, vector<1x1x16xf32>,
    %get3A_2543 = vector.shape_cast %get3A_2542 : vector<1x1x16xf32> to vector<16xf32>
    %eq3A_2544 = arith.constant 12 : i32
    %eq3A_2545 = vector.broadcast %eq3A_2544 : i32 to vector<16xi32>
    %eq3A_2546 = arith.cmpi eq, %iota3A, %eq3A_2545 : vector<16xi32>
    %jit3A_2547 = arith.constant 0xFF800000 : f32
    %broadcast_in_dim3A_2548 = vector.broadcast %jit3A_2547 : f32 to vector<16xf32>
    %select_n3A_2549 = arith.select %eq3A_2546, %get3A_2543, %broadcast_in_dim3A_2548 : vector<16xi1>, vector<16xf32>
    %max3A_2550 = arith.maximumf %max3A_2530, %select_n3A_2549 : vector<16xf32>
    %get3A_2551 = arith.constant 32 : index
    %get3A_2552 = tpu.vector_load %arg6[%get3A_2551] {strides = array<i32>} : memref<64xi32, #tpu.memory_space<vmem>>, vector<16xi32>,
    %get3A_2553 = vector.shape_cast %get3A_2552 : vector<16xi32> to vector<16xi32>
    %slice3A_2554 = vector.extract_strided_slice %get3A_2553 {offsets = [12], sizes = [1], strides = [1]} : vector<16xi32> to vector<1xi32>
    %squeeze3A_2555 = vector.extract %slice3A_2554[0] : i32 from vector<1xi32>
    %and3A_2556 = arith.constant 7 : i32
    %and3A_2557 = arith.andi %squeeze3A_2555, %and3A_2556 : i32
    %get3A_2558 = arith.constant 44 : i32
    %get3A_2559 = arith.index_cast %get3A_2558 : i32 to index
    %get3A_2560 = arith.index_cast %and3A_2557 : i32 to index
    %get3A_2561 = arith.index_cast %multiple_of3A_2053 : i32 to index
    %get3A_2562 = tpu.vector_load %arg7[%get3A_2559, %get3A_2560, %get3A_2561] {strides = array<i32>} : memref<64x8x128xf32, #tpu.memory_space<vmem>>, vector<1x1x16xf32>,
    %get3A_2563 = vector.shape_cast %get3A_2562 : vector<1x1x16xf32> to vector<16xf32>
    %eq3A_2564 = arith.constant 12 : i32
    %eq3A_2565 = vector.broadcast %eq3A_2564 : i32 to vector<16xi32>
    %eq3A_2566 = arith.cmpi eq, %iota3A, %eq3A_2565 : vector<16xi32>
    %jit3A_2567 = arith.constant 0xFF800000 : f32
    %broadcast_in_dim3A_2568 = vector.broadcast %jit3A_2567 : f32 to vector<16xf32>
    %select_n3A_2569 = arith.select %eq3A_2566, %get3A_2563, %broadcast_in_dim3A_2568 : vector<16xi1>, vector<16xf32>
    %max3A_2570 = arith.maximumf %max3A_2550, %select_n3A_2569 : vector<16xf32>
    %get3A_2571 = arith.constant 0 : index
    %get3A_2572 = tpu.vector_load %arg6[%get3A_2571] {strides = array<i32>} : memref<64xi32, #tpu.memory_space<vmem>>, vector<16xi32>,
    %get3A_2573 = vector.shape_cast %get3A_2572 : vector<16xi32> to vector<16xi32>
    %slice3A_2574 = vector.extract_strided_slice %get3A_2573 {offsets = [13], sizes = [1], strides = [1]} : vector<16xi32> to vector<1xi32>
    %squeeze3A_2575 = vector.extract %slice3A_2574[0] : i32 from vector<1xi32>
    %and3A_2576 = arith.constant 7 : i32
    %and3A_2577 = arith.andi %squeeze3A_2575, %and3A_2576 : i32
    %get3A_2578 = arith.constant 13 : i32
    %get3A_2579 = arith.index_cast %get3A_2578 : i32 to index
    %get3A_2580 = arith.index_cast %and3A_2577 : i32 to index
    %get3A_2581 = arith.index_cast %multiple_of3A_2053 : i32 to index
    %get3A_2582 = tpu.vector_load %arg7[%get3A_2579, %get3A_2580, %get3A_2581] {strides = array<i32>} : memref<64x8x128xf32, #tpu.memory_space<vmem>>, vector<1x1x16xf32>,
    %get3A_2583 = vector.shape_cast %get3A_2582 : vector<1x1x16xf32> to vector<16xf32>
    %eq3A_2584 = arith.constant 13 : i32
    %eq3A_2585 = vector.broadcast %eq3A_2584 : i32 to vector<16xi32>
    %eq3A_2586 = arith.cmpi eq, %iota3A, %eq3A_2585 : vector<16xi32>
    %jit3A_2587 = arith.constant 0xFF800000 : f32
    %broadcast_in_dim3A_2588 = vector.broadcast %jit3A_2587 : f32 to vector<16xf32>
    %select_n3A_2589 = arith.select %eq3A_2586, %get3A_2583, %broadcast_in_dim3A_2588 : vector<16xi1>, vector<16xf32>
    %max3A_2590 = arith.maximumf %max3A_2570, %select_n3A_2589 : vector<16xf32>
    %get3A_2591 = arith.constant 32 : index
    %get3A_2592 = tpu.vector_load %arg6[%get3A_2591] {strides = array<i32>} : memref<64xi32, #tpu.memory_space<vmem>>, vector<16xi32>,
    %get3A_2593 = vector.shape_cast %get3A_2592 : vector<16xi32> to vector<16xi32>
    %slice3A_2594 = vector.extract_strided_slice %get3A_2593 {offsets = [13], sizes = [1], strides = [1]} : vector<16xi32> to vector<1xi32>
    %squeeze3A_2595 = vector.extract %slice3A_2594[0] : i32 from vector<1xi32>
    %and3A_2596 = arith.constant 7 : i32
    %and3A_2597 = arith.andi %squeeze3A_2595, %and3A_2596 : i32
    %get3A_2598 = arith.constant 45 : i32
    %get3A_2599 = arith.index_cast %get3A_2598 : i32 to index
    %get3A_2600 = arith.index_cast %and3A_2597 : i32 to index
    %get3A_2601 = arith.index_cast %multiple_of3A_2053 : i32 to index
    %get3A_2602 = tpu.vector_load %arg7[%get3A_2599, %get3A_2600, %get3A_2601] {strides = array<i32>} : memref<64x8x128xf32, #tpu.memory_space<vmem>>, vector<1x1x16xf32>,
    %get3A_2603 = vector.shape_cast %get3A_2602 : vector<1x1x16xf32> to vector<16xf32>
    %eq3A_2604 = arith.constant 13 : i32
    %eq3A_2605 = vector.broadcast %eq3A_2604 : i32 to vector<16xi32>
    %eq3A_2606 = arith.cmpi eq, %iota3A, %eq3A_2605 : vector<16xi32>
    %jit3A_2607 = arith.constant 0xFF800000 : f32
    %broadcast_in_dim3A_2608 = vector.broadcast %jit3A_2607 : f32 to vector<16xf32>
    %select_n3A_2609 = arith.select %eq3A_2606, %get3A_2603, %broadcast_in_dim3A_2608 : vector<16xi1>, vector<16xf32>
    %max3A_2610 = arith.maximumf %max3A_2590, %select_n3A_2609 : vector<16xf32>
    %get3A_2611 = arith.constant 0 : index
    %get3A_2612 = tpu.vector_load %arg6[%get3A_2611] {strides = array<i32>} : memref<64xi32, #tpu.memory_space<vmem>>, vector<16xi32>,
    %get3A_2613 = vector.shape_cast %get3A_2612 : vector<16xi32> to vector<16xi32>
    %slice3A_2614 = vector.extract_strided_slice %get3A_2613 {offsets = [14], sizes = [1], strides = [1]} : vector<16xi32> to vector<1xi32>
    %squeeze3A_2615 = vector.extract %slice3A_2614[0] : i32 from vector<1xi32>
    %and3A_2616 = arith.constant 7 : i32
    %and3A_2617 = arith.andi %squeeze3A_2615, %and3A_2616 : i32
    %get3A_2618 = arith.constant 14 : i32
    %get3A_2619 = arith.index_cast %get3A_2618 : i32 to index
    %get3A_2620 = arith.index_cast %and3A_2617 : i32 to index
    %get3A_2621 = arith.index_cast %multiple_of3A_2053 : i32 to index
    %get3A_2622 = tpu.vector_load %arg7[%get3A_2619, %get3A_2620, %get3A_2621] {strides = array<i32>} : memref<64x8x128xf32, #tpu.memory_space<vmem>>, vector<1x1x16xf32>,
    %get3A_2623 = vector.shape_cast %get3A_2622 : vector<1x1x16xf32> to vector<16xf32>
    %eq3A_2624 = arith.constant 14 : i32
    %eq3A_2625 = vector.broadcast %eq3A_2624 : i32 to vector<16xi32>
    %eq3A_2626 = arith.cmpi eq, %iota3A, %eq3A_2625 : vector<16xi32>
    %jit3A_2627 = arith.constant 0xFF800000 : f32
    %broadcast_in_dim3A_2628 = vector.broadcast %jit3A_2627 : f32 to vector<16xf32>
    %select_n3A_2629 = arith.select %eq3A_2626, %get3A_2623, %broadcast_in_dim3A_2628 : vector<16xi1>, vector<16xf32>
    %max3A_2630 = arith.maximumf %max3A_2610, %select_n3A_2629 : vector<16xf32>
    %get3A_2631 = arith.constant 32 : index
    %get3A_2632 = tpu.vector_load %arg6[%get3A_2631] {strides = array<i32>} : memref<64xi32, #tpu.memory_space<vmem>>, vector<16xi32>,
    %get3A_2633 = vector.shape_cast %get3A_2632 : vector<16xi32> to vector<16xi32>
    %slice3A_2634 = vector.extract_strided_slice %get3A_2633 {offsets = [14], sizes = [1], strides = [1]} : vector<16xi32> to vector<1xi32>
    %squeeze3A_2635 = vector.extract %slice3A_2634[0] : i32 from vector<1xi32>
    %and3A_2636 = arith.constant 7 : i32
    %and3A_2637 = arith.andi %squeeze3A_2635, %and3A_2636 : i32
    %get3A_2638 = arith.constant 46 : i32
    %get3A_2639 = arith.index_cast %get3A_2638 : i32 to index
    %get3A_2640 = arith.index_cast %and3A_2637 : i32 to index
    %get3A_2641 = arith.index_cast %multiple_of3A_2053 : i32 to index
    %get3A_2642 = tpu.vector_load %arg7[%get3A_2639, %get3A_2640, %get3A_2641] {strides = array<i32>} : memref<64x8x128xf32, #tpu.memory_space<vmem>>, vector<1x1x16xf32>,
    %get3A_2643 = vector.shape_cast %get3A_2642 : vector<1x1x16xf32> to vector<16xf32>
    %eq3A_2644 = arith.constant 14 : i32
    %eq3A_2645 = vector.broadcast %eq3A_2644 : i32 to vector<16xi32>
    %eq3A_2646 = arith.cmpi eq, %iota3A, %eq3A_2645 : vector<16xi32>
    %jit3A_2647 = arith.constant 0xFF800000 : f32
    %broadcast_in_dim3A_2648 = vector.broadcast %jit3A_2647 : f32 to vector<16xf32>
    %select_n3A_2649 = arith.select %eq3A_2646, %get3A_2643, %broadcast_in_dim3A_2648 : vector<16xi1>, vector<16xf32>
    %max3A_2650 = arith.maximumf %max3A_2630, %select_n3A_2649 : vector<16xf32>
    %get3A_2651 = arith.constant 0 : index
    %get3A_2652 = tpu.vector_load %arg6[%get3A_2651] {strides = array<i32>} : memref<64xi32, #tpu.memory_space<vmem>>, vector<16xi32>,
    %get3A_2653 = vector.shape_cast %get3A_2652 : vector<16xi32> to vector<16xi32>
    %slice3A_2654 = vector.extract_strided_slice %get3A_2653 {offsets = [15], sizes = [1], strides = [1]} : vector<16xi32> to vector<1xi32>
    %squeeze3A_2655 = vector.extract %slice3A_2654[0] : i32 from vector<1xi32>
    %and3A_2656 = arith.constant 7 : i32
    %and3A_2657 = arith.andi %squeeze3A_2655, %and3A_2656 : i32
    %get3A_2658 = arith.constant 15 : i32
    %get3A_2659 = arith.index_cast %get3A_2658 : i32 to index
    %get3A_2660 = arith.index_cast %and3A_2657 : i32 to index
    %get3A_2661 = arith.index_cast %multiple_of3A_2053 : i32 to index
    %get3A_2662 = tpu.vector_load %arg7[%get3A_2659, %get3A_2660, %get3A_2661] {strides = array<i32>} : memref<64x8x128xf32, #tpu.memory_space<vmem>>, vector<1x1x16xf32>,
    %get3A_2663 = vector.shape_cast %get3A_2662 : vector<1x1x16xf32> to vector<16xf32>
    %eq3A_2664 = arith.constant 15 : i32
    %eq3A_2665 = vector.broadcast %eq3A_2664 : i32 to vector<16xi32>
    %eq3A_2666 = arith.cmpi eq, %iota3A, %eq3A_2665 : vector<16xi32>
    %jit3A_2667 = arith.constant 0xFF800000 : f32
    %broadcast_in_dim3A_2668 = vector.broadcast %jit3A_2667 : f32 to vector<16xf32>
    %select_n3A_2669 = arith.select %eq3A_2666, %get3A_2663, %broadcast_in_dim3A_2668 : vector<16xi1>, vector<16xf32>
    %max3A_2670 = arith.maximumf %max3A_2650, %select_n3A_2669 : vector<16xf32>
    %get3A_2671 = arith.constant 32 : index
    %get3A_2672 = tpu.vector_load %arg6[%get3A_2671] {strides = array<i32>} : memref<64xi32, #tpu.memory_space<vmem>>, vector<16xi32>,
    %get3A_2673 = vector.shape_cast %get3A_2672 : vector<16xi32> to vector<16xi32>
    %slice3A_2674 = vector.extract_strided_slice %get3A_2673 {offsets = [15], sizes = [1], strides = [1]} : vector<16xi32> to vector<1xi32>
    %squeeze3A_2675 = vector.extract %slice3A_2674[0] : i32 from vector<1xi32>
    %and3A_2676 = arith.constant 7 : i32
    %and3A_2677 = arith.andi %squeeze3A_2675, %and3A_2676 : i32
    %get3A_2678 = arith.constant 47 : i32
    %get3A_2679 = arith.index_cast %get3A_2678 : i32 to index
    %get3A_2680 = arith.index_cast %and3A_2677 : i32 to index
    %get3A_2681 = arith.index_cast %multiple_of3A_2053 : i32 to index
    %get3A_2682 = tpu.vector_load %arg7[%get3A_2679, %get3A_2680, %get3A_2681] {strides = array<i32>} : memref<64x8x128xf32, #tpu.memory_space<vmem>>, vector<1x1x16xf32>,
    %get3A_2683 = vector.shape_cast %get3A_2682 : vector<1x1x16xf32> to vector<16xf32>
    %eq3A_2684 = arith.constant 15 : i32
    %eq3A_2685 = vector.broadcast %eq3A_2684 : i32 to vector<16xi32>
    %eq3A_2686 = arith.cmpi eq, %iota3A, %eq3A_2685 : vector<16xi32>
    %jit3A_2687 = arith.constant 0xFF800000 : f32
    %broadcast_in_dim3A_2688 = vector.broadcast %jit3A_2687 : f32 to vector<16xf32>
    %select_n3A_2689 = arith.select %eq3A_2686, %get3A_2683, %broadcast_in_dim3A_2688 : vector<16xi1>, vector<16xf32>
    %max3A_2690 = arith.maximumf %max3A_2670, %select_n3A_2689 : vector<16xf32>
    %swap3A = arith.constant 0 : index
    %swap3A_2691 = tpu.vector_load %arg8[%swap3A] {strides = array<i32>} : memref<32xf32, #tpu.memory_space<vmem>>, vector<16xf32>,
    %swap3A_2692 = vector.shape_cast %swap3A_2691 : vector<16xf32> to vector<16xf32>
    %swap3A_2693 = vector.shape_cast %max3A_2690 : vector<16xf32> to vector<16xf32>
    tpu.vector_store %arg8[%swap3A], %swap3A_2693 {strides = array<i32>} : memref<32xf32, #tpu.memory_space<vmem>>, vector<16xf32>,
    %add3A_2694 = arith.constant 16 : i32
    %add3A_2695 = arith.addi %mul3A_2050, %add3A_2694 : i32
    %multiple_of3A_2696 = tpu.assume_multiple %add3A_2695, 16 : i32
    %broadcast_in_dim3A_2697 = arith.constant 0xFF800000 : f32
    %broadcast_in_dim3A_2698 = vector.broadcast %broadcast_in_dim3A_2697 : f32 to vector<16xf32>
    %get3A_2699 = arith.constant 16 : index
    %get3A_2700 = tpu.vector_load %arg6[%get3A_2699] {strides = array<i32>} : memref<64xi32, #tpu.memory_space<vmem>>, vector<16xi32>,
    %get3A_2701 = vector.shape_cast %get3A_2700 : vector<16xi32> to vector<16xi32>
    %slice3A_2702 = vector.extract_strided_slice %get3A_2701 {offsets = [0], sizes = [1], strides = [1]} : vector<16xi32> to vector<1xi32>
    %squeeze3A_2703 = vector.extract %slice3A_2702[0] : i32 from vector<1xi32>
    %and3A_2704 = arith.constant 7 : i32
    %and3A_2705 = arith.andi %squeeze3A_2703, %and3A_2704 : i32
    %get3A_2706 = arith.constant 16 : i32
    %get3A_2707 = arith.index_cast %get3A_2706 : i32 to index
    %get3A_2708 = arith.index_cast %and3A_2705 : i32 to index
    %get3A_2709 = arith.index_cast %multiple_of3A_2696 : i32 to index
    %get3A_2710 = tpu.vector_load %arg7[%get3A_2707, %get3A_2708, %get3A_2709] {strides = array<i32>} : memref<64x8x128xf32, #tpu.memory_space<vmem>>, vector<1x1x16xf32>,
    %get3A_2711 = vector.shape_cast %get3A_2710 : vector<1x1x16xf32> to vector<16xf32>
    %eq3A_2712 = arith.constant 0 : i32
    %eq3A_2713 = vector.broadcast %eq3A_2712 : i32 to vector<16xi32>
    %eq3A_2714 = arith.cmpi eq, %iota3A, %eq3A_2713 : vector<16xi32>
    %jit3A_2715 = arith.constant 0xFF800000 : f32
    %broadcast_in_dim3A_2716 = vector.broadcast %jit3A_2715 : f32 to vector<16xf32>
    %select_n3A_2717 = arith.select %eq3A_2714, %get3A_2711, %broadcast_in_dim3A_2716 : vector<16xi1>, vector<16xf32>
    %max3A_2718 = arith.maximumf %broadcast_in_dim3A_2698, %select_n3A_2717 : vector<16xf32>
    %get3A_2719 = arith.constant 48 : index
    %get3A_2720 = tpu.vector_load %arg6[%get3A_2719] {strides = array<i32>} : memref<64xi32, #tpu.memory_space<vmem>>, vector<16xi32>,
    %get3A_2721 = vector.shape_cast %get3A_2720 : vector<16xi32> to vector<16xi32>
    %slice3A_2722 = vector.extract_strided_slice %get3A_2721 {offsets = [0], sizes = [1], strides = [1]} : vector<16xi32> to vector<1xi32>
    %squeeze3A_2723 = vector.extract %slice3A_2722[0] : i32 from vector<1xi32>
    %and3A_2724 = arith.constant 7 : i32
    %and3A_2725 = arith.andi %squeeze3A_2723, %and3A_2724 : i32
    %get3A_2726 = arith.constant 48 : i32
    %get3A_2727 = arith.index_cast %get3A_2726 : i32 to index
    %get3A_2728 = arith.index_cast %and3A_2725 : i32 to index
    %get3A_2729 = arith.index_cast %multiple_of3A_2696 : i32 to index
    %get3A_2730 = tpu.vector_load %arg7[%get3A_2727, %get3A_2728, %get3A_2729] {strides = array<i32>} : memref<64x8x128xf32, #tpu.memory_space<vmem>>, vector<1x1x16xf32>,
    %get3A_2731 = vector.shape_cast %get3A_2730 : vector<1x1x16xf32> to vector<16xf32>
    %eq3A_2732 = arith.constant 0 : i32
    %eq3A_2733 = vector.broadcast %eq3A_2732 : i32 to vector<16xi32>
    %eq3A_2734 = arith.cmpi eq, %iota3A, %eq3A_2733 : vector<16xi32>
    %jit3A_2735 = arith.constant 0xFF800000 : f32
    %broadcast_in_dim3A_2736 = vector.broadcast %jit3A_2735 : f32 to vector<16xf32>
    %select_n3A_2737 = arith.select %eq3A_2734, %get3A_2731, %broadcast_in_dim3A_2736 : vector<16xi1>, vector<16xf32>
    %max3A_2738 = arith.maximumf %max3A_2718, %select_n3A_2737 : vector<16xf32>
    %get3A_2739 = arith.constant 16 : index
    %get3A_2740 = tpu.vector_load %arg6[%get3A_2739] {strides = array<i32>} : memref<64xi32, #tpu.memory_space<vmem>>, vector<16xi32>,
    %get3A_2741 = vector.shape_cast %get3A_2740 : vector<16xi32> to vector<16xi32>
    %slice3A_2742 = vector.extract_strided_slice %get3A_2741 {offsets = [1], sizes = [1], strides = [1]} : vector<16xi32> to vector<1xi32>
    %squeeze3A_2743 = vector.extract %slice3A_2742[0] : i32 from vector<1xi32>
    %and3A_2744 = arith.constant 7 : i32
    %and3A_2745 = arith.andi %squeeze3A_2743, %and3A_2744 : i32
    %get3A_2746 = arith.constant 17 : i32
    %get3A_2747 = arith.index_cast %get3A_2746 : i32 to index
    %get3A_2748 = arith.index_cast %and3A_2745 : i32 to index
    %get3A_2749 = arith.index_cast %multiple_of3A_2696 : i32 to index
    %get3A_2750 = tpu.vector_load %arg7[%get3A_2747, %get3A_2748, %get3A_2749] {strides = array<i32>} : memref<64x8x128xf32, #tpu.memory_space<vmem>>, vector<1x1x16xf32>,
    %get3A_2751 = vector.shape_cast %get3A_2750 : vector<1x1x16xf32> to vector<16xf32>
    %eq3A_2752 = arith.constant 1 : i32
    %eq3A_2753 = vector.broadcast %eq3A_2752 : i32 to vector<16xi32>
    %eq3A_2754 = arith.cmpi eq, %iota3A, %eq3A_2753 : vector<16xi32>
    %jit3A_2755 = arith.constant 0xFF800000 : f32
    %broadcast_in_dim3A_2756 = vector.broadcast %jit3A_2755 : f32 to vector<16xf32>
    %select_n3A_2757 = arith.select %eq3A_2754, %get3A_2751, %broadcast_in_dim3A_2756 : vector<16xi1>, vector<16xf32>
    %max3A_2758 = arith.maximumf %max3A_2738, %select_n3A_2757 : vector<16xf32>
    %get3A_2759 = arith.constant 48 : index
    %get3A_2760 = tpu.vector_load %arg6[%get3A_2759] {strides = array<i32>} : memref<64xi32, #tpu.memory_space<vmem>>, vector<16xi32>,
    %get3A_2761 = vector.shape_cast %get3A_2760 : vector<16xi32> to vector<16xi32>
    %slice3A_2762 = vector.extract_strided_slice %get3A_2761 {offsets = [1], sizes = [1], strides = [1]} : vector<16xi32> to vector<1xi32>
    %squeeze3A_2763 = vector.extract %slice3A_2762[0] : i32 from vector<1xi32>
    %and3A_2764 = arith.constant 7 : i32
    %and3A_2765 = arith.andi %squeeze3A_2763, %and3A_2764 : i32
    %get3A_2766 = arith.constant 49 : i32
    %get3A_2767 = arith.index_cast %get3A_2766 : i32 to index
    %get3A_2768 = arith.index_cast %and3A_2765 : i32 to index
    %get3A_2769 = arith.index_cast %multiple_of3A_2696 : i32 to index
    %get3A_2770 = tpu.vector_load %arg7[%get3A_2767, %get3A_2768, %get3A_2769] {strides = array<i32>} : memref<64x8x128xf32, #tpu.memory_space<vmem>>, vector<1x1x16xf32>,
    %get3A_2771 = vector.shape_cast %get3A_2770 : vector<1x1x16xf32> to vector<16xf32>
    %eq3A_2772 = arith.constant 1 : i32
    %eq3A_2773 = vector.broadcast %eq3A_2772 : i32 to vector<16xi32>
    %eq3A_2774 = arith.cmpi eq, %iota3A, %eq3A_2773 : vector<16xi32>
    %jit3A_2775 = arith.constant 0xFF800000 : f32
    %broadcast_in_dim3A_2776 = vector.broadcast %jit3A_2775 : f32 to vector<16xf32>
    %select_n3A_2777 = arith.select %eq3A_2774, %get3A_2771, %broadcast_in_dim3A_2776 : vector<16xi1>, vector<16xf32>
    %max3A_2778 = arith.maximumf %max3A_2758, %select_n3A_2777 : vector<16xf32>
    %get3A_2779 = arith.constant 16 : index
    %get3A_2780 = tpu.vector_load %arg6[%get3A_2779] {strides = array<i32>} : memref<64xi32, #tpu.memory_space<vmem>>, vector<16xi32>,
    %get3A_2781 = vector.shape_cast %get3A_2780 : vector<16xi32> to vector<16xi32>
    %slice3A_2782 = vector.extract_strided_slice %get3A_2781 {offsets = [2], sizes = [1], strides = [1]} : vector<16xi32> to vector<1xi32>
    %squeeze3A_2783 = vector.extract %slice3A_2782[0] : i32 from vector<1xi32>
    %and3A_2784 = arith.constant 7 : i32
    %and3A_2785 = arith.andi %squeeze3A_2783, %and3A_2784 : i32
    %get3A_2786 = arith.constant 18 : i32
    %get3A_2787 = arith.index_cast %get3A_2786 : i32 to index
    %get3A_2788 = arith.index_cast %and3A_2785 : i32 to index
    %get3A_2789 = arith.index_cast %multiple_of3A_2696 : i32 to index
    %get3A_2790 = tpu.vector_load %arg7[%get3A_2787, %get3A_2788, %get3A_2789] {strides = array<i32>} : memref<64x8x128xf32, #tpu.memory_space<vmem>>, vector<1x1x16xf32>,
    %get3A_2791 = vector.shape_cast %get3A_2790 : vector<1x1x16xf32> to vector<16xf32>
    %eq3A_2792 = arith.constant 2 : i32
    %eq3A_2793 = vector.broadcast %eq3A_2792 : i32 to vector<16xi32>
    %eq3A_2794 = arith.cmpi eq, %iota3A, %eq3A_2793 : vector<16xi32>
    %jit3A_2795 = arith.constant 0xFF800000 : f32
    %broadcast_in_dim3A_2796 = vector.broadcast %jit3A_2795 : f32 to vector<16xf32>
    %select_n3A_2797 = arith.select %eq3A_2794, %get3A_2791, %broadcast_in_dim3A_2796 : vector<16xi1>, vector<16xf32>
    %max3A_2798 = arith.maximumf %max3A_2778, %select_n3A_2797 : vector<16xf32>
    %get3A_2799 = arith.constant 48 : index
    %get3A_2800 = tpu.vector_load %arg6[%get3A_2799] {strides = array<i32>} : memref<64xi32, #tpu.memory_space<vmem>>, vector<16xi32>,
    %get3A_2801 = vector.shape_cast %get3A_2800 : vector<16xi32> to vector<16xi32>
    %slice3A_2802 = vector.extract_strided_slice %get3A_2801 {offsets = [2], sizes = [1], strides = [1]} : vector<16xi32> to vector<1xi32>
    %squeeze3A_2803 = vector.extract %slice3A_2802[0] : i32 from vector<1xi32>
    %and3A_2804 = arith.constant 7 : i32
    %and3A_2805 = arith.andi %squeeze3A_2803, %and3A_2804 : i32
    %get3A_2806 = arith.constant 50 : i32
    %get3A_2807 = arith.index_cast %get3A_2806 : i32 to index
    %get3A_2808 = arith.index_cast %and3A_2805 : i32 to index
    %get3A_2809 = arith.index_cast %multiple_of3A_2696 : i32 to index
    %get3A_2810 = tpu.vector_load %arg7[%get3A_2807, %get3A_2808, %get3A_2809] {strides = array<i32>} : memref<64x8x128xf32, #tpu.memory_space<vmem>>, vector<1x1x16xf32>,
    %get3A_2811 = vector.shape_cast %get3A_2810 : vector<1x1x16xf32> to vector<16xf32>
    %eq3A_2812 = arith.constant 2 : i32
    %eq3A_2813 = vector.broadcast %eq3A_2812 : i32 to vector<16xi32>
    %eq3A_2814 = arith.cmpi eq, %iota3A, %eq3A_2813 : vector<16xi32>
    %jit3A_2815 = arith.constant 0xFF800000 : f32
    %broadcast_in_dim3A_2816 = vector.broadcast %jit3A_2815 : f32 to vector<16xf32>
    %select_n3A_2817 = arith.select %eq3A_2814, %get3A_2811, %broadcast_in_dim3A_2816 : vector<16xi1>, vector<16xf32>
    %max3A_2818 = arith.maximumf %max3A_2798, %select_n3A_2817 : vector<16xf32>
    %get3A_2819 = arith.constant 16 : index
    %get3A_2820 = tpu.vector_load %arg6[%get3A_2819] {strides = array<i32>} : memref<64xi32, #tpu.memory_space<vmem>>, vector<16xi32>,
    %get3A_2821 = vector.shape_cast %get3A_2820 : vector<16xi32> to vector<16xi32>
    %slice3A_2822 = vector.extract_strided_slice %get3A_2821 {offsets = [3], sizes = [1], strides = [1]} : vector<16xi32> to vector<1xi32>
    %squeeze3A_2823 = vector.extract %slice3A_2822[0] : i32 from vector<1xi32>
    %and3A_2824 = arith.constant 7 : i32
    %and3A_2825 = arith.andi %squeeze3A_2823, %and3A_2824 : i32
    %get3A_2826 = arith.constant 19 : i32
    %get3A_2827 = arith.index_cast %get3A_2826 : i32 to index
    %get3A_2828 = arith.index_cast %and3A_2825 : i32 to index
    %get3A_2829 = arith.index_cast %multiple_of3A_2696 : i32 to index
    %get3A_2830 = tpu.vector_load %arg7[%get3A_2827, %get3A_2828, %get3A_2829] {strides = array<i32>} : memref<64x8x128xf32, #tpu.memory_space<vmem>>, vector<1x1x16xf32>,
    %get3A_2831 = vector.shape_cast %get3A_2830 : vector<1x1x16xf32> to vector<16xf32>
    %eq3A_2832 = arith.constant 3 : i32
    %eq3A_2833 = vector.broadcast %eq3A_2832 : i32 to vector<16xi32>
    %eq3A_2834 = arith.cmpi eq, %iota3A, %eq3A_2833 : vector<16xi32>
    %jit3A_2835 = arith.constant 0xFF800000 : f32
    %broadcast_in_dim3A_2836 = vector.broadcast %jit3A_2835 : f32 to vector<16xf32>
    %select_n3A_2837 = arith.select %eq3A_2834, %get3A_2831, %broadcast_in_dim3A_2836 : vector<16xi1>, vector<16xf32>
    %max3A_2838 = arith.maximumf %max3A_2818, %select_n3A_2837 : vector<16xf32>
    %get3A_2839 = arith.constant 48 : index
    %get3A_2840 = tpu.vector_load %arg6[%get3A_2839] {strides = array<i32>} : memref<64xi32, #tpu.memory_space<vmem>>, vector<16xi32>,
    %get3A_2841 = vector.shape_cast %get3A_2840 : vector<16xi32> to vector<16xi32>
    %slice3A_2842 = vector.extract_strided_slice %get3A_2841 {offsets = [3], sizes = [1], strides = [1]} : vector<16xi32> to vector<1xi32>
    %squeeze3A_2843 = vector.extract %slice3A_2842[0] : i32 from vector<1xi32>
    %and3A_2844 = arith.constant 7 : i32
    %and3A_2845 = arith.andi %squeeze3A_2843, %and3A_2844 : i32
    %get3A_2846 = arith.constant 51 : i32
    %get3A_2847 = arith.index_cast %get3A_2846 : i32 to index
    %get3A_2848 = arith.index_cast %and3A_2845 : i32 to index
    %get3A_2849 = arith.index_cast %multiple_of3A_2696 : i32 to index
    %get3A_2850 = tpu.vector_load %arg7[%get3A_2847, %get3A_2848, %get3A_2849] {strides = array<i32>} : memref<64x8x128xf32, #tpu.memory_space<vmem>>, vector<1x1x16xf32>,
    %get3A_2851 = vector.shape_cast %get3A_2850 : vector<1x1x16xf32> to vector<16xf32>
    %eq3A_2852 = arith.constant 3 : i32
    %eq3A_2853 = vector.broadcast %eq3A_2852 : i32 to vector<16xi32>
    %eq3A_2854 = arith.cmpi eq, %iota3A, %eq3A_2853 : vector<16xi32>
    %jit3A_2855 = arith.constant 0xFF800000 : f32
    %broadcast_in_dim3A_2856 = vector.broadcast %jit3A_2855 : f32 to vector<16xf32>
    %select_n3A_2857 = arith.select %eq3A_2854, %get3A_2851, %broadcast_in_dim3A_2856 : vector<16xi1>, vector<16xf32>
    %max3A_2858 = arith.maximumf %max3A_2838, %select_n3A_2857 : vector<16xf32>
    %get3A_2859 = arith.constant 16 : index
    %get3A_2860 = tpu.vector_load %arg6[%get3A_2859] {strides = array<i32>} : memref<64xi32, #tpu.memory_space<vmem>>, vector<16xi32>,
    %get3A_2861 = vector.shape_cast %get3A_2860 : vector<16xi32> to vector<16xi32>
    %slice3A_2862 = vector.extract_strided_slice %get3A_2861 {offsets = [4], sizes = [1], strides = [1]} : vector<16xi32> to vector<1xi32>
    %squeeze3A_2863 = vector.extract %slice3A_2862[0] : i32 from vector<1xi32>
    %and3A_2864 = arith.constant 7 : i32
    %and3A_2865 = arith.andi %squeeze3A_2863, %and3A_2864 : i32
    %get3A_2866 = arith.constant 20 : i32
    %get3A_2867 = arith.index_cast %get3A_2866 : i32 to index
    %get3A_2868 = arith.index_cast %and3A_2865 : i32 to index
    %get3A_2869 = arith.index_cast %multiple_of3A_2696 : i32 to index
    %get3A_2870 = tpu.vector_load %arg7[%get3A_2867, %get3A_2868, %get3A_2869] {strides = array<i32>} : memref<64x8x128xf32, #tpu.memory_space<vmem>>, vector<1x1x16xf32>,
    %get3A_2871 = vector.shape_cast %get3A_2870 : vector<1x1x16xf32> to vector<16xf32>
    %eq3A_2872 = arith.constant 4 : i32
    %eq3A_2873 = vector.broadcast %eq3A_2872 : i32 to vector<16xi32>
    %eq3A_2874 = arith.cmpi eq, %iota3A, %eq3A_2873 : vector<16xi32>
    %jit3A_2875 = arith.constant 0xFF800000 : f32
    %broadcast_in_dim3A_2876 = vector.broadcast %jit3A_2875 : f32 to vector<16xf32>
    %select_n3A_2877 = arith.select %eq3A_2874, %get3A_2871, %broadcast_in_dim3A_2876 : vector<16xi1>, vector<16xf32>
    %max3A_2878 = arith.maximumf %max3A_2858, %select_n3A_2877 : vector<16xf32>
    %get3A_2879 = arith.constant 48 : index
    %get3A_2880 = tpu.vector_load %arg6[%get3A_2879] {strides = array<i32>} : memref<64xi32, #tpu.memory_space<vmem>>, vector<16xi32>,
    %get3A_2881 = vector.shape_cast %get3A_2880 : vector<16xi32> to vector<16xi32>
    %slice3A_2882 = vector.extract_strided_slice %get3A_2881 {offsets = [4], sizes = [1], strides = [1]} : vector<16xi32> to vector<1xi32>
    %squeeze3A_2883 = vector.extract %slice3A_2882[0] : i32 from vector<1xi32>
    %and3A_2884 = arith.constant 7 : i32
    %and3A_2885 = arith.andi %squeeze3A_2883, %and3A_2884 : i32
    %get3A_2886 = arith.constant 52 : i32
    %get3A_2887 = arith.index_cast %get3A_2886 : i32 to index
    %get3A_2888 = arith.index_cast %and3A_2885 : i32 to index
    %get3A_2889 = arith.index_cast %multiple_of3A_2696 : i32 to index
    %get3A_2890 = tpu.vector_load %arg7[%get3A_2887, %get3A_2888, %get3A_2889] {strides = array<i32>} : memref<64x8x128xf32, #tpu.memory_space<vmem>>, vector<1x1x16xf32>,
    %get3A_2891 = vector.shape_cast %get3A_2890 : vector<1x1x16xf32> to vector<16xf32>
    %eq3A_2892 = arith.constant 4 : i32
    %eq3A_2893 = vector.broadcast %eq3A_2892 : i32 to vector<16xi32>
    %eq3A_2894 = arith.cmpi eq, %iota3A, %eq3A_2893 : vector<16xi32>
    %jit3A_2895 = arith.constant 0xFF800000 : f32
    %broadcast_in_dim3A_2896 = vector.broadcast %jit3A_2895 : f32 to vector<16xf32>
    %select_n3A_2897 = arith.select %eq3A_2894, %get3A_2891, %broadcast_in_dim3A_2896 : vector<16xi1>, vector<16xf32>
    %max3A_2898 = arith.maximumf %max3A_2878, %select_n3A_2897 : vector<16xf32>
    %get3A_2899 = arith.constant 16 : index
    %get3A_2900 = tpu.vector_load %arg6[%get3A_2899] {strides = array<i32>} : memref<64xi32, #tpu.memory_space<vmem>>, vector<16xi32>,
    %get3A_2901 = vector.shape_cast %get3A_2900 : vector<16xi32> to vector<16xi32>
    %slice3A_2902 = vector.extract_strided_slice %get3A_2901 {offsets = [5], sizes = [1], strides = [1]} : vector<16xi32> to vector<1xi32>
    %squeeze3A_2903 = vector.extract %slice3A_2902[0] : i32 from vector<1xi32>
    %and3A_2904 = arith.constant 7 : i32
    %and3A_2905 = arith.andi %squeeze3A_2903, %and3A_2904 : i32
    %get3A_2906 = arith.constant 21 : i32
    %get3A_2907 = arith.index_cast %get3A_2906 : i32 to index
    %get3A_2908 = arith.index_cast %and3A_2905 : i32 to index
    %get3A_2909 = arith.index_cast %multiple_of3A_2696 : i32 to index
    %get3A_2910 = tpu.vector_load %arg7[%get3A_2907, %get3A_2908, %get3A_2909] {strides = array<i32>} : memref<64x8x128xf32, #tpu.memory_space<vmem>>, vector<1x1x16xf32>,
    %get3A_2911 = vector.shape_cast %get3A_2910 : vector<1x1x16xf32> to vector<16xf32>
    %eq3A_2912 = arith.constant 5 : i32
    %eq3A_2913 = vector.broadcast %eq3A_2912 : i32 to vector<16xi32>
    %eq3A_2914 = arith.cmpi eq, %iota3A, %eq3A_2913 : vector<16xi32>
    %jit3A_2915 = arith.constant 0xFF800000 : f32
    %broadcast_in_dim3A_2916 = vector.broadcast %jit3A_2915 : f32 to vector<16xf32>
    %select_n3A_2917 = arith.select %eq3A_2914, %get3A_2911, %broadcast_in_dim3A_2916 : vector<16xi1>, vector<16xf32>
    %max3A_2918 = arith.maximumf %max3A_2898, %select_n3A_2917 : vector<16xf32>
    %get3A_2919 = arith.constant 48 : index
    %get3A_2920 = tpu.vector_load %arg6[%get3A_2919] {strides = array<i32>} : memref<64xi32, #tpu.memory_space<vmem>>, vector<16xi32>,
    %get3A_2921 = vector.shape_cast %get3A_2920 : vector<16xi32> to vector<16xi32>
    %slice3A_2922 = vector.extract_strided_slice %get3A_2921 {offsets = [5], sizes = [1], strides = [1]} : vector<16xi32> to vector<1xi32>
    %squeeze3A_2923 = vector.extract %slice3A_2922[0] : i32 from vector<1xi32>
    %and3A_2924 = arith.constant 7 : i32
    %and3A_2925 = arith.andi %squeeze3A_2923, %and3A_2924 : i32
    %get3A_2926 = arith.constant 53 : i32
    %get3A_2927 = arith.index_cast %get3A_2926 : i32 to index
    %get3A_2928 = arith.index_cast %and3A_2925 : i32 to index
    %get3A_2929 = arith.index_cast %multiple_of3A_2696 : i32 to index
    %get3A_2930 = tpu.vector_load %arg7[%get3A_2927, %get3A_2928, %get3A_2929] {strides = array<i32>} : memref<64x8x128xf32, #tpu.memory_space<vmem>>, vector<1x1x16xf32>,
    %get3A_2931 = vector.shape_cast %get3A_2930 : vector<1x1x16xf32> to vector<16xf32>
    %eq3A_2932 = arith.constant 5 : i32
    %eq3A_2933 = vector.broadcast %eq3A_2932 : i32 to vector<16xi32>
    %eq3A_2934 = arith.cmpi eq, %iota3A, %eq3A_2933 : vector<16xi32>
    %jit3A_2935 = arith.constant 0xFF800000 : f32
    %broadcast_in_dim3A_2936 = vector.broadcast %jit3A_2935 : f32 to vector<16xf32>
    %select_n3A_2937 = arith.select %eq3A_2934, %get3A_2931, %broadcast_in_dim3A_2936 : vector<16xi1>, vector<16xf32>
    %max3A_2938 = arith.maximumf %max3A_2918, %select_n3A_2937 : vector<16xf32>
    %get3A_2939 = arith.constant 16 : index
    %get3A_2940 = tpu.vector_load %arg6[%get3A_2939] {strides = array<i32>} : memref<64xi32, #tpu.memory_space<vmem>>, vector<16xi32>,
    %get3A_2941 = vector.shape_cast %get3A_2940 : vector<16xi32> to vector<16xi32>
    %slice3A_2942 = vector.extract_strided_slice %get3A_2941 {offsets = [6], sizes = [1], strides = [1]} : vector<16xi32> to vector<1xi32>
    %squeeze3A_2943 = vector.extract %slice3A_2942[0] : i32 from vector<1xi32>
    %and3A_2944 = arith.constant 7 : i32
    %and3A_2945 = arith.andi %squeeze3A_2943, %and3A_2944 : i32
    %get3A_2946 = arith.constant 22 : i32
    %get3A_2947 = arith.index_cast %get3A_2946 : i32 to index
    %get3A_2948 = arith.index_cast %and3A_2945 : i32 to index
    %get3A_2949 = arith.index_cast %multiple_of3A_2696 : i32 to index
    %get3A_2950 = tpu.vector_load %arg7[%get3A_2947, %get3A_2948, %get3A_2949] {strides = array<i32>} : memref<64x8x128xf32, #tpu.memory_space<vmem>>, vector<1x1x16xf32>,
    %get3A_2951 = vector.shape_cast %get3A_2950 : vector<1x1x16xf32> to vector<16xf32>
    %eq3A_2952 = arith.constant 6 : i32
    %eq3A_2953 = vector.broadcast %eq3A_2952 : i32 to vector<16xi32>
    %eq3A_2954 = arith.cmpi eq, %iota3A, %eq3A_2953 : vector<16xi32>
    %jit3A_2955 = arith.constant 0xFF800000 : f32
    %broadcast_in_dim3A_2956 = vector.broadcast %jit3A_2955 : f32 to vector<16xf32>
    %select_n3A_2957 = arith.select %eq3A_2954, %get3A_2951, %broadcast_in_dim3A_2956 : vector<16xi1>, vector<16xf32>
    %max3A_2958 = arith.maximumf %max3A_2938, %select_n3A_2957 : vector<16xf32>
    %get3A_2959 = arith.constant 48 : index
    %get3A_2960 = tpu.vector_load %arg6[%get3A_2959] {strides = array<i32>} : memref<64xi32, #tpu.memory_space<vmem>>, vector<16xi32>,
    %get3A_2961 = vector.shape_cast %get3A_2960 : vector<16xi32> to vector<16xi32>
    %slice3A_2962 = vector.extract_strided_slice %get3A_2961 {offsets = [6], sizes = [1], strides = [1]} : vector<16xi32> to vector<1xi32>
    %squeeze3A_2963 = vector.extract %slice3A_2962[0] : i32 from vector<1xi32>
    %and3A_2964 = arith.constant 7 : i32
    %and3A_2965 = arith.andi %squeeze3A_2963, %and3A_2964 : i32
    %get3A_2966 = arith.constant 54 : i32
    %get3A_2967 = arith.index_cast %get3A_2966 : i32 to index
    %get3A_2968 = arith.index_cast %and3A_2965 : i32 to index
    %get3A_2969 = arith.index_cast %multiple_of3A_2696 : i32 to index
    %get3A_2970 = tpu.vector_load %arg7[%get3A_2967, %get3A_2968, %get3A_2969] {strides = array<i32>} : memref<64x8x128xf32, #tpu.memory_space<vmem>>, vector<1x1x16xf32>,
    %get3A_2971 = vector.shape_cast %get3A_2970 : vector<1x1x16xf32> to vector<16xf32>
    %eq3A_2972 = arith.constant 6 : i32
    %eq3A_2973 = vector.broadcast %eq3A_2972 : i32 to vector<16xi32>
    %eq3A_2974 = arith.cmpi eq, %iota3A, %eq3A_2973 : vector<16xi32>
    %jit3A_2975 = arith.constant 0xFF800000 : f32
    %broadcast_in_dim3A_2976 = vector.broadcast %jit3A_2975 : f32 to vector<16xf32>
    %select_n3A_2977 = arith.select %eq3A_2974, %get3A_2971, %broadcast_in_dim3A_2976 : vector<16xi1>, vector<16xf32>
    %max3A_2978 = arith.maximumf %max3A_2958, %select_n3A_2977 : vector<16xf32>
    %get3A_2979 = arith.constant 16 : index
    %get3A_2980 = tpu.vector_load %arg6[%get3A_2979] {strides = array<i32>} : memref<64xi32, #tpu.memory_space<vmem>>, vector<16xi32>,
    %get3A_2981 = vector.shape_cast %get3A_2980 : vector<16xi32> to vector<16xi32>
    %slice3A_2982 = vector.extract_strided_slice %get3A_2981 {offsets = [7], sizes = [1], strides = [1]} : vector<16xi32> to vector<1xi32>
    %squeeze3A_2983 = vector.extract %slice3A_2982[0] : i32 from vector<1xi32>
    %and3A_2984 = arith.constant 7 : i32
    %and3A_2985 = arith.andi %squeeze3A_2983, %and3A_2984 : i32
    %get3A_2986 = arith.constant 23 : i32
    %get3A_2987 = arith.index_cast %get3A_2986 : i32 to index
    %get3A_2988 = arith.index_cast %and3A_2985 : i32 to index
    %get3A_2989 = arith.index_cast %multiple_of3A_2696 : i32 to index
    %get3A_2990 = tpu.vector_load %arg7[%get3A_2987, %get3A_2988, %get3A_2989] {strides = array<i32>} : memref<64x8x128xf32, #tpu.memory_space<vmem>>, vector<1x1x16xf32>,
    %get3A_2991 = vector.shape_cast %get3A_2990 : vector<1x1x16xf32> to vector<16xf32>
    %eq3A_2992 = arith.constant 7 : i32
    %eq3A_2993 = vector.broadcast %eq3A_2992 : i32 to vector<16xi32>
    %eq3A_2994 = arith.cmpi eq, %iota3A, %eq3A_2993 : vector<16xi32>
    %jit3A_2995 = arith.constant 0xFF800000 : f32
    %broadcast_in_dim3A_2996 = vector.broadcast %jit3A_2995 : f32 to vector<16xf32>
    %select_n3A_2997 = arith.select %eq3A_2994, %get3A_2991, %broadcast_in_dim3A_2996 : vector<16xi1>, vector<16xf32>
    %max3A_2998 = arith.maximumf %max3A_2978, %select_n3A_2997 : vector<16xf32>
    %get3A_2999 = arith.constant 48 : index
    %get3A_3000 = tpu.vector_load %arg6[%get3A_2999] {strides = array<i32>} : memref<64xi32, #tpu.memory_space<vmem>>, vector<16xi32>,
    %get3A_3001 = vector.shape_cast %get3A_3000 : vector<16xi32> to vector<16xi32>
    %slice3A_3002 = vector.extract_strided_slice %get3A_3001 {offsets = [7], sizes = [1], strides = [1]} : vector<16xi32> to vector<1xi32>
    %squeeze3A_3003 = vector.extract %slice3A_3002[0] : i32 from vector<1xi32>
    %and3A_3004 = arith.constant 7 : i32
    %and3A_3005 = arith.andi %squeeze3A_3003, %and3A_3004 : i32
    %get3A_3006 = arith.constant 55 : i32
    %get3A_3007 = arith.index_cast %get3A_3006 : i32 to index
    %get3A_3008 = arith.index_cast %and3A_3005 : i32 to index
    %get3A_3009 = arith.index_cast %multiple_of3A_2696 : i32 to index
    %get3A_3010 = tpu.vector_load %arg7[%get3A_3007, %get3A_3008, %get3A_3009] {strides = array<i32>} : memref<64x8x128xf32, #tpu.memory_space<vmem>>, vector<1x1x16xf32>,
    %get3A_3011 = vector.shape_cast %get3A_3010 : vector<1x1x16xf32> to vector<16xf32>
    %eq3A_3012 = arith.constant 7 : i32
    %eq3A_3013 = vector.broadcast %eq3A_3012 : i32 to vector<16xi32>
    %eq3A_3014 = arith.cmpi eq, %iota3A, %eq3A_3013 : vector<16xi32>
    %jit3A_3015 = arith.constant 0xFF800000 : f32
    %broadcast_in_dim3A_3016 = vector.broadcast %jit3A_3015 : f32 to vector<16xf32>
    %select_n3A_3017 = arith.select %eq3A_3014, %get3A_3011, %broadcast_in_dim3A_3016 : vector<16xi1>, vector<16xf32>
    %max3A_3018 = arith.maximumf %max3A_2998, %select_n3A_3017 : vector<16xf32>
    %get3A_3019 = arith.constant 16 : index
    %get3A_3020 = tpu.vector_load %arg6[%get3A_3019] {strides = array<i32>} : memref<64xi32, #tpu.memory_space<vmem>>, vector<16xi32>,
    %get3A_3021 = vector.shape_cast %get3A_3020 : vector<16xi32> to vector<16xi32>
    %slice3A_3022 = vector.extract_strided_slice %get3A_3021 {offsets = [8], sizes = [1], strides = [1]} : vector<16xi32> to vector<1xi32>
    %squeeze3A_3023 = vector.extract %slice3A_3022[0] : i32 from vector<1xi32>
    %and3A_3024 = arith.constant 7 : i32
    %and3A_3025 = arith.andi %squeeze3A_3023, %and3A_3024 : i32
    %get3A_3026 = arith.constant 24 : i32
    %get3A_3027 = arith.index_cast %get3A_3026 : i32 to index
    %get3A_3028 = arith.index_cast %and3A_3025 : i32 to index
    %get3A_3029 = arith.index_cast %multiple_of3A_2696 : i32 to index
    %get3A_3030 = tpu.vector_load %arg7[%get3A_3027, %get3A_3028, %get3A_3029] {strides = array<i32>} : memref<64x8x128xf32, #tpu.memory_space<vmem>>, vector<1x1x16xf32>,
    %get3A_3031 = vector.shape_cast %get3A_3030 : vector<1x1x16xf32> to vector<16xf32>
    %eq3A_3032 = arith.constant 8 : i32
    %eq3A_3033 = vector.broadcast %eq3A_3032 : i32 to vector<16xi32>
    %eq3A_3034 = arith.cmpi eq, %iota3A, %eq3A_3033 : vector<16xi32>
    %jit3A_3035 = arith.constant 0xFF800000 : f32
    %broadcast_in_dim3A_3036 = vector.broadcast %jit3A_3035 : f32 to vector<16xf32>
    %select_n3A_3037 = arith.select %eq3A_3034, %get3A_3031, %broadcast_in_dim3A_3036 : vector<16xi1>, vector<16xf32>
    %max3A_3038 = arith.maximumf %max3A_3018, %select_n3A_3037 : vector<16xf32>
    %get3A_3039 = arith.constant 48 : index
    %get3A_3040 = tpu.vector_load %arg6[%get3A_3039] {strides = array<i32>} : memref<64xi32, #tpu.memory_space<vmem>>, vector<16xi32>,
    %get3A_3041 = vector.shape_cast %get3A_3040 : vector<16xi32> to vector<16xi32>
    %slice3A_3042 = vector.extract_strided_slice %get3A_3041 {offsets = [8], sizes = [1], strides = [1]} : vector<16xi32> to vector<1xi32>
    %squeeze3A_3043 = vector.extract %slice3A_3042[0] : i32 from vector<1xi32>
    %and3A_3044 = arith.constant 7 : i32
    %and3A_3045 = arith.andi %squeeze3A_3043, %and3A_3044 : i32
    %get3A_3046 = arith.constant 56 : i32
    %get3A_3047 = arith.index_cast %get3A_3046 : i32 to index
    %get3A_3048 = arith.index_cast %and3A_3045 : i32 to index
    %get3A_3049 = arith.index_cast %multiple_of3A_2696 : i32 to index
    %get3A_3050 = tpu.vector_load %arg7[%get3A_3047, %get3A_3048, %get3A_3049] {strides = array<i32>} : memref<64x8x128xf32, #tpu.memory_space<vmem>>, vector<1x1x16xf32>,
    %get3A_3051 = vector.shape_cast %get3A_3050 : vector<1x1x16xf32> to vector<16xf32>
    %eq3A_3052 = arith.constant 8 : i32
    %eq3A_3053 = vector.broadcast %eq3A_3052 : i32 to vector<16xi32>
    %eq3A_3054 = arith.cmpi eq, %iota3A, %eq3A_3053 : vector<16xi32>
    %jit3A_3055 = arith.constant 0xFF800000 : f32
    %broadcast_in_dim3A_3056 = vector.broadcast %jit3A_3055 : f32 to vector<16xf32>
    %select_n3A_3057 = arith.select %eq3A_3054, %get3A_3051, %broadcast_in_dim3A_3056 : vector<16xi1>, vector<16xf32>
    %max3A_3058 = arith.maximumf %max3A_3038, %select_n3A_3057 : vector<16xf32>
    %get3A_3059 = arith.constant 16 : index
    %get3A_3060 = tpu.vector_load %arg6[%get3A_3059] {strides = array<i32>} : memref<64xi32, #tpu.memory_space<vmem>>, vector<16xi32>,
    %get3A_3061 = vector.shape_cast %get3A_3060 : vector<16xi32> to vector<16xi32>
    %slice3A_3062 = vector.extract_strided_slice %get3A_3061 {offsets = [9], sizes = [1], strides = [1]} : vector<16xi32> to vector<1xi32>
    %squeeze3A_3063 = vector.extract %slice3A_3062[0] : i32 from vector<1xi32>
    %and3A_3064 = arith.constant 7 : i32
    %and3A_3065 = arith.andi %squeeze3A_3063, %and3A_3064 : i32
    %get3A_3066 = arith.constant 25 : i32
    %get3A_3067 = arith.index_cast %get3A_3066 : i32 to index
    %get3A_3068 = arith.index_cast %and3A_3065 : i32 to index
    %get3A_3069 = arith.index_cast %multiple_of3A_2696 : i32 to index
    %get3A_3070 = tpu.vector_load %arg7[%get3A_3067, %get3A_3068, %get3A_3069] {strides = array<i32>} : memref<64x8x128xf32, #tpu.memory_space<vmem>>, vector<1x1x16xf32>,
    %get3A_3071 = vector.shape_cast %get3A_3070 : vector<1x1x16xf32> to vector<16xf32>
    %eq3A_3072 = arith.constant 9 : i32
    %eq3A_3073 = vector.broadcast %eq3A_3072 : i32 to vector<16xi32>
    %eq3A_3074 = arith.cmpi eq, %iota3A, %eq3A_3073 : vector<16xi32>
    %jit3A_3075 = arith.constant 0xFF800000 : f32
    %broadcast_in_dim3A_3076 = vector.broadcast %jit3A_3075 : f32 to vector<16xf32>
    %select_n3A_3077 = arith.select %eq3A_3074, %get3A_3071, %broadcast_in_dim3A_3076 : vector<16xi1>, vector<16xf32>
    %max3A_3078 = arith.maximumf %max3A_3058, %select_n3A_3077 : vector<16xf32>
    %get3A_3079 = arith.constant 48 : index
    %get3A_3080 = tpu.vector_load %arg6[%get3A_3079] {strides = array<i32>} : memref<64xi32, #tpu.memory_space<vmem>>, vector<16xi32>,
    %get3A_3081 = vector.shape_cast %get3A_3080 : vector<16xi32> to vector<16xi32>
    %slice3A_3082 = vector.extract_strided_slice %get3A_3081 {offsets = [9], sizes = [1], strides = [1]} : vector<16xi32> to vector<1xi32>
    %squeeze3A_3083 = vector.extract %slice3A_3082[0] : i32 from vector<1xi32>
    %and3A_3084 = arith.constant 7 : i32
    %and3A_3085 = arith.andi %squeeze3A_3083, %and3A_3084 : i32
    %get3A_3086 = arith.constant 57 : i32
    %get3A_3087 = arith.index_cast %get3A_3086 : i32 to index
    %get3A_3088 = arith.index_cast %and3A_3085 : i32 to index
    %get3A_3089 = arith.index_cast %multiple_of3A_2696 : i32 to index
    %get3A_3090 = tpu.vector_load %arg7[%get3A_3087, %get3A_3088, %get3A_3089] {strides = array<i32>} : memref<64x8x128xf32, #tpu.memory_space<vmem>>, vector<1x1x16xf32>,
    %get3A_3091 = vector.shape_cast %get3A_3090 : vector<1x1x16xf32> to vector<16xf32>
    %eq3A_3092 = arith.constant 9 : i32
    %eq3A_3093 = vector.broadcast %eq3A_3092 : i32 to vector<16xi32>
    %eq3A_3094 = arith.cmpi eq, %iota3A, %eq3A_3093 : vector<16xi32>
    %jit3A_3095 = arith.constant 0xFF800000 : f32
    %broadcast_in_dim3A_3096 = vector.broadcast %jit3A_3095 : f32 to vector<16xf32>
    %select_n3A_3097 = arith.select %eq3A_3094, %get3A_3091, %broadcast_in_dim3A_3096 : vector<16xi1>, vector<16xf32>
    %max3A_3098 = arith.maximumf %max3A_3078, %select_n3A_3097 : vector<16xf32>
    %get3A_3099 = arith.constant 16 : index
    %get3A_3100 = tpu.vector_load %arg6[%get3A_3099] {strides = array<i32>} : memref<64xi32, #tpu.memory_space<vmem>>, vector<16xi32>,
    %get3A_3101 = vector.shape_cast %get3A_3100 : vector<16xi32> to vector<16xi32>
    %slice3A_3102 = vector.extract_strided_slice %get3A_3101 {offsets = [10], sizes = [1], strides = [1]} : vector<16xi32> to vector<1xi32>
    %squeeze3A_3103 = vector.extract %slice3A_3102[0] : i32 from vector<1xi32>
    %and3A_3104 = arith.constant 7 : i32
    %and3A_3105 = arith.andi %squeeze3A_3103, %and3A_3104 : i32
    %get3A_3106 = arith.constant 26 : i32
    %get3A_3107 = arith.index_cast %get3A_3106 : i32 to index
    %get3A_3108 = arith.index_cast %and3A_3105 : i32 to index
    %get3A_3109 = arith.index_cast %multiple_of3A_2696 : i32 to index
    %get3A_3110 = tpu.vector_load %arg7[%get3A_3107, %get3A_3108, %get3A_3109] {strides = array<i32>} : memref<64x8x128xf32, #tpu.memory_space<vmem>>, vector<1x1x16xf32>,
    %get3A_3111 = vector.shape_cast %get3A_3110 : vector<1x1x16xf32> to vector<16xf32>
    %eq3A_3112 = arith.constant 10 : i32
    %eq3A_3113 = vector.broadcast %eq3A_3112 : i32 to vector<16xi32>
    %eq3A_3114 = arith.cmpi eq, %iota3A, %eq3A_3113 : vector<16xi32>
    %jit3A_3115 = arith.constant 0xFF800000 : f32
    %broadcast_in_dim3A_3116 = vector.broadcast %jit3A_3115 : f32 to vector<16xf32>
    %select_n3A_3117 = arith.select %eq3A_3114, %get3A_3111, %broadcast_in_dim3A_3116 : vector<16xi1>, vector<16xf32>
    %max3A_3118 = arith.maximumf %max3A_3098, %select_n3A_3117 : vector<16xf32>
    %get3A_3119 = arith.constant 48 : index
    %get3A_3120 = tpu.vector_load %arg6[%get3A_3119] {strides = array<i32>} : memref<64xi32, #tpu.memory_space<vmem>>, vector<16xi32>,
    %get3A_3121 = vector.shape_cast %get3A_3120 : vector<16xi32> to vector<16xi32>
    %slice3A_3122 = vector.extract_strided_slice %get3A_3121 {offsets = [10], sizes = [1], strides = [1]} : vector<16xi32> to vector<1xi32>
    %squeeze3A_3123 = vector.extract %slice3A_3122[0] : i32 from vector<1xi32>
    %and3A_3124 = arith.constant 7 : i32
    %and3A_3125 = arith.andi %squeeze3A_3123, %and3A_3124 : i32
    %get3A_3126 = arith.constant 58 : i32
    %get3A_3127 = arith.index_cast %get3A_3126 : i32 to index
    %get3A_3128 = arith.index_cast %and3A_3125 : i32 to index
    %get3A_3129 = arith.index_cast %multiple_of3A_2696 : i32 to index
    %get3A_3130 = tpu.vector_load %arg7[%get3A_3127, %get3A_3128, %get3A_3129] {strides = array<i32>} : memref<64x8x128xf32, #tpu.memory_space<vmem>>, vector<1x1x16xf32>,
    %get3A_3131 = vector.shape_cast %get3A_3130 : vector<1x1x16xf32> to vector<16xf32>
    %eq3A_3132 = arith.constant 10 : i32
    %eq3A_3133 = vector.broadcast %eq3A_3132 : i32 to vector<16xi32>
    %eq3A_3134 = arith.cmpi eq, %iota3A, %eq3A_3133 : vector<16xi32>
    %jit3A_3135 = arith.constant 0xFF800000 : f32
    %broadcast_in_dim3A_3136 = vector.broadcast %jit3A_3135 : f32 to vector<16xf32>
    %select_n3A_3137 = arith.select %eq3A_3134, %get3A_3131, %broadcast_in_dim3A_3136 : vector<16xi1>, vector<16xf32>
    %max3A_3138 = arith.maximumf %max3A_3118, %select_n3A_3137 : vector<16xf32>
    %get3A_3139 = arith.constant 16 : index
    %get3A_3140 = tpu.vector_load %arg6[%get3A_3139] {strides = array<i32>} : memref<64xi32, #tpu.memory_space<vmem>>, vector<16xi32>,
    %get3A_3141 = vector.shape_cast %get3A_3140 : vector<16xi32> to vector<16xi32>
    %slice3A_3142 = vector.extract_strided_slice %get3A_3141 {offsets = [11], sizes = [1], strides = [1]} : vector<16xi32> to vector<1xi32>
    %squeeze3A_3143 = vector.extract %slice3A_3142[0] : i32 from vector<1xi32>
    %and3A_3144 = arith.constant 7 : i32
    %and3A_3145 = arith.andi %squeeze3A_3143, %and3A_3144 : i32
    %get3A_3146 = arith.constant 27 : i32
    %get3A_3147 = arith.index_cast %get3A_3146 : i32 to index
    %get3A_3148 = arith.index_cast %and3A_3145 : i32 to index
    %get3A_3149 = arith.index_cast %multiple_of3A_2696 : i32 to index
    %get3A_3150 = tpu.vector_load %arg7[%get3A_3147, %get3A_3148, %get3A_3149] {strides = array<i32>} : memref<64x8x128xf32, #tpu.memory_space<vmem>>, vector<1x1x16xf32>,
    %get3A_3151 = vector.shape_cast %get3A_3150 : vector<1x1x16xf32> to vector<16xf32>
    %eq3A_3152 = arith.constant 11 : i32
    %eq3A_3153 = vector.broadcast %eq3A_3152 : i32 to vector<16xi32>
    %eq3A_3154 = arith.cmpi eq, %iota3A, %eq3A_3153 : vector<16xi32>
    %jit3A_3155 = arith.constant 0xFF800000 : f32
    %broadcast_in_dim3A_3156 = vector.broadcast %jit3A_3155 : f32 to vector<16xf32>
    %select_n3A_3157 = arith.select %eq3A_3154, %get3A_3151, %broadcast_in_dim3A_3156 : vector<16xi1>, vector<16xf32>
    %max3A_3158 = arith.maximumf %max3A_3138, %select_n3A_3157 : vector<16xf32>
    %get3A_3159 = arith.constant 48 : index
    %get3A_3160 = tpu.vector_load %arg6[%get3A_3159] {strides = array<i32>} : memref<64xi32, #tpu.memory_space<vmem>>, vector<16xi32>,
    %get3A_3161 = vector.shape_cast %get3A_3160 : vector<16xi32> to vector<16xi32>
    %slice3A_3162 = vector.extract_strided_slice %get3A_3161 {offsets = [11], sizes = [1], strides = [1]} : vector<16xi32> to vector<1xi32>
    %squeeze3A_3163 = vector.extract %slice3A_3162[0] : i32 from vector<1xi32>
    %and3A_3164 = arith.constant 7 : i32
    %and3A_3165 = arith.andi %squeeze3A_3163, %and3A_3164 : i32
    %get3A_3166 = arith.constant 59 : i32
    %get3A_3167 = arith.index_cast %get3A_3166 : i32 to index
    %get3A_3168 = arith.index_cast %and3A_3165 : i32 to index
    %get3A_3169 = arith.index_cast %multiple_of3A_2696 : i32 to index
    %get3A_3170 = tpu.vector_load %arg7[%get3A_3167, %get3A_3168, %get3A_3169] {strides = array<i32>} : memref<64x8x128xf32, #tpu.memory_space<vmem>>, vector<1x1x16xf32>,
    %get3A_3171 = vector.shape_cast %get3A_3170 : vector<1x1x16xf32> to vector<16xf32>
    %eq3A_3172 = arith.constant 11 : i32
    %eq3A_3173 = vector.broadcast %eq3A_3172 : i32 to vector<16xi32>
    %eq3A_3174 = arith.cmpi eq, %iota3A, %eq3A_3173 : vector<16xi32>
    %jit3A_3175 = arith.constant 0xFF800000 : f32
    %broadcast_in_dim3A_3176 = vector.broadcast %jit3A_3175 : f32 to vector<16xf32>
    %select_n3A_3177 = arith.select %eq3A_3174, %get3A_3171, %broadcast_in_dim3A_3176 : vector<16xi1>, vector<16xf32>
    %max3A_3178 = arith.maximumf %max3A_3158, %select_n3A_3177 : vector<16xf32>
    %get3A_3179 = arith.constant 16 : index
    %get3A_3180 = tpu.vector_load %arg6[%get3A_3179] {strides = array<i32>} : memref<64xi32, #tpu.memory_space<vmem>>, vector<16xi32>,
    %get3A_3181 = vector.shape_cast %get3A_3180 : vector<16xi32> to vector<16xi32>
    %slice3A_3182 = vector.extract_strided_slice %get3A_3181 {offsets = [12], sizes = [1], strides = [1]} : vector<16xi32> to vector<1xi32>
    %squeeze3A_3183 = vector.extract %slice3A_3182[0] : i32 from vector<1xi32>
    %and3A_3184 = arith.constant 7 : i32
    %and3A_3185 = arith.andi %squeeze3A_3183, %and3A_3184 : i32
    %get3A_3186 = arith.constant 28 : i32
    %get3A_3187 = arith.index_cast %get3A_3186 : i32 to index
    %get3A_3188 = arith.index_cast %and3A_3185 : i32 to index
    %get3A_3189 = arith.index_cast %multiple_of3A_2696 : i32 to index
    %get3A_3190 = tpu.vector_load %arg7[%get3A_3187, %get3A_3188, %get3A_3189] {strides = array<i32>} : memref<64x8x128xf32, #tpu.memory_space<vmem>>, vector<1x1x16xf32>,
    %get3A_3191 = vector.shape_cast %get3A_3190 : vector<1x1x16xf32> to vector<16xf32>
    %eq3A_3192 = arith.constant 12 : i32
    %eq3A_3193 = vector.broadcast %eq3A_3192 : i32 to vector<16xi32>
    %eq3A_3194 = arith.cmpi eq, %iota3A, %eq3A_3193 : vector<16xi32>
    %jit3A_3195 = arith.constant 0xFF800000 : f32
    %broadcast_in_dim3A_3196 = vector.broadcast %jit3A_3195 : f32 to vector<16xf32>
    %select_n3A_3197 = arith.select %eq3A_3194, %get3A_3191, %broadcast_in_dim3A_3196 : vector<16xi1>, vector<16xf32>
    %max3A_3198 = arith.maximumf %max3A_3178, %select_n3A_3197 : vector<16xf32>
    %get3A_3199 = arith.constant 48 : index
    %get3A_3200 = tpu.vector_load %arg6[%get3A_3199] {strides = array<i32>} : memref<64xi32, #tpu.memory_space<vmem>>, vector<16xi32>,
    %get3A_3201 = vector.shape_cast %get3A_3200 : vector<16xi32> to vector<16xi32>
    %slice3A_3202 = vector.extract_strided_slice %get3A_3201 {offsets = [12], sizes = [1], strides = [1]} : vector<16xi32> to vector<1xi32>
    %squeeze3A_3203 = vector.extract %slice3A_3202[0] : i32 from vector<1xi32>
    %and3A_3204 = arith.constant 7 : i32
    %and3A_3205 = arith.andi %squeeze3A_3203, %and3A_3204 : i32
    %get3A_3206 = arith.constant 60 : i32
    %get3A_3207 = arith.index_cast %get3A_3206 : i32 to index
    %get3A_3208 = arith.index_cast %and3A_3205 : i32 to index
    %get3A_3209 = arith.index_cast %multiple_of3A_2696 : i32 to index
    %get3A_3210 = tpu.vector_load %arg7[%get3A_3207, %get3A_3208, %get3A_3209] {strides = array<i32>} : memref<64x8x128xf32, #tpu.memory_space<vmem>>, vector<1x1x16xf32>,
    %get3A_3211 = vector.shape_cast %get3A_3210 : vector<1x1x16xf32> to vector<16xf32>
    %eq3A_3212 = arith.constant 12 : i32
    %eq3A_3213 = vector.broadcast %eq3A_3212 : i32 to vector<16xi32>
    %eq3A_3214 = arith.cmpi eq, %iota3A, %eq3A_3213 : vector<16xi32>
    %jit3A_3215 = arith.constant 0xFF800000 : f32
    %broadcast_in_dim3A_3216 = vector.broadcast %jit3A_3215 : f32 to vector<16xf32>
    %select_n3A_3217 = arith.select %eq3A_3214, %get3A_3211, %broadcast_in_dim3A_3216 : vector<16xi1>, vector<16xf32>
    %max3A_3218 = arith.maximumf %max3A_3198, %select_n3A_3217 : vector<16xf32>
    %get3A_3219 = arith.constant 16 : index
    %get3A_3220 = tpu.vector_load %arg6[%get3A_3219] {strides = array<i32>} : memref<64xi32, #tpu.memory_space<vmem>>, vector<16xi32>,
    %get3A_3221 = vector.shape_cast %get3A_3220 : vector<16xi32> to vector<16xi32>
    %slice3A_3222 = vector.extract_strided_slice %get3A_3221 {offsets = [13], sizes = [1], strides = [1]} : vector<16xi32> to vector<1xi32>
    %squeeze3A_3223 = vector.extract %slice3A_3222[0] : i32 from vector<1xi32>
    %and3A_3224 = arith.constant 7 : i32
    %and3A_3225 = arith.andi %squeeze3A_3223, %and3A_3224 : i32
    %get3A_3226 = arith.constant 29 : i32
    %get3A_3227 = arith.index_cast %get3A_3226 : i32 to index
    %get3A_3228 = arith.index_cast %and3A_3225 : i32 to index
    %get3A_3229 = arith.index_cast %multiple_of3A_2696 : i32 to index
    %get3A_3230 = tpu.vector_load %arg7[%get3A_3227, %get3A_3228, %get3A_3229] {strides = array<i32>} : memref<64x8x128xf32, #tpu.memory_space<vmem>>, vector<1x1x16xf32>,
    %get3A_3231 = vector.shape_cast %get3A_3230 : vector<1x1x16xf32> to vector<16xf32>
    %eq3A_3232 = arith.constant 13 : i32
    %eq3A_3233 = vector.broadcast %eq3A_3232 : i32 to vector<16xi32>
    %eq3A_3234 = arith.cmpi eq, %iota3A, %eq3A_3233 : vector<16xi32>
    %jit3A_3235 = arith.constant 0xFF800000 : f32
    %broadcast_in_dim3A_3236 = vector.broadcast %jit3A_3235 : f32 to vector<16xf32>
    %select_n3A_3237 = arith.select %eq3A_3234, %get3A_3231, %broadcast_in_dim3A_3236 : vector<16xi1>, vector<16xf32>
    %max3A_3238 = arith.maximumf %max3A_3218, %select_n3A_3237 : vector<16xf32>
    %get3A_3239 = arith.constant 48 : index
    %get3A_3240 = tpu.vector_load %arg6[%get3A_3239] {strides = array<i32>} : memref<64xi32, #tpu.memory_space<vmem>>, vector<16xi32>,
    %get3A_3241 = vector.shape_cast %get3A_3240 : vector<16xi32> to vector<16xi32>
    %slice3A_3242 = vector.extract_strided_slice %get3A_3241 {offsets = [13], sizes = [1], strides = [1]} : vector<16xi32> to vector<1xi32>
    %squeeze3A_3243 = vector.extract %slice3A_3242[0] : i32 from vector<1xi32>
    %and3A_3244 = arith.constant 7 : i32
    %and3A_3245 = arith.andi %squeeze3A_3243, %and3A_3244 : i32
    %get3A_3246 = arith.constant 61 : i32
    %get3A_3247 = arith.index_cast %get3A_3246 : i32 to index
    %get3A_3248 = arith.index_cast %and3A_3245 : i32 to index
    %get3A_3249 = arith.index_cast %multiple_of3A_2696 : i32 to index
    %get3A_3250 = tpu.vector_load %arg7[%get3A_3247, %get3A_3248, %get3A_3249] {strides = array<i32>} : memref<64x8x128xf32, #tpu.memory_space<vmem>>, vector<1x1x16xf32>,
    %get3A_3251 = vector.shape_cast %get3A_3250 : vector<1x1x16xf32> to vector<16xf32>
    %eq3A_3252 = arith.constant 13 : i32
    %eq3A_3253 = vector.broadcast %eq3A_3252 : i32 to vector<16xi32>
    %eq3A_3254 = arith.cmpi eq, %iota3A, %eq3A_3253 : vector<16xi32>
    %jit3A_3255 = arith.constant 0xFF800000 : f32
    %broadcast_in_dim3A_3256 = vector.broadcast %jit3A_3255 : f32 to vector<16xf32>
    %select_n3A_3257 = arith.select %eq3A_3254, %get3A_3251, %broadcast_in_dim3A_3256 : vector<16xi1>, vector<16xf32>
    %max3A_3258 = arith.maximumf %max3A_3238, %select_n3A_3257 : vector<16xf32>
    %get3A_3259 = arith.constant 16 : index
    %get3A_3260 = tpu.vector_load %arg6[%get3A_3259] {strides = array<i32>} : memref<64xi32, #tpu.memory_space<vmem>>, vector<16xi32>,
    %get3A_3261 = vector.shape_cast %get3A_3260 : vector<16xi32> to vector<16xi32>
    %slice3A_3262 = vector.extract_strided_slice %get3A_3261 {offsets = [14], sizes = [1], strides = [1]} : vector<16xi32> to vector<1xi32>
    %squeeze3A_3263 = vector.extract %slice3A_3262[0] : i32 from vector<1xi32>
    %and3A_3264 = arith.constant 7 : i32
    %and3A_3265 = arith.andi %squeeze3A_3263, %and3A_3264 : i32
    %get3A_3266 = arith.constant 30 : i32
    %get3A_3267 = arith.index_cast %get3A_3266 : i32 to index
    %get3A_3268 = arith.index_cast %and3A_3265 : i32 to index
    %get3A_3269 = arith.index_cast %multiple_of3A_2696 : i32 to index
    %get3A_3270 = tpu.vector_load %arg7[%get3A_3267, %get3A_3268, %get3A_3269] {strides = array<i32>} : memref<64x8x128xf32, #tpu.memory_space<vmem>>, vector<1x1x16xf32>,
    %get3A_3271 = vector.shape_cast %get3A_3270 : vector<1x1x16xf32> to vector<16xf32>
    %eq3A_3272 = arith.constant 14 : i32
    %eq3A_3273 = vector.broadcast %eq3A_3272 : i32 to vector<16xi32>
    %eq3A_3274 = arith.cmpi eq, %iota3A, %eq3A_3273 : vector<16xi32>
    %jit3A_3275 = arith.constant 0xFF800000 : f32
    %broadcast_in_dim3A_3276 = vector.broadcast %jit3A_3275 : f32 to vector<16xf32>
    %select_n3A_3277 = arith.select %eq3A_3274, %get3A_3271, %broadcast_in_dim3A_3276 : vector<16xi1>, vector<16xf32>
    %max3A_3278 = arith.maximumf %max3A_3258, %select_n3A_3277 : vector<16xf32>
    %get3A_3279 = arith.constant 48 : index
    %get3A_3280 = tpu.vector_load %arg6[%get3A_3279] {strides = array<i32>} : memref<64xi32, #tpu.memory_space<vmem>>, vector<16xi32>,
    %get3A_3281 = vector.shape_cast %get3A_3280 : vector<16xi32> to vector<16xi32>
    %slice3A_3282 = vector.extract_strided_slice %get3A_3281 {offsets = [14], sizes = [1], strides = [1]} : vector<16xi32> to vector<1xi32>
    %squeeze3A_3283 = vector.extract %slice3A_3282[0] : i32 from vector<1xi32>
    %and3A_3284 = arith.constant 7 : i32
    %and3A_3285 = arith.andi %squeeze3A_3283, %and3A_3284 : i32
    %get3A_3286 = arith.constant 62 : i32
    %get3A_3287 = arith.index_cast %get3A_3286 : i32 to index
    %get3A_3288 = arith.index_cast %and3A_3285 : i32 to index
    %get3A_3289 = arith.index_cast %multiple_of3A_2696 : i32 to index
    %get3A_3290 = tpu.vector_load %arg7[%get3A_3287, %get3A_3288, %get3A_3289] {strides = array<i32>} : memref<64x8x128xf32, #tpu.memory_space<vmem>>, vector<1x1x16xf32>,
    %get3A_3291 = vector.shape_cast %get3A_3290 : vector<1x1x16xf32> to vector<16xf32>
    %eq3A_3292 = arith.constant 14 : i32
    %eq3A_3293 = vector.broadcast %eq3A_3292 : i32 to vector<16xi32>
    %eq3A_3294 = arith.cmpi eq, %iota3A, %eq3A_3293 : vector<16xi32>
    %jit3A_3295 = arith.constant 0xFF800000 : f32
    %broadcast_in_dim3A_3296 = vector.broadcast %jit3A_3295 : f32 to vector<16xf32>
    %select_n3A_3297 = arith.select %eq3A_3294, %get3A_3291, %broadcast_in_dim3A_3296 : vector<16xi1>, vector<16xf32>
    %max3A_3298 = arith.maximumf %max3A_3278, %select_n3A_3297 : vector<16xf32>
    %get3A_3299 = arith.constant 16 : index
    %get3A_3300 = tpu.vector_load %arg6[%get3A_3299] {strides = array<i32>} : memref<64xi32, #tpu.memory_space<vmem>>, vector<16xi32>,
    %get3A_3301 = vector.shape_cast %get3A_3300 : vector<16xi32> to vector<16xi32>
    %slice3A_3302 = vector.extract_strided_slice %get3A_3301 {offsets = [15], sizes = [1], strides = [1]} : vector<16xi32> to vector<1xi32>
    %squeeze3A_3303 = vector.extract %slice3A_3302[0] : i32 from vector<1xi32>
    %and3A_3304 = arith.constant 7 : i32
    %and3A_3305 = arith.andi %squeeze3A_3303, %and3A_3304 : i32
    %get3A_3306 = arith.constant 31 : i32
    %get3A_3307 = arith.index_cast %get3A_3306 : i32 to index
    %get3A_3308 = arith.index_cast %and3A_3305 : i32 to index
    %get3A_3309 = arith.index_cast %multiple_of3A_2696 : i32 to index
    %get3A_3310 = tpu.vector_load %arg7[%get3A_3307, %get3A_3308, %get3A_3309] {strides = array<i32>} : memref<64x8x128xf32, #tpu.memory_space<vmem>>, vector<1x1x16xf32>,
    %get3A_3311 = vector.shape_cast %get3A_3310 : vector<1x1x16xf32> to vector<16xf32>
    %eq3A_3312 = arith.constant 15 : i32
    %eq3A_3313 = vector.broadcast %eq3A_3312 : i32 to vector<16xi32>
    %eq3A_3314 = arith.cmpi eq, %iota3A, %eq3A_3313 : vector<16xi32>
    %jit3A_3315 = arith.constant 0xFF800000 : f32
    %broadcast_in_dim3A_3316 = vector.broadcast %jit3A_3315 : f32 to vector<16xf32>
    %select_n3A_3317 = arith.select %eq3A_3314, %get3A_3311, %broadcast_in_dim3A_3316 : vector<16xi1>, vector<16xf32>
    %max3A_3318 = arith.maximumf %max3A_3298, %select_n3A_3317 : vector<16xf32>
    %get3A_3319 = arith.constant 48 : index
    %get3A_3320 = tpu.vector_load %arg6[%get3A_3319] {strides = array<i32>} : memref<64xi32, #tpu.memory_space<vmem>>, vector<16xi32>,
    %get3A_3321 = vector.shape_cast %get3A_3320 : vector<16xi32> to vector<16xi32>
    %slice3A_3322 = vector.extract_strided_slice %get3A_3321 {offsets = [15], sizes = [1], strides = [1]} : vector<16xi32> to vector<1xi32>
    %squeeze3A_3323 = vector.extract %slice3A_3322[0] : i32 from vector<1xi32>
    %and3A_3324 = arith.constant 7 : i32
    %and3A_3325 = arith.andi %squeeze3A_3323, %and3A_3324 : i32
    %get3A_3326 = arith.constant 63 : i32
    %get3A_3327 = arith.index_cast %get3A_3326 : i32 to index
    %get3A_3328 = arith.index_cast %and3A_3325 : i32 to index
    %get3A_3329 = arith.index_cast %multiple_of3A_2696 : i32 to index
    %get3A_3330 = tpu.vector_load %arg7[%get3A_3327, %get3A_3328, %get3A_3329] {strides = array<i32>} : memref<64x8x128xf32, #tpu.memory_space<vmem>>, vector<1x1x16xf32>,
    %get3A_3331 = vector.shape_cast %get3A_3330 : vector<1x1x16xf32> to vector<16xf32>
    %eq3A_3332 = arith.constant 15 : i32
    %eq3A_3333 = vector.broadcast %eq3A_3332 : i32 to vector<16xi32>
    %eq3A_3334 = arith.cmpi eq, %iota3A, %eq3A_3333 : vector<16xi32>
    %jit3A_3335 = arith.constant 0xFF800000 : f32
    %broadcast_in_dim3A_3336 = vector.broadcast %jit3A_3335 : f32 to vector<16xf32>
    %select_n3A_3337 = arith.select %eq3A_3334, %get3A_3331, %broadcast_in_dim3A_3336 : vector<16xi1>, vector<16xf32>
    %max3A_3338 = arith.maximumf %max3A_3318, %select_n3A_3337 : vector<16xf32>
    %swap3A_3339 = arith.constant 16 : index
    %swap3A_3340 = tpu.vector_load %arg8[%swap3A_3339] {strides = array<i32>} : memref<32xf32, #tpu.memory_space<vmem>>, vector<16xf32>,
    %swap3A_3341 = vector.shape_cast %swap3A_3340 : vector<16xf32> to vector<16xf32>
    %swap3A_3342 = vector.shape_cast %max3A_3338 : vector<16xf32> to vector<16xf32>
    tpu.vector_store %arg8[%swap3A_3339], %swap3A_3342 {strides = array<i32>} : memref<32xf32, #tpu.memory_space<vmem>>, vector<16xf32>,
    "tpu.region"() ({
      %run_scoped3A = tpu.sem_alloc : memref<!tpu.dma_semaphore, #tpu.memory_space<semaphore_mem>>
      %dma_start3A_3343 = tpu.memref_slice %arg5[%mul3A_2] : memref<1024xf32, #tpu.memory_space<hbm>> -> memref<32xf32, #tpu.memory_space<hbm>>
      %dma_start3A_3344 = tpu.memref_slice %arg5[%mul3A_2] : memref<1024xf32, #tpu.memory_space<hbm>> -> memref<32xf32, #tpu.memory_space<hbm>>
      tpu.enqueue_dma source(%arg8 : memref<32xf32, #tpu.memory_space<vmem>>) target(%dma_start3A_3344 : memref<32xf32, #tpu.memory_space<hbm>>) target_semaphore(%run_scoped3A : memref<!tpu.dma_semaphore, #tpu.memory_space<semaphore_mem>>)
      %dma_wait3A_3345 = tpu.memref_slice %arg5[%mul3A_2] : memref<1024xf32, #tpu.memory_space<hbm>> -> memref<32xf32, #tpu.memory_space<hbm>>
      %dma_wait3A_3346 = tpu.memref_slice %arg5[%mul3A_2] : memref<1024xf32, #tpu.memory_space<hbm>> -> memref<32xf32, #tpu.memory_space<hbm>>
      tpu.wait_dma2 semaphore(%run_scoped3A : memref<!tpu.dma_semaphore, #tpu.memory_space<semaphore_mem>>) src(%arg8 : memref<32xf32, #tpu.memory_space<vmem>>) dst(%dma_wait3A_3346 : memref<32xf32, #tpu.memory_space<hbm>>)
      tpu.yield
    }) : () -> ()
    return
  }
}

</mosaic_0001>

<sc_bundles>
// kernel: kernel.3.cloned.1.call-start
scs
__scs_entry_jumppad:
0x0: {  	(pc) =	sbr.rel $0x88, $3  }
0x1: {  	(tag) =	ssettag $0x0;
	lr =	simm.s32 $0x1  }
0x2: {  	[smem:$0x3FA0] =	sst lr;
	_ =	strace $0xD0000000  }
0x3: {  	_ = 	snop  }
0x4: {  	_ = 	snop  }
0x5: {  	_ = 	snop  }
0x6: {  	_ = 	snop  }
0x7: {  	_ = 	snop  }
__scs_overlays_trampoline_lowered:
0x8: {  	[smem:$0x3FAF] =	sst s0  }
0x9: {  	[smem:$0x3FB0] =	sst s1  }
0xa: {  	[smem:$0x3FB1] =	sst s2  }
0xb: {  	[smem:$0x3FB2] =	sst s3  }
0xc: {  	[smem:$0x3FB3] =	sst s4  }
0xd: {  	[smem:$0x3FB4] =	sst s5  }
0xe: {  	[smem:$0x3FB5] =	sst s6  }
0xf: {  	[smem:$0x3FB6] =	sst s7  }
0x10: {  	[smem:$0x3FB7] =	sst s8  }
0x11: {  	[smem:$0x3FB8] =	sst s9;
	s0 =	simm.s32 @!p0 $0x0  }
0x12: {  	s1 =	sld [smem:$0x3F9E];
	s0 =	simm.s32 @p0 $0x1  }
0x13: {  	[smem:$0x3FB9] =	sst s0;
	s0 =	simm.s32 @!p1 $0x0  }
0x14: {  	s2 =	sld [smem:$0x3F9D];
	s0 =	simm.s32 @p1 $0x1  }
0x15: {  	[smem:$0x3FBA] =	sst s0;
	s0 =	simm.s32 @!p2 $0x0  }
0x16: {  	s3 =	sld [smem:$0x3FDB];
	s0 =	simm.s32 @p2 $0x1  }
0x17: {  	s4 =	simm.s32 $0x1BF5;
	[smem:$0x3FBC] =	sst s0  }
0x18: {  	s0 =	sld [smem:$0x3F9F];
	_ =	swait.ge [sflag:s4], $0x0  }
0x19: {  	s7 =	sld [smem:$0x3FA0]  }
0x1a: {  	s8 =	sadd.s32 $0xFFFFE003, lr  }
0x1b: {  	s9 =	sadd.s32 $0xFFFFFEF7, lr;
	s5 =	simm.s32 $0xFFFFFFFF;
	p2 =	slt.u32 s8, $0xFFFFF086  }
0x1c: {  	p1 =	slt.u32 s9, $0xF7A;
	s5 =	simm.s32 @!p2 $0x0  }
0x1d: {  	s5 =	simm.s32 @p1 $0x1;
	p0 =	seq.s32 s7, s2  }
0x1e: {  	s7 =	smul.u32 @!p0 $0xF7A, s2;
	p2 =	seq.s32 @!p0 s5, $0x0  }
0x1f: {  	s9 =	smul.u32 $0xF7A, s1;
	s8 =	simm.s32 @!p0 $0x1BF5;
	p2 =	por !p2, p0  }
0x20: {  	[sflag:s8] =	ssyncset.s32 @!p0 $0xFFFFF086;
	s6 =	sadd.s32 @!p0 s3, s7;
	s7 =	simm.s32 @!p0 $0x108  }
0x21: {  	s3 =	sadd.s32 s3, s9;
	s6 =	sadd.s32 @!p0 $0x88, s6;
	s7 =	simm.s32 @p2 $0x1082  }
0x22: {  	[simem:s7], [sflag:s8] =	dma.local @!p0 [hbm:s6], $0xF7A  }
0x23: {  	s9 =	sor.u32 $0xD0000000, s2;
	s6 =	simm.s32 $0x108;
	_ =	swait.ge @!p0 [sflag:s8], $0x0  }
0x24: {  	s3 =	sadd.s32 $0x88, s3;
	s6 =	simm.s32 @!p1 $0x1082;
	[sflag:s4] =	ssyncset.s32 $0xFFFFF086  }
0x25: {  	[simem:s6], [sflag:s4] =	dma.local [hbm:s3], $0xF7A  }
0x26: {  	[smem:$0x3FA0] =	sst s1;
	(tag) =	ssettag s2;
	_ =	strace s9  }
0x27: {  	s1 =	sld [smem:$0x3FB0]  }
0x28: {  	s2 =	sld [smem:$0x3FB1]  }
0x29: {  	s4 =	sld [smem:$0x3FB3]  }
0x2a: {  	p0 =	seq.s32 s5, $0x0;
	s5 =	sld [smem:$0x3FB4]  }
0x2b: {  	s6 =	sld [smem:$0x3FB5]  }
0x2c: {  	s7 =	sld [smem:$0x3FB6]  }
0x2d: {  	s3 =	simm.s32 $0x108;
	s8 =	sld [smem:$0x3FB7]  }
0x2e: {  	s3 =	simm.s32 @!p0 $0x1082;
	s9 =	sld [smem:$0x3FB8]  }
0x2f: {  	lr =	sadd.s32 s0, s3;
	s0 =	sld [smem:$0x3FAF]  }
0x30: {  	s3 =	sld [smem:$0x3FB2]  }
0x31: {  	[smem:$0x3FBB] =	sst s10  }
0x32: {  	s10 =	sld [smem:$0x3FB9];
	_ =	sdelay $0x3  }
0x33: {  	p0 =	seq.s32 s10, $0x1;
	s10 =	sld [smem:$0x3FBB];
	_ =	sdelay $0x3  }
0x34: {  	[smem:$0x3FBB] =	sst s10  }
0x35: {  	s10 =	sld [smem:$0x3FBA];
	_ =	sdelay $0x3  }
0x36: {  	p1 =	seq.s32 s10, $0x1;
	s10 =	sld [smem:$0x3FBB];
	_ =	sdelay $0x3  }
0x37: {  	[smem:$0x3FBB] =	sst s10  }
0x38: {  	s10 =	sld [smem:$0x3FBC]  }
0x39: {  	_ = 	snop;
	(pc) =	sbr.ind lr, $3  }
0x3a: {  	_ = 	snop  }
0x3b: {  	_ = 	snop  }
0x3c: {  	p2 =	seq.s32 s10, $0x1;
	s10 =	sld [smem:$0x3FBB]  }
0x3d: {  	_ =	shalt  }
0x3e: {  	_ =	shalt  }
0x3f: {  	_ =	shalt  }
0x40: {  	_ =	shalt  }
0x41: {  	_ =	shalt  }
0x42: {  	_ =	shalt  }
0x43: {  	_ =	shalt  }
0x44: {  	_ =	shalt  }
0x45: {  	_ =	shalt  }
0x46: {  	_ =	shalt  }
0x47: {  	_ =	shalt  }
0x48: {  	_ =	shalt  }
0x49: {  	_ =	shalt  }
0x4a: {  	_ =	shalt  }
0x4b: {  	_ =	shalt  }
0x4c: {  	_ =	shalt  }
0x4d: {  	_ =	shalt  }
0x4e: {  	_ =	shalt  }
0x4f: {  	_ =	shalt  }
0x50: {  	_ =	shalt  }
0x51: {  	_ =	shalt  }
0x52: {  	_ =	shalt  }
0x53: {  	_ =	shalt  }
0x54: {  	_ =	shalt  }
0x55: {  	_ =	shalt  }
0x56: {  	_ =	shalt  }
0x57: {  	_ =	shalt  }
0x58: {  	_ =	shalt  }
0x59: {  	_ =	shalt  }
0x5a: {  	_ =	shalt  }
0x5b: {  	_ =	shalt  }
0x5c: {  	_ =	shalt  }
0x5d: {  	_ =	shalt  }
0x5e: {  	_ =	shalt  }
0x5f: {  	_ =	shalt  }
0x60: {  	_ =	shalt  }
0x61: {  	_ =	shalt  }
0x62: {  	_ =	shalt  }
0x63: {  	_ =	shalt  }
0x64: {  	_ =	shalt  }
0x65: {  	_ =	shalt  }
0x66: {  	_ =	shalt  }
0x67: {  	_ =	shalt  }
0x68: {  	_ =	shalt  }
0x69: {  	_ =	shalt  }
0x6a: {  	_ =	shalt  }
0x6b: {  	_ =	shalt  }
0x6c: {  	_ =	shalt  }
0x6d: {  	_ =	shalt  }
0x6e: {  	_ =	shalt  }
0x6f: {  	_ =	shalt  }
0x70: {  	_ =	shalt  }
0x71: {  	_ =	shalt  }
0x72: {  	_ =	shalt  }
0x73: {  	_ =	shalt  }
0x74: {  	_ =	shalt  }
0x75: {  	_ =	shalt  }
0x76: {  	_ =	shalt  }
0x77: {  	_ =	shalt  }
0x78: {  	_ =	shalt  }
0x79: {  	_ =	shalt  }
0x7a: {  	_ =	shalt  }
0x7b: {  	_ =	shalt  }
0x7c: {  	_ =	shalt  }
0x7d: {  	_ =	shalt  }
0x7e: {  	_ =	shalt  }
0x7f: {  	_ =	shalt  }
0x80: {  	_ =	shalt  }
0x81: {  	_ =	shalt  }
0x82: {  	_ =	shalt  }
0x83: {  	_ =	shalt  }
0x84: {  	_ =	shalt  }
0x85: {  	_ =	shalt  }
0x86: {  	_ =	shalt  }
0x87: {  	_ =	shalt  }
.Lfunc_end0:
.L_simem_size_0:
called_computation_lowered:
.L_overlay_start_0:
0x88: {  	s2 =	sld [smem:$0x3FD9]  }
0x89: {  	s3 =	sld [smem:$0x3FFE];
	_ =	sdelay $0x1  }
0x8a: {  	s1 =	srdreg.scid  }
0x8b: {  	s0 =	sand.u32 $0x1, s1  }
0x8c: {  	s17 =	sshll.u32 s0, $0xA;
	s2 =	sadd.s32 s3, s2  }
0x8d: {  	s2 =	sadd.s32 s2, s17  }
0x8e: {  	[smem:$0x3FC7] =	sst s2  }
0x8f: {  	_ = 	snop  }
0x90: {  	s2 =	sld [smem:$0x3FC9]  }
0x91: {  	s18 =	sld [smem:$0x3FD0];
	(tm) =	ssettm $0x1  }
0x92: {  	s4 =	sld [smem:$0x3FFB];
	_ =	sdelay $0x3  }
0x93: {  	_ =	strace s4  }
0x94: {  	s4 =	sld [smem:$0x3FFC];
	_ =	sdelay $0x3  }
0x95: {  	_ =	strace s4  }
0x96: {  	s4 =	sld [smem:$0x3FFD];
	_ =	sdelay $0x3  }
0x97: {  	_ =	strace s4  }
0x98: {  	_ =	strace $0x8FFFFFFF  }
0x99: {  	s19 =	sld [smem:$0x3FDB];
	_ =	sdelay $0x1  }
0x9a: {  	s5 =	simm.s32 $_scs_section_size  }
0x9b: {  	s6 =	simm.s32 $_size__tile_overlayer_lowered;
	s7 =	simm.s32 $_tile_overlayer_lowered  }
0x9c: {  	s22 =	simm.s32 $0x1BFF;
	s21 =	sshll.u32 s7, $0x1;
	s4 =	sadd.s32 s5, s19  }
0x9d: {  	s8 =	simm.s32 $0x0;
	s20 =	sshll.u32 s6, $0x1;
	s6 =	sadd.s32 s21, s4  }
0x9e: {  	[timem:s8], [sflag:s22] =	dma.local [hbm:s6], s20  }
0x9f: {  	_ =	swait.ge [sflag:s22], s20  }
0xa0: {  	s5 =	ssub.s32 $0x0, s20;
	[sflag:s22] =	ssyncset.done $0x0  }
0xa1: {  	[sflag:s22] =	ssyncadd.s32 s5;
	_ =	sdelay $0x1  }
0xa2: {  	s23 =	simm.s32 $0x1B8B  }
0xa3: {  	_ =	swait.ge [sflag:s23], $0x1  }
0xa4: {  	[sflag:s23] =	ssyncset.done $0x0  }
0xa5: {  	s25 =	simm.s32 $0x1B8E;
	s24 =	sld [smem:$0x3FFE];
	[sflag:s23] =	ssyncadd.s32 $0xFFFFFFFF  }
0xa6: {  	s26 =	simm.s32 $execute0_lowered;
	[smem:$0x3FD2] =	sst s25  }
0xa7: {  	s6 =	sshll.u32 s26, $0x1;
	_ =	strace $0x80000046;
	[dreg:$0x1] =	wrdreg $0xFFFFFFFF  }
0xa8: {  	s28 =	simm.s32 $_size_execute0_lowered;
	s4 =	sadd.s32 s4, s6;
	[dreg:$0x0] =	wrdreg $0x0  }
0xa9: {  	s6 =	sshll.u32 s28, $0x1;
	[dreg:$0x2] =	wrdreg s4  }
0xaa: {  	[dreg:$0x3] =	wrdreg s6  }
0xab: {  	[dreg:$0x4] =	wrdreg $0xC0  }
0xac: {  	_ =	task [dreg:s8], $0x5FFFF  }
0xad: {  	[dreg:$0x1] =	wrdreg $0xFFFFFFFF  }
0xae: {  	[dreg:$0x0] =	wrdreg $0x60  }
0xaf: {  	[dreg:$0x2] =	wrdreg s2  }
0xb0: {  	[dreg:$0x3] =	wrdreg s24  }
0xb1: {  	[dreg:$0x4] =	wrdreg s18  }
0xb2: {  	[dreg:$0x5] =	wrdreg $0x9  }
0xb3: {  	_ =	task.clear_ibuf [dreg:s8], $0x6FFFF;
	_ =	strace $0x90000046  }
0xb4: {  	s29 =	simm.s32 $0x9;
	_ =	strace $0x80000048  }
0xb5: {  	_ =	swait.ge [sflag:s29], $0x1  }
0xb6: {  	[sflag:s29] =	ssyncadd.s32 $0xFFFFFFFF  }
0xb7: {  	_ =	strace $0x90000048  }
0xb8: {  	_ =	sfence  }
0xb9: {  	s30 =	sld [smem:$0x0];
	_ =	sdelay $0x2  }
0xba: {  	s31 =	sshll.u32 s1, $0xD;
	s1 =	sshrl.u32 s1, $0x2  }
0xbb: {  	s3 =	sand.u32 $0x4000, s31;
	s1 =	sadd.s32 s1, s30  }
0xbc: {  	s0 =	sor.u32 s3, s0;
	s1 =	sshll.u32 s1, $0x11  }
0xbd: {  	s0 =	sor.u32 s1, s0  }
0xbe: {  	s0 =	sadd.s32 $0x8F2B, s0  }
0xbf: {  	[sflag:s0] =	ssyncadd.remote.s32 $0x1  }
0xc0: {  	_ =	sfence.sel $0xFFFF  }
0xc1: {  	[dreg:$0x0] =	wrdreg $0xFFFFFFFF;
	(pc) =	sbr.abs _section_cstart, $3  }
0xc2: {  	[dreg:$0x1] =	wrdreg $0xFFFFFFFF  }
0xc3: {  	_ =	task.clear_ibuf [dreg:s8], $0x2FFFF;
	_ =	strace $0x9FFFFFFF  }
0xc4: {  	(tm) =	ssettm $0x7FFFFFFF  }
0xc5: {  	_ =	shalt  }
tec
execute0_lowered:
.L_overlay_start_1:
0x0: {  	(tag) =	ssettag $0x1  }
0x1: {  	s1 =	rddreg [dreg:$0x0]  }
0x2: {  	s6 =	rddreg [dreg:$0x1]  }
0x3: {  	s2 =	srdreg.scid;
	s7 =	rddreg [dreg:$0x2]  }
0x4: {  	s3 =	simm.s32 $0x0;
	s4 =	sand.u32 $0x1, s2;
	s2 =	rddreg [dreg:$0x3]  }
0x5: {  	s10 =	simm.s32 $0x20;
	[smem:$0x7FF] =	sst s3  }
0x6: {  	s11 =	simm.s32 $0x80;
	_ =	strace $0x80000047;
	[dreg:$0x7] =	wrdreg s10  }
0x7: {  	s12 =	simm.s32 $0x480;
	[dreg:$0x8] =	wrdreg s11  }
0x8: {  	s13 =	simm.s32 $0x880;
	[dreg:$0x9] =	wrdreg s12  }
0x9: {  	s14 =	simm.s32 $0xC80;
	[dreg:$0xa] =	wrdreg s13  }
0xa: {  	s15 =	simm.s32 $0x1080;
	[dreg:$0xb] =	wrdreg s14  }
0xb: {  	s16 =	simm.s32 $0x1480;
	[dreg:$0xc] =	wrdreg s15  }
0xc: {  	s17 =	simm.s32 $0x1880;
	[dreg:$0xd] =	wrdreg s16  }
0xd: {  	s18 =	simm.s32 $0x1C80;
	[dreg:$0xe] =	wrdreg s17  }
0xe: {  	s19 =	simm.s32 $0x2080;
	[dreg:$0xf] =	wrdreg s18  }
0xf: {  	s20 =	simm.s32 $0x2480;
	[dreg:$0x10] =	wrdreg s19  }
0x10: {  	s21 =	simm.s32 $0x2880;
	[dreg:$0x11] =	wrdreg s20  }
0x11: {  	s22 =	simm.s32 $0x2C80;
	[dreg:$0x12] =	wrdreg s21  }
0x12: {  	s23 =	simm.s32 $0x3080;
	[dreg:$0x13] =	wrdreg s22  }
0x13: {  	s24 =	simm.s32 $0x3480;
	[dreg:$0x14] =	wrdreg s23  }
0x14: {  	s25 =	simm.s32 $0x3880;
	[dreg:$0x15] =	wrdreg s24  }
0x15: {  	s26 =	simm.s32 $0x3C80;
	[dreg:$0x16] =	wrdreg s25  }
0x16: {  	s28 =	simm.s32 $0x4080;
	[dreg:$0x17] =	wrdreg s26  }
0x17: {  	s29 =	simm.s32 $0x4480;
	[dreg:$0x18] =	wrdreg s28  }
0x18: {  	s30 =	simm.s32 $0x4880;
	[dreg:$0x19] =	wrdreg s29  }
0x19: {  	s31 =	simm.s32 $0x4C80;
	[dreg:$0x1a] =	wrdreg s30  }
0x1a: {  	[dreg:$0x1b] =	wrdreg s31;
	s10 =	simm.s32 $0x5C80  }
0x1b: {  	s11 =	simm.s32 $0x6080;
	[dreg:$0x1f] =	wrdreg s10  }
0x1c: {  	s12 =	simm.s32 $0x6480;
	[smem:$0x7D5] =	sst s11  }
0x1d: {  	s13 =	simm.s32 $0x6880;
	[smem:$0x7D6] =	sst s12  }
0x1e: {  	s14 =	simm.s32 $0x6C80;
	[smem:$0x7D7] =	sst s13  }
0x1f: {  	s15 =	simm.s32 $0x7080;
	[smem:$0x7D8] =	sst s14  }
0x20: {  	s16 =	simm.s32 $0x7480;
	[smem:$0x7D9] =	sst s15  }
0x21: {  	s17 =	simm.s32 $0x7880;
	[smem:$0x7DA] =	sst s16  }
0x22: {  	s18 =	simm.s32 $0x7C80;
	[smem:$0x7DB] =	sst s17  }
0x23: {  	s19 =	simm.s32 $0x8080;
	[smem:$0x7DC] =	sst s18  }
0x24: {  	s20 =	simm.s32 $0x8480;
	[smem:$0x7DD] =	sst s19  }
0x25: {  	s21 =	simm.s32 $0x8880;
	[smem:$0x7DE] =	sst s20  }
0x26: {  	s22 =	simm.s32 $0x8C80;
	[smem:$0x7DF] =	sst s21  }
0x27: {  	s23 =	simm.s32 $0x9080;
	[smem:$0x7E0] =	sst s22  }
0x28: {  	s24 =	simm.s32 $0x9480;
	[smem:$0x7E1] =	sst s23  }
0x29: {  	s25 =	simm.s32 $0x9880;
	[smem:$0x7E2] =	sst s24  }
0x2a: {  	s26 =	simm.s32 $0x9C80;
	[smem:$0x7E3] =	sst s25  }
0x2b: {  	s28 =	simm.s32 $0xA080;
	[smem:$0x7E4] =	sst s26  }
0x2c: {  	s29 =	simm.s32 $0xA480;
	[smem:$0x7E5] =	sst s28  }
0x2d: {  	s30 =	simm.s32 $0xA880;
	[smem:$0x7E6] =	sst s29  }
0x2e: {  	s31 =	simm.s32 $0xAC80;
	[smem:$0x7E7] =	sst s30  }
0x2f: {  	[smem:$0x7E8] =	sst s31;
	s10 =	simm.s32 $0xBC80  }
0x30: {  	s11 =	simm.s32 $0xC080;
	[smem:$0x7EC] =	sst s10  }
0x31: {  	s12 =	simm.s32 $0xC480;
	[smem:$0x7ED] =	sst s11  }
0x32: {  	s13 =	simm.s32 $0xC880;
	[smem:$0x7EE] =	sst s12  }
0x33: {  	s14 =	simm.s32 $0xCC80;
	[smem:$0x7EF] =	sst s13  }
0x34: {  	s15 =	simm.s32 $0xD080;
	[smem:$0x7F0] =	sst s14  }
0x35: {  	s16 =	simm.s32 $0xD480;
	[smem:$0x7F1] =	sst s15  }
0x36: {  	s17 =	simm.s32 $0xD880;
	[smem:$0x7F2] =	sst s16  }
0x37: {  	s18 =	simm.s32 $0xDC80;
	[smem:$0x7F3] =	sst s17  }
0x38: {  	s20 =	simm.s32 $0xE080;
	[smem:$0x7F4] =	sst s18  }
0x39: {  	s21 =	simm.s32 $0xE480;
	[smem:$0x7F5] =	sst s20  }
0x3a: {  	s23 =	simm.s32 $0xE880;
	[smem:$0x7F6] =	sst s21  }
0x3b: {  	s24 =	simm.s32 $0xEC80;
	[smem:$0x7F7] =	sst s23  }
0x3c: {  	s0 =	stileid.u32;
	s25 =	simm.s32 $0xF080;
	[smem:$0x7F8] =	sst s24  }
0x3d: {  	s8 =	sshll.u32 s0, $0x1;
	s26 =	simm.s32 $0xF480;
	[smem:$0x7F9] =	sst s25  }
0x3e: {  	s5 =	sor.u32 s4, s8;
	s29 =	simm.s32 $0xF880;
	[smem:$0x7FA] =	sst s26  }
0x3f: {  	s8 =	sshll.u32 s5, $0x2;
	s31 =	simm.s32 $0xFC80;
	[smem:$0x7FB] =	sst s29  }
0x40: {  	s6 =	sadd.s32 s8, s6;
	[smem:$0x7FC] =	sst s31;
	s10 =	simm.s32 $0x10080  }
0x41: {  	s9 =	sadd.s32 $0x1400, s6;
	[smem:$0x7FD] =	sst s10  }
0x42: {  	s6 =	sadd.s32 $0x1600, s6;
	[dreg:$0x4] =	wrdreg s9  }
0x43: {  	s4 =	ssub.s32 $0x2, s4;
	[dreg:$0x5] =	wrdreg s6;
	s9 =	sadd.s32 s7, s8  }
0x44: {  	s19 =	sshrl.u32 s4, $0x1;
	s7 =	simm.s32 $0x5080;
	[dreg:$0x6] =	wrdreg s9  }
0x45: {  	s22 =	sshll.u32 s0, $0x9;
	s8 =	simm.s32 $0x5480;
	[dreg:$0x1c] =	wrdreg s7  }
0x46: {  	vm0 =	vmmov $0x1;
	vm1 =	vcmask $0x308;
	vm2 =	vcmask $0x70C;
	s5 =	sshll.u32 s5, $0x5;
	[dreg:$0x1d] =	wrdreg s8;
	s9 =	simm.s32 $0x5880  }
0x47: {  	vm3 =	vcmask $0xB10;
	vm4 =	vcmask $0xF14;
	vm5 =	vcmask $0x1318;
	s5 =	sand.u32 $0x60, s5;
	s7 =	simm.s32 $0xB080;
	[dreg:$0x1e] =	wrdreg s9  }
0x48: {  	vm6 =	vcmask $0x171C;
	vm7 =	vcmask $0x1B20;
	vm8 =	vcmask $0x1F24;
	s28 =	sor.u32 $0x80, s5;
	s8 =	simm.s32 $0xB480;
	[smem:$0x7E9] =	sst s7  }
0x49: {  	vm9 =	vcmask $0x2328;
	vm10 =	vcmask $0x272C;
	vm11 =	vcmask $0x2B30;
	s30 =	sor.u32 $0x90, s5;
	s6 =	simm.s32 $0x2;
	[smem:$0x7EA] =	sst s8  }
0x4a: {  	vm12 =	vcmask $0x2F34;
	vm13 =	vcmask $0x3338;
	vm14 =	vcmask $0x373C;
	s9 =	simm.s32 $0xB880;
	s7 =	ssub.s32 s4, s19;
	s4 =	sand.u32 $0x1C00, s22  }
0x4b: {  	vm15 =	vmmov $0x7fff;
	v0 =	vmov s28;
	v1 =	vmov s30;
	[smem:$0x7EB] =	sst s9;
	s5 =	smax.u32 s7, $0x1;
	s7 =	simm.s32 $0x1  }
.LBB2_1:
0x4c: {  	s8 =	rddreg [dreg:$0x4]  }
0x4d: {  	[tilespmem:s3], [sflag:$0x2] =	stream.linear.gather [hbm4b:s8+s3], $0x20, $0x38;
	[tilespmem:$0x10100] =	vst v63  }
0x4e: {  	_ =	swait.ge [sflag:s6], $0x20  }
0x4f: {  	s10 =	rddreg [dreg:$0x5];
	[sflag:s6] =	ssyncset.done $0x0  }
0x50: {  	s9 =	rddreg [dreg:$0x7];
	[sflag:s6] =	ssyncadd.s32 $0xFFFFFFE0  }
0x51: {  	[tilespmem:s9], [sflag:$0x2] =	stream.linear.gather [hbm4b:s10+s3], $0x20, $0x38;
	[tilespmem:$0x10100] =	vst v63  }
0x52: {  	_ =	swait.ge [sflag:s6], $0x20  }
0x53: {  	[sflag:s6] =	ssyncset.done $0x0  }
0x54: {  	[sflag:s6] =	ssyncadd.s32 $0xFFFFFFE0  }
0x55: {  	v2 =	vld [tilespmem:$0x0];
	_ =	sdelay $0x4  }
0x56: {  	v4 =	vshll.u32 v2, $0xA  }
0x57: {  	(v2sf) =	vpush v4, $0x0;
	_ =	sdelay $0x3  }
0x58: {  	(v2sf) =	vpush v4, $0x1;
	_ =	sdelay $0x4  }
0x59: {  	(v2sf) =	vpush v4, $0x2;
	_ =	sdelay $0x4  }
0x5a: {  	(v2sf) =	vpush v4, $0x3  }
0x5b: {  	s11 =	spop (v2sf)  }
0x5c: {  	s8 =	sand.u32 $0x7FFFE000, s11  }
0x5d: {  	s8 =	sor.u32 s4, s8  }
0x5e: {  	v5 =	vld [tilespmem:$0x10];
	s8 =	sshrl.u32 s8, $0x3  }
0x5f: {  	s12 =	rddreg [dreg:$0x8];
	v3 =	vld [tilespmem:$0x20];
	(v2sf) =	vpush v4, $0x4;
	s13 =	spop (v2sf);
	s8 =	sadd.s32 s1, s8  }
0x60: {  	v2 =	vld [tilespmem:$0x30];
	[tilespmem:s12], [sflag:$0x1] =	stream.linear.gather [hbm4b:s8+s3], $0x400, $0x38  }
0x61: {  	s8 =	sand.u32 $0x7FFFE000, s13  }
0x62: {  	s8 =	sor.u32 s4, s8  }
0x63: {  	s8 =	sshrl.u32 s8, $0x3  }
0x64: {  	s14 =	rddreg [dreg:$0x9];
	(v2sf) =	vpush v4, $0x5;
	s15 =	spop (v2sf);
	s8 =	sadd.s32 s1, s8  }
0x65: {  	[tilespmem:s14], [sflag:$0x1] =	stream.linear.gather [hbm4b:s8+s3], $0x400, $0x38;
	[tilespmem:$0x10100] =	vst v63  }
0x66: {  	s8 =	sand.u32 $0x7FFFE000, s15  }
0x67: {  	s8 =	sor.u32 s4, s8  }
0x68: {  	s8 =	sshrl.u32 s8, $0x3  }
0x69: {  	s16 =	rddreg [dreg:$0xa];
	(v2sf) =	vpush v4, $0x6;
	s17 =	spop (v2sf);
	s8 =	sadd.s32 s1, s8  }
0x6a: {  	[tilespmem:s16], [sflag:$0x1] =	stream.linear.gather [hbm4b:s8+s3], $0x400, $0x38;
	[tilespmem:$0x10100] =	vst v63  }
0x6b: {  	s8 =	sand.u32 $0x7FFFE000, s17  }
0x6c: {  	s8 =	sor.u32 s4, s8  }
0x6d: {  	s8 =	sshrl.u32 s8, $0x3  }
0x6e: {  	s18 =	rddreg [dreg:$0xb];
	(v2sf) =	vpush v4, $0x7;
	s19 =	spop (v2sf);
	s8 =	sadd.s32 s1, s8  }
0x6f: {  	[tilespmem:s18], [sflag:$0x1] =	stream.linear.gather [hbm4b:s8+s3], $0x400, $0x38;
	[tilespmem:$0x10100] =	vst v63  }
0x70: {  	s8 =	sand.u32 $0x7FFFE000, s19  }
0x71: {  	s8 =	sor.u32 s4, s8  }
0x72: {  	s8 =	sshrl.u32 s8, $0x3  }
0x73: {  	s20 =	rddreg [dreg:$0xc];
	(v2sf) =	vpush v4, $0x8;
	s21 =	spop (v2sf);
	s8 =	sadd.s32 s1, s8  }
0x74: {  	[tilespmem:s20], [sflag:$0x1] =	stream.linear.gather [hbm4b:s8+s3], $0x400, $0x38;
	[tilespmem:$0x10100] =	vst v63  }
0x75: {  	s8 =	sand.u32 $0x7FFFE000, s21  }
0x76: {  	s8 =	sor.u32 s4, s8  }
0x77: {  	s8 =	sshrl.u32 s8, $0x3  }
0x78: {  	s22 =	rddreg [dreg:$0xd];
	(v2sf) =	vpush v4, $0x9;
	s23 =	spop (v2sf);
	s8 =	sadd.s32 s1, s8  }
0x79: {  	[tilespmem:s22], [sflag:$0x1] =	stream.linear.gather [hbm4b:s8+s3], $0x400, $0x38;
	[tilespmem:$0x10100] =	vst v63  }
0x7a: {  	s8 =	sand.u32 $0x7FFFE000, s23  }
0x7b: {  	s8 =	sor.u32 s4, s8  }
0x7c: {  	s8 =	sshrl.u32 s8, $0x3  }
0x7d: {  	s24 =	rddreg [dreg:$0xe];
	(v2sf) =	vpush v4, $0xA;
	s25 =	spop (v2sf);
	s8 =	sadd.s32 s1, s8  }
0x7e: {  	[tilespmem:s24], [sflag:$0x1] =	stream.linear.gather [hbm4b:s8+s3], $0x400, $0x38;
	[tilespmem:$0x10100] =	vst v63  }
0x7f: {  	s8 =	sand.u32 $0x7FFFE000, s25  }
0x80: {  	s8 =	sor.u32 s4, s8  }
0x81: {  	s8 =	sshrl.u32 s8, $0x3  }
0x82: {  	s26 =	rddreg [dreg:$0xf];
	(v2sf) =	vpush v4, $0xB;
	s28 =	spop (v2sf);
	s8 =	sadd.s32 s1, s8  }
0x83: {  	[tilespmem:s26], [sflag:$0x1] =	stream.linear.gather [hbm4b:s8+s3], $0x400, $0x38;
	[tilespmem:$0x10100] =	vst v63  }
0x84: {  	s8 =	sand.u32 $0x7FFFE000, s28  }
0x85: {  	s8 =	sor.u32 s4, s8  }
0x86: {  	s8 =	sshrl.u32 s8, $0x3  }
0x87: {  	s29 =	rddreg [dreg:$0x10];
	(v2sf) =	vpush v4, $0xC;
	s30 =	spop (v2sf);
	s8 =	sadd.s32 s1, s8  }
0x88: {  	[tilespmem:s29], [sflag:$0x1] =	stream.linear.gather [hbm4b:s8+s3], $0x400, $0x38;
	[tilespmem:$0x10100] =	vst v63  }
0x89: {  	s8 =	sand.u32 $0x7FFFE000, s30  }
0x8a: {  	s8 =	sor.u32 s4, s8  }
0x8b: {  	s8 =	sshrl.u32 s8, $0x3  }
0x8c: {  	s31 =	rddreg [dreg:$0x11];
	(v2sf) =	vpush v4, $0xD;
	s9 =	spop (v2sf);
	s8 =	sadd.s32 s1, s8  }
0x8d: {  	[tilespmem:s31], [sflag:$0x1] =	stream.linear.gather [hbm4b:s8+s3], $0x400, $0x38;
	[tilespmem:$0x10100] =	vst v63  }
0x8e: {  	s8 =	sand.u32 $0x7FFFE000, s9  }
0x8f: {  	s8 =	sor.u32 s4, s8  }
0x90: {  	s8 =	sshrl.u32 s8, $0x3  }
0x91: {  	s10 =	rddreg [dreg:$0x12];
	(v2sf) =	vpush v4, $0xE;
	s11 =	spop (v2sf);
	s8 =	sadd.s32 s1, s8  }
0x92: {  	[tilespmem:s10], [sflag:$0x1] =	stream.linear.gather [hbm4b:s8+s3], $0x400, $0x38;
	[tilespmem:$0x10100] =	vst v63  }
0x93: {  	s8 =	sand.u32 $0x7FFFE000, s11  }
0x94: {  	s8 =	sor.u32 s4, s8  }
0x95: {  	s8 =	sshrl.u32 s8, $0x3  }
0x96: {  	(v2sf) =	vpush v4, $0xF;
	s12 =	rddreg [dreg:$0x13];
	s13 =	spop (v2sf);
	s8 =	sadd.s32 s1, s8  }
0x97: {  	[tilespmem:s12], [sflag:$0x1] =	stream.linear.gather [hbm4b:s8+s3], $0x400, $0x38;
	[tilespmem:$0x10100] =	vst v63  }
0x98: {  	s8 =	sand.u32 $0x7FFFE000, s13  }
0x99: {  	s8 =	sor.u32 s4, s8  }
0x9a: {  	v25 =	vshll.u32 v5, $0xA;
	s8 =	sshrl.u32 s8, $0x3  }
0x9b: {  	(v2sf) =	vpush v25, $0x0;
	s14 =	rddreg [dreg:$0x14];
	s15 =	spop (v2sf);
	s8 =	sadd.s32 s1, s8  }
0x9c: {  	[tilespmem:s14], [sflag:$0x1] =	stream.linear.gather [hbm4b:s8+s3], $0x400, $0x38;
	[tilespmem:$0x10100] =	vst v63  }
0x9d: {  	s8 =	sand.u32 $0x7FFFE000, s15  }
0x9e: {  	s8 =	sor.u32 s4, s8  }
0x9f: {  	s8 =	sshrl.u32 s8, $0x3  }
0xa0: {  	(v2sf) =	vpush v25, $0x1;
	s16 =	rddreg [dreg:$0x15];
	s17 =	spop (v2sf);
	s8 =	sadd.s32 s1, s8  }
0xa1: {  	[tilespmem:s16], [sflag:$0x1] =	stream.linear.gather [hbm4b:s8+s3], $0x400, $0x38;
	[tilespmem:$0x10100] =	vst v63  }
0xa2: {  	s8 =	sand.u32 $0x7FFFE000, s17  }
0xa3: {  	s8 =	sor.u32 s4, s8  }
0xa4: {  	s8 =	sshrl.u32 s8, $0x3  }
0xa5: {  	(v2sf) =	vpush v25, $0x2;
	s18 =	rddreg [dreg:$0x16];
	s19 =	spop (v2sf);
	s8 =	sadd.s32 s1, s8  }
0xa6: {  	[tilespmem:s18], [sflag:$0x1] =	stream.linear.gather [hbm4b:s8+s3], $0x400, $0x38;
	[tilespmem:$0x10100] =	vst v63  }
0xa7: {  	s8 =	sand.u32 $0x7FFFE000, s19  }
0xa8: {  	s8 =	sor.u32 s4, s8  }
0xa9: {  	s8 =	sshrl.u32 s8, $0x3  }
0xaa: {  	(v2sf) =	vpush v25, $0x3;
	s20 =	rddreg [dreg:$0x17];
	s21 =	spop (v2sf);
	s8 =	sadd.s32 s1, s8  }
0xab: {  	[tilespmem:s20], [sflag:$0x1] =	stream.linear.gather [hbm4b:s8+s3], $0x400, $0x38;
	[tilespmem:$0x10100] =	vst v63  }
0xac: {  	s8 =	sand.u32 $0x7FFFE000, s21  }
0xad: {  	s8 =	sor.u32 s4, s8  }
0xae: {  	s8 =	sshrl.u32 s8, $0x3  }
0xaf: {  	(v2sf) =	vpush v25, $0x4;
	s22 =	rddreg [dreg:$0x18];
	s23 =	spop (v2sf);
	s8 =	sadd.s32 s1, s8  }
0xb0: {  	[tilespmem:s22], [sflag:$0x1] =	stream.linear.gather [hbm4b:s8+s3], $0x400, $0x38;
	[tilespmem:$0x10100] =	vst v63  }
0xb1: {  	s8 =	sand.u32 $0x7FFFE000, s23  }
0xb2: {  	s8 =	sor.u32 s4, s8  }
0xb3: {  	s8 =	sshrl.u32 s8, $0x3  }
0xb4: {  	(v2sf) =	vpush v25, $0x5;
	s24 =	rddreg [dreg:$0x19];
	s25 =	spop (v2sf);
	s8 =	sadd.s32 s1, s8  }
0xb5: {  	[tilespmem:s24], [sflag:$0x1] =	stream.linear.gather [hbm4b:s8+s3], $0x400, $0x38;
	[tilespmem:$0x10100] =	vst v63  }
0xb6: {  	s8 =	sand.u32 $0x7FFFE000, s25  }
0xb7: {  	s8 =	sor.u32 s4, s8  }
0xb8: {  	s8 =	sshrl.u32 s8, $0x3  }
0xb9: {  	s26 =	rddreg [dreg:$0x1a];
	s28 =	spop (v2sf);
	s8 =	sadd.s32 s1, s8  }
0xba: {  	[tilespmem:s26], [sflag:$0x1] =	stream.linear.gather [hbm4b:s8+s3], $0x400, $0x38;
	[tilespmem:$0x10100] =	vst v63  }
0xbb: {  	s8 =	sand.u32 $0x7FFFE000, s28  }
0xbc: {  	s8 =	sor.u32 s4, s8  }
0xbd: {  	s8 =	sshrl.u32 s8, $0x3  }
0xbe: {  	s29 =	rddreg [dreg:$0x1b];
	s30 =	spop (v2sf);
	s8 =	sadd.s32 s1, s8  }
0xbf: {  	[tilespmem:s29], [sflag:$0x1] =	stream.linear.gather [hbm4b:s8+s3], $0x400, $0x38;
	[tilespmem:$0x10100] =	vst v63  }
0xc0: {  	s8 =	sand.u32 $0x7FFFE000, s30  }
0xc1: {  	s8 =	sor.u32 s4, s8  }
0xc2: {  	s8 =	sshrl.u32 s8, $0x3  }
0xc3: {  	s31 =	rddreg [dreg:$0x1c];
	s9 =	spop (v2sf);
	s8 =	sadd.s32 s1, s8  }
0xc4: {  	[tilespmem:s31], [sflag:$0x1] =	stream.linear.gather [hbm4b:s8+s3], $0x400, $0x38;
	[tilespmem:$0x10100] =	vst v63  }
0xc5: {  	s8 =	sand.u32 $0x7FFFE000, s9  }
0xc6: {  	s8 =	sor.u32 s4, s8  }
0xc7: {  	s8 =	sshrl.u32 s8, $0x3  }
0xc8: {  	s10 =	rddreg [dreg:$0x1d];
	s8 =	sadd.s32 s1, s8  }
0xc9: {  	[tilespmem:s10], [sflag:$0x1] =	stream.linear.gather [hbm4b:s8+s3], $0x400, $0x38;
	[tilespmem:$0x10100] =	vst v63  }
0xca: {  	(v2sf) =	vpush v25, $0x6;
	_ =	sdelay $0x3  }
0xcb: {  	(v2sf) =	vpush v25, $0x7;
	_ =	sdelay $0x4  }
0xcc: {  	(v2sf) =	vpush v25, $0x8;
	_ =	sdelay $0x4  }
0xcd: {  	(v2sf) =	vpush v25, $0x9  }
0xce: {  	s8 =	spop (v2sf)  }
0xcf: {  	s8 =	sand.u32 $0x7FFFE000, s8  }
0xd0: {  	s8 =	sor.u32 s4, s8  }
0xd1: {  	s8 =	sshrl.u32 s8, $0x3  }
0xd2: {  	s9 =	rddreg [dreg:$0x1e];
	(v2sf) =	vpush v25, $0xA;
	s11 =	spop (v2sf);
	s8 =	sadd.s32 s1, s8  }
0xd3: {  	[tilespmem:s9], [sflag:$0x1] =	stream.linear.gather [hbm4b:s8+s3], $0x400, $0x38;
	[tilespmem:$0x10100] =	vst v63  }
0xd4: {  	s8 =	sand.u32 $0x7FFFE000, s11  }
0xd5: {  	s8 =	sor.u32 s4, s8  }
0xd6: {  	s8 =	sshrl.u32 s8, $0x3  }
0xd7: {  	s12 =	rddreg [dreg:$0x1f];
	(v2sf) =	vpush v25, $0xB;
	s13 =	spop (v2sf);
	s8 =	sadd.s32 s1, s8  }
0xd8: {  	[tilespmem:s12], [sflag:$0x1] =	stream.linear.gather [hbm4b:s8+s3], $0x400, $0x38;
	[tilespmem:$0x10100] =	vst v63  }
0xd9: {  	s8 =	sand.u32 $0x7FFFE000, s13  }
0xda: {  	s14 =	sld [smem:$0x7D5];
	s8 =	sor.u32 s4, s8  }
0xdb: {  	s8 =	sshrl.u32 s8, $0x3  }
0xdc: {  	(v2sf) =	vpush v25, $0xC;
	s15 =	spop (v2sf);
	s8 =	sadd.s32 s1, s8  }
0xdd: {  	[tilespmem:s14], [sflag:$0x1] =	stream.linear.gather [hbm4b:s8+s3], $0x400, $0x38;
	[tilespmem:$0x10100] =	vst v63  }
0xde: {  	s8 =	sand.u32 $0x7FFFE000, s15  }
0xdf: {  	s16 =	sld [smem:$0x7D6];
	s8 =	sor.u32 s4, s8  }
0xe0: {  	s8 =	sshrl.u32 s8, $0x3  }
0xe1: {  	(v2sf) =	vpush v25, $0xD;
	s17 =	spop (v2sf);
	s8 =	sadd.s32 s1, s8  }
0xe2: {  	[tilespmem:s16], [sflag:$0x1] =	stream.linear.gather [hbm4b:s8+s3], $0x400, $0x38;
	[tilespmem:$0x10100] =	vst v63  }
0xe3: {  	s8 =	sand.u32 $0x7FFFE000, s17  }
0xe4: {  	s18 =	sld [smem:$0x7D7];
	s8 =	sor.u32 s4, s8  }
0xe5: {  	s8 =	sshrl.u32 s8, $0x3  }
0xe6: {  	(v2sf) =	vpush v25, $0xE;
	s19 =	spop (v2sf);
	s8 =	sadd.s32 s1, s8  }
0xe7: {  	[tilespmem:s18], [sflag:$0x1] =	stream.linear.gather [hbm4b:s8+s3], $0x400, $0x38;
	[tilespmem:$0x10100] =	vst v63  }
0xe8: {  	s8 =	sand.u32 $0x7FFFE000, s19  }
0xe9: {  	s20 =	sld [smem:$0x7D8];
	s8 =	sor.u32 s4, s8  }
0xea: {  	s8 =	sshrl.u32 s8, $0x3  }
0xeb: {  	(v2sf) =	vpush v25, $0xF;
	s21 =	spop (v2sf);
	s8 =	sadd.s32 s1, s8  }
0xec: {  	[tilespmem:s20], [sflag:$0x1] =	stream.linear.gather [hbm4b:s8+s3], $0x400, $0x38;
	[tilespmem:$0x10100] =	vst v63  }
0xed: {  	s8 =	sand.u32 $0x7FFFE000, s21  }
0xee: {  	s22 =	sld [smem:$0x7D9];
	s8 =	sor.u32 s4, s8  }
0xef: {  	v3 =	vshll.u32 v3, $0xA;
	s8 =	sshrl.u32 s8, $0x3  }
0xf0: {  	(v2sf) =	vpush v3, $0x0;
	s23 =	spop (v2sf);
	s8 =	sadd.s32 s1, s8  }
0xf1: {  	[tilespmem:s22], [sflag:$0x1] =	stream.linear.gather [hbm4b:s8+s3], $0x400, $0x38;
	[tilespmem:$0x10100] =	vst v63  }
0xf2: {  	s8 =	sand.u32 $0x7FFFE000, s23  }
0xf3: {  	s24 =	sld [smem:$0x7DA];
	s8 =	sor.u32 s4, s8  }
0xf4: {  	s8 =	sshrl.u32 s8, $0x3  }
0xf5: {  	(v2sf) =	vpush v3, $0x1;
	s25 =	spop (v2sf);
	s8 =	sadd.s32 s1, s8  }
0xf6: {  	[tilespmem:s24], [sflag:$0x1] =	stream.linear.gather [hbm4b:s8+s3], $0x400, $0x38;
	[tilespmem:$0x10100] =	vst v63  }
0xf7: {  	s8 =	sand.u32 $0x7FFFE000, s25  }
0xf8: {  	s26 =	sld [smem:$0x7DB];
	s8 =	sor.u32 s4, s8  }
0xf9: {  	s8 =	sshrl.u32 s8, $0x3  }
0xfa: {  	(v2sf) =	vpush v3, $0x2;
	s28 =	spop (v2sf);
	s8 =	sadd.s32 s1, s8  }
0xfb: {  	[tilespmem:s26], [sflag:$0x1] =	stream.linear.gather [hbm4b:s8+s3], $0x400, $0x38;
	[tilespmem:$0x10100] =	vst v63  }
0xfc: {  	s8 =	sand.u32 $0x7FFFE000, s28  }
0xfd: {  	s29 =	sld [smem:$0x7DC];
	s8 =	sor.u32 s4, s8  }
0xfe: {  	s8 =	sshrl.u32 s8, $0x3  }
0xff: {  	(v2sf) =	vpush v3, $0x3;
	s30 =	spop (v2sf);
	s8 =	sadd.s32 s1, s8  }
0x100: {  	[tilespmem:s29], [sflag:$0x1] =	stream.linear.gather [hbm4b:s8+s3], $0x400, $0x38;
	[tilespmem:$0x10100] =	vst v63  }
0x101: {  	s8 =	sand.u32 $0x7FFFE000, s30  }
0x102: {  	s31 =	sld [smem:$0x7DD];
	s8 =	sor.u32 s4, s8  }
0x103: {  	s8 =	sshrl.u32 s8, $0x3  }
0x104: {  	(v2sf) =	vpush v3, $0x4;
	s9 =	spop (v2sf);
	s8 =	sadd.s32 s1, s8  }
0x105: {  	[tilespmem:s31], [sflag:$0x1] =	stream.linear.gather [hbm4b:s8+s3], $0x400, $0x38;
	[tilespmem:$0x10100] =	vst v63  }
0x106: {  	s8 =	sand.u32 $0x7FFFE000, s9  }
0x107: {  	s10 =	sld [smem:$0x7DE];
	s8 =	sor.u32 s4, s8  }
0x108: {  	s8 =	sshrl.u32 s8, $0x3  }
0x109: {  	(v2sf) =	vpush v3, $0x5;
	s11 =	spop (v2sf);
	s8 =	sadd.s32 s1, s8  }
0x10a: {  	[tilespmem:s10], [sflag:$0x1] =	stream.linear.gather [hbm4b:s8+s3], $0x400, $0x38;
	[tilespmem:$0x10100] =	vst v63  }
0x10b: {  	s8 =	sand.u32 $0x7FFFE000, s11  }
0x10c: {  	s12 =	sld [smem:$0x7DF];
	s8 =	sor.u32 s4, s8  }
0x10d: {  	s8 =	sshrl.u32 s8, $0x3  }
0x10e: {  	(v2sf) =	vpush v3, $0x6;
	s13 =	spop (v2sf);
	s8 =	sadd.s32 s1, s8  }
0x10f: {  	[tilespmem:s12], [sflag:$0x1] =	stream.linear.gather [hbm4b:s8+s3], $0x400, $0x38;
	[tilespmem:$0x10100] =	vst v63  }
0x110: {  	s8 =	sand.u32 $0x7FFFE000, s13  }
0x111: {  	s14 =	sld [smem:$0x7E0];
	s8 =	sor.u32 s4, s8  }
0x112: {  	s8 =	sshrl.u32 s8, $0x3  }
0x113: {  	(v2sf) =	vpush v3, $0x7;
	s15 =	spop (v2sf);
	s8 =	sadd.s32 s1, s8  }
0x114: {  	[tilespmem:s14], [sflag:$0x1] =	stream.linear.gather [hbm4b:s8+s3], $0x400, $0x38;
	[tilespmem:$0x10100] =	vst v63  }
0x115: {  	s8 =	sand.u32 $0x7FFFE000, s15  }
0x116: {  	s16 =	sld [smem:$0x7E1];
	s8 =	sor.u32 s4, s8  }
0x117: {  	s8 =	sshrl.u32 s8, $0x3  }
0x118: {  	(v2sf) =	vpush v3, $0x8;
	s17 =	spop (v2sf);
	s8 =	sadd.s32 s1, s8  }
0x119: {  	[tilespmem:s16], [sflag:$0x1] =	stream.linear.gather [hbm4b:s8+s3], $0x400, $0x38;
	[tilespmem:$0x10100] =	vst v63  }
0x11a: {  	s8 =	sand.u32 $0x7FFFE000, s17  }
0x11b: {  	s18 =	sld [smem:$0x7E2];
	s8 =	sor.u32 s4, s8  }
0x11c: {  	s8 =	sshrl.u32 s8, $0x3  }
0x11d: {  	(v2sf) =	vpush v3, $0x9;
	s19 =	spop (v2sf);
	s8 =	sadd.s32 s1, s8  }
0x11e: {  	[tilespmem:s18], [sflag:$0x1] =	stream.linear.gather [hbm4b:s8+s3], $0x400, $0x38;
	[tilespmem:$0x10100] =	vst v63  }
0x11f: {  	s8 =	sand.u32 $0x7FFFE000, s19  }
0x120: {  	s20 =	sld [smem:$0x7E3];
	s8 =	sor.u32 s4, s8  }
0x121: {  	s8 =	sshrl.u32 s8, $0x3  }
0x122: {  	(v2sf) =	vpush v3, $0xA;
	s21 =	spop (v2sf);
	s8 =	sadd.s32 s1, s8  }
0x123: {  	[tilespmem:s20], [sflag:$0x1] =	stream.linear.gather [hbm4b:s8+s3], $0x400, $0x38;
	[tilespmem:$0x10100] =	vst v63  }
0x124: {  	s8 =	sand.u32 $0x7FFFE000, s21  }
0x125: {  	s22 =	sld [smem:$0x7E4];
	s8 =	sor.u32 s4, s8  }
0x126: {  	s8 =	sshrl.u32 s8, $0x3  }
0x127: {  	(v2sf) =	vpush v3, $0xB;
	s23 =	spop (v2sf);
	s8 =	sadd.s32 s1, s8  }
0x128: {  	[tilespmem:s22], [sflag:$0x1] =	stream.linear.gather [hbm4b:s8+s3], $0x400, $0x38;
	[tilespmem:$0x10100] =	vst v63  }
0x129: {  	s8 =	sand.u32 $0x7FFFE000, s23  }
0x12a: {  	s24 =	sld [smem:$0x7E5];
	s8 =	sor.u32 s4, s8  }
0x12b: {  	s8 =	sshrl.u32 s8, $0x3  }
0x12c: {  	(v2sf) =	vpush v3, $0xC;
	s25 =	spop (v2sf);
	s8 =	sadd.s32 s1, s8  }
0x12d: {  	[tilespmem:s24], [sflag:$0x1] =	stream.linear.gather [hbm4b:s8+s3], $0x400, $0x38;
	[tilespmem:$0x10100] =	vst v63  }
0x12e: {  	s8 =	sand.u32 $0x7FFFE000, s25  }
0x12f: {  	s26 =	sld [smem:$0x7E6];
	s8 =	sor.u32 s4, s8  }
0x130: {  	s8 =	sshrl.u32 s8, $0x3  }
0x131: {  	(v2sf) =	vpush v3, $0xD;
	s28 =	spop (v2sf);
	s8 =	sadd.s32 s1, s8  }
0x132: {  	[tilespmem:s26], [sflag:$0x1] =	stream.linear.gather [hbm4b:s8+s3], $0x400, $0x38;
	[tilespmem:$0x10100] =	vst v63  }
0x133: {  	s8 =	sand.u32 $0x7FFFE000, s28  }
0x134: {  	s29 =	sld [smem:$0x7E7];
	s8 =	sor.u32 s4, s8  }
0x135: {  	s8 =	sshrl.u32 s8, $0x3  }
0x136: {  	(v2sf) =	vpush v3, $0xE;
	s30 =	spop (v2sf);
	s8 =	sadd.s32 s1, s8  }
0x137: {  	[tilespmem:s29], [sflag:$0x1] =	stream.linear.gather [hbm4b:s8+s3], $0x400, $0x38;
	[tilespmem:$0x10100] =	vst v63  }
0x138: {  	s8 =	sand.u32 $0x7FFFE000, s30  }
0x139: {  	s31 =	sld [smem:$0x7E8];
	s8 =	sor.u32 s4, s8  }
0x13a: {  	s8 =	sshrl.u32 s8, $0x3  }
0x13b: {  	(v2sf) =	vpush v3, $0xF;
	s9 =	spop (v2sf);
	s8 =	sadd.s32 s1, s8  }
0x13c: {  	[tilespmem:s31], [sflag:$0x1] =	stream.linear.gather [hbm4b:s8+s3], $0x400, $0x38;
	[tilespmem:$0x10100] =	vst v63  }
0x13d: {  	s8 =	sand.u32 $0x7FFFE000, s9  }
0x13e: {  	s10 =	sld [smem:$0x7E9];
	s8 =	sor.u32 s4, s8  }
0x13f: {  	v2 =	vshll.u32 v2, $0xA;
	s8 =	sshrl.u32 s8, $0x3  }
0x140: {  	(v2sf) =	vpush v2, $0x0;
	s11 =	spop (v2sf);
	s8 =	sadd.s32 s1, s8  }
0x141: {  	[tilespmem:s10], [sflag:$0x1] =	stream.linear.gather [hbm4b:s8+s3], $0x400, $0x38;
	[tilespmem:$0x10100] =	vst v63  }
0x142: {  	s8 =	sand.u32 $0x7FFFE000, s11  }
0x143: {  	s12 =	sld [smem:$0x7EA];
	s8 =	sor.u32 s4, s8  }
0x144: {  	s8 =	sshrl.u32 s8, $0x3  }
0x145: {  	(v2sf) =	vpush v2, $0x1;
	s13 =	spop (v2sf);
	s8 =	sadd.s32 s1, s8  }
0x146: {  	[tilespmem:s12], [sflag:$0x1] =	stream.linear.gather [hbm4b:s8+s3], $0x400, $0x38;
	[tilespmem:$0x10100] =	vst v63  }
0x147: {  	s8 =	sand.u32 $0x7FFFE000, s13  }
0x148: {  	s14 =	sld [smem:$0x7EB];
	s8 =	sor.u32 s4, s8  }
0x149: {  	s8 =	sshrl.u32 s8, $0x3  }
0x14a: {  	(v2sf) =	vpush v2, $0x2;
	s15 =	spop (v2sf);
	s8 =	sadd.s32 s1, s8  }
0x14b: {  	[tilespmem:s14], [sflag:$0x1] =	stream.linear.gather [hbm4b:s8+s3], $0x400, $0x38;
	[tilespmem:$0x10100] =	vst v63  }
0x14c: {  	s8 =	sand.u32 $0x7FFFE000, s15  }
0x14d: {  	s16 =	sld [smem:$0x7EC];
	s8 =	sor.u32 s4, s8  }
0x14e: {  	s8 =	sshrl.u32 s8, $0x3  }
0x14f: {  	(v2sf) =	vpush v2, $0x3;
	s17 =	spop (v2sf);
	s8 =	sadd.s32 s1, s8  }
0x150: {  	[tilespmem:s16], [sflag:$0x1] =	stream.linear.gather [hbm4b:s8+s3], $0x400, $0x38;
	[tilespmem:$0x10100] =	vst v63  }
0x151: {  	s8 =	sand.u32 $0x7FFFE000, s17  }
0x152: {  	s18 =	sld [smem:$0x7ED];
	s8 =	sor.u32 s4, s8  }
0x153: {  	s8 =	sshrl.u32 s8, $0x3  }
0x154: {  	(v2sf) =	vpush v2, $0x4;
	s19 =	spop (v2sf);
	s8 =	sadd.s32 s1, s8  }
0x155: {  	[tilespmem:s18], [sflag:$0x1] =	stream.linear.gather [hbm4b:s8+s3], $0x400, $0x38;
	[tilespmem:$0x10100] =	vst v63  }
0x156: {  	s8 =	sand.u32 $0x7FFFE000, s19  }
0x157: {  	s20 =	sld [smem:$0x7EE];
	s8 =	sor.u32 s4, s8  }
0x158: {  	s8 =	sshrl.u32 s8, $0x3  }
0x159: {  	(v2sf) =	vpush v2, $0x5;
	s21 =	spop (v2sf);
	s8 =	sadd.s32 s1, s8  }
0x15a: {  	[tilespmem:s20], [sflag:$0x1] =	stream.linear.gather [hbm4b:s8+s3], $0x400, $0x38;
	[tilespmem:$0x10100] =	vst v63  }
0x15b: {  	s8 =	sand.u32 $0x7FFFE000, s21  }
0x15c: {  	s22 =	sld [smem:$0x7EF];
	s8 =	sor.u32 s4, s8  }
0x15d: {  	s8 =	sshrl.u32 s8, $0x3  }
0x15e: {  	(v2sf) =	vpush v2, $0x6;
	s23 =	spop (v2sf);
	s8 =	sadd.s32 s1, s8  }
0x15f: {  	[tilespmem:s22], [sflag:$0x1] =	stream.linear.gather [hbm4b:s8+s3], $0x400, $0x38;
	[tilespmem:$0x10100] =	vst v63  }
0x160: {  	s8 =	sand.u32 $0x7FFFE000, s23  }
0x161: {  	s24 =	sld [smem:$0x7F0];
	s8 =	sor.u32 s4, s8  }
0x162: {  	s8 =	sshrl.u32 s8, $0x3  }
0x163: {  	(v2sf) =	vpush v2, $0x7;
	s25 =	spop (v2sf);
	s8 =	sadd.s32 s1, s8  }
0x164: {  	[tilespmem:s24], [sflag:$0x1] =	stream.linear.gather [hbm4b:s8+s3], $0x400, $0x38;
	[tilespmem:$0x10100] =	vst v63  }
0x165: {  	s8 =	sand.u32 $0x7FFFE000, s25  }
0x166: {  	s26 =	sld [smem:$0x7F1];
	s8 =	sor.u32 s4, s8  }
0x167: {  	s8 =	sshrl.u32 s8, $0x3  }
0x168: {  	(v2sf) =	vpush v2, $0x8;
	s28 =	spop (v2sf);
	s8 =	sadd.s32 s1, s8  }
0x169: {  	[tilespmem:s26], [sflag:$0x1] =	stream.linear.gather [hbm4b:s8+s3], $0x400, $0x38;
	[tilespmem:$0x10100] =	vst v63  }
0x16a: {  	s8 =	sand.u32 $0x7FFFE000, s28  }
0x16b: {  	s29 =	sld [smem:$0x7F2];
	s8 =	sor.u32 s4, s8  }
0x16c: {  	s8 =	sshrl.u32 s8, $0x3  }
0x16d: {  	(v2sf) =	vpush v2, $0x9;
	s30 =	spop (v2sf);
	s8 =	sadd.s32 s1, s8  }
0x16e: {  	[tilespmem:s29], [sflag:$0x1] =	stream.linear.gather [hbm4b:s8+s3], $0x400, $0x38;
	[tilespmem:$0x10100] =	vst v63  }
0x16f: {  	s8 =	sand.u32 $0x7FFFE000, s30  }
0x170: {  	s31 =	sld [smem:$0x7F3];
	s8 =	sor.u32 s4, s8  }
0x171: {  	s8 =	sshrl.u32 s8, $0x3  }
0x172: {  	(v2sf) =	vpush v2, $0xA;
	s9 =	spop (v2sf);
	s8 =	sadd.s32 s1, s8  }
0x173: {  	[tilespmem:s31], [sflag:$0x1] =	stream.linear.gather [hbm4b:s8+s3], $0x400, $0x38;
	[tilespmem:$0x10100] =	vst v63  }
0x174: {  	s8 =	sand.u32 $0x7FFFE000, s9  }
0x175: {  	s10 =	sld [smem:$0x7F4];
	s8 =	sor.u32 s4, s8  }
0x176: {  	s8 =	sshrl.u32 s8, $0x3  }
0x177: {  	(v2sf) =	vpush v2, $0xB;
	s11 =	spop (v2sf);
	s8 =	sadd.s32 s1, s8  }
0x178: {  	[tilespmem:s10], [sflag:$0x1] =	stream.linear.gather [hbm4b:s8+s3], $0x400, $0x38;
	[tilespmem:$0x10100] =	vst v63  }
0x179: {  	s8 =	sand.u32 $0x7FFFE000, s11  }
0x17a: {  	s12 =	sld [smem:$0x7F5];
	s8 =	sor.u32 s4, s8  }
0x17b: {  	s8 =	sshrl.u32 s8, $0x3  }
0x17c: {  	(v2sf) =	vpush v2, $0xC;
	s13 =	spop (v2sf);
	s8 =	sadd.s32 s1, s8  }
0x17d: {  	[tilespmem:s12], [sflag:$0x1] =	stream.linear.gather [hbm4b:s8+s3], $0x400, $0x38;
	[tilespmem:$0x10100] =	vst v63  }
0x17e: {  	s8 =	sand.u32 $0x7FFFE000, s13  }
0x17f: {  	s14 =	sld [smem:$0x7F6];
	s8 =	sor.u32 s4, s8  }
0x180: {  	s8 =	sshrl.u32 s8, $0x3  }
0x181: {  	(v2sf) =	vpush v2, $0xD;
	s15 =	spop (v2sf);
	s8 =	sadd.s32 s1, s8  }
0x182: {  	[tilespmem:s14], [sflag:$0x1] =	stream.linear.gather [hbm4b:s8+s3], $0x400, $0x38;
	[tilespmem:$0x10100] =	vst v63  }
0x183: {  	s8 =	sand.u32 $0x7FFFE000, s15  }
0x184: {  	s16 =	sld [smem:$0x7F7];
	s8 =	sor.u32 s4, s8  }
0x185: {  	s8 =	sshrl.u32 s8, $0x3  }
0x186: {  	(v2sf) =	vpush v2, $0xE;
	s17 =	spop (v2sf);
	s8 =	sadd.s32 s1, s8  }
0x187: {  	[tilespmem:s16], [sflag:$0x1] =	stream.linear.gather [hbm4b:s8+s3], $0x400, $0x38;
	[tilespmem:$0x10100] =	vst v63  }
0x188: {  	s8 =	sand.u32 $0x7FFFE000, s17  }
0x189: {  	s18 =	sld [smem:$0x7F8];
	s8 =	sor.u32 s4, s8  }
0x18a: {  	s8 =	sshrl.u32 s8, $0x3  }
0x18b: {  	(v2sf) =	vpush v2, $0xF;
	s19 =	spop (v2sf);
	s8 =	sadd.s32 s1, s8  }
0x18c: {  	[tilespmem:s18], [sflag:$0x1] =	stream.linear.gather [hbm4b:s8+s3], $0x400, $0x38;
	[tilespmem:$0x10100] =	vst v63  }
0x18d: {  	s8 =	sand.u32 $0x7FFFE000, s19  }
0x18e: {  	s20 =	sld [smem:$0x7F9];
	s8 =	sor.u32 s4, s8  }
0x18f: {  	s8 =	sshrl.u32 s8, $0x3  }
0x190: {  	s21 =	spop (v2sf);
	s8 =	sadd.s32 s1, s8  }
0x191: {  	[tilespmem:s20], [sflag:$0x1] =	stream.linear.gather [hbm4b:s8+s3], $0x400, $0x38;
	[tilespmem:$0x10100] =	vst v63  }
0x192: {  	s8 =	sand.u32 $0x7FFFE000, s21  }
0x193: {  	s22 =	sld [smem:$0x7FA];
	s8 =	sor.u32 s4, s8  }
0x194: {  	s8 =	sshrl.u32 s8, $0x3  }
0x195: {  	s23 =	spop (v2sf);
	s8 =	sadd.s32 s1, s8  }
0x196: {  	[tilespmem:s22], [sflag:$0x1] =	stream.linear.gather [hbm4b:s8+s3], $0x400, $0x38;
	[tilespmem:$0x10100] =	vst v63  }
0x197: {  	s8 =	sand.u32 $0x7FFFE000, s23  }
0x198: {  	s24 =	sld [smem:$0x7FB];
	s8 =	sor.u32 s4, s8  }
0x199: {  	s8 =	sshrl.u32 s8, $0x3  }
0x19a: {  	s25 =	spop (v2sf);
	s8 =	sadd.s32 s1, s8  }
0x19b: {  	[tilespmem:s24], [sflag:$0x1] =	stream.linear.gather [hbm4b:s8+s3], $0x400, $0x38;
	[tilespmem:$0x10100] =	vst v63  }
0x19c: {  	s8 =	sand.u32 $0x7FFFE000, s25  }
0x19d: {  	s26 =	sld [smem:$0x7FC];
	s8 =	sor.u32 s4, s8  }
0x19e: {  	s8 =	sshrl.u32 s8, $0x3  }
0x19f: {  	s8 =	sadd.s32 s1, s8  }
0x1a0: {  	[tilespmem:s26], [sflag:$0x1] =	stream.linear.gather [hbm4b:s8+s3], $0x400, $0x38;
	[tilespmem:$0x10100] =	vst v63  }
0x1a1: {  	_ =	swait.ge [sflag:s7], $0x400  }
0x1a2: {  	[sflag:s7] =	ssyncset.done $0x0  }
0x1a3: {  	[sflag:s7] =	ssyncadd.s32 $0xFFFFFC00  }
0x1a4: {  	_ =	swait.ge [sflag:s7], $0x400  }
0x1a5: {  	[sflag:s7] =	ssyncset.done $0x0  }
0x1a6: {  	[sflag:s7] =	ssyncadd.s32 $0xFFFFFC00  }
0x1a7: {  	_ =	swait.ge [sflag:s7], $0x400  }
0x1a8: {  	[sflag:s7] =	ssyncset.done $0x0  }
0x1a9: {  	[sflag:s7] =	ssyncadd.s32 $0xFFFFFC00  }
0x1aa: {  	_ =	swait.ge [sflag:s7], $0x400  }
0x1ab: {  	[sflag:s7] =	ssyncset.done $0x0  }
0x1ac: {  	[sflag:s7] =	ssyncadd.s32 $0xFFFFFC00  }
0x1ad: {  	_ =	swait.ge [sflag:s7], $0x400  }
0x1ae: {  	[sflag:s7] =	ssyncset.done $0x0  }
0x1af: {  	[sflag:s7] =	ssyncadd.s32 $0xFFFFFC00  }
0x1b0: {  	_ =	swait.ge [sflag:s7], $0x400  }
0x1b1: {  	[sflag:s7] =	ssyncset.done $0x0  }
0x1b2: {  	[sflag:s7] =	ssyncadd.s32 $0xFFFFFC00  }
0x1b3: {  	_ =	swait.ge [sflag:s7], $0x400  }
0x1b4: {  	[sflag:s7] =	ssyncset.done $0x0  }
0x1b5: {  	[sflag:s7] =	ssyncadd.s32 $0xFFFFFC00  }
0x1b6: {  	_ =	swait.ge [sflag:s7], $0x400  }
0x1b7: {  	[sflag:s7] =	ssyncset.done $0x0  }
0x1b8: {  	[sflag:s7] =	ssyncadd.s32 $0xFFFFFC00  }
0x1b9: {  	_ =	swait.ge [sflag:s7], $0x400  }
0x1ba: {  	[sflag:s7] =	ssyncset.done $0x0  }
0x1bb: {  	[sflag:s7] =	ssyncadd.s32 $0xFFFFFC00  }
0x1bc: {  	_ =	swait.ge [sflag:s7], $0x400  }
0x1bd: {  	[sflag:s7] =	ssyncset.done $0x0  }
0x1be: {  	[sflag:s7] =	ssyncadd.s32 $0xFFFFFC00  }
0x1bf: {  	_ =	swait.ge [sflag:s7], $0x400  }
0x1c0: {  	[sflag:s7] =	ssyncset.done $0x0  }
0x1c1: {  	[sflag:s7] =	ssyncadd.s32 $0xFFFFFC00  }
0x1c2: {  	_ =	swait.ge [sflag:s7], $0x400  }
0x1c3: {  	[sflag:s7] =	ssyncset.done $0x0  }
0x1c4: {  	[sflag:s7] =	ssyncadd.s32 $0xFFFFFC00  }
0x1c5: {  	_ =	swait.ge [sflag:s7], $0x400  }
0x1c6: {  	[sflag:s7] =	ssyncset.done $0x0  }
0x1c7: {  	[sflag:s7] =	ssyncadd.s32 $0xFFFFFC00  }
0x1c8: {  	_ =	swait.ge [sflag:s7], $0x400  }
0x1c9: {  	[sflag:s7] =	ssyncset.done $0x0  }
0x1ca: {  	[sflag:s7] =	ssyncadd.s32 $0xFFFFFC00  }
0x1cb: {  	_ =	swait.ge [sflag:s7], $0x400  }
0x1cc: {  	[sflag:s7] =	ssyncset.done $0x0  }
0x1cd: {  	[sflag:s7] =	ssyncadd.s32 $0xFFFFFC00  }
0x1ce: {  	_ =	swait.ge [sflag:s7], $0x400  }
0x1cf: {  	[sflag:s7] =	ssyncset.done $0x0  }
0x1d0: {  	[sflag:s7] =	ssyncadd.s32 $0xFFFFFC00  }
0x1d1: {  	_ =	swait.ge [sflag:s7], $0x400  }
0x1d2: {  	[sflag:s7] =	ssyncset.done $0x0  }
0x1d3: {  	[sflag:s7] =	ssyncadd.s32 $0xFFFFFC00  }
0x1d4: {  	_ =	swait.ge [sflag:s7], $0x400  }
0x1d5: {  	[sflag:s7] =	ssyncset.done $0x0  }
0x1d6: {  	[sflag:s7] =	ssyncadd.s32 $0xFFFFFC00  }
0x1d7: {  	_ =	swait.ge [sflag:s7], $0x400  }
0x1d8: {  	[sflag:s7] =	ssyncset.done $0x0  }
0x1d9: {  	[sflag:s7] =	ssyncadd.s32 $0xFFFFFC00  }
0x1da: {  	_ =	swait.ge [sflag:s7], $0x400  }
0x1db: {  	[sflag:s7] =	ssyncset.done $0x0  }
0x1dc: {  	[sflag:s7] =	ssyncadd.s32 $0xFFFFFC00  }
0x1dd: {  	_ =	swait.ge [sflag:s7], $0x400  }
0x1de: {  	[sflag:s7] =	ssyncset.done $0x0  }
0x1df: {  	[sflag:s7] =	ssyncadd.s32 $0xFFFFFC00  }
0x1e0: {  	_ =	swait.ge [sflag:s7], $0x400  }
0x1e1: {  	[sflag:s7] =	ssyncset.done $0x0  }
0x1e2: {  	[sflag:s7] =	ssyncadd.s32 $0xFFFFFC00  }
0x1e3: {  	_ =	swait.ge [sflag:s7], $0x400  }
0x1e4: {  	[sflag:s7] =	ssyncset.done $0x0  }
0x1e5: {  	[sflag:s7] =	ssyncadd.s32 $0xFFFFFC00  }
0x1e6: {  	_ =	swait.ge [sflag:s7], $0x400  }
0x1e7: {  	[sflag:s7] =	ssyncset.done $0x0  }
0x1e8: {  	[sflag:s7] =	ssyncadd.s32 $0xFFFFFC00  }
0x1e9: {  	_ =	swait.ge [sflag:s7], $0x400  }
0x1ea: {  	[sflag:s7] =	ssyncset.done $0x0  }
0x1eb: {  	[sflag:s7] =	ssyncadd.s32 $0xFFFFFC00  }
0x1ec: {  	_ =	swait.ge [sflag:s7], $0x400  }
0x1ed: {  	[sflag:s7] =	ssyncset.done $0x0  }
0x1ee: {  	[sflag:s7] =	ssyncadd.s32 $0xFFFFFC00  }
0x1ef: {  	_ =	swait.ge [sflag:s7], $0x400  }
0x1f0: {  	[sflag:s7] =	ssyncset.done $0x0  }
0x1f1: {  	[sflag:s7] =	ssyncadd.s32 $0xFFFFFC00  }
0x1f2: {  	_ =	swait.ge [sflag:s7], $0x400  }
0x1f3: {  	[sflag:s7] =	ssyncset.done $0x0  }
0x1f4: {  	[sflag:s7] =	ssyncadd.s32 $0xFFFFFC00  }
0x1f5: {  	_ =	swait.ge [sflag:s7], $0x400  }
0x1f6: {  	[sflag:s7] =	ssyncset.done $0x0  }
0x1f7: {  	[sflag:s7] =	ssyncadd.s32 $0xFFFFFC00  }
0x1f8: {  	_ =	swait.ge [sflag:s7], $0x400  }
0x1f9: {  	[sflag:s7] =	ssyncset.done $0x0  }
0x1fa: {  	[sflag:s7] =	ssyncadd.s32 $0xFFFFFC00  }
0x1fb: {  	_ =	swait.ge [sflag:s7], $0x400  }
0x1fc: {  	[sflag:s7] =	ssyncset.done $0x0  }
0x1fd: {  	[sflag:s7] =	ssyncadd.s32 $0xFFFFFC00  }
0x1fe: {  	_ =	swait.ge [sflag:s7], $0x400  }
0x1ff: {  	[sflag:s7] =	ssyncset.done $0x0  }
0x200: {  	[sflag:s7] =	ssyncadd.s32 $0xFFFFFC00  }
0x201: {  	_ =	swait.ge [sflag:s7], $0x400  }
0x202: {  	[sflag:s7] =	ssyncset.done $0x0  }
0x203: {  	[sflag:s7] =	ssyncadd.s32 $0xFFFFFC00  }
0x204: {  	_ =	swait.ge [sflag:s7], $0x400  }
0x205: {  	[sflag:s7] =	ssyncset.done $0x0  }
0x206: {  	[sflag:s7] =	ssyncadd.s32 $0xFFFFFC00  }
0x207: {  	_ =	swait.ge [sflag:s7], $0x400  }
0x208: {  	[sflag:s7] =	ssyncset.done $0x0  }
0x209: {  	[sflag:s7] =	ssyncadd.s32 $0xFFFFFC00  }
0x20a: {  	_ =	swait.ge [sflag:s7], $0x400  }
0x20b: {  	[sflag:s7] =	ssyncset.done $0x0  }
0x20c: {  	[sflag:s7] =	ssyncadd.s32 $0xFFFFFC00  }
0x20d: {  	_ =	swait.ge [sflag:s7], $0x400  }
0x20e: {  	[sflag:s7] =	ssyncset.done $0x0  }
0x20f: {  	[sflag:s7] =	ssyncadd.s32 $0xFFFFFC00  }
0x210: {  	_ =	swait.ge [sflag:s7], $0x400  }
0x211: {  	[sflag:s7] =	ssyncset.done $0x0  }
0x212: {  	[sflag:s7] =	ssyncadd.s32 $0xFFFFFC00  }
0x213: {  	_ =	swait.ge [sflag:s7], $0x400  }
0x214: {  	[sflag:s7] =	ssyncset.done $0x0  }
0x215: {  	[sflag:s7] =	ssyncadd.s32 $0xFFFFFC00  }
0x216: {  	_ =	swait.ge [sflag:s7], $0x400  }
0x217: {  	[sflag:s7] =	ssyncset.done $0x0  }
0x218: {  	[sflag:s7] =	ssyncadd.s32 $0xFFFFFC00  }
0x219: {  	_ =	swait.ge [sflag:s7], $0x400  }
0x21a: {  	[sflag:s7] =	ssyncset.done $0x0  }
0x21b: {  	[sflag:s7] =	ssyncadd.s32 $0xFFFFFC00  }
0x21c: {  	_ =	swait.ge [sflag:s7], $0x400  }
0x21d: {  	[sflag:s7] =	ssyncset.done $0x0  }
0x21e: {  	[sflag:s7] =	ssyncadd.s32 $0xFFFFFC00  }
0x21f: {  	_ =	swait.ge [sflag:s7], $0x400  }
0x220: {  	[sflag:s7] =	ssyncset.done $0x0  }
0x221: {  	[sflag:s7] =	ssyncadd.s32 $0xFFFFFC00  }
0x222: {  	_ =	swait.ge [sflag:s7], $0x400  }
0x223: {  	[sflag:s7] =	ssyncset.done $0x0  }
0x224: {  	[sflag:s7] =	ssyncadd.s32 $0xFFFFFC00  }
0x225: {  	_ =	swait.ge [sflag:s7], $0x400  }
0x226: {  	[sflag:s7] =	ssyncset.done $0x0  }
0x227: {  	[sflag:s7] =	ssyncadd.s32 $0xFFFFFC00  }
0x228: {  	_ =	swait.ge [sflag:s7], $0x400  }
0x229: {  	[sflag:s7] =	ssyncset.done $0x0  }
0x22a: {  	[sflag:s7] =	ssyncadd.s32 $0xFFFFFC00  }
0x22b: {  	_ =	swait.ge [sflag:s7], $0x400  }
0x22c: {  	[sflag:s7] =	ssyncset.done $0x0  }
0x22d: {  	[sflag:s7] =	ssyncadd.s32 $0xFFFFFC00  }
0x22e: {  	_ =	swait.ge [sflag:s7], $0x400  }
0x22f: {  	[sflag:s7] =	ssyncset.done $0x0  }
0x230: {  	[sflag:s7] =	ssyncadd.s32 $0xFFFFFC00  }
0x231: {  	_ =	swait.ge [sflag:s7], $0x400  }
0x232: {  	[sflag:s7] =	ssyncset.done $0x0  }
0x233: {  	[sflag:s7] =	ssyncadd.s32 $0xFFFFFC00  }
0x234: {  	_ =	swait.ge [sflag:s7], $0x400  }
0x235: {  	[sflag:s7] =	ssyncset.done $0x0  }
0x236: {  	[sflag:s7] =	ssyncadd.s32 $0xFFFFFC00  }
0x237: {  	_ =	swait.ge [sflag:s7], $0x400  }
0x238: {  	[sflag:s7] =	ssyncset.done $0x0  }
0x239: {  	[sflag:s7] =	ssyncadd.s32 $0xFFFFFC00  }
0x23a: {  	_ =	swait.ge [sflag:s7], $0x400  }
0x23b: {  	[sflag:s7] =	ssyncset.done $0x0  }
0x23c: {  	[sflag:s7] =	ssyncadd.s32 $0xFFFFFC00  }
0x23d: {  	_ =	swait.ge [sflag:s7], $0x400  }
0x23e: {  	[sflag:s7] =	ssyncset.done $0x0  }
0x23f: {  	[sflag:s7] =	ssyncadd.s32 $0xFFFFFC00  }
0x240: {  	_ =	swait.ge [sflag:s7], $0x400  }
0x241: {  	[sflag:s7] =	ssyncset.done $0x0  }
0x242: {  	[sflag:s7] =	ssyncadd.s32 $0xFFFFFC00  }
0x243: {  	_ =	swait.ge [sflag:s7], $0x400  }
0x244: {  	[sflag:s7] =	ssyncset.done $0x0  }
0x245: {  	[sflag:s7] =	ssyncadd.s32 $0xFFFFFC00  }
0x246: {  	_ =	swait.ge [sflag:s7], $0x400  }
0x247: {  	[sflag:s7] =	ssyncset.done $0x0  }
0x248: {  	[sflag:s7] =	ssyncadd.s32 $0xFFFFFC00  }
0x249: {  	_ =	swait.ge [sflag:s7], $0x400  }
0x24a: {  	[sflag:s7] =	ssyncset.done $0x0  }
0x24b: {  	[sflag:s7] =	ssyncadd.s32 $0xFFFFFC00  }
0x24c: {  	_ =	swait.ge [sflag:s7], $0x400  }
0x24d: {  	[sflag:s7] =	ssyncset.done $0x0  }
0x24e: {  	[sflag:s7] =	ssyncadd.s32 $0xFFFFFC00  }
0x24f: {  	_ =	swait.ge [sflag:s7], $0x400  }
0x250: {  	[sflag:s7] =	ssyncset.done $0x0  }
0x251: {  	[sflag:s7] =	ssyncadd.s32 $0xFFFFFC00  }
0x252: {  	_ =	swait.ge [sflag:s7], $0x400  }
0x253: {  	[sflag:s7] =	ssyncset.done $0x0  }
0x254: {  	[sflag:s7] =	ssyncadd.s32 $0xFFFFFC00  }
0x255: {  	_ =	swait.ge [sflag:s7], $0x400  }
0x256: {  	[sflag:s7] =	ssyncset.done $0x0  }
0x257: {  	[sflag:s7] =	ssyncadd.s32 $0xFFFFFC00  }
0x258: {  	_ =	swait.ge [sflag:s7], $0x400  }
0x259: {  	[sflag:s7] =	ssyncset.done $0x0  }
0x25a: {  	[sflag:s7] =	ssyncadd.s32 $0xFFFFFC00  }
0x25b: {  	_ =	swait.ge [sflag:s7], $0x400  }
0x25c: {  	[sflag:s7] =	ssyncset.done $0x0  }
0x25d: {  	[sflag:s7] =	ssyncadd.s32 $0xFFFFFC00  }
0x25e: {  	_ =	swait.ge [sflag:s7], $0x400  }
0x25f: {  	[sflag:s7] =	ssyncset.done $0x0  }
0x260: {  	[sflag:s7] =	ssyncadd.s32 $0xFFFFFC00  }
0x261: {  	v2 =	vld [tilespmem:$0x0]  }
0x262: {  	v3 =	vld [tilespmem:$0x20];
	_ =	sdelay $0x3  }
0x263: {  	v2 =	vshll.u32 v2, $0x7  }
0x264: {  	v3 =	vshll.u32 v3, $0x7;
	(v2sf) =	vpush v2, $0x0  }
0x265: {  	(v2sf) =	vpush v3, $0x0  }
0x266: {  	(v2sf) =	vpush v2, $0x1  }
0x267: {  	(v2sf) =	vpush v3, $0x1  }
0x268: {  	(v2sf) =	vpush v2, $0x2  }
0x269: {  	(v2sf) =	vpush v3, $0x2  }
0x26a: {  	(v2sf) =	vpush v2, $0x3  }
0x26b: {  	(v2sf) =	vpush v3, $0x3  }
0x26c: {  	(v2sf) =	vpush v2, $0x4  }
0x26d: {  	(v2sf) =	vpush v3, $0x4  }
0x26e: {  	(v2sf) =	vpush v2, $0x5  }
0x26f: {  	(v2sf) =	vpush v3, $0x5  }
0x270: {  	(v2sf) =	vpush v2, $0x6  }
0x271: {  	(v2sf) =	vpush v3, $0x6  }
0x272: {  	(v2sf) =	vpush v2, $0x7  }
0x273: {  	s28 =	spop (v2sf);
	(v2sf) =	vpush v3, $0x7  }
0x274: {  	s29 =	spop (v2sf)  }
0x275: {  	v48 =	vld [tilespmem:$0x10];
	s8 =	sand.u32 $0x380, s28;
	(v2sf) =	vpush v2, $0x8;
	s31 =	spop (v2sf)  }
0x276: {  	v26 =	vld.idx.msk [tilespmem:v0+s8+$0x0 ss:$0x1], $0xffff;
	s30 =	sand.u32 $0x380, s29;
	(v2sf) =	vpush v3, $0x8;
	s10 =	spop (v2sf)  }
0x277: {  	v27 =	vld.idx.msk [tilespmem:v0+s30+$0x8000 ss:$0x1], $0xffff;
	s9 =	sand.u32 $0x380, s31;
	s12 =	spop (v2sf)  }
0x278: {  	(v2sf) =	vpush v2, $0x9;
	v6 =	vld.idx.msk [tilespmem:v0+s9+$0x400 ss:$0x1], $0xffff;
	s11 =	sand.u32 $0x380, s10;
	s14 =	spop (v2sf)  }
0x279: {  	(v2sf) =	vpush v3, $0x9;
	v7 =	vld.idx.msk [tilespmem:v0+s11+$0x8400 ss:$0x1], $0xffff;
	s13 =	sand.u32 $0x380, s12;
	s16 =	spop (v2sf)  }
0x27a: {  	(v2sf) =	vpush v2, $0xA;
	v8 =	vld.idx.msk [tilespmem:v0+s13+$0x800 ss:$0x1], $0xffff;
	s15 =	sand.u32 $0x380, s14;
	s18 =	spop (v2sf)  }
0x27b: {  	(v2sf) =	vpush v3, $0xA;
	v9 =	vld.idx.msk [tilespmem:v0+s15+$0x8800 ss:$0x1], $0xffff;
	s17 =	sand.u32 $0x380, s16;
	s20 =	spop (v2sf)  }
0x27c: {  	v4 =	vnsel vm0, $0xFF800000, v26;
	(v2sf) =	vpush v2, $0xB;
	v10 =	vld.idx.msk [tilespmem:v0+s17+$0xC00 ss:$0x1], $0xffff;
	s19 =	sand.u32 $0x380, s18;
	v5 =	vnsel vm0, $0xFF800000, v27;
	s22 =	spop (v2sf)  }
0x27d: {  	(v2sf) =	vpush v3, $0xB;
	v11 =	vld.idx.msk [tilespmem:v0+s19+$0x8C00 ss:$0x1], $0xffff;
	s21 =	sand.u32 $0x380, s20;
	v4 =	vmax.f32 v4, v5;
	v28 =	vsel vm1, $0xFF800000, v6;
	s24 =	spop (v2sf)  }
0x27e: {  	(v2sf) =	vpush v2, $0xC;
	v29 =	vld.idx.msk [tilespmem:v0+s21+$0x1000 ss:$0x1], $0xffff;
	s23 =	sand.u32 $0x380, s22;
	v4 =	vmax.f32 v4, v28;
	v30 =	vsel vm1, $0xFF800000, v7;
	s26 =	spop (v2sf)  }
0x27f: {  	(v2sf) =	vpush v3, $0xC;
	v31 =	vld.idx.msk [tilespmem:v0+s23+$0x9000 ss:$0x1], $0xffff;
	s25 =	sand.u32 $0x380, s24;
	v4 =	vmax.f32 v4, v30;
	v32 =	vsel vm2, $0xFF800000, v8;
	s29 =	spop (v2sf)  }
0x280: {  	(v2sf) =	vpush v2, $0xD;
	v33 =	vld.idx.msk [tilespmem:v0+s25+$0x1400 ss:$0x1], $0xffff;
	s28 =	sand.u32 $0x380, s26;
	v4 =	vmax.f32 v4, v32;
	v34 =	vsel vm2, $0xFF800000, v9;
	s31 =	spop (v2sf)  }
0x281: {  	(v2sf) =	vpush v3, $0xD;
	v35 =	vld.idx.msk [tilespmem:v0+s28+$0x9400 ss:$0x1], $0xffff;
	s30 =	sand.u32 $0x380, s29;
	v4 =	vmax.f32 v4, v34;
	v36 =	vsel vm3, $0xFF800000, v10;
	s11 =	spop (v2sf)  }
0x282: {  	v37 =	vld.idx.msk [tilespmem:v0+s30+$0x1800 ss:$0x1], $0xffff;
	s10 =	sand.u32 $0x380, s31;
	v4 =	vmax.f32 v4, v36;
	v38 =	vsel vm3, $0xFF800000, v11;
	s13 =	spop (v2sf);
	(v2sf) =	vpush v2, $0xE  }
0x283: {  	v39 =	vld.idx.msk [tilespmem:v0+s10+$0x9800 ss:$0x1], $0xffff;
	s12 =	sand.u32 $0x380, s11;
	v4 =	vmax.f32 v4, v38;
	v40 =	vsel vm4, $0xFF800000, v29;
	(v2sf) =	vpush v3, $0xE  }
0x284: {  	v41 =	vld.idx.msk [tilespmem:v0+s12+$0x1C00 ss:$0x1], $0xffff;
	s14 =	sand.u32 $0x380, s13;
	s15 =	spop (v2sf);
	v4 =	vmax.f32 v4, v40;
	v42 =	vsel vm4, $0xFF800000, v31;
	(v2sf) =	vpush v2, $0xF  }
0x285: {  	v2 =	vld.idx.msk [tilespmem:v0+s14+$0x9C00 ss:$0x1], $0xffff;
	s16 =	sand.u32 $0x380, s15;
	s17 =	spop (v2sf);
	v4 =	vmax.f32 v4, v42;
	v43 =	vsel vm5, $0xFF800000, v33;
	(v2sf) =	vpush v3, $0xF  }
0x286: {  	v44 =	vld.idx.msk [tilespmem:v0+s16+$0x2000 ss:$0x1], $0xffff;
	v3 =	vmax.f32 v4, v43;
	v45 =	vsel vm5, $0xFF800000, v35  }
0x287: {  	v50 =	vld [tilespmem:$0x30];
	s18 =	sand.u32 $0x380, s17;
	s19 =	spop (v2sf);
	v3 =	vmax.f32 v3, v45;
	v47 =	vsel vm6, $0xFF800000, v37  }
0x288: {  	v46 =	vld.idx.msk [tilespmem:v0+s18+$0xA000 ss:$0x1], $0xffff;
	s8 =	sand.u32 $0x380, s19;
	s20 =	spop (v2sf);
	v3 =	vmax.f32 v3, v47;
	v49 =	vsel vm6, $0xFF800000, v39  }
0x289: {  	v52 =	vld.idx.msk [tilespmem:v0+s8+$0x2400 ss:$0x1], $0xffff;
	s21 =	sand.u32 $0x380, s20;
	s22 =	spop (v2sf);
	v3 =	vmax.f32 v3, v49;
	v51 =	vsel vm7, $0xFF800000, v41  }
0x28a: {  	v53 =	vld.idx.msk [tilespmem:v0+s21+$0xA400 ss:$0x1], $0xffff;
	s23 =	sand.u32 $0x380, s22;
	s24 =	spop (v2sf);
	v3 =	vmax.f32 v3, v51;
	v2 =	vsel vm7, $0xFF800000, v2  }
0x28b: {  	v54 =	vld.idx.msk [tilespmem:v0+s23+$0x2800 ss:$0x1], $0xffff;
	s25 =	sand.u32 $0x380, s24;
	s26 =	spop (v2sf);
	v2 =	vmax.f32 v3, v2;
	v3 =	vsel vm8, $0xFF800000, v44  }
0x28c: {  	v56 =	vld.idx.msk [tilespmem:v0+s25+$0xA800 ss:$0x1], $0xffff;
	s28 =	sand.u32 $0x380, s26;
	s29 =	spop (v2sf);
	v55 =	vmax.f32 v2, v3;
	v2 =	vshll.u32 v48, $0x7  }
0x28d: {  	v5 =	vsel vm8, $0xFF800000, v46;
	v57 =	vld.idx.msk [tilespmem:v0+s28+$0x2C00 ss:$0x1], $0xffff;
	s30 =	sand.u32 $0x380, s29;
	s31 =	spop (v2sf);
	v3 =	vshll.u32 v50, $0x7;
	(v2sf) =	vpush v2, $0x0  }
0x28e: {  	v5 =	vmax.f32 v55, v5;
	v6 =	vsel vm9, $0xFF800000, v52;
	v58 =	vld.idx.msk [tilespmem:v0+s30+$0xAC00 ss:$0x1], $0xffff;
	s10 =	sand.u32 $0x380, s31;
	s11 =	spop (v2sf);
	(v2sf) =	vpush v3, $0x0  }
0x28f: {  	v5 =	vmax.f32 v5, v6;
	v4 =	vsel vm9, $0xFF800000, v53;
	v59 =	vld.idx.msk [tilespmem:v0+s10+$0x3000 ss:$0x1], $0xffff;
	s12 =	sand.u32 $0x380, s11;
	s13 =	spop (v2sf);
	(v2sf) =	vpush v2, $0x1  }
0x290: {  	v4 =	vmax.f32 v5, v4;
	v60 =	vsel vm10, $0xFF800000, v54;
	v61 =	vld.idx.msk [tilespmem:v0+s12+$0xB000 ss:$0x1], $0xffff;
	s14 =	sand.u32 $0x380, s13;
	s15 =	spop (v2sf);
	(v2sf) =	vpush v3, $0x1  }
0x291: {  	v4 =	vmax.f32 v4, v60;
	v62 =	vsel vm10, $0xFF800000, v56;
	v63 =	vld.idx.msk [tilespmem:v0+s14+$0x3400 ss:$0x1], $0xffff;
	s16 =	sand.u32 $0x380, s15;
	s17 =	spop (v2sf);
	(v2sf) =	vpush v2, $0x2  }
0x292: {  	v4 =	vmax.f32 v4, v62;
	v12 =	vsel vm11, $0xFF800000, v57;
	v13 =	vld.idx.msk [tilespmem:v0+s16+$0xB400 ss:$0x1], $0xffff;
	s18 =	sand.u32 $0x380, s17;
	s19 =	spop (v2sf);
	(v2sf) =	vpush v3, $0x2  }
0x293: {  	v4 =	vmax.f32 v4, v12;
	v14 =	vsel vm11, $0xFF800000, v58;
	v15 =	vld.idx.msk [tilespmem:v0+s18+$0x3800 ss:$0x1], $0xffff;
	s20 =	sand.u32 $0x380, s19;
	s21 =	spop (v2sf);
	(v2sf) =	vpush v2, $0x3  }
0x294: {  	v4 =	vmax.f32 v4, v14;
	v16 =	vsel vm12, $0xFF800000, v59;
	v17 =	vld.idx.msk [tilespmem:v0+s20+$0xB800 ss:$0x1], $0xffff;
	s22 =	sand.u32 $0x380, s21;
	s23 =	spop (v2sf);
	(v2sf) =	vpush v3, $0x3  }
0x295: {  	v4 =	vmax.f32 v4, v16;
	v18 =	vsel vm12, $0xFF800000, v61;
	v19 =	vld.idx.msk [tilespmem:v0+s22+$0x3C00 ss:$0x1], $0xffff;
	s24 =	sand.u32 $0x380, s23;
	(v2sf) =	vpush v2, $0x4  }
0x296: {  	v4 =	vmax.f32 v4, v18;
	v20 =	vsel vm13, $0xFF800000, v63;
	v21 =	vld.idx.msk [tilespmem:v0+s24+$0xBC00 ss:$0x1], $0xffff;
	(v2sf) =	vpush v3, $0x4  }
0x297: {  	v4 =	vmax.f32 v4, v20;
	v22 =	vsel vm13, $0xFF800000, v13;
	(v2sf) =	vpush v2, $0x5  }
0x298: {  	v4 =	vmax.f32 v4, v22;
	v23 =	vsel vm14, $0xFF800000, v15;
	(v2sf) =	vpush v3, $0x5  }
0x299: {  	v4 =	vmax.f32 v4, v23;
	v24 =	vsel vm14, $0xFF800000, v17;
	(v2sf) =	vpush v2, $0x6  }
0x29a: {  	v4 =	vmax.f32 v4, v24;
	v25 =	vsel vm15, $0xFF800000, v19;
	(v2sf) =	vpush v3, $0x6  }
0x29b: {  	v4 =	vmax.f32 v4, v25;
	v26 =	vsel vm15, $0xFF800000, v21;
	(v2sf) =	vpush v2, $0x7  }
0x29c: {  	s25 =	spop (v2sf);
	v4 =	vmax.f32 v4, v26;
	(v2sf) =	vpush v3, $0x7  }
0x29d: {  	s8 =	sand.u32 $0x380, s25;
	s26 =	spop (v2sf);
	[tilespmem:$0x10080] =	vst v4;
	(v2sf) =	vpush v2, $0x8  }
0x29e: {  	s28 =	sand.u32 $0x380, s26;
	s29 =	spop (v2sf);
	v4 =	vld.idx.msk [tilespmem:v1+s8+$0x4000 ss:$0x1], $0xffff;
	(v2sf) =	vpush v3, $0x8  }
0x29f: {  	v27 =	vld.idx.msk [tilespmem:v1+s28+$0xC000 ss:$0x1], $0xffff;
	s30 =	sand.u32 $0x380, s29;
	s31 =	spop (v2sf);
	(v2sf) =	vpush v2, $0x9  }
0x2a0: {  	v28 =	vld.idx.msk [tilespmem:v1+s30+$0x4400 ss:$0x1], $0xffff;
	s9 =	sand.u32 $0x380, s31;
	s10 =	spop (v2sf);
	(v2sf) =	vpush v3, $0x9  }
0x2a1: {  	v29 =	vld.idx.msk [tilespmem:v1+s9+$0xC400 ss:$0x1], $0xffff;
	s11 =	sand.u32 $0x380, s10;
	s12 =	spop (v2sf);
	(v2sf) =	vpush v2, $0xA  }
0x2a2: {  	v30 =	vld.idx.msk [tilespmem:v1+s11+$0x4800 ss:$0x1], $0xffff;
	s13 =	sand.u32 $0x380, s12;
	s14 =	spop (v2sf);
	(v2sf) =	vpush v3, $0xA  }
0x2a3: {  	v31 =	vld.idx.msk [tilespmem:v1+s13+$0xC800 ss:$0x1], $0xffff;
	s15 =	sand.u32 $0x380, s14;
	s16 =	spop (v2sf);
	(v2sf) =	vpush v2, $0xB  }
0x2a4: {  	v4 =	vnsel vm0, $0xFF800000, v4;
	v5 =	vnsel vm0, $0xFF800000, v27;
	v32 =	vld.idx.msk [tilespmem:v1+s15+$0x4C00 ss:$0x1], $0xffff;
	s17 =	sand.u32 $0x380, s16;
	s18 =	spop (v2sf);
	(v2sf) =	vpush v3, $0xB  }
0x2a5: {  	v4 =	vmax.f32 v4, v5;
	v33 =	vsel vm1, $0xFF800000, v28;
	v34 =	vld.idx.msk [tilespmem:v1+s17+$0xCC00 ss:$0x1], $0xffff;
	s19 =	sand.u32 $0x380, s18;
	s20 =	spop (v2sf);
	(v2sf) =	vpush v2, $0xC  }
0x2a6: {  	v4 =	vmax.f32 v4, v33;
	v35 =	vsel vm1, $0xFF800000, v29;
	v36 =	vld.idx.msk [tilespmem:v1+s19+$0x5000 ss:$0x1], $0xffff;
	s21 =	sand.u32 $0x380, s20;
	s22 =	spop (v2sf);
	(v2sf) =	vpush v3, $0xC  }
0x2a7: {  	v4 =	vmax.f32 v4, v35;
	v37 =	vsel vm2, $0xFF800000, v30;
	v38 =	vld.idx.msk [tilespmem:v1+s21+$0xD000 ss:$0x1], $0xffff;
	s23 =	sand.u32 $0x380, s22;
	s24 =	spop (v2sf);
	(v2sf) =	vpush v2, $0xD  }
0x2a8: {  	v4 =	vmax.f32 v4, v37;
	v39 =	vsel vm2, $0xFF800000, v31;
	v40 =	vld.idx.msk [tilespmem:v1+s23+$0x5400 ss:$0x1], $0xffff;
	s25 =	sand.u32 $0x380, s24;
	s26 =	spop (v2sf);
	(v2sf) =	vpush v3, $0xD  }
0x2a9: {  	v4 =	vmax.f32 v4, v39;
	v41 =	vsel vm3, $0xFF800000, v32;
	v42 =	vld.idx.msk [tilespmem:v1+s25+$0xD400 ss:$0x1], $0xffff;
	s28 =	sand.u32 $0x380, s26;
	s29 =	spop (v2sf);
	(v2sf) =	vpush v2, $0xE  }
0x2aa: {  	v4 =	vmax.f32 v4, v41;
	v43 =	vsel vm3, $0xFF800000, v34;
	v44 =	vld.idx.msk [tilespmem:v1+s28+$0x5800 ss:$0x1], $0xffff;
	s30 =	sand.u32 $0x380, s29;
	s31 =	spop (v2sf);
	(v2sf) =	vpush v3, $0xE  }
0x2ab: {  	v4 =	vmax.f32 v4, v43;
	v45 =	vsel vm4, $0xFF800000, v36;
	(v2sf) =	vpush v2, $0xF;
	v2 =	vld.idx.msk [tilespmem:v1+s30+$0xD800 ss:$0x1], $0xffff;
	s10 =	sand.u32 $0x380, s31;
	s11 =	spop (v2sf)  }
0x2ac: {  	v4 =	vmax.f32 v4, v45;
	(v2sf) =	vpush v3, $0xF;
	v3 =	vld.idx.msk [tilespmem:v1+s10+$0x5C00 ss:$0x1], $0xffff;
	s12 =	spop (v2sf);
	v46 =	vsel vm4, $0xFF800000, v38;
	s9 =	sand.u32 $0x380, s11  }
0x2ad: {  	v4 =	vmax.f32 v4, v46;
	v47 =	vld.idx.msk [tilespmem:v1+s9+$0xDC00 ss:$0x1], $0xffff;
	s13 =	spop (v2sf);
	v48 =	vsel vm5, $0xFF800000, v40;
	s8 =	sand.u32 $0x380, s12  }
0x2ae: {  	v4 =	vmax.f32 v4, v48;
	v49 =	vld.idx.msk [tilespmem:v1+s8+$0x6000 ss:$0x1], $0xffff;
	s14 =	spop (v2sf);
	v50 =	vsel vm5, $0xFF800000, v42;
	s9 =	sand.u32 $0x380, s13  }
0x2af: {  	v4 =	vmax.f32 v4, v50;
	v51 =	vld.idx.msk [tilespmem:v1+s9+$0xE000 ss:$0x1], $0xffff;
	s15 =	spop (v2sf);
	v6 =	vsel vm6, $0xFF800000, v44;
	s8 =	sand.u32 $0x380, s14  }
0x2b0: {  	v4 =	vmax.f32 v4, v6;
	v52 =	vld.idx.msk [tilespmem:v1+s8+$0x6400 ss:$0x1], $0xffff;
	s16 =	spop (v2sf);
	v2 =	vsel vm6, $0xFF800000, v2;
	s9 =	sand.u32 $0x380, s15  }
0x2b1: {  	v2 =	vmax.f32 v4, v2;
	v53 =	vld.idx.msk [tilespmem:v1+s9+$0xE400 ss:$0x1], $0xffff;
	s17 =	spop (v2sf);
	v3 =	vsel vm7, $0xFF800000, v3;
	s8 =	sand.u32 $0x380, s16  }
0x2b2: {  	v2 =	vmax.f32 v2, v3;
	v3 =	vld.idx.msk [tilespmem:v1+s8+$0x6800 ss:$0x1], $0xffff;
	s18 =	spop (v2sf);
	v5 =	vsel vm7, $0xFF800000, v47;
	s9 =	sand.u32 $0x380, s17  }
0x2b3: {  	v2 =	vmax.f32 v2, v5;
	v54 =	vld.idx.msk [tilespmem:v1+s9+$0xE800 ss:$0x1], $0xffff;
	s19 =	spop (v2sf);
	v7 =	vsel vm8, $0xFF800000, v49;
	s8 =	sand.u32 $0x380, s18  }
0x2b4: {  	v2 =	vmax.f32 v2, v7;
	v55 =	vld.idx.msk [tilespmem:v1+s8+$0x6C00 ss:$0x1], $0xffff;
	s20 =	spop (v2sf);
	v8 =	vsel vm8, $0xFF800000, v51;
	s9 =	sand.u32 $0x380, s19  }
0x2b5: {  	v2 =	vmax.f32 v2, v8;
	v56 =	vld.idx.msk [tilespmem:v1+s9+$0xEC00 ss:$0x1], $0xffff;
	s21 =	spop (v2sf);
	v6 =	vsel vm9, $0xFF800000, v52;
	s8 =	sand.u32 $0x380, s20  }
0x2b6: {  	v2 =	vmax.f32 v2, v6;
	v57 =	vld.idx.msk [tilespmem:v1+s8+$0x7000 ss:$0x1], $0xffff;
	s22 =	spop (v2sf);
	v4 =	vsel vm9, $0xFF800000, v53;
	s9 =	sand.u32 $0x380, s21  }
0x2b7: {  	v2 =	vmax.f32 v2, v4;
	v58 =	vld.idx.msk [tilespmem:v1+s9+$0xF000 ss:$0x1], $0xffff;
	s23 =	spop (v2sf);
	v3 =	vsel vm10, $0xFF800000, v3;
	s8 =	sand.u32 $0x380, s22  }
0x2b8: {  	v2 =	vmax.f32 v2, v3;
	v3 =	vld.idx.msk [tilespmem:v1+s8+$0x7400 ss:$0x1], $0xffff;
	s24 =	spop (v2sf);
	v5 =	vsel vm10, $0xFF800000, v54;
	s9 =	sand.u32 $0x380, s23  }
0x2b9: {  	v2 =	vmax.f32 v2, v5;
	v59 =	vld.idx.msk [tilespmem:v1+s9+$0xF400 ss:$0x1], $0xffff;
	s25 =	spop (v2sf);
	v7 =	vsel vm11, $0xFF800000, v55;
	s8 =	sand.u32 $0x380, s24  }
0x2ba: {  	v2 =	vmax.f32 v2, v7;
	v60 =	vld.idx.msk [tilespmem:v1+s8+$0x7800 ss:$0x1], $0xffff;
	s26 =	spop (v2sf);
	v8 =	vsel vm11, $0xFF800000, v56;
	s9 =	sand.u32 $0x380, s25  }
0x2bb: {  	v2 =	vmax.f32 v2, v8;
	v6 =	vsel vm12, $0xFF800000, v57;
	v61 =	vld.idx.msk [tilespmem:v1+s9+$0xF800 ss:$0x1], $0xffff;
	s8 =	sand.u32 $0x380, s26;
	s28 =	spop (v2sf)  }
0x2bc: {  	v2 =	vmax.f32 v2, v6;
	v4 =	vsel vm12, $0xFF800000, v58;
	v62 =	vld.idx.msk [tilespmem:v1+s8+$0x7C00 ss:$0x1], $0xffff;
	s29 =	sand.u32 $0x380, s28  }
0x2bd: {  	v2 =	vmax.f32 v2, v4;
	v3 =	vsel vm13, $0xFF800000, v3;
	v63 =	vld.idx.msk [tilespmem:v1+s29+$0xFC00 ss:$0x1], $0xffff  }
0x2be: {  	v2 =	vmax.f32 v2, v3;
	v3 =	vsel vm13, $0xFF800000, v59  }
0x2bf: {  	v2 =	vmax.f32 v2, v3;
	v3 =	vsel vm14, $0xFF800000, v60  }
0x2c0: {  	v2 =	vmax.f32 v2, v3;
	v3 =	vsel vm14, $0xFF800000, v61  }
0x2c1: {  	v2 =	vmax.f32 v2, v3;
	v3 =	vsel vm15, $0xFF800000, v62  }
0x2c2: {  	s31 =	sld [smem:$0x7FD];
	v2 =	vmax.f32 v2, v3;
	v3 =	vsel vm15, $0xFF800000, v63  }
0x2c3: {  	p0 =	sne.s32 s5, $0x1;
	v2 =	vmax.f32 v2, v3  }
.Ltmp0:
0x2c4: {  	s30 =	rddreg [dreg:$0x6];
	[tilespmem:$0x10090] =	vst v2;
	(pc) =	sbr.rel @p0 .LBB2_1-.Ltmp0, $4  }
0x2c5: {  	[hbm4b:s30+s3] =	stream.linear.scatter [tilespmem:s31], [sflag:$0x2], $0x20, $0x38;
	[tilespmem:$0x10100] =	vst v63  }
0x2c6: {  	_ =	swait.ge [sflag:s6], $0x20  }
0x2c7: {  	[sflag:s6] =	ssyncset.done $0x0  }
0x2c8: {  	s5 =	sadd.s32 $0xFFFFFFFF, s5;
	[sflag:s6] =	ssyncadd.s32 $0xFFFFFFE0  }
0x2c9: {  	_ =	sfence.sel $0x180000  }
0x2ca: {  	[bflag:$0x0] =	sbarrier.arrive $0xFFFF  }
0x2cb: {  	p0 =	sne.s32 s0, $0x0;
	_ =	strace $0x90000047  }
0x2cc: {  	s0 =	sadd.s32 @!p0 $0x100000, s2;
	[bflag:$0x2] =	sbarrier.arrive $0xFFFF  }
0x2cd: {  	[sflag:s0] =	ssyncadd.tile.s32 @!p0 $0x1;
	_ =	shalt  }
.Lfunc_end2:
_tile_overlayer_lowered:
.L_overlay_start_2:
0x2ce: {  	(tag) =	ssettag $0x2  }
0x2cf: {  	s0 =	rddreg [dreg:$0x0];
	s2 =	stileid.u32  }
0x2d0: {  	s1 =	rddreg [dreg:$0x1];
	p0 =	sne.s32 s2, $0x0  }
0x2d1: {  	s3 =	rddreg [dreg:$0x2];
	[bflag:$0x3] =	sbarrier.arrive $0xFFFF;
	s2 =	simm.s32 @!p0 $0x1C02  }
0x2d2: {  	[timem:s3], [sflag:s2] =	dma.local @!p0 [hbm:s0], s1  }
0x2d3: {  	s0 =	simm.s32 @!p0 $0x2  }
0x2d4: {  	_ =	swait.ge @!p0 [sflag:s0], s1  }
0x2d5: {  	s1 =	ssub.s32 @!p0 $0x0, s1;
	[sflag:s0] =	ssyncset.done @!p0 $0x0  }
0x2d6: {  	[sflag:s0] =	ssyncadd.s32 @!p0 s1  }
0x2d7: {  	[bflag:$0x3] =	sbarrier.arrive $0xFFFF  }
0x2d8: {  	_ =	shalt  }

</sc_bundles>
